<compile_context>
chip_gen: v7x
topology: tpu7x:2x2x1
jax: 0.10.2.dev20260603
libtpu: 0.0.44.dev20260713+nightly
codegen_flags: <defaults>
</compile_context>

<pallas_src>
import jax
import jax.numpy as jnp
from jax import lax
from jax.experimental import pallas as pl
from jax.experimental.pallas import tpu as pltpu
from jax.experimental.pallas import tpu_sc as plsc

N = 10000
E = 160000
F_IN = 256
H = 256
HH = 128
G = 128
P = 128

NT = 16
CE = 128
NCHUNK = 84
EP = NT * CE * NCHUNK
DUMMY = N
NPAD = 10240
WBR = 624
WBL = N - (NT - 1) * WBR

BN = 1000
NB = N // BN

def _mesh():
    return plsc.VectorSubcoreMesh(
        core_axis_name="c", subcore_axis_name="s", num_cores=2, num_subcores=NT
    )


def _sc_deg_body(dstE, dout, slots, didx, dloc, tmp, tmp2):
    cid = lax.axis_index("c")
    tid = lax.axis_index("s")
    zv = jnp.zeros((16,), jnp.float32)

    def _z(i, _):
        dloc[pl.ds(i * 16, 16)] = zv
        return 0

    lax.fori_loop(0, NPAD // 16, _z, 0)
    pltpu.sync_copy(dstE.at[tid], didx)
    ones = jnp.full((16,), 1.0, jnp.float32)
    half = NCHUNK // 2

    def _chunk(j, _):
        jj = cid * half + j

        def _k(k, _):
            idx = didx[jj, pl.ds(k * 16, 16)]
            plsc.addupdate_scatter(dloc, [idx], ones)
            return 0

        lax.fori_loop(0, CE // 16, _k, 0)
        return 0

    lax.fori_loop(0, half, _chunk, 0)
    pltpu.sync_copy(dloc, slots.at[tid])
    plsc.subcore_barrier()

    def _z2(i, _):
        tmp[pl.ds(i * 16, 16)] = zv
        return 0

    lax.fori_loop(0, 640 // 16, _z2, 0)

    def _s(s, _):
        pltpu.sync_copy(slots.at[s, pl.ds(pl.multiple_of(tid * 640, 128), 640)], tmp2)

        def _a(i, _):
            tmp[pl.ds(i * 16, 16)] = tmp[pl.ds(i * 16, 16)] + tmp2[pl.ds(i * 16, 16)]
            return 0

        lax.fori_loop(0, 640 // 16, _a, 0)
        return 0

    lax.fori_loop(0, NT, _s, 0)

    obase = pl.multiple_of(tid * 640, 128)

    @pl.when(cid == 0)
    def _():
        pltpu.sync_copy(tmp, dout.at[0, pl.ds(obase, 640)])

    @pl.when(cid == 1)
    def _():
        pltpu.sync_copy(tmp, dout.at[1, pl.ds(obase, 640)])


def _deg_call(dstE3):
    return pl.kernel(
        _sc_deg_body,
        out_type=jax.ShapeDtypeStruct((2, NPAD), jnp.float32),
        mesh=_mesh(),
        compiler_params=pltpu.CompilerParams(needs_layout_passes=False),
        scratch_types=[
            pltpu.VMEM_SHARED((NT, NPAD), jnp.float32),
            pltpu.VMEM((NCHUNK, CE), jnp.int32),
            pltpu.VMEM((NPAD,), jnp.float32),
            pltpu.VMEM((640,), jnp.float32),
            pltpu.VMEM((640,), jnp.float32),
        ],
    )(dstE3)


NCH2 = NCHUNK // 2


def _sc_layer_body(g, srcP, dstP, out,
                   acc, spk, dpk, sb0, sb1, db, gbuf0, gbuf1, sem0, sem1):
    cid = lax.axis_index("c")
    tid = lax.axis_index("s")
    zv = jnp.zeros((16,), jnp.float32)
    goff = jnp.full((16,), 0, jnp.int32) + cid * N

    def _zr(r, _):
        def _zc(k, _):
            gbuf0[r, pl.ds(k * 16, 16)] = zv
            return 0

        lax.fori_loop(0, HH // 16, _zc, 0)
        return 0

    lax.fori_loop(0, CE, _zr, 0)

    def _za(k, _):
        pltpu.sync_copy(gbuf0, acc.at[pl.ds(pl.multiple_of(tid * 640 + k * 128, 128), 128)])
        return 0

    lax.fori_loop(0, 5, _za, 0)
    pltpu.sync_copy(srcP.at[tid], spk)
    pltpu.sync_copy(dstP.at[tid], dpk)
    plsc.subcore_barrier()

    def _unpack_src(m, off, buf):
        for k in range(4):
            w = spk[m, pl.ds(off + k * 16, 16)]
            buf[pl.ds(k * 16, 16)] = (w & 0xFFFF) + goff
            buf[pl.ds(64 + k * 16, 16)] = lax.shift_right_logical(w, 16) + goff

    def _unpack_dst(m, off, buf):
        for k in range(4):
            w = dpk[m, pl.ds(off + k * 16, 16)]
            buf[pl.ds(k * 16, 16)] = w & 0xFFFF
            buf[pl.ds(64 + k * 16, 16)] = lax.shift_right_logical(w, 16)

    _unpack_src(0, 0, sb0)
    pltpu.async_copy(g.at[sb0], gbuf0, sem0)

    def _pair(j2, _):
        _unpack_src(j2, 64, sb1)
        pltpu.async_copy(g.at[sb1], gbuf1, sem1)
        _unpack_dst(j2, 0, db)
        pltpu.make_async_copy(g.at[sb0], gbuf0, sem0).wait()
        pltpu.sync_copy(gbuf0, acc.at[db], add=True)

        @pl.when(j2 < NCH2 - 1)
        def _():
            _unpack_src(j2 + 1, 0, sb0)
            pltpu.async_copy(g.at[sb0], gbuf0, sem0)

        _unpack_dst(j2, 64, db)
        pltpu.make_async_copy(g.at[sb1], gbuf1, sem1).wait()
        pltpu.sync_copy(gbuf1, acc.at[db], add=True)
        return 0

    lax.fori_loop(0, NCH2, _pair, 0)
    plsc.subcore_barrier()
    base = pl.multiple_of(tid * WBR, 16)
    obase = pl.multiple_of(cid * N + tid * WBR, 16)

    @pl.when(tid < NT - 1)
    def _():
        pltpu.sync_copy(acc.at[pl.ds(base, WBR)], out.at[pl.ds(obase, WBR)])

    @pl.when(tid == NT - 1)
    def _():
        pltpu.sync_copy(acc.at[pl.ds(base, WBL)], out.at[pl.ds(obase, WBL)])


def _layer_call(g2, srcP, dstP):
    return pl.kernel(
        _sc_layer_body,
        out_type=jax.ShapeDtypeStruct((2 * N, HH), jnp.float32),
        mesh=_mesh(),
        scratch_types=[
            pltpu.VMEM_SHARED((NPAD, HH), jnp.float32),
            pltpu.VMEM((NCH2, CE), jnp.int32),
            pltpu.VMEM((NCH2, CE), jnp.int32),
            pltpu.VMEM((CE,), jnp.int32),
            pltpu.VMEM((CE,), jnp.int32),
            pltpu.VMEM((CE,), jnp.int32),
            pltpu.VMEM((CE, HH), jnp.float32),
            pltpu.VMEM((CE, HH), jnp.float32),
            pltpu.SemaphoreType.DMA,
            pltpu.SemaphoreType.DMA,
        ],
    )(g2, srcP, dstP)


def _k0a_body(x_ref, win_ref, bin_ref, w1_ref, u_ref):
    h = jnp.dot(x_ref[...], win_ref[...], preferred_element_type=jnp.float32)
    h = h + bin_ref[...]
    u_ref[...] = jnp.dot(h, w1_ref[...], preferred_element_type=jnp.float32)


def _k0b_body(u_ref, d0_ref, d1_ref, g2_ref, dinv_ref):
    deg = d0_ref[0, 0, :] + d1_ref[0, 0, :]
    dinv = lax.rsqrt(deg)
    dinv_ref[0, 0, :] = dinv
    gs = u_ref[...] * dinv[:, None]
    g2_ref[0, :, :] = gs[:, :HH]
    g2_ref[1, :, :] = gs[:, HH:]


def _k12_body(aA_ref, aB_ref, dinv_ref, b_ref, w_ref, x_ref, g2_ref):
    dinv = dinv_ref[0, 0, :]
    a = jnp.concatenate([aA_ref[...], aB_ref[...]], axis=1).astype(jnp.float32)
    xl = jnp.maximum(a * dinv[:, None] + b_ref[...], 0.0)
    x_ref[...] = xl
    gs = jnp.dot(xl, w_ref[...], preferred_element_type=jnp.float32) * dinv[:, None]
    g2_ref[0, :, :] = gs[:, :HH]
    g2_ref[1, :, :] = gs[:, HH:]


def _k3_body(aA_ref, aB_ref, dinv_ref, b3_ref, x1_ref, x2_ref, batch_ref,
             wp1_ref, bp1_ref, wp2_ref, bp2_ref, z_ref, pooled, cnt):
    i = pl.program_id(0)

    @pl.when(i == 0)
    def _():
        pooled[...] = jnp.zeros_like(pooled)
        cnt[...] = jnp.zeros_like(cnt)

    dinv = dinv_ref[0, 0, :]
    a = jnp.concatenate([aA_ref[...], aB_ref[...]], axis=1).astype(jnp.float32)
    x3 = jnp.maximum(a * dinv[:, None] + b3_ref[...], 0.0)
    xs = jnp.concatenate([x1_ref[...], x2_ref[...], x3], axis=1)
    b = batch_ref[0, 0, :]
    gid = lax.broadcasted_iota(jnp.int32, (G, BN), 0)
    mask = (gid == b[None, :]).astype(jnp.float32)
    pooled[...] += jnp.dot(mask, xs, preferred_element_type=jnp.float32)
    cnt[...] += jnp.sum(mask, axis=1)[:, None]

    @pl.when(i == pl.num_programs(0) - 1)
    def _():
        mean = pooled[...] / jnp.maximum(cnt[...], 1.0)
        z1 = jnp.dot(mean, wp1_ref[...], preferred_element_type=jnp.float32)
        z1 = jnp.maximum(z1 + bp1_ref[...], 0.0)
        z = jnp.dot(z1, wp2_ref[...], preferred_element_type=jnp.float32) + bp2_ref[...]
        nrm = jnp.sqrt(jnp.sum(z * z, axis=1, keepdims=True))
        z_ref[...] = z / jnp.maximum(nrm, 1e-12)


def _row_spec(cols):
    return pl.BlockSpec((BN, cols), lambda i: (i, 0))


def _full_spec(shape):
    nd = len(shape)
    return pl.BlockSpec(shape, lambda i: (0,) * nd)


_VEC_SPEC = pl.BlockSpec((1, 1, BN), lambda i: (i, 0, 0))


_G2_SPEC = pl.BlockSpec((2, BN, HH), lambda i: (0, i, 0))


def _k0a(x, Win, b_in, W1):
    return pl.pallas_call(
        _k0a_body,
        grid=(NB,),
        in_specs=[
            _row_spec(F_IN),
            _full_spec((F_IN, H)),
            _full_spec((1, H)),
            _full_spec((H, H)),
        ],
        out_specs=_row_spec(H),
        out_shape=jax.ShapeDtypeStruct((N, H), jnp.float32),
    )(x, Win, b_in, W1)


def _k0b(u, d0, d1):
    return pl.pallas_call(
        _k0b_body,
        grid=(NB,),
        in_specs=[_row_spec(H), _VEC_SPEC, _VEC_SPEC],
        out_specs=[_G2_SPEC, _VEC_SPEC],
        out_shape=[
            jax.ShapeDtypeStruct((2, N, HH), jnp.float32),
            jax.ShapeDtypeStruct((NB, 1, BN), jnp.float32),
        ],
    )(u, d0, d1)


_ACC_A_SPEC = pl.BlockSpec((BN, HH), lambda i: (i, 0))
_ACC_B_SPEC = pl.BlockSpec((BN, HH), lambda i: (i + NB, 0))


def _k12(aA, aB, dinv, b, W):
    return pl.pallas_call(
        _k12_body,
        grid=(NB,),
        in_specs=[
            _ACC_A_SPEC,
            _ACC_B_SPEC,
            _VEC_SPEC,
            _full_spec((1, H)),
            _full_spec((H, H)),
        ],
        out_specs=[_row_spec(H), _G2_SPEC],
        out_shape=[
            jax.ShapeDtypeStruct((N, H), jnp.float32),
            jax.ShapeDtypeStruct((2, N, HH), jnp.float32),
        ],
    )(aA, aB, dinv, b, W)


def _k3(aA, aB, dinv, b3, x1, x2, batch3, Wp1, bp1, Wp2, bp2):
    return pl.pallas_call(
        _k3_body,
        grid=(NB,),
        in_specs=[
            _ACC_A_SPEC,
            _ACC_B_SPEC,
            _VEC_SPEC,
            _full_spec((1, H)),
            _row_spec(H),
            _row_spec(H),
            pl.BlockSpec((1, 1, BN), lambda i: (i, 0, 0)),
            _full_spec((3 * H, H)),
            _full_spec((1, H)),
            _full_spec((H, P)),
            _full_spec((1, P)),
        ],
        out_specs=pl.BlockSpec((G, P), lambda i: (0, 0)),
        out_shape=jax.ShapeDtypeStruct((G, P), jnp.float32),
        scratch_shapes=[
            pltpu.VMEM((G, 3 * H), jnp.float32),
            pltpu.VMEM((G, 1), jnp.float32),
        ],
    )(aA, aB, dinv, b3, x1, x2, batch3, Wp1, bp1, Wp2, bp2)


def kernel(x, edge_index, batch, W_in, b_in, W1, b1, W2, b2, W3, b3, Wp1, bp1, Wp2, bp2):
    src = edge_index[0]
    dst = edge_index[1]
    loop = jnp.arange(N, dtype=jnp.int32)
    pad = EP - E - N
    srcE = jnp.concatenate([src, loop, jnp.zeros((pad,), jnp.int32)])
    dstE = jnp.concatenate([dst, loop, jnp.full((pad,), DUMMY, jnp.int32)])
    dstE3 = dstE.reshape(NT, NCHUNK, CE)
    s5 = srcE.reshape(NT, NCH2, 2, 2, CE // 2)
    d5 = dstE.reshape(NT, NCH2, 2, 2, CE // 2)
    srcP = (s5[:, :, :, 0, :] | (s5[:, :, :, 1, :] << 16)).reshape(NT, NCH2, CE)
    dstP = (d5[:, :, :, 0, :] | (d5[:, :, :, 1, :] << 16)).reshape(NT, NCH2, CE)

    deg2 = _deg_call(dstE3)
    d0 = deg2[0, :N].reshape(NB, 1, BN)
    d1 = deg2[1, :N].reshape(NB, 1, BN)

    b_in2 = b_in.reshape(1, H)
    b1_2 = b1.reshape(1, H)
    b2_2 = b2.reshape(1, H)
    b3_2 = b3.reshape(1, H)
    bp1_2 = bp1.reshape(1, H)
    bp2_2 = bp2.reshape(1, P)
    batch3 = batch.reshape(NB, 1, BN)

    u = _k0a(x, W_in, b_in2, W1)
    g2, dinv = _k0b(u, d0, d1)
    o1 = _layer_call(g2.reshape(2 * N, HH), srcP, dstP)
    x1, g2b = _k12(o1, o1, dinv, b1_2, W2)
    o2 = _layer_call(g2b.reshape(2 * N, HH), srcP, dstP)
    x2, g2c = _k12(o2, o2, dinv, b2_2, W3)
    o3 = _layer_call(g2c.reshape(2 * N, HH), srcP, dstP)
    z = _k3(o3, o3, dinv, b3_2, x1, x2, batch3, Wp1, bp1_2, Wp2, bp2_2)
    return z

# --- scband reference (transcript-rebuilt; emitter-appended) ---
"""Pipeline reference for scband-tig-sim-clr-36721970381286 (READ-ONLY COPY).

The authoritative reference and input builder live on the scoring server;
editing this copy changes nothing except your own understanding.
"""

import jax, jax.numpy as jnp
import numpy as np

N = 10000
E = 160000
F_IN = 256
H = 256
P = 128
G = 128


def setup_inputs(seed: int = 0):
    key = jax.random.key(seed)
    ks = jax.random.split(key, 16)
    def lin(k, i, o):
        lim = 1.0 / np.sqrt(i)
        return jax.random.uniform(k, (i, o), minval=-lim, maxval=lim, dtype=jnp.float32)
    inp = {}
    inp['x'] = jax.random.normal(ks[0], (N, F_IN), dtype=jnp.float32)
    inp['edge_index'] = jax.random.randint(ks[1], (2, E), 0, N, dtype=jnp.int32)
    inp['batch'] = jnp.sort(jax.random.randint(ks[2], (N,), 0, G, dtype=jnp.int32))
    inp['W_in'] = lin(ks[3], F_IN, H); inp['b_in'] = jnp.zeros((H,), jnp.float32)
    inp['W1'] = lin(ks[4], H, H); inp['b1'] = jnp.zeros((H,), jnp.float32)
    inp['W2'] = lin(ks[5], H, H); inp['b2'] = jnp.zeros((H,), jnp.float32)
    inp['W3'] = lin(ks[6], H, H); inp['b3'] = jnp.zeros((H,), jnp.float32)
    inp['Wp1'] = lin(ks[7], 3 * H, H); inp['bp1'] = jnp.zeros((H,), jnp.float32)
    inp['Wp2'] = lin(ks[8], H, P); inp['bp2'] = jnp.zeros((P,), jnp.float32)
    return inp


def _gcn(h, src, dst, norm, W, b):
    h = h @ W
    msg = h[src] * norm[:, None]
    out = jnp.zeros_like(h).at[dst].add(msg)
    return out + b


def reference(x, edge_index, batch, W_in, b_in, W1, b1, W2, b2, W3, b3, Wp1, bp1, Wp2, bp2):
    # GCN normalization with self-loops (PyG GCNConv default)
    loop = jnp.arange(N, dtype=edge_index.dtype)
    src = jnp.concatenate([edge_index[0], loop])
    dst = jnp.concatenate([edge_index[1], loop])
    deg = jnp.zeros((N,), jnp.float32).at[dst].add(1.0)
    dinv = jnp.where(deg > 0, jax.lax.rsqrt(deg), 0.0)
    norm = dinv[src] * dinv[dst]
    # input projection
    h = x @ W_in + b_in
    # 3 GCN layers with ReLU (dropout = identity in eval mode)
    x1 = jax.nn.relu(_gcn(h, src, dst, norm, W1, b1))
    x2 = jax.nn.relu(_gcn(x1, src, dst, norm, W2, b2))
    x3 = jax.nn.relu(_gcn(x2, src, dst, norm, W3, b3))
    # JumpingKnowledge(mode='cat')
    xs = jnp.concatenate([x1, x2, x3], axis=1)
    # global_mean_pool
    sums = jax.ops.segment_sum(xs, batch, num_segments=G)
    cnt = jax.ops.segment_sum(jnp.ones((N,), jnp.float32), batch, num_segments=G)
    pooled = sums / jnp.maximum(cnt, 1.0)[:, None]
    # projection head
    z = jax.nn.relu(pooled @ Wp1 + bp1) @ Wp2 + bp2
    # F.normalize(dim=1)
    nrm = jnp.maximum(jnp.linalg.norm(z, axis=1, keepdims=True), 1e-12)
    return z / nrm

if __name__ == "__main__":
    import jax
    _d = setup_inputs()
    print(jax.jit(kernel)(*tuple(_d.values())))

</pallas_src>

<mosaic_0001>
#map = affine_map<(d0, d1) -> (0, 0, 0)>
#map1 = affine_map<(d0, d1) -> (0, 0)>
module attributes {stable_mosaic.version = 14 : i64} {
  func.func @_sc_deg_body(%arg0: i32, %arg1: i32, %arg2: memref<16x84x128xi32, #tpu.memory_space<hbm>>, %arg3: memref<2x10240xf32, #tpu.memory_space<hbm>>, %arg4: memref<16x10240xf32, #tpu.memory_space<vmem_shared>>, %arg5: memref<84x128xi32, #tpu.memory_space<vmem>>, %arg6: memref<10240xf32, #tpu.memory_space<vmem>>, %arg7: memref<640xf32, #tpu.memory_space<vmem>>, %arg8: memref<640xf32, #tpu.memory_space<vmem>>) attributes {dimension_semantics = [#tpu.dimension_semantics<core_parallel>, #tpu.dimension_semantics<subcore_parallel>], iteration_bounds = array<i64: 2, 16>, scalar_prefetch = 0 : i64, scratch_operands = 5 : i64, tpu.core_type = #tpu.core_type<sc_vector_subcore>, window_params = [{transform_indices = #map}, {transform_indices = #map1}]} {
    %broadcast_in_dim3A = arith.constant 0.000000e+00 : f32
    %broadcast_in_dim3A_0 = vector.broadcast %broadcast_in_dim3A : f32 to vector<16xf32>
    %scan3A = arith.constant 0 : i32
    %scan3A_1 = arith.constant 0 : i32
    %scan3A_2 = arith.constant 640 : i32
    %scan3A_3 = arith.addi %scan3A_1, %scan3A_2 : i32
    %scan3A_4 = arith.constant 1 : i32
    %scan3A_5 = scf.for %scan3A_38 = %scan3A_1 to %scan3A_3 step %scan3A_4 iter_args(%scan3A_39 = %scan3A) -> (i32)  : i32 {
      %mul3A_40 = arith.constant 16 : i32
      %mul3A_41 = arith.muli %scan3A_38, %mul3A_40 : i32
      %swap3A = arith.index_cast %mul3A_41 : i32 to index
      %swap3A_42 = tpu.vector_load %arg6[%swap3A] {strides = array<i32>} : memref<10240xf32, #tpu.memory_space<vmem>>, vector<16xf32>,
      tpu.vector_store %arg6[%swap3A], %broadcast_in_dim3A_0 {strides = array<i32>} : memref<10240xf32, #tpu.memory_space<vmem>>, vector<16xf32>,
      %scan3A_43 = arith.constant 0 : i32
      scf.yield %scan3A_43 : i32
    }
    %scan3A_6 = arith.constant 640 : i32
    "tpu.region"() ({
      %run_scoped3A = tpu.sem_alloc : memref<!tpu.dma_semaphore, #tpu.memory_space<semaphore_mem>>
      %dma_start3A = arith.constant 0 : i32
      %dma_start3A_38 = arith.constant 0 : i32
      %dma_start3A_39 = tpu.memref_slice %arg2[%arg1, %dma_start3A, %dma_start3A_38] : memref<16x84x128xi32, #tpu.memory_space<hbm>> -> memref<1x84x128xi32, #tpu.memory_space<hbm>>
      %dma_start3A_40 = tpu.memref_squeeze %dma_start3A_39 : memref<1x84x128xi32, #tpu.memory_space<hbm>> -> memref<84x128xi32, #tpu.memory_space<hbm>>
      %dma_start3A_41 = arith.constant 0 : i32
      %dma_start3A_42 = arith.constant 0 : i32
      %dma_start3A_43 = tpu.memref_slice %arg2[%arg1, %dma_start3A_41, %dma_start3A_42] : memref<16x84x128xi32, #tpu.memory_space<hbm>> -> memref<1x84x128xi32, #tpu.memory_space<hbm>>
      %dma_start3A_44 = tpu.memref_squeeze %dma_start3A_43 : memref<1x84x128xi32, #tpu.memory_space<hbm>> -> memref<84x128xi32, #tpu.memory_space<hbm>>
      tpu.enqueue_dma source(%dma_start3A_44 : memref<84x128xi32, #tpu.memory_space<hbm>>) target(%arg5 : memref<84x128xi32, #tpu.memory_space<vmem>>) target_semaphore(%run_scoped3A : memref<!tpu.dma_semaphore, #tpu.memory_space<semaphore_mem>>)
      %dma_wait3A = arith.constant 0 : i32
      %dma_wait3A_45 = arith.constant 0 : i32
      %dma_wait3A_46 = tpu.memref_slice %arg2[%arg1, %dma_wait3A, %dma_wait3A_45] : memref<16x84x128xi32, #tpu.memory_space<hbm>> -> memref<1x84x128xi32, #tpu.memory_space<hbm>>
      %dma_wait3A_47 = tpu.memref_squeeze %dma_wait3A_46 : memref<1x84x128xi32, #tpu.memory_space<hbm>> -> memref<84x128xi32, #tpu.memory_space<hbm>>
      %dma_wait3A_48 = arith.constant 0 : i32
      %dma_wait3A_49 = arith.constant 0 : i32
      %dma_wait3A_50 = tpu.memref_slice %arg2[%arg1, %dma_wait3A_48, %dma_wait3A_49] : memref<16x84x128xi32, #tpu.memory_space<hbm>> -> memref<1x84x128xi32, #tpu.memory_space<hbm>>
      %dma_wait3A_51 = tpu.memref_squeeze %dma_wait3A_50 : memref<1x84x128xi32, #tpu.memory_space<hbm>> -> memref<84x128xi32, #tpu.memory_space<hbm>>
      tpu.wait_dma2 semaphore(%run_scoped3A : memref<!tpu.dma_semaphore, #tpu.memory_space<semaphore_mem>>) src(%dma_wait3A_51 : memref<84x128xi32, #tpu.memory_space<hbm>>) dst(%arg5 : memref<84x128xi32, #tpu.memory_space<vmem>>)
      tpu.yield
    }) : () -> ()
    %broadcast_in_dim3A_7 = arith.constant 1.000000e+00 : f32
    %broadcast_in_dim3A_8 = vector.broadcast %broadcast_in_dim3A_7 : f32 to vector<16xf32>
    %scan3A_9 = arith.constant 0 : i32
    %scan3A_10 = arith.constant 0 : i32
    %scan3A_11 = arith.constant 42 : i32
    %scan3A_12 = arith.addi %scan3A_10, %scan3A_11 : i32
    %scan3A_13 = arith.constant 1 : i32
    %scan3A_14 = scf.for %scan3A_38 = %scan3A_10 to %scan3A_12 step %scan3A_13 iter_args(%scan3A_39 = %scan3A_9) -> (i32)  : i32 {
      %mul3A_40 = arith.constant 42 : i32
      %mul3A_41 = arith.muli %arg0, %mul3A_40 : i32
      %add3A = arith.addi %mul3A_41, %scan3A_38 : i32
      %scan3A_42 = arith.constant 0 : i32
      %scan3A_43 = arith.constant 0 : i32
      %scan3A_44 = arith.constant 8 : i32
      %scan3A_45 = arith.addi %scan3A_43, %scan3A_44 : i32
      %scan3A_46 = arith.constant 1 : i32
      %scan3A_47 = scf.for %scan3A_50 = %scan3A_43 to %scan3A_45 step %scan3A_46 iter_args(%scan3A_51 = %scan3A_42) -> (i32)  : i32 {
        %mul3A_52 = arith.constant 16 : i32
        %mul3A_53 = arith.muli %scan3A_50, %mul3A_52 : i32
        %get3A = arith.index_cast %add3A : i32 to index
        %get3A_54 = arith.index_cast %mul3A_53 : i32 to index
        %get3A_55 = tpu.vector_load %arg5[%get3A, %get3A_54] {strides = array<i32>} : memref<84x128xi32, #tpu.memory_space<vmem>>, vector<16xi32>,
        tpu.vector_store_idx %arg6[%get3A_55], %broadcast_in_dim3A_8 {add = true} : memref<10240xf32, #tpu.memory_space<vmem>>[vector<16xi32>], vector<16xf32>,
        %scan3A_56 = arith.constant 0 : i32
        scf.yield %scan3A_56 : i32
      }
      %scan3A_48 = arith.constant 8 : i32
      %scan3A_49 = arith.constant 0 : i32
      scf.yield %scan3A_49 : i32
    }
    %scan3A_15 = arith.constant 42 : i32
    "tpu.region"() ({
      %run_scoped3A = tpu.sem_alloc : memref<!tpu.dma_semaphore, #tpu.memory_space<semaphore_mem>>
      %dma_start3A = arith.constant 0 : i32
      %dma_start3A_38 = tpu.memref_slice %arg4[%arg1, %dma_start3A] : memref<16x10240xf32, #tpu.memory_space<vmem_shared>> -> memref<1x10240xf32, #tpu.memory_space<vmem_shared>>
      %dma_start3A_39 = tpu.memref_squeeze %dma_start3A_38 : memref<1x10240xf32, #tpu.memory_space<vmem_shared>> -> memref<10240xf32, #tpu.memory_space<vmem_shared>>
      %dma_start3A_40 = arith.constant 0 : i32
      %dma_start3A_41 = tpu.memref_slice %arg4[%arg1, %dma_start3A_40] : memref<16x10240xf32, #tpu.memory_space<vmem_shared>> -> memref<1x10240xf32, #tpu.memory_space<vmem_shared>>
      %dma_start3A_42 = tpu.memref_squeeze %dma_start3A_41 : memref<1x10240xf32, #tpu.memory_space<vmem_shared>> -> memref<10240xf32, #tpu.memory_space<vmem_shared>>
      tpu.enqueue_dma source(%arg6 : memref<10240xf32, #tpu.memory_space<vmem>>) target(%dma_start3A_42 : memref<10240xf32, #tpu.memory_space<vmem_shared>>) target_semaphore(%run_scoped3A : memref<!tpu.dma_semaphore, #tpu.memory_space<semaphore_mem>>)
      %dma_wait3A = arith.constant 0 : i32
      %dma_wait3A_43 = tpu.memref_slice %arg4[%arg1, %dma_wait3A] : memref<16x10240xf32, #tpu.memory_space<vmem_shared>> -> memref<1x10240xf32, #tpu.memory_space<vmem_shared>>
      %dma_wait3A_44 = tpu.memref_squeeze %dma_wait3A_43 : memref<1x10240xf32, #tpu.memory_space<vmem_shared>> -> memref<10240xf32, #tpu.memory_space<vmem_shared>>
      %dma_wait3A_45 = arith.constant 0 : i32
      %dma_wait3A_46 = tpu.memref_slice %arg4[%arg1, %dma_wait3A_45] : memref<16x10240xf32, #tpu.memory_space<vmem_shared>> -> memref<1x10240xf32, #tpu.memory_space<vmem_shared>>
      %dma_wait3A_47 = tpu.memref_squeeze %dma_wait3A_46 : memref<1x10240xf32, #tpu.memory_space<vmem_shared>> -> memref<10240xf32, #tpu.memory_space<vmem_shared>>
      tpu.wait_dma2 semaphore(%run_scoped3A : memref<!tpu.dma_semaphore, #tpu.memory_space<semaphore_mem>>) src(%arg6 : memref<10240xf32, #tpu.memory_space<vmem>>) dst(%dma_wait3A_47 : memref<10240xf32, #tpu.memory_space<vmem_shared>>)
      tpu.yield
    }) : () -> ()
    %barrier3A = arith.constant 0 : index
    tpu.barrier barrier_id(%barrier3A)
    %scan3A_16 = arith.constant 0 : i32
    %scan3A_17 = arith.constant 0 : i32
    %scan3A_18 = arith.constant 40 : i32
    %scan3A_19 = arith.addi %scan3A_17, %scan3A_18 : i32
    %scan3A_20 = arith.constant 1 : i32
    %scan3A_21 = scf.for %scan3A_38 = %scan3A_17 to %scan3A_19 step %scan3A_20 iter_args(%scan3A_39 = %scan3A_16) -> (i32)  : i32 {
      %mul3A_40 = arith.constant 16 : i32
      %mul3A_41 = arith.muli %scan3A_38, %mul3A_40 : i32
      %swap3A = arith.index_cast %mul3A_41 : i32 to index
      %swap3A_42 = tpu.vector_load %arg7[%swap3A] {strides = array<i32>} : memref<640xf32, #tpu.memory_space<vmem>>, vector<16xf32>,
      tpu.vector_store %arg7[%swap3A], %broadcast_in_dim3A_0 {strides = array<i32>} : memref<640xf32, #tpu.memory_space<vmem>>, vector<16xf32>,
      %scan3A_43 = arith.constant 0 : i32
      scf.yield %scan3A_43 : i32
    }
    %scan3A_22 = arith.constant 40 : i32
    %scan3A_23 = arith.constant 0 : i32
    %scan3A_24 = arith.constant 0 : i32
    %scan3A_25 = arith.constant 16 : i32
    %scan3A_26 = arith.addi %scan3A_24, %scan3A_25 : i32
    %scan3A_27 = arith.constant 1 : i32
    %scan3A_28 = scf.for %scan3A_38 = %scan3A_24 to %scan3A_26 step %scan3A_27 iter_args(%scan3A_39 = %scan3A_23) -> (i32)  : i32 {
      %mul3A_40 = arith.constant 640 : i32
      %mul3A_41 = arith.muli %arg1, %mul3A_40 : i32
      %multiple_of3A_42 = tpu.assume_multiple %mul3A_41, 128 : i32
      "tpu.region"() ({
        %run_scoped3A = tpu.sem_alloc : memref<!tpu.dma_semaphore, #tpu.memory_space<semaphore_mem>>
        %dma_start3A = tpu.memref_slice %arg4[%scan3A_38, %multiple_of3A_42] : memref<16x10240xf32, #tpu.memory_space<vmem_shared>> -> memref<1x640xf32, #tpu.memory_space<vmem_shared>>
        %dma_start3A_51 = tpu.memref_squeeze %dma_start3A : memref<1x640xf32, #tpu.memory_space<vmem_shared>> -> memref<640xf32, #tpu.memory_space<vmem_shared>>
        %dma_start3A_52 = tpu.memref_slice %arg4[%scan3A_38, %multiple_of3A_42] : memref<16x10240xf32, #tpu.memory_space<vmem_shared>> -> memref<1x640xf32, #tpu.memory_space<vmem_shared>>
        %dma_start3A_53 = tpu.memref_squeeze %dma_start3A_52 : memref<1x640xf32, #tpu.memory_space<vmem_shared>> -> memref<640xf32, #tpu.memory_space<vmem_shared>>
        tpu.enqueue_dma source(%dma_start3A_53 : memref<640xf32, #tpu.memory_space<vmem_shared>>) target(%arg8 : memref<640xf32, #tpu.memory_space<vmem>>) target_semaphore(%run_scoped3A : memref<!tpu.dma_semaphore, #tpu.memory_space<semaphore_mem>>)
        %dma_wait3A = tpu.memref_slice %arg4[%scan3A_38, %multiple_of3A_42] : memref<16x10240xf32, #tpu.memory_space<vmem_shared>> -> memref<1x640xf32, #tpu.memory_space<vmem_shared>>
        %dma_wait3A_54 = tpu.memref_squeeze %dma_wait3A : memref<1x640xf32, #tpu.memory_space<vmem_shared>> -> memref<640xf32, #tpu.memory_space<vmem_shared>>
        %dma_wait3A_55 = tpu.memref_slice %arg4[%scan3A_38, %multiple_of3A_42] : memref<16x10240xf32, #tpu.memory_space<vmem_shared>> -> memref<1x640xf32, #tpu.memory_space<vmem_shared>>
        %dma_wait3A_56 = tpu.memref_squeeze %dma_wait3A_55 : memref<1x640xf32, #tpu.memory_space<vmem_shared>> -> memref<640xf32, #tpu.memory_space<vmem_shared>>
        tpu.wait_dma2 semaphore(%run_scoped3A : memref<!tpu.dma_semaphore, #tpu.memory_space<semaphore_mem>>) src(%dma_wait3A_56 : memref<640xf32, #tpu.memory_space<vmem_shared>>) dst(%arg8 : memref<640xf32, #tpu.memory_space<vmem>>)
        tpu.yield
      }) : () -> ()
      %scan3A_43 = arith.constant 0 : i32
      %scan3A_44 = arith.constant 0 : i32
      %scan3A_45 = arith.constant 40 : i32
      %scan3A_46 = arith.addi %scan3A_44, %scan3A_45 : i32
      %scan3A_47 = arith.constant 1 : i32
      %scan3A_48 = scf.for %scan3A_51 = %scan3A_44 to %scan3A_46 step %scan3A_47 iter_args(%scan3A_52 = %scan3A_43) -> (i32)  : i32 {
        %mul3A_53 = arith.constant 16 : i32
        %mul3A_54 = arith.muli %scan3A_51, %mul3A_53 : i32
        %get3A = arith.index_cast %mul3A_54 : i32 to index
        %get3A_55 = tpu.vector_load %arg7[%get3A] {strides = array<i32>} : memref<640xf32, #tpu.memory_space<vmem>>, vector<16xf32>,
        %mul3A_56 = arith.constant 16 : i32
        %mul3A_57 = arith.muli %scan3A_51, %mul3A_56 : i32
        %get3A_58 = arith.index_cast %mul3A_57 : i32 to index
        %get3A_59 = tpu.vector_load %arg8[%get3A_58] {strides = array<i32>} : memref<640xf32, #tpu.memory_space<vmem>>, vector<16xf32>,
        %add3A = arith.addf %get3A_55, %get3A_59 : vector<16xf32>
        %mul3A_60 = arith.constant 16 : i32
        %mul3A_61 = arith.muli %scan3A_51, %mul3A_60 : i32
        %swap3A = arith.index_cast %mul3A_61 : i32 to index
        %swap3A_62 = tpu.vector_load %arg7[%swap3A] {strides = array<i32>} : memref<640xf32, #tpu.memory_space<vmem>>, vector<16xf32>,
        tpu.vector_store %arg7[%swap3A], %add3A {strides = array<i32>} : memref<640xf32, #tpu.memory_space<vmem>>, vector<16xf32>,
        %scan3A_63 = arith.constant 0 : i32
        scf.yield %scan3A_63 : i32
      }
      %scan3A_49 = arith.constant 40 : i32
      %scan3A_50 = arith.constant 0 : i32
      scf.yield %scan3A_50 : i32
    }
    %scan3A_29 = arith.constant 16 : i32
    %mul3A = arith.constant 640 : i32
    %mul3A_30 = arith.muli %arg1, %mul3A : i32
    %multiple_of3A = tpu.assume_multiple %mul3A_30, 128 : i32
    %eq3A = arith.constant 0 : i32
    %eq3A_31 = arith.cmpi eq, %arg0, %eq3A : i32
    %convert_element_type3A = arith.extui %eq3A_31 : i1 to i32
    %cond3A = arith.constant 0 : i32
    %cond3A_32 = arith.cmpi ne, %convert_element_type3A, %cond3A : i32
    scf.if %cond3A_32 {
      %run_scoped3A = arith.constant 0 : i32
      "tpu.region"() ({
        %run_scoped3A_38 = tpu.sem_alloc : memref<!tpu.dma_semaphore, #tpu.memory_space<semaphore_mem>>
        %dma_start3A = tpu.memref_slice %arg3[%run_scoped3A, %multiple_of3A] : memref<2x10240xf32, #tpu.memory_space<hbm>> -> memref<1x640xf32, #tpu.memory_space<hbm>>
        %dma_start3A_39 = tpu.memref_squeeze %dma_start3A : memref<1x640xf32, #tpu.memory_space<hbm>> -> memref<640xf32, #tpu.memory_space<hbm>>
        %dma_start3A_40 = tpu.memref_slice %arg3[%run_scoped3A, %multiple_of3A] : memref<2x10240xf32, #tpu.memory_space<hbm>> -> memref<1x640xf32, #tpu.memory_space<hbm>>
        %dma_start3A_41 = tpu.memref_squeeze %dma_start3A_40 : memref<1x640xf32, #tpu.memory_space<hbm>> -> memref<640xf32, #tpu.memory_space<hbm>>
        tpu.enqueue_dma source(%arg7 : memref<640xf32, #tpu.memory_space<vmem>>) target(%dma_start3A_41 : memref<640xf32, #tpu.memory_space<hbm>>) target_semaphore(%run_scoped3A_38 : memref<!tpu.dma_semaphore, #tpu.memory_space<semaphore_mem>>)
        %dma_wait3A = tpu.memref_slice %arg3[%run_scoped3A, %multiple_of3A] : memref<2x10240xf32, #tpu.memory_space<hbm>> -> memref<1x640xf32, #tpu.memory_space<hbm>>
        %dma_wait3A_42 = tpu.memref_squeeze %dma_wait3A : memref<1x640xf32, #tpu.memory_space<hbm>> -> memref<640xf32, #tpu.memory_space<hbm>>
        %dma_wait3A_43 = tpu.memref_slice %arg3[%run_scoped3A, %multiple_of3A] : memref<2x10240xf32, #tpu.memory_space<hbm>> -> memref<1x640xf32, #tpu.memory_space<hbm>>
        %dma_wait3A_44 = tpu.memref_squeeze %dma_wait3A_43 : memref<1x640xf32, #tpu.memory_space<hbm>> -> memref<640xf32, #tpu.memory_space<hbm>>
        tpu.wait_dma2 semaphore(%run_scoped3A_38 : memref<!tpu.dma_semaphore, #tpu.memory_space<semaphore_mem>>) src(%arg7 : memref<640xf32, #tpu.memory_space<vmem>>) dst(%dma_wait3A_44 : memref<640xf32, #tpu.memory_space<hbm>>)
        tpu.yield
      }) : () -> ()
    } else {
    }
    %eq3A_33 = arith.constant 1 : i32
    %eq3A_34 = arith.cmpi eq, %arg0, %eq3A_33 : i32
    %convert_element_type3A_35 = arith.extui %eq3A_34 : i1 to i32
    %cond3A_36 = arith.constant 0 : i32
    %cond3A_37 = arith.cmpi ne, %convert_element_type3A_35, %cond3A_36 : i32
    scf.if %cond3A_37 {
      %run_scoped3A = arith.constant 1 : i32
      "tpu.region"() ({
        %run_scoped3A_38 = tpu.sem_alloc : memref<!tpu.dma_semaphore, #tpu.memory_space<semaphore_mem>>
        %dma_start3A = tpu.memref_slice %arg3[%run_scoped3A, %multiple_of3A] : memref<2x10240xf32, #tpu.memory_space<hbm>> -> memref<1x640xf32, #tpu.memory_space<hbm>>
        %dma_start3A_39 = tpu.memref_squeeze %dma_start3A : memref<1x640xf32, #tpu.memory_space<hbm>> -> memref<640xf32, #tpu.memory_space<hbm>>
        %dma_start3A_40 = tpu.memref_slice %arg3[%run_scoped3A, %multiple_of3A] : memref<2x10240xf32, #tpu.memory_space<hbm>> -> memref<1x640xf32, #tpu.memory_space<hbm>>
        %dma_start3A_41 = tpu.memref_squeeze %dma_start3A_40 : memref<1x640xf32, #tpu.memory_space<hbm>> -> memref<640xf32, #tpu.memory_space<hbm>>
        tpu.enqueue_dma source(%arg7 : memref<640xf32, #tpu.memory_space<vmem>>) target(%dma_start3A_41 : memref<640xf32, #tpu.memory_space<hbm>>) target_semaphore(%run_scoped3A_38 : memref<!tpu.dma_semaphore, #tpu.memory_space<semaphore_mem>>)
        %dma_wait3A = tpu.memref_slice %arg3[%run_scoped3A, %multiple_of3A] : memref<2x10240xf32, #tpu.memory_space<hbm>> -> memref<1x640xf32, #tpu.memory_space<hbm>>
        %dma_wait3A_42 = tpu.memref_squeeze %dma_wait3A : memref<1x640xf32, #tpu.memory_space<hbm>> -> memref<640xf32, #tpu.memory_space<hbm>>
        %dma_wait3A_43 = tpu.memref_slice %arg3[%run_scoped3A, %multiple_of3A] : memref<2x10240xf32, #tpu.memory_space<hbm>> -> memref<1x640xf32, #tpu.memory_space<hbm>>
        %dma_wait3A_44 = tpu.memref_squeeze %dma_wait3A_43 : memref<1x640xf32, #tpu.memory_space<hbm>> -> memref<640xf32, #tpu.memory_space<hbm>>
        tpu.wait_dma2 semaphore(%run_scoped3A_38 : memref<!tpu.dma_semaphore, #tpu.memory_space<semaphore_mem>>) src(%arg7 : memref<640xf32, #tpu.memory_space<vmem>>) dst(%dma_wait3A_44 : memref<640xf32, #tpu.memory_space<hbm>>)
        tpu.yield
      }) : () -> ()
    } else {
    }
    return
  }
}

#map = affine_map<(d0, d1) -> (0, 0)>
#map1 = affine_map<(d0, d1) -> (0, 0, 0)>
module attributes {stable_mosaic.version = 14 : i64} {
  func.func @_sc_layer_body(%arg0: i32, %arg1: i32, %arg2: memref<20000x128xf32, #tpu.memory_space<hbm>>, %arg3: memref<16x42x128xi32, #tpu.memory_space<hbm>>, %arg4: memref<16x42x128xi32, #tpu.memory_space<hbm>>, %arg5: memref<20000x128xf32, #tpu.memory_space<hbm>>, %arg6: memref<10240x128xf32, #tpu.memory_space<vmem_shared>>, %arg7: memref<42x128xi32, #tpu.memory_space<vmem>>, %arg8: memref<42x128xi32, #tpu.memory_space<vmem>>, %arg9: memref<128xi32, #tpu.memory_space<vmem>>, %arg10: memref<128xi32, #tpu.memory_space<vmem>>, %arg11: memref<128xi32, #tpu.memory_space<vmem>>, %arg12: memref<128x128xf32, #tpu.memory_space<vmem>>, %arg13: memref<128x128xf32, #tpu.memory_space<vmem>>, %arg14: memref<!tpu.dma_semaphore, #tpu.memory_space<semaphore_mem>>, %arg15: memref<!tpu.dma_semaphore, #tpu.memory_space<semaphore_mem>>) attributes {dimension_semantics = [#tpu.dimension_semantics<core_parallel>, #tpu.dimension_semantics<subcore_parallel>], iteration_bounds = array<i64: 2, 16>, scalar_prefetch = 0 : i64, scratch_operands = 10 : i64, tpu.core_type = #tpu.core_type<sc_vector_subcore>, window_params = [{transform_indices = #map}, {transform_indices = #map1}, {transform_indices = #map1}, {transform_indices = #map}]} {
    %broadcast_in_dim3A = arith.constant 0.000000e+00 : f32
    %broadcast_in_dim3A_0 = vector.broadcast %broadcast_in_dim3A : f32 to vector<16xf32>
    %broadcast_in_dim3A_1 = arith.constant 0 : i32
    %broadcast_in_dim3A_2 = vector.broadcast %broadcast_in_dim3A_1 : i32 to vector<16xi32>
    %mul3A = arith.constant 10000 : i32
    %mul3A_3 = arith.muli %arg0, %mul3A : i32
    %add3A = vector.broadcast %mul3A_3 : i32 to vector<16xi32>
    %add3A_4 = arith.addi %broadcast_in_dim3A_2, %add3A : vector<16xi32>
    %scan3A = arith.constant 0 : i32
    %scan3A_5 = arith.constant 0 : i32
    %scan3A_6 = arith.constant 128 : i32
    %scan3A_7 = arith.addi %scan3A_5, %scan3A_6 : i32
    %scan3A_8 = arith.constant 1 : i32
    %scan3A_9 = scf.for %scan3A_122 = %scan3A_5 to %scan3A_7 step %scan3A_8 iter_args(%scan3A_123 = %scan3A) -> (i32)  : i32 {
      %scan3A_124 = arith.constant 0 : i32
      %scan3A_125 = arith.constant 0 : i32
      %scan3A_126 = arith.constant 8 : i32
      %scan3A_127 = arith.addi %scan3A_125, %scan3A_126 : i32
      %scan3A_128 = arith.constant 1 : i32
      %scan3A_129 = scf.for %scan3A_132 = %scan3A_125 to %scan3A_127 step %scan3A_128 iter_args(%scan3A_133 = %scan3A_124) -> (i32)  : i32 {
        %mul3A_134 = arith.constant 16 : i32
        %mul3A_135 = arith.muli %scan3A_132, %mul3A_134 : i32
        %swap3A_136 = arith.index_cast %scan3A_122 : i32 to index
        %swap3A_137 = arith.index_cast %mul3A_135 : i32 to index
        %swap3A_138 = tpu.vector_load %arg12[%swap3A_136, %swap3A_137] {strides = array<i32>} : memref<128x128xf32, #tpu.memory_space<vmem>>, vector<1x16xf32>,
        %swap3A_139 = vector.shape_cast %swap3A_138 : vector<1x16xf32> to vector<16xf32>
        %swap3A_140 = vector.shape_cast %broadcast_in_dim3A_0 : vector<16xf32> to vector<1x16xf32>
        tpu.vector_store %arg12[%swap3A_136, %swap3A_137], %swap3A_140 {strides = array<i32>} : memref<128x128xf32, #tpu.memory_space<vmem>>, vector<1x16xf32>,
        %scan3A_141 = arith.constant 0 : i32
        scf.yield %scan3A_141 : i32
      }
      %scan3A_130 = arith.constant 8 : i32
      %scan3A_131 = arith.constant 0 : i32
      scf.yield %scan3A_131 : i32
    }
    %scan3A_10 = arith.constant 128 : i32
    %scan3A_11 = arith.constant 0 : i32
    %scan3A_12 = arith.constant 0 : i32
    %scan3A_13 = arith.constant 5 : i32
    %scan3A_14 = arith.addi %scan3A_12, %scan3A_13 : i32
    %scan3A_15 = arith.constant 1 : i32
    %scan3A_16 = scf.for %scan3A_122 = %scan3A_12 to %scan3A_14 step %scan3A_15 iter_args(%scan3A_123 = %scan3A_11) -> (i32)  : i32 {
      %mul3A_124 = arith.constant 640 : i32
      %mul3A_125 = arith.muli %arg1, %mul3A_124 : i32
      %mul3A_126 = arith.constant 128 : i32
      %mul3A_127 = arith.muli %scan3A_122, %mul3A_126 : i32
      %add3A_128 = arith.addi %mul3A_125, %mul3A_127 : i32
      %multiple_of3A_129 = tpu.assume_multiple %add3A_128, 128 : i32
      "tpu.region"() ({
        %run_scoped3A = tpu.sem_alloc : memref<!tpu.dma_semaphore, #tpu.memory_space<semaphore_mem>>
        %dma_start3A_131 = arith.constant 0 : i32
        %dma_start3A_132 = tpu.memref_slice %arg6[%multiple_of3A_129, %dma_start3A_131] : memref<10240x128xf32, #tpu.memory_space<vmem_shared>> -> memref<128x128xf32, #tpu.memory_space<vmem_shared>>
        %dma_start3A_133 = arith.constant 0 : i32
        %dma_start3A_134 = tpu.memref_slice %arg6[%multiple_of3A_129, %dma_start3A_133] : memref<10240x128xf32, #tpu.memory_space<vmem_shared>> -> memref<128x128xf32, #tpu.memory_space<vmem_shared>>
        tpu.enqueue_dma source(%arg12 : memref<128x128xf32, #tpu.memory_space<vmem>>) target(%dma_start3A_134 : memref<128x128xf32, #tpu.memory_space<vmem_shared>>) target_semaphore(%run_scoped3A : memref<!tpu.dma_semaphore, #tpu.memory_space<semaphore_mem>>)
        %dma_wait3A = arith.constant 0 : i32
        %dma_wait3A_135 = tpu.memref_slice %arg6[%multiple_of3A_129, %dma_wait3A] : memref<10240x128xf32, #tpu.memory_space<vmem_shared>> -> memref<128x128xf32, #tpu.memory_space<vmem_shared>>
        %dma_wait3A_136 = arith.constant 0 : i32
        %dma_wait3A_137 = tpu.memref_slice %arg6[%multiple_of3A_129, %dma_wait3A_136] : memref<10240x128xf32, #tpu.memory_space<vmem_shared>> -> memref<128x128xf32, #tpu.memory_space<vmem_shared>>
        tpu.wait_dma2 semaphore(%run_scoped3A : memref<!tpu.dma_semaphore, #tpu.memory_space<semaphore_mem>>) src(%arg12 : memref<128x128xf32, #tpu.memory_space<vmem>>) dst(%dma_wait3A_137 : memref<128x128xf32, #tpu.memory_space<vmem_shared>>)
        tpu.yield
      }) : () -> ()
      %scan3A_130 = arith.constant 0 : i32
      scf.yield %scan3A_130 : i32
    }
    %scan3A_17 = arith.constant 5 : i32
    "tpu.region"() ({
      %run_scoped3A = tpu.sem_alloc : memref<!tpu.dma_semaphore, #tpu.memory_space<semaphore_mem>>
      %dma_start3A_122 = arith.constant 0 : i32
      %dma_start3A_123 = arith.constant 0 : i32
      %dma_start3A_124 = tpu.memref_slice %arg3[%arg1, %dma_start3A_122, %dma_start3A_123] : memref<16x42x128xi32, #tpu.memory_space<hbm>> -> memref<1x42x128xi32, #tpu.memory_space<hbm>>
      %dma_start3A_125 = tpu.memref_squeeze %dma_start3A_124 : memref<1x42x128xi32, #tpu.memory_space<hbm>> -> memref<42x128xi32, #tpu.memory_space<hbm>>
      %dma_start3A_126 = arith.constant 0 : i32
      %dma_start3A_127 = arith.constant 0 : i32
      %dma_start3A_128 = tpu.memref_slice %arg3[%arg1, %dma_start3A_126, %dma_start3A_127] : memref<16x42x128xi32, #tpu.memory_space<hbm>> -> memref<1x42x128xi32, #tpu.memory_space<hbm>>
      %dma_start3A_129 = tpu.memref_squeeze %dma_start3A_128 : memref<1x42x128xi32, #tpu.memory_space<hbm>> -> memref<42x128xi32, #tpu.memory_space<hbm>>
      tpu.enqueue_dma source(%dma_start3A_129 : memref<42x128xi32, #tpu.memory_space<hbm>>) target(%arg7 : memref<42x128xi32, #tpu.memory_space<vmem>>) target_semaphore(%run_scoped3A : memref<!tpu.dma_semaphore, #tpu.memory_space<semaphore_mem>>)
      %dma_wait3A = arith.constant 0 : i32
      %dma_wait3A_130 = arith.constant 0 : i32
      %dma_wait3A_131 = tpu.memref_slice %arg3[%arg1, %dma_wait3A, %dma_wait3A_130] : memref<16x42x128xi32, #tpu.memory_space<hbm>> -> memref<1x42x128xi32, #tpu.memory_space<hbm>>
      %dma_wait3A_132 = tpu.memref_squeeze %dma_wait3A_131 : memref<1x42x128xi32, #tpu.memory_space<hbm>> -> memref<42x128xi32, #tpu.memory_space<hbm>>
      %dma_wait3A_133 = arith.constant 0 : i32
      %dma_wait3A_134 = arith.constant 0 : i32
      %dma_wait3A_135 = tpu.memref_slice %arg3[%arg1, %dma_wait3A_133, %dma_wait3A_134] : memref<16x42x128xi32, #tpu.memory_space<hbm>> -> memref<1x42x128xi32, #tpu.memory_space<hbm>>
      %dma_wait3A_136 = tpu.memref_squeeze %dma_wait3A_135 : memref<1x42x128xi32, #tpu.memory_space<hbm>> -> memref<42x128xi32, #tpu.memory_space<hbm>>
      tpu.wait_dma2 semaphore(%run_scoped3A : memref<!tpu.dma_semaphore, #tpu.memory_space<semaphore_mem>>) src(%dma_wait3A_136 : memref<42x128xi32, #tpu.memory_space<hbm>>) dst(%arg7 : memref<42x128xi32, #tpu.memory_space<vmem>>)
      tpu.yield
    }) : () -> ()
    "tpu.region"() ({
      %run_scoped3A = tpu.sem_alloc : memref<!tpu.dma_semaphore, #tpu.memory_space<semaphore_mem>>
      %dma_start3A_122 = arith.constant 0 : i32
      %dma_start3A_123 = arith.constant 0 : i32
      %dma_start3A_124 = tpu.memref_slice %arg4[%arg1, %dma_start3A_122, %dma_start3A_123] : memref<16x42x128xi32, #tpu.memory_space<hbm>> -> memref<1x42x128xi32, #tpu.memory_space<hbm>>
      %dma_start3A_125 = tpu.memref_squeeze %dma_start3A_124 : memref<1x42x128xi32, #tpu.memory_space<hbm>> -> memref<42x128xi32, #tpu.memory_space<hbm>>
      %dma_start3A_126 = arith.constant 0 : i32
      %dma_start3A_127 = arith.constant 0 : i32
      %dma_start3A_128 = tpu.memref_slice %arg4[%arg1, %dma_start3A_126, %dma_start3A_127] : memref<16x42x128xi32, #tpu.memory_space<hbm>> -> memref<1x42x128xi32, #tpu.memory_space<hbm>>
      %dma_start3A_129 = tpu.memref_squeeze %dma_start3A_128 : memref<1x42x128xi32, #tpu.memory_space<hbm>> -> memref<42x128xi32, #tpu.memory_space<hbm>>
      tpu.enqueue_dma source(%dma_start3A_129 : memref<42x128xi32, #tpu.memory_space<hbm>>) target(%arg8 : memref<42x128xi32, #tpu.memory_space<vmem>>) target_semaphore(%run_scoped3A : memref<!tpu.dma_semaphore, #tpu.memory_space<semaphore_mem>>)
      %dma_wait3A = arith.constant 0 : i32
      %dma_wait3A_130 = arith.constant 0 : i32
      %dma_wait3A_131 = tpu.memref_slice %arg4[%arg1, %dma_wait3A, %dma_wait3A_130] : memref<16x42x128xi32, #tpu.memory_space<hbm>> -> memref<1x42x128xi32, #tpu.memory_space<hbm>>
      %dma_wait3A_132 = tpu.memref_squeeze %dma_wait3A_131 : memref<1x42x128xi32, #tpu.memory_space<hbm>> -> memref<42x128xi32, #tpu.memory_space<hbm>>
      %dma_wait3A_133 = arith.constant 0 : i32
      %dma_wait3A_134 = arith.constant 0 : i32
      %dma_wait3A_135 = tpu.memref_slice %arg4[%arg1, %dma_wait3A_133, %dma_wait3A_134] : memref<16x42x128xi32, #tpu.memory_space<hbm>> -> memref<1x42x128xi32, #tpu.memory_space<hbm>>
      %dma_wait3A_136 = tpu.memref_squeeze %dma_wait3A_135 : memref<1x42x128xi32, #tpu.memory_space<hbm>> -> memref<42x128xi32, #tpu.memory_space<hbm>>
      tpu.wait_dma2 semaphore(%run_scoped3A : memref<!tpu.dma_semaphore, #tpu.memory_space<semaphore_mem>>) src(%dma_wait3A_136 : memref<42x128xi32, #tpu.memory_space<hbm>>) dst(%arg8 : memref<42x128xi32, #tpu.memory_space<vmem>>)
      tpu.yield
    }) : () -> ()
    %barrier3A = arith.constant 0 : index
    tpu.barrier barrier_id(%barrier3A)
    %get3A = arith.constant 0 : i32
    %get3A_18 = arith.index_cast %get3A : i32 to index
    %get3A_19 = arith.constant 0 : index
    %get3A_20 = tpu.vector_load %arg7[%get3A_18, %get3A_19] {strides = array<i32>} : memref<42x128xi32, #tpu.memory_space<vmem>>, vector<1x16xi32>,
    %get3A_21 = vector.shape_cast %get3A_20 : vector<1x16xi32> to vector<16xi32>
    %and3A = arith.constant 65535 : i32
    %and3A_22 = vector.broadcast %and3A : i32 to vector<16xi32>
    %and3A_23 = arith.andi %get3A_21, %and3A_22 : vector<16xi32>
    %add3A_24 = arith.addi %and3A_23, %add3A_4 : vector<16xi32>
    %swap3A = arith.constant 0 : index
    %swap3A_25 = tpu.vector_load %arg9[%swap3A] {strides = array<i32>} : memref<128xi32, #tpu.memory_space<vmem>>, vector<16xi32>,
    %swap3A_26 = vector.shape_cast %swap3A_25 : vector<16xi32> to vector<16xi32>
    %swap3A_27 = vector.shape_cast %add3A_24 : vector<16xi32> to vector<16xi32>
    tpu.vector_store %arg9[%swap3A], %swap3A_27 {strides = array<i32>} : memref<128xi32, #tpu.memory_space<vmem>>, vector<16xi32>,
    %shift_right_logical3A = arith.constant 16 : i32
    %shift_right_logical3A_28 = vector.broadcast %shift_right_logical3A : i32 to vector<16xi32>
    %shift_right_logical3A_29 = arith.shrui %get3A_21, %shift_right_logical3A_28 : vector<16xi32>
    %add3A_30 = arith.addi %shift_right_logical3A_29, %add3A_4 : vector<16xi32>
    %swap3A_31 = arith.constant 64 : index
    %swap3A_32 = tpu.vector_load %arg9[%swap3A_31] {strides = array<i32>} : memref<128xi32, #tpu.memory_space<vmem>>, vector<16xi32>,
    %swap3A_33 = vector.shape_cast %swap3A_32 : vector<16xi32> to vector<16xi32>
    %swap3A_34 = vector.shape_cast %add3A_30 : vector<16xi32> to vector<16xi32>
    tpu.vector_store %arg9[%swap3A_31], %swap3A_34 {strides = array<i32>} : memref<128xi32, #tpu.memory_space<vmem>>, vector<16xi32>,
    %get3A_35 = arith.constant 0 : i32
    %get3A_36 = arith.index_cast %get3A_35 : i32 to index
    %get3A_37 = arith.constant 16 : index
    %get3A_38 = tpu.vector_load %arg7[%get3A_36, %get3A_37] {strides = array<i32>} : memref<42x128xi32, #tpu.memory_space<vmem>>, vector<1x16xi32>,
    %get3A_39 = vector.shape_cast %get3A_38 : vector<1x16xi32> to vector<16xi32>
    %and3A_40 = arith.constant 65535 : i32
    %and3A_41 = vector.broadcast %and3A_40 : i32 to vector<16xi32>
    %and3A_42 = arith.andi %get3A_39, %and3A_41 : vector<16xi32>
    %add3A_43 = arith.addi %and3A_42, %add3A_4 : vector<16xi32>
    %swap3A_44 = arith.constant 16 : index
    %swap3A_45 = tpu.vector_load %arg9[%swap3A_44] {strides = array<i32>} : memref<128xi32, #tpu.memory_space<vmem>>, vector<16xi32>,
    %swap3A_46 = vector.shape_cast %swap3A_45 : vector<16xi32> to vector<16xi32>
    %swap3A_47 = vector.shape_cast %add3A_43 : vector<16xi32> to vector<16xi32>
    tpu.vector_store %arg9[%swap3A_44], %swap3A_47 {strides = array<i32>} : memref<128xi32, #tpu.memory_space<vmem>>, vector<16xi32>,
    %shift_right_logical3A_48 = arith.constant 16 : i32
    %shift_right_logical3A_49 = vector.broadcast %shift_right_logical3A_48 : i32 to vector<16xi32>
    %shift_right_logical3A_50 = arith.shrui %get3A_39, %shift_right_logical3A_49 : vector<16xi32>
    %add3A_51 = arith.addi %shift_right_logical3A_50, %add3A_4 : vector<16xi32>
    %swap3A_52 = arith.constant 80 : index
    %swap3A_53 = tpu.vector_load %arg9[%swap3A_52] {strides = array<i32>} : memref<128xi32, #tpu.memory_space<vmem>>, vector<16xi32>,
    %swap3A_54 = vector.shape_cast %swap3A_53 : vector<16xi32> to vector<16xi32>
    %swap3A_55 = vector.shape_cast %add3A_51 : vector<16xi32> to vector<16xi32>
    tpu.vector_store %arg9[%swap3A_52], %swap3A_55 {strides = array<i32>} : memref<128xi32, #tpu.memory_space<vmem>>, vector<16xi32>,
    %get3A_56 = arith.constant 0 : i32
    %get3A_57 = arith.index_cast %get3A_56 : i32 to index
    %get3A_58 = arith.constant 32 : index
    %get3A_59 = tpu.vector_load %arg7[%get3A_57, %get3A_58] {strides = array<i32>} : memref<42x128xi32, #tpu.memory_space<vmem>>, vector<1x16xi32>,
    %get3A_60 = vector.shape_cast %get3A_59 : vector<1x16xi32> to vector<16xi32>
    %and3A_61 = arith.constant 65535 : i32
    %and3A_62 = vector.broadcast %and3A_61 : i32 to vector<16xi32>
    %and3A_63 = arith.andi %get3A_60, %and3A_62 : vector<16xi32>
    %add3A_64 = arith.addi %and3A_63, %add3A_4 : vector<16xi32>
    %swap3A_65 = arith.constant 32 : index
    %swap3A_66 = tpu.vector_load %arg9[%swap3A_65] {strides = array<i32>} : memref<128xi32, #tpu.memory_space<vmem>>, vector<16xi32>,
    %swap3A_67 = vector.shape_cast %swap3A_66 : vector<16xi32> to vector<16xi32>
    %swap3A_68 = vector.shape_cast %add3A_64 : vector<16xi32> to vector<16xi32>
    tpu.vector_store %arg9[%swap3A_65], %swap3A_68 {strides = array<i32>} : memref<128xi32, #tpu.memory_space<vmem>>, vector<16xi32>,
    %shift_right_logical3A_69 = arith.constant 16 : i32
    %shift_right_logical3A_70 = vector.broadcast %shift_right_logical3A_69 : i32 to vector<16xi32>
    %shift_right_logical3A_71 = arith.shrui %get3A_60, %shift_right_logical3A_70 : vector<16xi32>
    %add3A_72 = arith.addi %shift_right_logical3A_71, %add3A_4 : vector<16xi32>
    %swap3A_73 = arith.constant 96 : index
    %swap3A_74 = tpu.vector_load %arg9[%swap3A_73] {strides = array<i32>} : memref<128xi32, #tpu.memory_space<vmem>>, vector<16xi32>,
    %swap3A_75 = vector.shape_cast %swap3A_74 : vector<16xi32> to vector<16xi32>
    %swap3A_76 = vector.shape_cast %add3A_72 : vector<16xi32> to vector<16xi32>
    tpu.vector_store %arg9[%swap3A_73], %swap3A_76 {strides = array<i32>} : memref<128xi32, #tpu.memory_space<vmem>>, vector<16xi32>,
    %get3A_77 = arith.constant 0 : i32
    %get3A_78 = arith.index_cast %get3A_77 : i32 to index
    %get3A_79 = arith.constant 48 : index
    %get3A_80 = tpu.vector_load %arg7[%get3A_78, %get3A_79] {strides = array<i32>} : memref<42x128xi32, #tpu.memory_space<vmem>>, vector<1x16xi32>,
    %get3A_81 = vector.shape_cast %get3A_80 : vector<1x16xi32> to vector<16xi32>
    %and3A_82 = arith.constant 65535 : i32
    %and3A_83 = vector.broadcast %and3A_82 : i32 to vector<16xi32>
    %and3A_84 = arith.andi %get3A_81, %and3A_83 : vector<16xi32>
    %add3A_85 = arith.addi %and3A_84, %add3A_4 : vector<16xi32>
    %swap3A_86 = arith.constant 48 : index
    %swap3A_87 = tpu.vector_load %arg9[%swap3A_86] {strides = array<i32>} : memref<128xi32, #tpu.memory_space<vmem>>, vector<16xi32>,
    %swap3A_88 = vector.shape_cast %swap3A_87 : vector<16xi32> to vector<16xi32>
    %swap3A_89 = vector.shape_cast %add3A_85 : vector<16xi32> to vector<16xi32>
    tpu.vector_store %arg9[%swap3A_86], %swap3A_89 {strides = array<i32>} : memref<128xi32, #tpu.memory_space<vmem>>, vector<16xi32>,
    %shift_right_logical3A_90 = arith.constant 16 : i32
    %shift_right_logical3A_91 = vector.broadcast %shift_right_logical3A_90 : i32 to vector<16xi32>
    %shift_right_logical3A_92 = arith.shrui %get3A_81, %shift_right_logical3A_91 : vector<16xi32>
    %add3A_93 = arith.addi %shift_right_logical3A_92, %add3A_4 : vector<16xi32>
    %swap3A_94 = arith.constant 112 : index
    %swap3A_95 = tpu.vector_load %arg9[%swap3A_94] {strides = array<i32>} : memref<128xi32, #tpu.memory_space<vmem>>, vector<16xi32>,
    %swap3A_96 = vector.shape_cast %swap3A_95 : vector<16xi32> to vector<16xi32>
    %swap3A_97 = vector.shape_cast %add3A_93 : vector<16xi32> to vector<16xi32>
    tpu.vector_store %arg9[%swap3A_94], %swap3A_97 {strides = array<i32>} : memref<128xi32, #tpu.memory_space<vmem>>, vector<16xi32>,
    %dma_start3A = arith.constant 0 : i32
    %dma_start3A_98 = arith.constant 0 : i32
    %dma_start3A_99 = tpu.memref_slice %arg2[%dma_start3A, %dma_start3A_98] : memref<20000x128xf32, #tpu.memory_space<hbm>> -> memref<20000x128xf32, #tpu.memory_space<hbm>>
    tpu.enqueue_indirect_dma source(%dma_start3A_99 : memref<20000x128xf32, #tpu.memory_space<hbm>>) target(%arg12 : memref<128x128xf32, #tpu.memory_space<vmem>>) offsets(%arg9 : memref<128xi32, #tpu.memory_space<vmem>>) semaphore(%arg14 : memref<!tpu.dma_semaphore, #tpu.memory_space<semaphore_mem>>)
    %scan3A_100 = arith.constant 0 : i32
    %scan3A_101 = arith.constant 0 : i32
    %scan3A_102 = arith.constant 42 : i32
    %scan3A_103 = arith.addi %scan3A_101, %scan3A_102 : i32
    %scan3A_104 = arith.constant 1 : i32
    %scan3A_105 = scf.for %scan3A_122 = %scan3A_101 to %scan3A_103 step %scan3A_104 iter_args(%scan3A_123 = %scan3A_100) -> (i32)  : i32 {
      %get3A_124 = arith.index_cast %scan3A_122 : i32 to index
      %get3A_125 = arith.constant 64 : index
      %get3A_126 = tpu.vector_load %arg7[%get3A_124, %get3A_125] {strides = array<i32>} : memref<42x128xi32, #tpu.memory_space<vmem>>, vector<1x16xi32>,
      %get3A_127 = vector.shape_cast %get3A_126 : vector<1x16xi32> to vector<16xi32>
      %and3A_128 = arith.constant 65535 : i32
      %and3A_129 = vector.broadcast %and3A_128 : i32 to vector<16xi32>
      %and3A_130 = arith.andi %get3A_127, %and3A_129 : vector<16xi32>
      %add3A_131 = arith.addi %and3A_130, %add3A_4 : vector<16xi32>
      %swap3A_132 = arith.constant 0 : index
      %swap3A_133 = tpu.vector_load %arg10[%swap3A_132] {strides = array<i32>} : memref<128xi32, #tpu.memory_space<vmem>>, vector<16xi32>,
      %swap3A_134 = vector.shape_cast %swap3A_133 : vector<16xi32> to vector<16xi32>
      %swap3A_135 = vector.shape_cast %add3A_131 : vector<16xi32> to vector<16xi32>
      tpu.vector_store %arg10[%swap3A_132], %swap3A_135 {strides = array<i32>} : memref<128xi32, #tpu.memory_space<vmem>>, vector<16xi32>,
      %shift_right_logical3A_136 = arith.constant 16 : i32
      %shift_right_logical3A_137 = vector.broadcast %shift_right_logical3A_136 : i32 to vector<16xi32>
      %shift_right_logical3A_138 = arith.shrui %get3A_127, %shift_right_logical3A_137 : vector<16xi32>
      %add3A_139 = arith.addi %shift_right_logical3A_138, %add3A_4 : vector<16xi32>
      %swap3A_140 = arith.constant 64 : index
      %swap3A_141 = tpu.vector_load %arg10[%swap3A_140] {strides = array<i32>} : memref<128xi32, #tpu.memory_space<vmem>>, vector<16xi32>,
      %swap3A_142 = vector.shape_cast %swap3A_141 : vector<16xi32> to vector<16xi32>
      %swap3A_143 = vector.shape_cast %add3A_139 : vector<16xi32> to vector<16xi32>
      tpu.vector_store %arg10[%swap3A_140], %swap3A_143 {strides = array<i32>} : memref<128xi32, #tpu.memory_space<vmem>>, vector<16xi32>,
      %get3A_144 = arith.index_cast %scan3A_122 : i32 to index
      %get3A_145 = arith.constant 80 : index
      %get3A_146 = tpu.vector_load %arg7[%get3A_144, %get3A_145] {strides = array<i32>} : memref<42x128xi32, #tpu.memory_space<vmem>>, vector<1x16xi32>,
      %get3A_147 = vector.shape_cast %get3A_146 : vector<1x16xi32> to vector<16xi32>
      %and3A_148 = arith.constant 65535 : i32
      %and3A_149 = vector.broadcast %and3A_148 : i32 to vector<16xi32>
      %and3A_150 = arith.andi %get3A_147, %and3A_149 : vector<16xi32>
      %add3A_151 = arith.addi %and3A_150, %add3A_4 : vector<16xi32>
      %swap3A_152 = arith.constant 16 : index
      %swap3A_153 = tpu.vector_load %arg10[%swap3A_152] {strides = array<i32>} : memref<128xi32, #tpu.memory_space<vmem>>, vector<16xi32>,
      %swap3A_154 = vector.shape_cast %swap3A_153 : vector<16xi32> to vector<16xi32>
      %swap3A_155 = vector.shape_cast %add3A_151 : vector<16xi32> to vector<16xi32>
      tpu.vector_store %arg10[%swap3A_152], %swap3A_155 {strides = array<i32>} : memref<128xi32, #tpu.memory_space<vmem>>, vector<16xi32>,
      %shift_right_logical3A_156 = arith.constant 16 : i32
      %shift_right_logical3A_157 = vector.broadcast %shift_right_logical3A_156 : i32 to vector<16xi32>
      %shift_right_logical3A_158 = arith.shrui %get3A_147, %shift_right_logical3A_157 : vector<16xi32>
      %add3A_159 = arith.addi %shift_right_logical3A_158, %add3A_4 : vector<16xi32>
      %swap3A_160 = arith.constant 80 : index
      %swap3A_161 = tpu.vector_load %arg10[%swap3A_160] {strides = array<i32>} : memref<128xi32, #tpu.memory_space<vmem>>, vector<16xi32>,
      %swap3A_162 = vector.shape_cast %swap3A_161 : vector<16xi32> to vector<16xi32>
      %swap3A_163 = vector.shape_cast %add3A_159 : vector<16xi32> to vector<16xi32>
      tpu.vector_store %arg10[%swap3A_160], %swap3A_163 {strides = array<i32>} : memref<128xi32, #tpu.memory_space<vmem>>, vector<16xi32>,
      %get3A_164 = arith.index_cast %scan3A_122 : i32 to index
      %get3A_165 = arith.constant 96 : index
      %get3A_166 = tpu.vector_load %arg7[%get3A_164, %get3A_165] {strides = array<i32>} : memref<42x128xi32, #tpu.memory_space<vmem>>, vector<1x16xi32>,
      %get3A_167 = vector.shape_cast %get3A_166 : vector<1x16xi32> to vector<16xi32>
      %and3A_168 = arith.constant 65535 : i32
      %and3A_169 = vector.broadcast %and3A_168 : i32 to vector<16xi32>
      %and3A_170 = arith.andi %get3A_167, %and3A_169 : vector<16xi32>
      %add3A_171 = arith.addi %and3A_170, %add3A_4 : vector<16xi32>
      %swap3A_172 = arith.constant 32 : index
      %swap3A_173 = tpu.vector_load %arg10[%swap3A_172] {strides = array<i32>} : memref<128xi32, #tpu.memory_space<vmem>>, vector<16xi32>,
      %swap3A_174 = vector.shape_cast %swap3A_173 : vector<16xi32> to vector<16xi32>
      %swap3A_175 = vector.shape_cast %add3A_171 : vector<16xi32> to vector<16xi32>
      tpu.vector_store %arg10[%swap3A_172], %swap3A_175 {strides = array<i32>} : memref<128xi32, #tpu.memory_space<vmem>>, vector<16xi32>,
      %shift_right_logical3A_176 = arith.constant 16 : i32
      %shift_right_logical3A_177 = vector.broadcast %shift_right_logical3A_176 : i32 to vector<16xi32>
      %shift_right_logical3A_178 = arith.shrui %get3A_167, %shift_right_logical3A_177 : vector<16xi32>
      %add3A_179 = arith.addi %shift_right_logical3A_178, %add3A_4 : vector<16xi32>
      %swap3A_180 = arith.constant 96 : index
      %swap3A_181 = tpu.vector_load %arg10[%swap3A_180] {strides = array<i32>} : memref<128xi32, #tpu.memory_space<vmem>>, vector<16xi32>,
      %swap3A_182 = vector.shape_cast %swap3A_181 : vector<16xi32> to vector<16xi32>
      %swap3A_183 = vector.shape_cast %add3A_179 : vector<16xi32> to vector<16xi32>
      tpu.vector_store %arg10[%swap3A_180], %swap3A_183 {strides = array<i32>} : memref<128xi32, #tpu.memory_space<vmem>>, vector<16xi32>,
      %get3A_184 = arith.index_cast %scan3A_122 : i32 to index
      %get3A_185 = arith.constant 112 : index
      %get3A_186 = tpu.vector_load %arg7[%get3A_184, %get3A_185] {strides = array<i32>} : memref<42x128xi32, #tpu.memory_space<vmem>>, vector<1x16xi32>,
      %get3A_187 = vector.shape_cast %get3A_186 : vector<1x16xi32> to vector<16xi32>
      %and3A_188 = arith.constant 65535 : i32
      %and3A_189 = vector.broadcast %and3A_188 : i32 to vector<16xi32>
      %and3A_190 = arith.andi %get3A_187, %and3A_189 : vector<16xi32>
      %add3A_191 = arith.addi %and3A_190, %add3A_4 : vector<16xi32>
      %swap3A_192 = arith.constant 48 : index
      %swap3A_193 = tpu.vector_load %arg10[%swap3A_192] {strides = array<i32>} : memref<128xi32, #tpu.memory_space<vmem>>, vector<16xi32>,
      %swap3A_194 = vector.shape_cast %swap3A_193 : vector<16xi32> to vector<16xi32>
      %swap3A_195 = vector.shape_cast %add3A_191 : vector<16xi32> to vector<16xi32>
      tpu.vector_store %arg10[%swap3A_192], %swap3A_195 {strides = array<i32>} : memref<128xi32, #tpu.memory_space<vmem>>, vector<16xi32>,
      %shift_right_logical3A_196 = arith.constant 16 : i32
      %shift_right_logical3A_197 = vector.broadcast %shift_right_logical3A_196 : i32 to vector<16xi32>
      %shift_right_logical3A_198 = arith.shrui %get3A_187, %shift_right_logical3A_197 : vector<16xi32>
      %add3A_199 = arith.addi %shift_right_logical3A_198, %add3A_4 : vector<16xi32>
      %swap3A_200 = arith.constant 112 : index
      %swap3A_201 = tpu.vector_load %arg10[%swap3A_200] {strides = array<i32>} : memref<128xi32, #tpu.memory_space<vmem>>, vector<16xi32>,
      %swap3A_202 = vector.shape_cast %swap3A_201 : vector<16xi32> to vector<16xi32>
      %swap3A_203 = vector.shape_cast %add3A_199 : vector<16xi32> to vector<16xi32>
      tpu.vector_store %arg10[%swap3A_200], %swap3A_203 {strides = array<i32>} : memref<128xi32, #tpu.memory_space<vmem>>, vector<16xi32>,
      %dma_start3A_204 = arith.constant 0 : i32
      %dma_start3A_205 = arith.constant 0 : i32
      %dma_start3A_206 = tpu.memref_slice %arg2[%dma_start3A_204, %dma_start3A_205] : memref<20000x128xf32, #tpu.memory_space<hbm>> -> memref<20000x128xf32, #tpu.memory_space<hbm>>
      tpu.enqueue_indirect_dma source(%dma_start3A_206 : memref<20000x128xf32, #tpu.memory_space<hbm>>) target(%arg13 : memref<128x128xf32, #tpu.memory_space<vmem>>) offsets(%arg10 : memref<128xi32, #tpu.memory_space<vmem>>) semaphore(%arg15 : memref<!tpu.dma_semaphore, #tpu.memory_space<semaphore_mem>>)
      %get3A_207 = arith.index_cast %scan3A_122 : i32 to index
      %get3A_208 = arith.constant 0 : index
      %get3A_209 = tpu.vector_load %arg8[%get3A_207, %get3A_208] {strides = array<i32>} : memref<42x128xi32, #tpu.memory_space<vmem>>, vector<1x16xi32>,
      %get3A_210 = vector.shape_cast %get3A_209 : vector<1x16xi32> to vector<16xi32>
      %and3A_211 = arith.constant 65535 : i32
      %and3A_212 = vector.broadcast %and3A_211 : i32 to vector<16xi32>
      %and3A_213 = arith.andi %get3A_210, %and3A_212 : vector<16xi32>
      %swap3A_214 = arith.constant 0 : index
      %swap3A_215 = tpu.vector_load %arg11[%swap3A_214] {strides = array<i32>} : memref<128xi32, #tpu.memory_space<vmem>>, vector<16xi32>,
      %swap3A_216 = vector.shape_cast %swap3A_215 : vector<16xi32> to vector<16xi32>
      %swap3A_217 = vector.shape_cast %and3A_213 : vector<16xi32> to vector<16xi32>
      tpu.vector_store %arg11[%swap3A_214], %swap3A_217 {strides = array<i32>} : memref<128xi32, #tpu.memory_space<vmem>>, vector<16xi32>,
      %shift_right_logical3A_218 = arith.constant 16 : i32
      %shift_right_logical3A_219 = vector.broadcast %shift_right_logical3A_218 : i32 to vector<16xi32>
      %shift_right_logical3A_220 = arith.shrui %get3A_210, %shift_right_logical3A_219 : vector<16xi32>
      %swap3A_221 = arith.constant 64 : index
      %swap3A_222 = tpu.vector_load %arg11[%swap3A_221] {strides = array<i32>} : memref<128xi32, #tpu.memory_space<vmem>>, vector<16xi32>,
      %swap3A_223 = vector.shape_cast %swap3A_222 : vector<16xi32> to vector<16xi32>
      %swap3A_224 = vector.shape_cast %shift_right_logical3A_220 : vector<16xi32> to vector<16xi32>
      tpu.vector_store %arg11[%swap3A_221], %swap3A_224 {strides = array<i32>} : memref<128xi32, #tpu.memory_space<vmem>>, vector<16xi32>,
      %get3A_225 = arith.index_cast %scan3A_122 : i32 to index
      %get3A_226 = arith.constant 16 : index
      %get3A_227 = tpu.vector_load %arg8[%get3A_225, %get3A_226] {strides = array<i32>} : memref<42x128xi32, #tpu.memory_space<vmem>>, vector<1x16xi32>,
      %get3A_228 = vector.shape_cast %get3A_227 : vector<1x16xi32> to vector<16xi32>
      %and3A_229 = arith.constant 65535 : i32
      %and3A_230 = vector.broadcast %and3A_229 : i32 to vector<16xi32>
      %and3A_231 = arith.andi %get3A_228, %and3A_230 : vector<16xi32>
      %swap3A_232 = arith.constant 16 : index
      %swap3A_233 = tpu.vector_load %arg11[%swap3A_232] {strides = array<i32>} : memref<128xi32, #tpu.memory_space<vmem>>, vector<16xi32>,
      %swap3A_234 = vector.shape_cast %swap3A_233 : vector<16xi32> to vector<16xi32>
      %swap3A_235 = vector.shape_cast %and3A_231 : vector<16xi32> to vector<16xi32>
      tpu.vector_store %arg11[%swap3A_232], %swap3A_235 {strides = array<i32>} : memref<128xi32, #tpu.memory_space<vmem>>, vector<16xi32>,
      %shift_right_logical3A_236 = arith.constant 16 : i32
      %shift_right_logical3A_237 = vector.broadcast %shift_right_logical3A_236 : i32 to vector<16xi32>
      %shift_right_logical3A_238 = arith.shrui %get3A_228, %shift_right_logical3A_237 : vector<16xi32>
      %swap3A_239 = arith.constant 80 : index
      %swap3A_240 = tpu.vector_load %arg11[%swap3A_239] {strides = array<i32>} : memref<128xi32, #tpu.memory_space<vmem>>, vector<16xi32>,
      %swap3A_241 = vector.shape_cast %swap3A_240 : vector<16xi32> to vector<16xi32>
      %swap3A_242 = vector.shape_cast %shift_right_logical3A_238 : vector<16xi32> to vector<16xi32>
      tpu.vector_store %arg11[%swap3A_239], %swap3A_242 {strides = array<i32>} : memref<128xi32, #tpu.memory_space<vmem>>, vector<16xi32>,
      %get3A_243 = arith.index_cast %scan3A_122 : i32 to index
      %get3A_244 = arith.constant 32 : index
      %get3A_245 = tpu.vector_load %arg8[%get3A_243, %get3A_244] {strides = array<i32>} : memref<42x128xi32, #tpu.memory_space<vmem>>, vector<1x16xi32>,
      %get3A_246 = vector.shape_cast %get3A_245 : vector<1x16xi32> to vector<16xi32>
      %and3A_247 = arith.constant 65535 : i32
      %and3A_248 = vector.broadcast %and3A_247 : i32 to vector<16xi32>
      %and3A_249 = arith.andi %get3A_246, %and3A_248 : vector<16xi32>
      %swap3A_250 = arith.constant 32 : index
      %swap3A_251 = tpu.vector_load %arg11[%swap3A_250] {strides = array<i32>} : memref<128xi32, #tpu.memory_space<vmem>>, vector<16xi32>,
      %swap3A_252 = vector.shape_cast %swap3A_251 : vector<16xi32> to vector<16xi32>
      %swap3A_253 = vector.shape_cast %and3A_249 : vector<16xi32> to vector<16xi32>
      tpu.vector_store %arg11[%swap3A_250], %swap3A_253 {strides = array<i32>} : memref<128xi32, #tpu.memory_space<vmem>>, vector<16xi32>,
      %shift_right_logical3A_254 = arith.constant 16 : i32
      %shift_right_logical3A_255 = vector.broadcast %shift_right_logical3A_254 : i32 to vector<16xi32>
      %shift_right_logical3A_256 = arith.shrui %get3A_246, %shift_right_logical3A_255 : vector<16xi32>
      %swap3A_257 = arith.constant 96 : index
      %swap3A_258 = tpu.vector_load %arg11[%swap3A_257] {strides = array<i32>} : memref<128xi32, #tpu.memory_space<vmem>>, vector<16xi32>,
      %swap3A_259 = vector.shape_cast %swap3A_258 : vector<16xi32> to vector<16xi32>
      %swap3A_260 = vector.shape_cast %shift_right_logical3A_256 : vector<16xi32> to vector<16xi32>
      tpu.vector_store %arg11[%swap3A_257], %swap3A_260 {strides = array<i32>} : memref<128xi32, #tpu.memory_space<vmem>>, vector<16xi32>,
      %get3A_261 = arith.index_cast %scan3A_122 : i32 to index
      %get3A_262 = arith.constant 48 : index
      %get3A_263 = tpu.vector_load %arg8[%get3A_261, %get3A_262] {strides = array<i32>} : memref<42x128xi32, #tpu.memory_space<vmem>>, vector<1x16xi32>,
      %get3A_264 = vector.shape_cast %get3A_263 : vector<1x16xi32> to vector<16xi32>
      %and3A_265 = arith.constant 65535 : i32
      %and3A_266 = vector.broadcast %and3A_265 : i32 to vector<16xi32>
      %and3A_267 = arith.andi %get3A_264, %and3A_266 : vector<16xi32>
      %swap3A_268 = arith.constant 48 : index
      %swap3A_269 = tpu.vector_load %arg11[%swap3A_268] {strides = array<i32>} : memref<128xi32, #tpu.memory_space<vmem>>, vector<16xi32>,
      %swap3A_270 = vector.shape_cast %swap3A_269 : vector<16xi32> to vector<16xi32>
      %swap3A_271 = vector.shape_cast %and3A_267 : vector<16xi32> to vector<16xi32>
      tpu.vector_store %arg11[%swap3A_268], %swap3A_271 {strides = array<i32>} : memref<128xi32, #tpu.memory_space<vmem>>, vector<16xi32>,
      %shift_right_logical3A_272 = arith.constant 16 : i32
      %shift_right_logical3A_273 = vector.broadcast %shift_right_logical3A_272 : i32 to vector<16xi32>
      %shift_right_logical3A_274 = arith.shrui %get3A_264, %shift_right_logical3A_273 : vector<16xi32>
      %swap3A_275 = arith.constant 112 : index
      %swap3A_276 = tpu.vector_load %arg11[%swap3A_275] {strides = array<i32>} : memref<128xi32, #tpu.memory_space<vmem>>, vector<16xi32>,
      %swap3A_277 = vector.shape_cast %swap3A_276 : vector<16xi32> to vector<16xi32>
      %swap3A_278 = vector.shape_cast %shift_right_logical3A_274 : vector<16xi32> to vector<16xi32>
      tpu.vector_store %arg11[%swap3A_275], %swap3A_278 {strides = array<i32>} : memref<128xi32, #tpu.memory_space<vmem>>, vector<16xi32>,
      %dma_wait3A = arith.constant 0 : i32
      %dma_wait3A_279 = arith.constant 0 : i32
      %dma_wait3A_280 = tpu.memref_slice %arg2[%dma_wait3A, %dma_wait3A_279] : memref<20000x128xf32, #tpu.memory_space<hbm>> -> memref<20000x128xf32, #tpu.memory_space<hbm>>
      tpu.wait_indirect_dma semaphore(%arg14 : memref<!tpu.dma_semaphore, #tpu.memory_space<semaphore_mem>>) src(%dma_wait3A_280 : memref<20000x128xf32, #tpu.memory_space<hbm>>) dst(%arg12 : memref<128x128xf32, #tpu.memory_space<vmem>>)
      "tpu.region"() ({
        %run_scoped3A = tpu.sem_alloc : memref<!tpu.dma_semaphore, #tpu.memory_space<semaphore_mem>>
        %dma_start3A_362 = arith.constant 0 : i32
        %dma_start3A_363 = arith.constant 0 : i32
        %dma_start3A_364 = tpu.memref_slice %arg6[%dma_start3A_362, %dma_start3A_363] : memref<10240x128xf32, #tpu.memory_space<vmem_shared>> -> memref<10240x128xf32, #tpu.memory_space<vmem_shared>>
        tpu.enqueue_indirect_dma source(%arg12 : memref<128x128xf32, #tpu.memory_space<vmem>>) target(%dma_start3A_364 : memref<10240x128xf32, #tpu.memory_space<vmem_shared>>) offsets(%arg11 : memref<128xi32, #tpu.memory_space<vmem>>) semaphore(%run_scoped3A : memref<!tpu.dma_semaphore, #tpu.memory_space<semaphore_mem>>) {add = true}
        %dma_wait3A_365 = arith.constant 0 : i32
        %dma_wait3A_366 = arith.constant 0 : i32
        %dma_wait3A_367 = tpu.memref_slice %arg6[%dma_wait3A_365, %dma_wait3A_366] : memref<10240x128xf32, #tpu.memory_space<vmem_shared>> -> memref<10240x128xf32, #tpu.memory_space<vmem_shared>>
        tpu.wait_indirect_dma semaphore(%run_scoped3A : memref<!tpu.dma_semaphore, #tpu.memory_space<semaphore_mem>>) src(%arg12 : memref<128x128xf32, #tpu.memory_space<vmem>>) dst(%dma_wait3A_367 : memref<10240x128xf32, #tpu.memory_space<vmem_shared>>)
        tpu.yield
      }) : () -> ()
      %lt3A_281 = arith.constant 41 : i32
      %lt3A_282 = arith.cmpi slt, %scan3A_122, %lt3A_281 : i32
      %convert_element_type3A_283 = arith.extui %lt3A_282 : i1 to i32
      %cond3A_284 = arith.constant 0 : i32
      %cond3A_285 = arith.cmpi ne, %convert_element_type3A_283, %cond3A_284 : i32
      scf.if %cond3A_285 {
        %add3A_362 = arith.constant 1 : i32
        %add3A_363 = arith.addi %scan3A_122, %add3A_362 : i32
        %get3A_364 = arith.index_cast %add3A_363 : i32 to index
        %get3A_365 = arith.constant 0 : index
        %get3A_366 = tpu.vector_load %arg7[%get3A_364, %get3A_365] {strides = array<i32>} : memref<42x128xi32, #tpu.memory_space<vmem>>, vector<1x16xi32>,
        %get3A_367 = vector.shape_cast %get3A_366 : vector<1x16xi32> to vector<16xi32>
        %and3A_368 = arith.constant 65535 : i32
        %and3A_369 = vector.broadcast %and3A_368 : i32 to vector<16xi32>
        %and3A_370 = arith.andi %get3A_367, %and3A_369 : vector<16xi32>
        %add3A_371 = arith.addi %and3A_370, %add3A_4 : vector<16xi32>
        %swap3A_372 = arith.constant 0 : index
        %swap3A_373 = tpu.vector_load %arg9[%swap3A_372] {strides = array<i32>} : memref<128xi32, #tpu.memory_space<vmem>>, vector<16xi32>,
        %swap3A_374 = vector.shape_cast %swap3A_373 : vector<16xi32> to vector<16xi32>
        %swap3A_375 = vector.shape_cast %add3A_371 : vector<16xi32> to vector<16xi32>
        tpu.vector_store %arg9[%swap3A_372], %swap3A_375 {strides = array<i32>} : memref<128xi32, #tpu.memory_space<vmem>>, vector<16xi32>,
        %shift_right_logical3A_376 = arith.constant 16 : i32
        %shift_right_logical3A_377 = vector.broadcast %shift_right_logical3A_376 : i32 to vector<16xi32>
        %shift_right_logical3A_378 = arith.shrui %get3A_367, %shift_right_logical3A_377 : vector<16xi32>
        %add3A_379 = arith.addi %shift_right_logical3A_378, %add3A_4 : vector<16xi32>
        %swap3A_380 = arith.constant 64 : index
        %swap3A_381 = tpu.vector_load %arg9[%swap3A_380] {strides = array<i32>} : memref<128xi32, #tpu.memory_space<vmem>>, vector<16xi32>,
        %swap3A_382 = vector.shape_cast %swap3A_381 : vector<16xi32> to vector<16xi32>
        %swap3A_383 = vector.shape_cast %add3A_379 : vector<16xi32> to vector<16xi32>
        tpu.vector_store %arg9[%swap3A_380], %swap3A_383 {strides = array<i32>} : memref<128xi32, #tpu.memory_space<vmem>>, vector<16xi32>,
        %get3A_384 = arith.index_cast %add3A_363 : i32 to index
        %get3A_385 = arith.constant 16 : index
        %get3A_386 = tpu.vector_load %arg7[%get3A_384, %get3A_385] {strides = array<i32>} : memref<42x128xi32, #tpu.memory_space<vmem>>, vector<1x16xi32>,
        %get3A_387 = vector.shape_cast %get3A_386 : vector<1x16xi32> to vector<16xi32>
        %and3A_388 = arith.constant 65535 : i32
        %and3A_389 = vector.broadcast %and3A_388 : i32 to vector<16xi32>
        %and3A_390 = arith.andi %get3A_387, %and3A_389 : vector<16xi32>
        %add3A_391 = arith.addi %and3A_390, %add3A_4 : vector<16xi32>
        %swap3A_392 = arith.constant 16 : index
        %swap3A_393 = tpu.vector_load %arg9[%swap3A_392] {strides = array<i32>} : memref<128xi32, #tpu.memory_space<vmem>>, vector<16xi32>,
        %swap3A_394 = vector.shape_cast %swap3A_393 : vector<16xi32> to vector<16xi32>
        %swap3A_395 = vector.shape_cast %add3A_391 : vector<16xi32> to vector<16xi32>
        tpu.vector_store %arg9[%swap3A_392], %swap3A_395 {strides = array<i32>} : memref<128xi32, #tpu.memory_space<vmem>>, vector<16xi32>,
        %shift_right_logical3A_396 = arith.constant 16 : i32
        %shift_right_logical3A_397 = vector.broadcast %shift_right_logical3A_396 : i32 to vector<16xi32>
        %shift_right_logical3A_398 = arith.shrui %get3A_387, %shift_right_logical3A_397 : vector<16xi32>
        %add3A_399 = arith.addi %shift_right_logical3A_398, %add3A_4 : vector<16xi32>
        %swap3A_400 = arith.constant 80 : index
        %swap3A_401 = tpu.vector_load %arg9[%swap3A_400] {strides = array<i32>} : memref<128xi32, #tpu.memory_space<vmem>>, vector<16xi32>,
        %swap3A_402 = vector.shape_cast %swap3A_401 : vector<16xi32> to vector<16xi32>
        %swap3A_403 = vector.shape_cast %add3A_399 : vector<16xi32> to vector<16xi32>
        tpu.vector_store %arg9[%swap3A_400], %swap3A_403 {strides = array<i32>} : memref<128xi32, #tpu.memory_space<vmem>>, vector<16xi32>,
        %get3A_404 = arith.index_cast %add3A_363 : i32 to index
        %get3A_405 = arith.constant 32 : index
        %get3A_406 = tpu.vector_load %arg7[%get3A_404, %get3A_405] {strides = array<i32>} : memref<42x128xi32, #tpu.memory_space<vmem>>, vector<1x16xi32>,
        %get3A_407 = vector.shape_cast %get3A_406 : vector<1x16xi32> to vector<16xi32>
        %and3A_408 = arith.constant 65535 : i32
        %and3A_409 = vector.broadcast %and3A_408 : i32 to vector<16xi32>
        %and3A_410 = arith.andi %get3A_407, %and3A_409 : vector<16xi32>
        %add3A_411 = arith.addi %and3A_410, %add3A_4 : vector<16xi32>
        %swap3A_412 = arith.constant 32 : index
        %swap3A_413 = tpu.vector_load %arg9[%swap3A_412] {strides = array<i32>} : memref<128xi32, #tpu.memory_space<vmem>>, vector<16xi32>,
        %swap3A_414 = vector.shape_cast %swap3A_413 : vector<16xi32> to vector<16xi32>
        %swap3A_415 = vector.shape_cast %add3A_411 : vector<16xi32> to vector<16xi32>
        tpu.vector_store %arg9[%swap3A_412], %swap3A_415 {strides = array<i32>} : memref<128xi32, #tpu.memory_space<vmem>>, vector<16xi32>,
        %shift_right_logical3A_416 = arith.constant 16 : i32
        %shift_right_logical3A_417 = vector.broadcast %shift_right_logical3A_416 : i32 to vector<16xi32>
        %shift_right_logical3A_418 = arith.shrui %get3A_407, %shift_right_logical3A_417 : vector<16xi32>
        %add3A_419 = arith.addi %shift_right_logical3A_418, %add3A_4 : vector<16xi32>
        %swap3A_420 = arith.constant 96 : index
        %swap3A_421 = tpu.vector_load %arg9[%swap3A_420] {strides = array<i32>} : memref<128xi32, #tpu.memory_space<vmem>>, vector<16xi32>,
        %swap3A_422 = vector.shape_cast %swap3A_421 : vector<16xi32> to vector<16xi32>
        %swap3A_423 = vector.shape_cast %add3A_419 : vector<16xi32> to vector<16xi32>
        tpu.vector_store %arg9[%swap3A_420], %swap3A_423 {strides = array<i32>} : memref<128xi32, #tpu.memory_space<vmem>>, vector<16xi32>,
        %get3A_424 = arith.index_cast %add3A_363 : i32 to index
        %get3A_425 = arith.constant 48 : index
        %get3A_426 = tpu.vector_load %arg7[%get3A_424, %get3A_425] {strides = array<i32>} : memref<42x128xi32, #tpu.memory_space<vmem>>, vector<1x16xi32>,
        %get3A_427 = vector.shape_cast %get3A_426 : vector<1x16xi32> to vector<16xi32>
        %and3A_428 = arith.constant 65535 : i32
        %and3A_429 = vector.broadcast %and3A_428 : i32 to vector<16xi32>
        %and3A_430 = arith.andi %get3A_427, %and3A_429 : vector<16xi32>
        %add3A_431 = arith.addi %and3A_430, %add3A_4 : vector<16xi32>
        %swap3A_432 = arith.constant 48 : index
        %swap3A_433 = tpu.vector_load %arg9[%swap3A_432] {strides = array<i32>} : memref<128xi32, #tpu.memory_space<vmem>>, vector<16xi32>,
        %swap3A_434 = vector.shape_cast %swap3A_433 : vector<16xi32> to vector<16xi32>
        %swap3A_435 = vector.shape_cast %add3A_431 : vector<16xi32> to vector<16xi32>
        tpu.vector_store %arg9[%swap3A_432], %swap3A_435 {strides = array<i32>} : memref<128xi32, #tpu.memory_space<vmem>>, vector<16xi32>,
        %shift_right_logical3A_436 = arith.constant 16 : i32
        %shift_right_logical3A_437 = vector.broadcast %shift_right_logical3A_436 : i32 to vector<16xi32>
        %shift_right_logical3A_438 = arith.shrui %get3A_427, %shift_right_logical3A_437 : vector<16xi32>
        %add3A_439 = arith.addi %shift_right_logical3A_438, %add3A_4 : vector<16xi32>
        %swap3A_440 = arith.constant 112 : index
        %swap3A_441 = tpu.vector_load %arg9[%swap3A_440] {strides = array<i32>} : memref<128xi32, #tpu.memory_space<vmem>>, vector<16xi32>,
        %swap3A_442 = vector.shape_cast %swap3A_441 : vector<16xi32> to vector<16xi32>
        %swap3A_443 = vector.shape_cast %add3A_439 : vector<16xi32> to vector<16xi32>
        tpu.vector_store %arg9[%swap3A_440], %swap3A_443 {strides = array<i32>} : memref<128xi32, #tpu.memory_space<vmem>>, vector<16xi32>,
        %dma_start3A_444 = arith.constant 0 : i32
        %dma_start3A_445 = arith.constant 0 : i32
        %dma_start3A_446 = tpu.memref_slice %arg2[%dma_start3A_444, %dma_start3A_445] : memref<20000x128xf32, #tpu.memory_space<hbm>> -> memref<20000x128xf32, #tpu.memory_space<hbm>>
        tpu.enqueue_indirect_dma source(%dma_start3A_446 : memref<20000x128xf32, #tpu.memory_space<hbm>>) target(%arg12 : memref<128x128xf32, #tpu.memory_space<vmem>>) offsets(%arg9 : memref<128xi32, #tpu.memory_space<vmem>>) semaphore(%arg14 : memref<!tpu.dma_semaphore, #tpu.memory_space<semaphore_mem>>)
      } else {
      }
      %get3A_286 = arith.index_cast %scan3A_122 : i32 to index
      %get3A_287 = arith.constant 64 : index
      %get3A_288 = tpu.vector_load %arg8[%get3A_286, %get3A_287] {strides = array<i32>} : memref<42x128xi32, #tpu.memory_space<vmem>>, vector<1x16xi32>,
      %get3A_289 = vector.shape_cast %get3A_288 : vector<1x16xi32> to vector<16xi32>
      %and3A_290 = arith.constant 65535 : i32
      %and3A_291 = vector.broadcast %and3A_290 : i32 to vector<16xi32>
      %and3A_292 = arith.andi %get3A_289, %and3A_291 : vector<16xi32>
      %swap3A_293 = arith.constant 0 : index
      %swap3A_294 = tpu.vector_load %arg11[%swap3A_293] {strides = array<i32>} : memref<128xi32, #tpu.memory_space<vmem>>, vector<16xi32>,
      %swap3A_295 = vector.shape_cast %swap3A_294 : vector<16xi32> to vector<16xi32>
      %swap3A_296 = vector.shape_cast %and3A_292 : vector<16xi32> to vector<16xi32>
      tpu.vector_store %arg11[%swap3A_293], %swap3A_296 {strides = array<i32>} : memref<128xi32, #tpu.memory_space<vmem>>, vector<16xi32>,
      %shift_right_logical3A_297 = arith.constant 16 : i32
      %shift_right_logical3A_298 = vector.broadcast %shift_right_logical3A_297 : i32 to vector<16xi32>
      %shift_right_logical3A_299 = arith.shrui %get3A_289, %shift_right_logical3A_298 : vector<16xi32>
      %swap3A_300 = arith.constant 64 : index
      %swap3A_301 = tpu.vector_load %arg11[%swap3A_300] {strides = array<i32>} : memref<128xi32, #tpu.memory_space<vmem>>, vector<16xi32>,
      %swap3A_302 = vector.shape_cast %swap3A_301 : vector<16xi32> to vector<16xi32>
      %swap3A_303 = vector.shape_cast %shift_right_logical3A_299 : vector<16xi32> to vector<16xi32>
      tpu.vector_store %arg11[%swap3A_300], %swap3A_303 {strides = array<i32>} : memref<128xi32, #tpu.memory_space<vmem>>, vector<16xi32>,
      %get3A_304 = arith.index_cast %scan3A_122 : i32 to index
      %get3A_305 = arith.constant 80 : index
      %get3A_306 = tpu.vector_load %arg8[%get3A_304, %get3A_305] {strides = array<i32>} : memref<42x128xi32, #tpu.memory_space<vmem>>, vector<1x16xi32>,
      %get3A_307 = vector.shape_cast %get3A_306 : vector<1x16xi32> to vector<16xi32>
      %and3A_308 = arith.constant 65535 : i32
      %and3A_309 = vector.broadcast %and3A_308 : i32 to vector<16xi32>
      %and3A_310 = arith.andi %get3A_307, %and3A_309 : vector<16xi32>
      %swap3A_311 = arith.constant 16 : index
      %swap3A_312 = tpu.vector_load %arg11[%swap3A_311] {strides = array<i32>} : memref<128xi32, #tpu.memory_space<vmem>>, vector<16xi32>,
      %swap3A_313 = vector.shape_cast %swap3A_312 : vector<16xi32> to vector<16xi32>
      %swap3A_314 = vector.shape_cast %and3A_310 : vector<16xi32> to vector<16xi32>
      tpu.vector_store %arg11[%swap3A_311], %swap3A_314 {strides = array<i32>} : memref<128xi32, #tpu.memory_space<vmem>>, vector<16xi32>,
      %shift_right_logical3A_315 = arith.constant 16 : i32
      %shift_right_logical3A_316 = vector.broadcast %shift_right_logical3A_315 : i32 to vector<16xi32>
      %shift_right_logical3A_317 = arith.shrui %get3A_307, %shift_right_logical3A_316 : vector<16xi32>
      %swap3A_318 = arith.constant 80 : index
      %swap3A_319 = tpu.vector_load %arg11[%swap3A_318] {strides = array<i32>} : memref<128xi32, #tpu.memory_space<vmem>>, vector<16xi32>,
      %swap3A_320 = vector.shape_cast %swap3A_319 : vector<16xi32> to vector<16xi32>
      %swap3A_321 = vector.shape_cast %shift_right_logical3A_317 : vector<16xi32> to vector<16xi32>
      tpu.vector_store %arg11[%swap3A_318], %swap3A_321 {strides = array<i32>} : memref<128xi32, #tpu.memory_space<vmem>>, vector<16xi32>,
      %get3A_322 = arith.index_cast %scan3A_122 : i32 to index
      %get3A_323 = arith.constant 96 : index
      %get3A_324 = tpu.vector_load %arg8[%get3A_322, %get3A_323] {strides = array<i32>} : memref<42x128xi32, #tpu.memory_space<vmem>>, vector<1x16xi32>,
      %get3A_325 = vector.shape_cast %get3A_324 : vector<1x16xi32> to vector<16xi32>
      %and3A_326 = arith.constant 65535 : i32
      %and3A_327 = vector.broadcast %and3A_326 : i32 to vector<16xi32>
      %and3A_328 = arith.andi %get3A_325, %and3A_327 : vector<16xi32>
      %swap3A_329 = arith.constant 32 : index
      %swap3A_330 = tpu.vector_load %arg11[%swap3A_329] {strides = array<i32>} : memref<128xi32, #tpu.memory_space<vmem>>, vector<16xi32>,
      %swap3A_331 = vector.shape_cast %swap3A_330 : vector<16xi32> to vector<16xi32>
      %swap3A_332 = vector.shape_cast %and3A_328 : vector<16xi32> to vector<16xi32>
      tpu.vector_store %arg11[%swap3A_329], %swap3A_332 {strides = array<i32>} : memref<128xi32, #tpu.memory_space<vmem>>, vector<16xi32>,
      %shift_right_logical3A_333 = arith.constant 16 : i32
      %shift_right_logical3A_334 = vector.broadcast %shift_right_logical3A_333 : i32 to vector<16xi32>
      %shift_right_logical3A_335 = arith.shrui %get3A_325, %shift_right_logical3A_334 : vector<16xi32>
      %swap3A_336 = arith.constant 96 : index
      %swap3A_337 = tpu.vector_load %arg11[%swap3A_336] {strides = array<i32>} : memref<128xi32, #tpu.memory_space<vmem>>, vector<16xi32>,
      %swap3A_338 = vector.shape_cast %swap3A_337 : vector<16xi32> to vector<16xi32>
      %swap3A_339 = vector.shape_cast %shift_right_logical3A_335 : vector<16xi32> to vector<16xi32>
      tpu.vector_store %arg11[%swap3A_336], %swap3A_339 {strides = array<i32>} : memref<128xi32, #tpu.memory_space<vmem>>, vector<16xi32>,
      %get3A_340 = arith.index_cast %scan3A_122 : i32 to index
      %get3A_341 = arith.constant 112 : index
      %get3A_342 = tpu.vector_load %arg8[%get3A_340, %get3A_341] {strides = array<i32>} : memref<42x128xi32, #tpu.memory_space<vmem>>, vector<1x16xi32>,
      %get3A_343 = vector.shape_cast %get3A_342 : vector<1x16xi32> to vector<16xi32>
      %and3A_344 = arith.constant 65535 : i32
      %and3A_345 = vector.broadcast %and3A_344 : i32 to vector<16xi32>
      %and3A_346 = arith.andi %get3A_343, %and3A_345 : vector<16xi32>
      %swap3A_347 = arith.constant 48 : index
      %swap3A_348 = tpu.vector_load %arg11[%swap3A_347] {strides = array<i32>} : memref<128xi32, #tpu.memory_space<vmem>>, vector<16xi32>,
      %swap3A_349 = vector.shape_cast %swap3A_348 : vector<16xi32> to vector<16xi32>
      %swap3A_350 = vector.shape_cast %and3A_346 : vector<16xi32> to vector<16xi32>
      tpu.vector_store %arg11[%swap3A_347], %swap3A_350 {strides = array<i32>} : memref<128xi32, #tpu.memory_space<vmem>>, vector<16xi32>,
      %shift_right_logical3A_351 = arith.constant 16 : i32
      %shift_right_logical3A_352 = vector.broadcast %shift_right_logical3A_351 : i32 to vector<16xi32>
      %shift_right_logical3A_353 = arith.shrui %get3A_343, %shift_right_logical3A_352 : vector<16xi32>
      %swap3A_354 = arith.constant 112 : index
      %swap3A_355 = tpu.vector_load %arg11[%swap3A_354] {strides = array<i32>} : memref<128xi32, #tpu.memory_space<vmem>>, vector<16xi32>,
      %swap3A_356 = vector.shape_cast %swap3A_355 : vector<16xi32> to vector<16xi32>
      %swap3A_357 = vector.shape_cast %shift_right_logical3A_353 : vector<16xi32> to vector<16xi32>
      tpu.vector_store %arg11[%swap3A_354], %swap3A_357 {strides = array<i32>} : memref<128xi32, #tpu.memory_space<vmem>>, vector<16xi32>,
      %dma_wait3A_358 = arith.constant 0 : i32
      %dma_wait3A_359 = arith.constant 0 : i32
      %dma_wait3A_360 = tpu.memref_slice %arg2[%dma_wait3A_358, %dma_wait3A_359] : memref<20000x128xf32, #tpu.memory_space<hbm>> -> memref<20000x128xf32, #tpu.memory_space<hbm>>
      tpu.wait_indirect_dma semaphore(%arg15 : memref<!tpu.dma_semaphore, #tpu.memory_space<semaphore_mem>>) src(%dma_wait3A_360 : memref<20000x128xf32, #tpu.memory_space<hbm>>) dst(%arg13 : memref<128x128xf32, #tpu.memory_space<vmem>>)
      "tpu.region"() ({
        %run_scoped3A = tpu.sem_alloc : memref<!tpu.dma_semaphore, #tpu.memory_space<semaphore_mem>>
        %dma_start3A_362 = arith.constant 0 : i32
        %dma_start3A_363 = arith.constant 0 : i32
        %dma_start3A_364 = tpu.memref_slice %arg6[%dma_start3A_362, %dma_start3A_363] : memref<10240x128xf32, #tpu.memory_space<vmem_shared>> -> memref<10240x128xf32, #tpu.memory_space<vmem_shared>>
        tpu.enqueue_indirect_dma source(%arg13 : memref<128x128xf32, #tpu.memory_space<vmem>>) target(%dma_start3A_364 : memref<10240x128xf32, #tpu.memory_space<vmem_shared>>) offsets(%arg11 : memref<128xi32, #tpu.memory_space<vmem>>) semaphore(%run_scoped3A : memref<!tpu.dma_semaphore, #tpu.memory_space<semaphore_mem>>) {add = true}
        %dma_wait3A_365 = arith.constant 0 : i32
        %dma_wait3A_366 = arith.constant 0 : i32
        %dma_wait3A_367 = tpu.memref_slice %arg6[%dma_wait3A_365, %dma_wait3A_366] : memref<10240x128xf32, #tpu.memory_space<vmem_shared>> -> memref<10240x128xf32, #tpu.memory_space<vmem_shared>>
        tpu.wait_indirect_dma semaphore(%run_scoped3A : memref<!tpu.dma_semaphore, #tpu.memory_space<semaphore_mem>>) src(%arg13 : memref<128x128xf32, #tpu.memory_space<vmem>>) dst(%dma_wait3A_367 : memref<10240x128xf32, #tpu.memory_space<vmem_shared>>)
        tpu.yield
      }) : () -> ()
      %scan3A_361 = arith.constant 0 : i32
      scf.yield %scan3A_361 : i32
    }
    %scan3A_106 = arith.constant 42 : i32
    %barrier3A_107 = arith.constant 0 : index
    tpu.barrier barrier_id(%barrier3A_107)
    %mul3A_108 = arith.constant 624 : i32
    %mul3A_109 = arith.muli %arg1, %mul3A_108 : i32
    %multiple_of3A = tpu.assume_multiple %mul3A_109, 16 : i32
    %mul3A_110 = arith.constant 10000 : i32
    %mul3A_111 = arith.muli %arg0, %mul3A_110 : i32
    %mul3A_112 = arith.constant 624 : i32
    %mul3A_113 = arith.muli %arg1, %mul3A_112 : i32
    %add3A_114 = arith.addi %mul3A_111, %mul3A_113 : i32
    %multiple_of3A_115 = tpu.assume_multiple %add3A_114, 16 : i32
    %lt3A = arith.constant 15 : i32
    %lt3A_116 = arith.cmpi slt, %arg1, %lt3A : i32
    %convert_element_type3A = arith.extui %lt3A_116 : i1 to i32
    %cond3A = arith.constant 0 : i32
    %cond3A_117 = arith.cmpi ne, %convert_element_type3A, %cond3A : i32
    scf.if %cond3A_117 {
      "tpu.region"() ({
        %run_scoped3A = tpu.sem_alloc : memref<!tpu.dma_semaphore, #tpu.memory_space<semaphore_mem>>
        %dma_start3A_122 = arith.constant 0 : i32
        %dma_start3A_123 = tpu.memref_slice %arg5[%multiple_of3A_115, %dma_start3A_122] : memref<20000x128xf32, #tpu.memory_space<hbm>> -> memref<624x128xf32, #tpu.memory_space<hbm>>
        %dma_start3A_124 = arith.constant 0 : i32
        %dma_start3A_125 = tpu.memref_slice %arg6[%multiple_of3A, %dma_start3A_124] : memref<10240x128xf32, #tpu.memory_space<vmem_shared>> -> memref<624x128xf32, #tpu.memory_space<vmem_shared>>
        tpu.enqueue_dma source(%dma_start3A_125 : memref<624x128xf32, #tpu.memory_space<vmem_shared>>) target(%dma_start3A_123 : memref<624x128xf32, #tpu.memory_space<hbm>>) target_semaphore(%run_scoped3A : memref<!tpu.dma_semaphore, #tpu.memory_space<semaphore_mem>>)
        %dma_wait3A = arith.constant 0 : i32
        %dma_wait3A_126 = tpu.memref_slice %arg5[%multiple_of3A_115, %dma_wait3A] : memref<20000x128xf32, #tpu.memory_space<hbm>> -> memref<624x128xf32, #tpu.memory_space<hbm>>
        %dma_wait3A_127 = arith.constant 0 : i32
        %dma_wait3A_128 = tpu.memref_slice %arg6[%multiple_of3A, %dma_wait3A_127] : memref<10240x128xf32, #tpu.memory_space<vmem_shared>> -> memref<624x128xf32, #tpu.memory_space<vmem_shared>>
        tpu.wait_dma2 semaphore(%run_scoped3A : memref<!tpu.dma_semaphore, #tpu.memory_space<semaphore_mem>>) src(%dma_wait3A_128 : memref<624x128xf32, #tpu.memory_space<vmem_shared>>) dst(%dma_wait3A_126 : memref<624x128xf32, #tpu.memory_space<hbm>>)
        tpu.yield
      }) : () -> ()
    } else {
    }
    %eq3A = arith.constant 15 : i32
    %eq3A_118 = arith.cmpi eq, %arg1, %eq3A : i32
    %convert_element_type3A_119 = arith.extui %eq3A_118 : i1 to i32
    %cond3A_120 = arith.constant 0 : i32
    %cond3A_121 = arith.cmpi ne, %convert_element_type3A_119, %cond3A_120 : i32
    scf.if %cond3A_121 {
      "tpu.region"() ({
        %run_scoped3A = tpu.sem_alloc : memref<!tpu.dma_semaphore, #tpu.memory_space<semaphore_mem>>
        %dma_start3A_122 = arith.constant 0 : i32
        %dma_start3A_123 = tpu.memref_slice %arg5[%multiple_of3A_115, %dma_start3A_122] : memref<20000x128xf32, #tpu.memory_space<hbm>> -> memref<640x128xf32, #tpu.memory_space<hbm>>
        %dma_start3A_124 = arith.constant 0 : i32
        %dma_start3A_125 = tpu.memref_slice %arg6[%multiple_of3A, %dma_start3A_124] : memref<10240x128xf32, #tpu.memory_space<vmem_shared>> -> memref<640x128xf32, #tpu.memory_space<vmem_shared>>
        tpu.enqueue_dma source(%dma_start3A_125 : memref<640x128xf32, #tpu.memory_space<vmem_shared>>) target(%dma_start3A_123 : memref<640x128xf32, #tpu.memory_space<hbm>>) target_semaphore(%run_scoped3A : memref<!tpu.dma_semaphore, #tpu.memory_space<semaphore_mem>>)
        %dma_wait3A = arith.constant 0 : i32
        %dma_wait3A_126 = tpu.memref_slice %arg5[%multiple_of3A_115, %dma_wait3A] : memref<20000x128xf32, #tpu.memory_space<hbm>> -> memref<640x128xf32, #tpu.memory_space<hbm>>
        %dma_wait3A_127 = arith.constant 0 : i32
        %dma_wait3A_128 = tpu.memref_slice %arg6[%multiple_of3A, %dma_wait3A_127] : memref<10240x128xf32, #tpu.memory_space<vmem_shared>> -> memref<640x128xf32, #tpu.memory_space<vmem_shared>>
        tpu.wait_dma2 semaphore(%run_scoped3A : memref<!tpu.dma_semaphore, #tpu.memory_space<semaphore_mem>>) src(%dma_wait3A_128 : memref<640x128xf32, #tpu.memory_space<vmem_shared>>) dst(%dma_wait3A_126 : memref<640x128xf32, #tpu.memory_space<hbm>>)
        tpu.yield
      }) : () -> ()
    } else {
    }
    return
  }
}

#map = affine_map<(d0, d1) -> (0, 0)>
#map1 = affine_map<(d0, d1) -> (0, 0, 0)>
module attributes {stable_mosaic.version = 14 : i64} {
  func.func @_sc_layer_body(%arg0: i32, %arg1: i32, %arg2: memref<20000x128xf32, #tpu.memory_space<hbm>>, %arg3: memref<16x42x128xi32, #tpu.memory_space<hbm>>, %arg4: memref<16x42x128xi32, #tpu.memory_space<hbm>>, %arg5: memref<20000x128xf32, #tpu.memory_space<hbm>>, %arg6: memref<10240x128xf32, #tpu.memory_space<vmem_shared>>, %arg7: memref<42x128xi32, #tpu.memory_space<vmem>>, %arg8: memref<42x128xi32, #tpu.memory_space<vmem>>, %arg9: memref<128xi32, #tpu.memory_space<vmem>>, %arg10: memref<128xi32, #tpu.memory_space<vmem>>, %arg11: memref<128xi32, #tpu.memory_space<vmem>>, %arg12: memref<128x128xf32, #tpu.memory_space<vmem>>, %arg13: memref<128x128xf32, #tpu.memory_space<vmem>>, %arg14: memref<!tpu.dma_semaphore, #tpu.memory_space<semaphore_mem>>, %arg15: memref<!tpu.dma_semaphore, #tpu.memory_space<semaphore_mem>>) attributes {dimension_semantics = [#tpu.dimension_semantics<core_parallel>, #tpu.dimension_semantics<subcore_parallel>], iteration_bounds = array<i64: 2, 16>, scalar_prefetch = 0 : i64, scratch_operands = 10 : i64, tpu.core_type = #tpu.core_type<sc_vector_subcore>, window_params = [{transform_indices = #map}, {transform_indices = #map1}, {transform_indices = #map1}, {transform_indices = #map}]} {
    %broadcast_in_dim3A = arith.constant 0.000000e+00 : f32
    %broadcast_in_dim3A_0 = vector.broadcast %broadcast_in_dim3A : f32 to vector<16xf32>
    %broadcast_in_dim3A_1 = arith.constant 0 : i32
    %broadcast_in_dim3A_2 = vector.broadcast %broadcast_in_dim3A_1 : i32 to vector<16xi32>
    %mul3A = arith.constant 10000 : i32
    %mul3A_3 = arith.muli %arg0, %mul3A : i32
    %add3A = vector.broadcast %mul3A_3 : i32 to vector<16xi32>
    %add3A_4 = arith.addi %broadcast_in_dim3A_2, %add3A : vector<16xi32>
    %scan3A = arith.constant 0 : i32
    %scan3A_5 = arith.constant 0 : i32
    %scan3A_6 = arith.constant 128 : i32
    %scan3A_7 = arith.addi %scan3A_5, %scan3A_6 : i32
    %scan3A_8 = arith.constant 1 : i32
    %scan3A_9 = scf.for %scan3A_122 = %scan3A_5 to %scan3A_7 step %scan3A_8 iter_args(%scan3A_123 = %scan3A) -> (i32)  : i32 {
      %scan3A_124 = arith.constant 0 : i32
      %scan3A_125 = arith.constant 0 : i32
      %scan3A_126 = arith.constant 8 : i32
      %scan3A_127 = arith.addi %scan3A_125, %scan3A_126 : i32
      %scan3A_128 = arith.constant 1 : i32
      %scan3A_129 = scf.for %scan3A_132 = %scan3A_125 to %scan3A_127 step %scan3A_128 iter_args(%scan3A_133 = %scan3A_124) -> (i32)  : i32 {
        %mul3A_134 = arith.constant 16 : i32
        %mul3A_135 = arith.muli %scan3A_132, %mul3A_134 : i32
        %swap3A_136 = arith.index_cast %scan3A_122 : i32 to index
        %swap3A_137 = arith.index_cast %mul3A_135 : i32 to index
        %swap3A_138 = tpu.vector_load %arg12[%swap3A_136, %swap3A_137] {strides = array<i32>} : memref<128x128xf32, #tpu.memory_space<vmem>>, vector<1x16xf32>,
        %swap3A_139 = vector.shape_cast %swap3A_138 : vector<1x16xf32> to vector<16xf32>
        %swap3A_140 = vector.shape_cast %broadcast_in_dim3A_0 : vector<16xf32> to vector<1x16xf32>
        tpu.vector_store %arg12[%swap3A_136, %swap3A_137], %swap3A_140 {strides = array<i32>} : memref<128x128xf32, #tpu.memory_space<vmem>>, vector<1x16xf32>,
        %scan3A_141 = arith.constant 0 : i32
        scf.yield %scan3A_141 : i32
      }
      %scan3A_130 = arith.constant 8 : i32
      %scan3A_131 = arith.constant 0 : i32
      scf.yield %scan3A_131 : i32
    }
    %scan3A_10 = arith.constant 128 : i32
    %scan3A_11 = arith.constant 0 : i32
    %scan3A_12 = arith.constant 0 : i32
    %scan3A_13 = arith.constant 5 : i32
    %scan3A_14 = arith.addi %scan3A_12, %scan3A_13 : i32
    %scan3A_15 = arith.constant 1 : i32
    %scan3A_16 = scf.for %scan3A_122 = %scan3A_12 to %scan3A_14 step %scan3A_15 iter_args(%scan3A_123 = %scan3A_11) -> (i32)  : i32 {
      %mul3A_124 = arith.constant 640 : i32
      %mul3A_125 = arith.muli %arg1, %mul3A_124 : i32
      %mul3A_126 = arith.constant 128 : i32
      %mul3A_127 = arith.muli %scan3A_122, %mul3A_126 : i32
      %add3A_128 = arith.addi %mul3A_125, %mul3A_127 : i32
      %multiple_of3A_129 = tpu.assume_multiple %add3A_128, 128 : i32
      "tpu.region"() ({
        %run_scoped3A = tpu.sem_alloc : memref<!tpu.dma_semaphore, #tpu.memory_space<semaphore_mem>>
        %dma_start3A_131 = arith.constant 0 : i32
        %dma_start3A_132 = tpu.memref_slice %arg6[%multiple_of3A_129, %dma_start3A_131] : memref<10240x128xf32, #tpu.memory_space<vmem_shared>> -> memref<128x128xf32, #tpu.memory_space<vmem_shared>>
        %dma_start3A_133 = arith.constant 0 : i32
        %dma_start3A_134 = tpu.memref_slice %arg6[%multiple_of3A_129, %dma_start3A_133] : memref<10240x128xf32, #tpu.memory_space<vmem_shared>> -> memref<128x128xf32, #tpu.memory_space<vmem_shared>>
        tpu.enqueue_dma source(%arg12 : memref<128x128xf32, #tpu.memory_space<vmem>>) target(%dma_start3A_134 : memref<128x128xf32, #tpu.memory_space<vmem_shared>>) target_semaphore(%run_scoped3A : memref<!tpu.dma_semaphore, #tpu.memory_space<semaphore_mem>>)
        %dma_wait3A = arith.constant 0 : i32
        %dma_wait3A_135 = tpu.memref_slice %arg6[%multiple_of3A_129, %dma_wait3A] : memref<10240x128xf32, #tpu.memory_space<vmem_shared>> -> memref<128x128xf32, #tpu.memory_space<vmem_shared>>
        %dma_wait3A_136 = arith.constant 0 : i32
        %dma_wait3A_137 = tpu.memref_slice %arg6[%multiple_of3A_129, %dma_wait3A_136] : memref<10240x128xf32, #tpu.memory_space<vmem_shared>> -> memref<128x128xf32, #tpu.memory_space<vmem_shared>>
        tpu.wait_dma2 semaphore(%run_scoped3A : memref<!tpu.dma_semaphore, #tpu.memory_space<semaphore_mem>>) src(%arg12 : memref<128x128xf32, #tpu.memory_space<vmem>>) dst(%dma_wait3A_137 : memref<128x128xf32, #tpu.memory_space<vmem_shared>>)
        tpu.yield
      }) : () -> ()
      %scan3A_130 = arith.constant 0 : i32
      scf.yield %scan3A_130 : i32
    }
    %scan3A_17 = arith.constant 5 : i32
    "tpu.region"() ({
      %run_scoped3A = tpu.sem_alloc : memref<!tpu.dma_semaphore, #tpu.memory_space<semaphore_mem>>
      %dma_start3A_122 = arith.constant 0 : i32
      %dma_start3A_123 = arith.constant 0 : i32
      %dma_start3A_124 = tpu.memref_slice %arg3[%arg1, %dma_start3A_122, %dma_start3A_123] : memref<16x42x128xi32, #tpu.memory_space<hbm>> -> memref<1x42x128xi32, #tpu.memory_space<hbm>>
      %dma_start3A_125 = tpu.memref_squeeze %dma_start3A_124 : memref<1x42x128xi32, #tpu.memory_space<hbm>> -> memref<42x128xi32, #tpu.memory_space<hbm>>
      %dma_start3A_126 = arith.constant 0 : i32
      %dma_start3A_127 = arith.constant 0 : i32
      %dma_start3A_128 = tpu.memref_slice %arg3[%arg1, %dma_start3A_126, %dma_start3A_127] : memref<16x42x128xi32, #tpu.memory_space<hbm>> -> memref<1x42x128xi32, #tpu.memory_space<hbm>>
      %dma_start3A_129 = tpu.memref_squeeze %dma_start3A_128 : memref<1x42x128xi32, #tpu.memory_space<hbm>> -> memref<42x128xi32, #tpu.memory_space<hbm>>
      tpu.enqueue_dma source(%dma_start3A_129 : memref<42x128xi32, #tpu.memory_space<hbm>>) target(%arg7 : memref<42x128xi32, #tpu.memory_space<vmem>>) target_semaphore(%run_scoped3A : memref<!tpu.dma_semaphore, #tpu.memory_space<semaphore_mem>>)
      %dma_wait3A = arith.constant 0 : i32
      %dma_wait3A_130 = arith.constant 0 : i32
      %dma_wait3A_131 = tpu.memref_slice %arg3[%arg1, %dma_wait3A, %dma_wait3A_130] : memref<16x42x128xi32, #tpu.memory_space<hbm>> -> memref<1x42x128xi32, #tpu.memory_space<hbm>>
      %dma_wait3A_132 = tpu.memref_squeeze %dma_wait3A_131 : memref<1x42x128xi32, #tpu.memory_space<hbm>> -> memref<42x128xi32, #tpu.memory_space<hbm>>
      %dma_wait3A_133 = arith.constant 0 : i32
      %dma_wait3A_134 = arith.constant 0 : i32
      %dma_wait3A_135 = tpu.memref_slice %arg3[%arg1, %dma_wait3A_133, %dma_wait3A_134] : memref<16x42x128xi32, #tpu.memory_space<hbm>> -> memref<1x42x128xi32, #tpu.memory_space<hbm>>
      %dma_wait3A_136 = tpu.memref_squeeze %dma_wait3A_135 : memref<1x42x128xi32, #tpu.memory_space<hbm>> -> memref<42x128xi32, #tpu.memory_space<hbm>>
      tpu.wait_dma2 semaphore(%run_scoped3A : memref<!tpu.dma_semaphore, #tpu.memory_space<semaphore_mem>>) src(%dma_wait3A_136 : memref<42x128xi32, #tpu.memory_space<hbm>>) dst(%arg7 : memref<42x128xi32, #tpu.memory_space<vmem>>)
      tpu.yield
    }) : () -> ()
    "tpu.region"() ({
      %run_scoped3A = tpu.sem_alloc : memref<!tpu.dma_semaphore, #tpu.memory_space<semaphore_mem>>
      %dma_start3A_122 = arith.constant 0 : i32
      %dma_start3A_123 = arith.constant 0 : i32
      %dma_start3A_124 = tpu.memref_slice %arg4[%arg1, %dma_start3A_122, %dma_start3A_123] : memref<16x42x128xi32, #tpu.memory_space<hbm>> -> memref<1x42x128xi32, #tpu.memory_space<hbm>>
      %dma_start3A_125 = tpu.memref_squeeze %dma_start3A_124 : memref<1x42x128xi32, #tpu.memory_space<hbm>> -> memref<42x128xi32, #tpu.memory_space<hbm>>
      %dma_start3A_126 = arith.constant 0 : i32
      %dma_start3A_127 = arith.constant 0 : i32
      %dma_start3A_128 = tpu.memref_slice %arg4[%arg1, %dma_start3A_126, %dma_start3A_127] : memref<16x42x128xi32, #tpu.memory_space<hbm>> -> memref<1x42x128xi32, #tpu.memory_space<hbm>>
      %dma_start3A_129 = tpu.memref_squeeze %dma_start3A_128 : memref<1x42x128xi32, #tpu.memory_space<hbm>> -> memref<42x128xi32, #tpu.memory_space<hbm>>
      tpu.enqueue_dma source(%dma_start3A_129 : memref<42x128xi32, #tpu.memory_space<hbm>>) target(%arg8 : memref<42x128xi32, #tpu.memory_space<vmem>>) target_semaphore(%run_scoped3A : memref<!tpu.dma_semaphore, #tpu.memory_space<semaphore_mem>>)
      %dma_wait3A = arith.constant 0 : i32
      %dma_wait3A_130 = arith.constant 0 : i32
      %dma_wait3A_131 = tpu.memref_slice %arg4[%arg1, %dma_wait3A, %dma_wait3A_130] : memref<16x42x128xi32, #tpu.memory_space<hbm>> -> memref<1x42x128xi32, #tpu.memory_space<hbm>>
      %dma_wait3A_132 = tpu.memref_squeeze %dma_wait3A_131 : memref<1x42x128xi32, #tpu.memory_space<hbm>> -> memref<42x128xi32, #tpu.memory_space<hbm>>
      %dma_wait3A_133 = arith.constant 0 : i32
      %dma_wait3A_134 = arith.constant 0 : i32
      %dma_wait3A_135 = tpu.memref_slice %arg4[%arg1, %dma_wait3A_133, %dma_wait3A_134] : memref<16x42x128xi32, #tpu.memory_space<hbm>> -> memref<1x42x128xi32, #tpu.memory_space<hbm>>
      %dma_wait3A_136 = tpu.memref_squeeze %dma_wait3A_135 : memref<1x42x128xi32, #tpu.memory_space<hbm>> -> memref<42x128xi32, #tpu.memory_space<hbm>>
      tpu.wait_dma2 semaphore(%run_scoped3A : memref<!tpu.dma_semaphore, #tpu.memory_space<semaphore_mem>>) src(%dma_wait3A_136 : memref<42x128xi32, #tpu.memory_space<hbm>>) dst(%arg8 : memref<42x128xi32, #tpu.memory_space<vmem>>)
      tpu.yield
    }) : () -> ()
    %barrier3A = arith.constant 0 : index
    tpu.barrier barrier_id(%barrier3A)
    %get3A = arith.constant 0 : i32
    %get3A_18 = arith.index_cast %get3A : i32 to index
    %get3A_19 = arith.constant 0 : index
    %get3A_20 = tpu.vector_load %arg7[%get3A_18, %get3A_19] {strides = array<i32>} : memref<42x128xi32, #tpu.memory_space<vmem>>, vector<1x16xi32>,
    %get3A_21 = vector.shape_cast %get3A_20 : vector<1x16xi32> to vector<16xi32>
    %and3A = arith.constant 65535 : i32
    %and3A_22 = vector.broadcast %and3A : i32 to vector<16xi32>
    %and3A_23 = arith.andi %get3A_21, %and3A_22 : vector<16xi32>
    %add3A_24 = arith.addi %and3A_23, %add3A_4 : vector<16xi32>
    %swap3A = arith.constant 0 : index
    %swap3A_25 = tpu.vector_load %arg9[%swap3A] {strides = array<i32>} : memref<128xi32, #tpu.memory_space<vmem>>, vector<16xi32>,
    %swap3A_26 = vector.shape_cast %swap3A_25 : vector<16xi32> to vector<16xi32>
    %swap3A_27 = vector.shape_cast %add3A_24 : vector<16xi32> to vector<16xi32>
    tpu.vector_store %arg9[%swap3A], %swap3A_27 {strides = array<i32>} : memref<128xi32, #tpu.memory_space<vmem>>, vector<16xi32>,
    %shift_right_logical3A = arith.constant 16 : i32
    %shift_right_logical3A_28 = vector.broadcast %shift_right_logical3A : i32 to vector<16xi32>
    %shift_right_logical3A_29 = arith.shrui %get3A_21, %shift_right_logical3A_28 : vector<16xi32>
    %add3A_30 = arith.addi %shift_right_logical3A_29, %add3A_4 : vector<16xi32>
    %swap3A_31 = arith.constant 64 : index
    %swap3A_32 = tpu.vector_load %arg9[%swap3A_31] {strides = array<i32>} : memref<128xi32, #tpu.memory_space<vmem>>, vector<16xi32>,
    %swap3A_33 = vector.shape_cast %swap3A_32 : vector<16xi32> to vector<16xi32>
    %swap3A_34 = vector.shape_cast %add3A_30 : vector<16xi32> to vector<16xi32>
    tpu.vector_store %arg9[%swap3A_31], %swap3A_34 {strides = array<i32>} : memref<128xi32, #tpu.memory_space<vmem>>, vector<16xi32>,
    %get3A_35 = arith.constant 0 : i32
    %get3A_36 = arith.index_cast %get3A_35 : i32 to index
    %get3A_37 = arith.constant 16 : index
    %get3A_38 = tpu.vector_load %arg7[%get3A_36, %get3A_37] {strides = array<i32>} : memref<42x128xi32, #tpu.memory_space<vmem>>, vector<1x16xi32>,
    %get3A_39 = vector.shape_cast %get3A_38 : vector<1x16xi32> to vector<16xi32>
    %and3A_40 = arith.constant 65535 : i32
    %and3A_41 = vector.broadcast %and3A_40 : i32 to vector<16xi32>
    %and3A_42 = arith.andi %get3A_39, %and3A_41 : vector<16xi32>
    %add3A_43 = arith.addi %and3A_42, %add3A_4 : vector<16xi32>
    %swap3A_44 = arith.constant 16 : index
    %swap3A_45 = tpu.vector_load %arg9[%swap3A_44] {strides = array<i32>} : memref<128xi32, #tpu.memory_space<vmem>>, vector<16xi32>,
    %swap3A_46 = vector.shape_cast %swap3A_45 : vector<16xi32> to vector<16xi32>
    %swap3A_47 = vector.shape_cast %add3A_43 : vector<16xi32> to vector<16xi32>
    tpu.vector_store %arg9[%swap3A_44], %swap3A_47 {strides = array<i32>} : memref<128xi32, #tpu.memory_space<vmem>>, vector<16xi32>,
    %shift_right_logical3A_48 = arith.constant 16 : i32
    %shift_right_logical3A_49 = vector.broadcast %shift_right_logical3A_48 : i32 to vector<16xi32>
    %shift_right_logical3A_50 = arith.shrui %get3A_39, %shift_right_logical3A_49 : vector<16xi32>
    %add3A_51 = arith.addi %shift_right_logical3A_50, %add3A_4 : vector<16xi32>
    %swap3A_52 = arith.constant 80 : index
    %swap3A_53 = tpu.vector_load %arg9[%swap3A_52] {strides = array<i32>} : memref<128xi32, #tpu.memory_space<vmem>>, vector<16xi32>,
    %swap3A_54 = vector.shape_cast %swap3A_53 : vector<16xi32> to vector<16xi32>
    %swap3A_55 = vector.shape_cast %add3A_51 : vector<16xi32> to vector<16xi32>
    tpu.vector_store %arg9[%swap3A_52], %swap3A_55 {strides = array<i32>} : memref<128xi32, #tpu.memory_space<vmem>>, vector<16xi32>,
    %get3A_56 = arith.constant 0 : i32
    %get3A_57 = arith.index_cast %get3A_56 : i32 to index
    %get3A_58 = arith.constant 32 : index
    %get3A_59 = tpu.vector_load %arg7[%get3A_57, %get3A_58] {strides = array<i32>} : memref<42x128xi32, #tpu.memory_space<vmem>>, vector<1x16xi32>,
    %get3A_60 = vector.shape_cast %get3A_59 : vector<1x16xi32> to vector<16xi32>
    %and3A_61 = arith.constant 65535 : i32
    %and3A_62 = vector.broadcast %and3A_61 : i32 to vector<16xi32>
    %and3A_63 = arith.andi %get3A_60, %and3A_62 : vector<16xi32>
    %add3A_64 = arith.addi %and3A_63, %add3A_4 : vector<16xi32>
    %swap3A_65 = arith.constant 32 : index
    %swap3A_66 = tpu.vector_load %arg9[%swap3A_65] {strides = array<i32>} : memref<128xi32, #tpu.memory_space<vmem>>, vector<16xi32>,
    %swap3A_67 = vector.shape_cast %swap3A_66 : vector<16xi32> to vector<16xi32>
    %swap3A_68 = vector.shape_cast %add3A_64 : vector<16xi32> to vector<16xi32>
    tpu.vector_store %arg9[%swap3A_65], %swap3A_68 {strides = array<i32>} : memref<128xi32, #tpu.memory_space<vmem>>, vector<16xi32>,
    %shift_right_logical3A_69 = arith.constant 16 : i32
    %shift_right_logical3A_70 = vector.broadcast %shift_right_logical3A_69 : i32 to vector<16xi32>
    %shift_right_logical3A_71 = arith.shrui %get3A_60, %shift_right_logical3A_70 : vector<16xi32>
    %add3A_72 = arith.addi %shift_right_logical3A_71, %add3A_4 : vector<16xi32>
    %swap3A_73 = arith.constant 96 : index
    %swap3A_74 = tpu.vector_load %arg9[%swap3A_73] {strides = array<i32>} : memref<128xi32, #tpu.memory_space<vmem>>, vector<16xi32>,
    %swap3A_75 = vector.shape_cast %swap3A_74 : vector<16xi32> to vector<16xi32>
    %swap3A_76 = vector.shape_cast %add3A_72 : vector<16xi32> to vector<16xi32>
    tpu.vector_store %arg9[%swap3A_73], %swap3A_76 {strides = array<i32>} : memref<128xi32, #tpu.memory_space<vmem>>, vector<16xi32>,
    %get3A_77 = arith.constant 0 : i32
    %get3A_78 = arith.index_cast %get3A_77 : i32 to index
    %get3A_79 = arith.constant 48 : index
    %get3A_80 = tpu.vector_load %arg7[%get3A_78, %get3A_79] {strides = array<i32>} : memref<42x128xi32, #tpu.memory_space<vmem>>, vector<1x16xi32>,
    %get3A_81 = vector.shape_cast %get3A_80 : vector<1x16xi32> to vector<16xi32>
    %and3A_82 = arith.constant 65535 : i32
    %and3A_83 = vector.broadcast %and3A_82 : i32 to vector<16xi32>
    %and3A_84 = arith.andi %get3A_81, %and3A_83 : vector<16xi32>
    %add3A_85 = arith.addi %and3A_84, %add3A_4 : vector<16xi32>
    %swap3A_86 = arith.constant 48 : index
    %swap3A_87 = tpu.vector_load %arg9[%swap3A_86] {strides = array<i32>} : memref<128xi32, #tpu.memory_space<vmem>>, vector<16xi32>,
    %swap3A_88 = vector.shape_cast %swap3A_87 : vector<16xi32> to vector<16xi32>
    %swap3A_89 = vector.shape_cast %add3A_85 : vector<16xi32> to vector<16xi32>
    tpu.vector_store %arg9[%swap3A_86], %swap3A_89 {strides = array<i32>} : memref<128xi32, #tpu.memory_space<vmem>>, vector<16xi32>,
    %shift_right_logical3A_90 = arith.constant 16 : i32
    %shift_right_logical3A_91 = vector.broadcast %shift_right_logical3A_90 : i32 to vector<16xi32>
    %shift_right_logical3A_92 = arith.shrui %get3A_81, %shift_right_logical3A_91 : vector<16xi32>
    %add3A_93 = arith.addi %shift_right_logical3A_92, %add3A_4 : vector<16xi32>
    %swap3A_94 = arith.constant 112 : index
    %swap3A_95 = tpu.vector_load %arg9[%swap3A_94] {strides = array<i32>} : memref<128xi32, #tpu.memory_space<vmem>>, vector<16xi32>,
    %swap3A_96 = vector.shape_cast %swap3A_95 : vector<16xi32> to vector<16xi32>
    %swap3A_97 = vector.shape_cast %add3A_93 : vector<16xi32> to vector<16xi32>
    tpu.vector_store %arg9[%swap3A_94], %swap3A_97 {strides = array<i32>} : memref<128xi32, #tpu.memory_space<vmem>>, vector<16xi32>,
    %dma_start3A = arith.constant 0 : i32
    %dma_start3A_98 = arith.constant 0 : i32
    %dma_start3A_99 = tpu.memref_slice %arg2[%dma_start3A, %dma_start3A_98] : memref<20000x128xf32, #tpu.memory_space<hbm>> -> memref<20000x128xf32, #tpu.memory_space<hbm>>
    tpu.enqueue_indirect_dma source(%dma_start3A_99 : memref<20000x128xf32, #tpu.memory_space<hbm>>) target(%arg12 : memref<128x128xf32, #tpu.memory_space<vmem>>) offsets(%arg9 : memref<128xi32, #tpu.memory_space<vmem>>) semaphore(%arg14 : memref<!tpu.dma_semaphore, #tpu.memory_space<semaphore_mem>>)
    %scan3A_100 = arith.constant 0 : i32
    %scan3A_101 = arith.constant 0 : i32
    %scan3A_102 = arith.constant 42 : i32
    %scan3A_103 = arith.addi %scan3A_101, %scan3A_102 : i32
    %scan3A_104 = arith.constant 1 : i32
    %scan3A_105 = scf.for %scan3A_122 = %scan3A_101 to %scan3A_103 step %scan3A_104 iter_args(%scan3A_123 = %scan3A_100) -> (i32)  : i32 {
      %get3A_124 = arith.index_cast %scan3A_122 : i32 to index
      %get3A_125 = arith.constant 64 : index
      %get3A_126 = tpu.vector_load %arg7[%get3A_124, %get3A_125] {strides = array<i32>} : memref<42x128xi32, #tpu.memory_space<vmem>>, vector<1x16xi32>,
      %get3A_127 = vector.shape_cast %get3A_126 : vector<1x16xi32> to vector<16xi32>
      %and3A_128 = arith.constant 65535 : i32
      %and3A_129 = vector.broadcast %and3A_128 : i32 to vector<16xi32>
      %and3A_130 = arith.andi %get3A_127, %and3A_129 : vector<16xi32>
      %add3A_131 = arith.addi %and3A_130, %add3A_4 : vector<16xi32>
      %swap3A_132 = arith.constant 0 : index
      %swap3A_133 = tpu.vector_load %arg10[%swap3A_132] {strides = array<i32>} : memref<128xi32, #tpu.memory_space<vmem>>, vector<16xi32>,
      %swap3A_134 = vector.shape_cast %swap3A_133 : vector<16xi32> to vector<16xi32>
      %swap3A_135 = vector.shape_cast %add3A_131 : vector<16xi32> to vector<16xi32>
      tpu.vector_store %arg10[%swap3A_132], %swap3A_135 {strides = array<i32>} : memref<128xi32, #tpu.memory_space<vmem>>, vector<16xi32>,
      %shift_right_logical3A_136 = arith.constant 16 : i32
      %shift_right_logical3A_137 = vector.broadcast %shift_right_logical3A_136 : i32 to vector<16xi32>
      %shift_right_logical3A_138 = arith.shrui %get3A_127, %shift_right_logical3A_137 : vector<16xi32>
      %add3A_139 = arith.addi %shift_right_logical3A_138, %add3A_4 : vector<16xi32>
      %swap3A_140 = arith.constant 64 : index
      %swap3A_141 = tpu.vector_load %arg10[%swap3A_140] {strides = array<i32>} : memref<128xi32, #tpu.memory_space<vmem>>, vector<16xi32>,
      %swap3A_142 = vector.shape_cast %swap3A_141 : vector<16xi32> to vector<16xi32>
      %swap3A_143 = vector.shape_cast %add3A_139 : vector<16xi32> to vector<16xi32>
      tpu.vector_store %arg10[%swap3A_140], %swap3A_143 {strides = array<i32>} : memref<128xi32, #tpu.memory_space<vmem>>, vector<16xi32>,
      %get3A_144 = arith.index_cast %scan3A_122 : i32 to index
      %get3A_145 = arith.constant 80 : index
      %get3A_146 = tpu.vector_load %arg7[%get3A_144, %get3A_145] {strides = array<i32>} : memref<42x128xi32, #tpu.memory_space<vmem>>, vector<1x16xi32>,
      %get3A_147 = vector.shape_cast %get3A_146 : vector<1x16xi32> to vector<16xi32>
      %and3A_148 = arith.constant 65535 : i32
      %and3A_149 = vector.broadcast %and3A_148 : i32 to vector<16xi32>
      %and3A_150 = arith.andi %get3A_147, %and3A_149 : vector<16xi32>
      %add3A_151 = arith.addi %and3A_150, %add3A_4 : vector<16xi32>
      %swap3A_152 = arith.constant 16 : index
      %swap3A_153 = tpu.vector_load %arg10[%swap3A_152] {strides = array<i32>} : memref<128xi32, #tpu.memory_space<vmem>>, vector<16xi32>,
      %swap3A_154 = vector.shape_cast %swap3A_153 : vector<16xi32> to vector<16xi32>
      %swap3A_155 = vector.shape_cast %add3A_151 : vector<16xi32> to vector<16xi32>
      tpu.vector_store %arg10[%swap3A_152], %swap3A_155 {strides = array<i32>} : memref<128xi32, #tpu.memory_space<vmem>>, vector<16xi32>,
      %shift_right_logical3A_156 = arith.constant 16 : i32
      %shift_right_logical3A_157 = vector.broadcast %shift_right_logical3A_156 : i32 to vector<16xi32>
      %shift_right_logical3A_158 = arith.shrui %get3A_147, %shift_right_logical3A_157 : vector<16xi32>
      %add3A_159 = arith.addi %shift_right_logical3A_158, %add3A_4 : vector<16xi32>
      %swap3A_160 = arith.constant 80 : index
      %swap3A_161 = tpu.vector_load %arg10[%swap3A_160] {strides = array<i32>} : memref<128xi32, #tpu.memory_space<vmem>>, vector<16xi32>,
      %swap3A_162 = vector.shape_cast %swap3A_161 : vector<16xi32> to vector<16xi32>
      %swap3A_163 = vector.shape_cast %add3A_159 : vector<16xi32> to vector<16xi32>
      tpu.vector_store %arg10[%swap3A_160], %swap3A_163 {strides = array<i32>} : memref<128xi32, #tpu.memory_space<vmem>>, vector<16xi32>,
      %get3A_164 = arith.index_cast %scan3A_122 : i32 to index
      %get3A_165 = arith.constant 96 : index
      %get3A_166 = tpu.vector_load %arg7[%get3A_164, %get3A_165] {strides = array<i32>} : memref<42x128xi32, #tpu.memory_space<vmem>>, vector<1x16xi32>,
      %get3A_167 = vector.shape_cast %get3A_166 : vector<1x16xi32> to vector<16xi32>
      %and3A_168 = arith.constant 65535 : i32
      %and3A_169 = vector.broadcast %and3A_168 : i32 to vector<16xi32>
      %and3A_170 = arith.andi %get3A_167, %and3A_169 : vector<16xi32>
      %add3A_171 = arith.addi %and3A_170, %add3A_4 : vector<16xi32>
      %swap3A_172 = arith.constant 32 : index
      %swap3A_173 = tpu.vector_load %arg10[%swap3A_172] {strides = array<i32>} : memref<128xi32, #tpu.memory_space<vmem>>, vector<16xi32>,
      %swap3A_174 = vector.shape_cast %swap3A_173 : vector<16xi32> to vector<16xi32>
      %swap3A_175 = vector.shape_cast %add3A_171 : vector<16xi32> to vector<16xi32>
      tpu.vector_store %arg10[%swap3A_172], %swap3A_175 {strides = array<i32>} : memref<128xi32, #tpu.memory_space<vmem>>, vector<16xi32>,
      %shift_right_logical3A_176 = arith.constant 16 : i32
      %shift_right_logical3A_177 = vector.broadcast %shift_right_logical3A_176 : i32 to vector<16xi32>
      %shift_right_logical3A_178 = arith.shrui %get3A_167, %shift_right_logical3A_177 : vector<16xi32>
      %add3A_179 = arith.addi %shift_right_logical3A_178, %add3A_4 : vector<16xi32>
      %swap3A_180 = arith.constant 96 : index
      %swap3A_181 = tpu.vector_load %arg10[%swap3A_180] {strides = array<i32>} : memref<128xi32, #tpu.memory_space<vmem>>, vector<16xi32>,
      %swap3A_182 = vector.shape_cast %swap3A_181 : vector<16xi32> to vector<16xi32>
      %swap3A_183 = vector.shape_cast %add3A_179 : vector<16xi32> to vector<16xi32>
      tpu.vector_store %arg10[%swap3A_180], %swap3A_183 {strides = array<i32>} : memref<128xi32, #tpu.memory_space<vmem>>, vector<16xi32>,
      %get3A_184 = arith.index_cast %scan3A_122 : i32 to index
      %get3A_185 = arith.constant 112 : index
      %get3A_186 = tpu.vector_load %arg7[%get3A_184, %get3A_185] {strides = array<i32>} : memref<42x128xi32, #tpu.memory_space<vmem>>, vector<1x16xi32>,
      %get3A_187 = vector.shape_cast %get3A_186 : vector<1x16xi32> to vector<16xi32>
      %and3A_188 = arith.constant 65535 : i32
      %and3A_189 = vector.broadcast %and3A_188 : i32 to vector<16xi32>
      %and3A_190 = arith.andi %get3A_187, %and3A_189 : vector<16xi32>
      %add3A_191 = arith.addi %and3A_190, %add3A_4 : vector<16xi32>
      %swap3A_192 = arith.constant 48 : index
      %swap3A_193 = tpu.vector_load %arg10[%swap3A_192] {strides = array<i32>} : memref<128xi32, #tpu.memory_space<vmem>>, vector<16xi32>,
      %swap3A_194 = vector.shape_cast %swap3A_193 : vector<16xi32> to vector<16xi32>
      %swap3A_195 = vector.shape_cast %add3A_191 : vector<16xi32> to vector<16xi32>
      tpu.vector_store %arg10[%swap3A_192], %swap3A_195 {strides = array<i32>} : memref<128xi32, #tpu.memory_space<vmem>>, vector<16xi32>,
      %shift_right_logical3A_196 = arith.constant 16 : i32
      %shift_right_logical3A_197 = vector.broadcast %shift_right_logical3A_196 : i32 to vector<16xi32>
      %shift_right_logical3A_198 = arith.shrui %get3A_187, %shift_right_logical3A_197 : vector<16xi32>
      %add3A_199 = arith.addi %shift_right_logical3A_198, %add3A_4 : vector<16xi32>
      %swap3A_200 = arith.constant 112 : index
      %swap3A_201 = tpu.vector_load %arg10[%swap3A_200] {strides = array<i32>} : memref<128xi32, #tpu.memory_space<vmem>>, vector<16xi32>,
      %swap3A_202 = vector.shape_cast %swap3A_201 : vector<16xi32> to vector<16xi32>
      %swap3A_203 = vector.shape_cast %add3A_199 : vector<16xi32> to vector<16xi32>
      tpu.vector_store %arg10[%swap3A_200], %swap3A_203 {strides = array<i32>} : memref<128xi32, #tpu.memory_space<vmem>>, vector<16xi32>,
      %dma_start3A_204 = arith.constant 0 : i32
      %dma_start3A_205 = arith.constant 0 : i32
      %dma_start3A_206 = tpu.memref_slice %arg2[%dma_start3A_204, %dma_start3A_205] : memref<20000x128xf32, #tpu.memory_space<hbm>> -> memref<20000x128xf32, #tpu.memory_space<hbm>>
      tpu.enqueue_indirect_dma source(%dma_start3A_206 : memref<20000x128xf32, #tpu.memory_space<hbm>>) target(%arg13 : memref<128x128xf32, #tpu.memory_space<vmem>>) offsets(%arg10 : memref<128xi32, #tpu.memory_space<vmem>>) semaphore(%arg15 : memref<!tpu.dma_semaphore, #tpu.memory_space<semaphore_mem>>)
      %get3A_207 = arith.index_cast %scan3A_122 : i32 to index
      %get3A_208 = arith.constant 0 : index
      %get3A_209 = tpu.vector_load %arg8[%get3A_207, %get3A_208] {strides = array<i32>} : memref<42x128xi32, #tpu.memory_space<vmem>>, vector<1x16xi32>,
      %get3A_210 = vector.shape_cast %get3A_209 : vector<1x16xi32> to vector<16xi32>
      %and3A_211 = arith.constant 65535 : i32
      %and3A_212 = vector.broadcast %and3A_211 : i32 to vector<16xi32>
      %and3A_213 = arith.andi %get3A_210, %and3A_212 : vector<16xi32>
      %swap3A_214 = arith.constant 0 : index
      %swap3A_215 = tpu.vector_load %arg11[%swap3A_214] {strides = array<i32>} : memref<128xi32, #tpu.memory_space<vmem>>, vector<16xi32>,
      %swap3A_216 = vector.shape_cast %swap3A_215 : vector<16xi32> to vector<16xi32>
      %swap3A_217 = vector.shape_cast %and3A_213 : vector<16xi32> to vector<16xi32>
      tpu.vector_store %arg11[%swap3A_214], %swap3A_217 {strides = array<i32>} : memref<128xi32, #tpu.memory_space<vmem>>, vector<16xi32>,
      %shift_right_logical3A_218 = arith.constant 16 : i32
      %shift_right_logical3A_219 = vector.broadcast %shift_right_logical3A_218 : i32 to vector<16xi32>
      %shift_right_logical3A_220 = arith.shrui %get3A_210, %shift_right_logical3A_219 : vector<16xi32>
      %swap3A_221 = arith.constant 64 : index
      %swap3A_222 = tpu.vector_load %arg11[%swap3A_221] {strides = array<i32>} : memref<128xi32, #tpu.memory_space<vmem>>, vector<16xi32>,
      %swap3A_223 = vector.shape_cast %swap3A_222 : vector<16xi32> to vector<16xi32>
      %swap3A_224 = vector.shape_cast %shift_right_logical3A_220 : vector<16xi32> to vector<16xi32>
      tpu.vector_store %arg11[%swap3A_221], %swap3A_224 {strides = array<i32>} : memref<128xi32, #tpu.memory_space<vmem>>, vector<16xi32>,
      %get3A_225 = arith.index_cast %scan3A_122 : i32 to index
      %get3A_226 = arith.constant 16 : index
      %get3A_227 = tpu.vector_load %arg8[%get3A_225, %get3A_226] {strides = array<i32>} : memref<42x128xi32, #tpu.memory_space<vmem>>, vector<1x16xi32>,
      %get3A_228 = vector.shape_cast %get3A_227 : vector<1x16xi32> to vector<16xi32>
      %and3A_229 = arith.constant 65535 : i32
      %and3A_230 = vector.broadcast %and3A_229 : i32 to vector<16xi32>
      %and3A_231 = arith.andi %get3A_228, %and3A_230 : vector<16xi32>
      %swap3A_232 = arith.constant 16 : index
      %swap3A_233 = tpu.vector_load %arg11[%swap3A_232] {strides = array<i32>} : memref<128xi32, #tpu.memory_space<vmem>>, vector<16xi32>,
      %swap3A_234 = vector.shape_cast %swap3A_233 : vector<16xi32> to vector<16xi32>
      %swap3A_235 = vector.shape_cast %and3A_231 : vector<16xi32> to vector<16xi32>
      tpu.vector_store %arg11[%swap3A_232], %swap3A_235 {strides = array<i32>} : memref<128xi32, #tpu.memory_space<vmem>>, vector<16xi32>,
      %shift_right_logical3A_236 = arith.constant 16 : i32
      %shift_right_logical3A_237 = vector.broadcast %shift_right_logical3A_236 : i32 to vector<16xi32>
      %shift_right_logical3A_238 = arith.shrui %get3A_228, %shift_right_logical3A_237 : vector<16xi32>
      %swap3A_239 = arith.constant 80 : index
      %swap3A_240 = tpu.vector_load %arg11[%swap3A_239] {strides = array<i32>} : memref<128xi32, #tpu.memory_space<vmem>>, vector<16xi32>,
      %swap3A_241 = vector.shape_cast %swap3A_240 : vector<16xi32> to vector<16xi32>
      %swap3A_242 = vector.shape_cast %shift_right_logical3A_238 : vector<16xi32> to vector<16xi32>
      tpu.vector_store %arg11[%swap3A_239], %swap3A_242 {strides = array<i32>} : memref<128xi32, #tpu.memory_space<vmem>>, vector<16xi32>,
      %get3A_243 = arith.index_cast %scan3A_122 : i32 to index
      %get3A_244 = arith.constant 32 : index
      %get3A_245 = tpu.vector_load %arg8[%get3A_243, %get3A_244] {strides = array<i32>} : memref<42x128xi32, #tpu.memory_space<vmem>>, vector<1x16xi32>,
      %get3A_246 = vector.shape_cast %get3A_245 : vector<1x16xi32> to vector<16xi32>
      %and3A_247 = arith.constant 65535 : i32
      %and3A_248 = vector.broadcast %and3A_247 : i32 to vector<16xi32>
      %and3A_249 = arith.andi %get3A_246, %and3A_248 : vector<16xi32>
      %swap3A_250 = arith.constant 32 : index
      %swap3A_251 = tpu.vector_load %arg11[%swap3A_250] {strides = array<i32>} : memref<128xi32, #tpu.memory_space<vmem>>, vector<16xi32>,
      %swap3A_252 = vector.shape_cast %swap3A_251 : vector<16xi32> to vector<16xi32>
      %swap3A_253 = vector.shape_cast %and3A_249 : vector<16xi32> to vector<16xi32>
      tpu.vector_store %arg11[%swap3A_250], %swap3A_253 {strides = array<i32>} : memref<128xi32, #tpu.memory_space<vmem>>, vector<16xi32>,
      %shift_right_logical3A_254 = arith.constant 16 : i32
      %shift_right_logical3A_255 = vector.broadcast %shift_right_logical3A_254 : i32 to vector<16xi32>
      %shift_right_logical3A_256 = arith.shrui %get3A_246, %shift_right_logical3A_255 : vector<16xi32>
      %swap3A_257 = arith.constant 96 : index
      %swap3A_258 = tpu.vector_load %arg11[%swap3A_257] {strides = array<i32>} : memref<128xi32, #tpu.memory_space<vmem>>, vector<16xi32>,
      %swap3A_259 = vector.shape_cast %swap3A_258 : vector<16xi32> to vector<16xi32>
      %swap3A_260 = vector.shape_cast %shift_right_logical3A_256 : vector<16xi32> to vector<16xi32>
      tpu.vector_store %arg11[%swap3A_257], %swap3A_260 {strides = array<i32>} : memref<128xi32, #tpu.memory_space<vmem>>, vector<16xi32>,
      %get3A_261 = arith.index_cast %scan3A_122 : i32 to index
      %get3A_262 = arith.constant 48 : index
      %get3A_263 = tpu.vector_load %arg8[%get3A_261, %get3A_262] {strides = array<i32>} : memref<42x128xi32, #tpu.memory_space<vmem>>, vector<1x16xi32>,
      %get3A_264 = vector.shape_cast %get3A_263 : vector<1x16xi32> to vector<16xi32>
      %and3A_265 = arith.constant 65535 : i32
      %and3A_266 = vector.broadcast %and3A_265 : i32 to vector<16xi32>
      %and3A_267 = arith.andi %get3A_264, %and3A_266 : vector<16xi32>
      %swap3A_268 = arith.constant 48 : index
      %swap3A_269 = tpu.vector_load %arg11[%swap3A_268] {strides = array<i32>} : memref<128xi32, #tpu.memory_space<vmem>>, vector<16xi32>,
      %swap3A_270 = vector.shape_cast %swap3A_269 : vector<16xi32> to vector<16xi32>
      %swap3A_271 = vector.shape_cast %and3A_267 : vector<16xi32> to vector<16xi32>
      tpu.vector_store %arg11[%swap3A_268], %swap3A_271 {strides = array<i32>} : memref<128xi32, #tpu.memory_space<vmem>>, vector<16xi32>,
      %shift_right_logical3A_272 = arith.constant 16 : i32
      %shift_right_logical3A_273 = vector.broadcast %shift_right_logical3A_272 : i32 to vector<16xi32>
      %shift_right_logical3A_274 = arith.shrui %get3A_264, %shift_right_logical3A_273 : vector<16xi32>
      %swap3A_275 = arith.constant 112 : index
      %swap3A_276 = tpu.vector_load %arg11[%swap3A_275] {strides = array<i32>} : memref<128xi32, #tpu.memory_space<vmem>>, vector<16xi32>,
      %swap3A_277 = vector.shape_cast %swap3A_276 : vector<16xi32> to vector<16xi32>
      %swap3A_278 = vector.shape_cast %shift_right_logical3A_274 : vector<16xi32> to vector<16xi32>
      tpu.vector_store %arg11[%swap3A_275], %swap3A_278 {strides = array<i32>} : memref<128xi32, #tpu.memory_space<vmem>>, vector<16xi32>,
      %dma_wait3A = arith.constant 0 : i32
      %dma_wait3A_279 = arith.constant 0 : i32
      %dma_wait3A_280 = tpu.memref_slice %arg2[%dma_wait3A, %dma_wait3A_279] : memref<20000x128xf32, #tpu.memory_space<hbm>> -> memref<20000x128xf32, #tpu.memory_space<hbm>>
      tpu.wait_indirect_dma semaphore(%arg14 : memref<!tpu.dma_semaphore, #tpu.memory_space<semaphore_mem>>) src(%dma_wait3A_280 : memref<20000x128xf32, #tpu.memory_space<hbm>>) dst(%arg12 : memref<128x128xf32, #tpu.memory_space<vmem>>)
      "tpu.region"() ({
        %run_scoped3A = tpu.sem_alloc : memref<!tpu.dma_semaphore, #tpu.memory_space<semaphore_mem>>
        %dma_start3A_362 = arith.constant 0 : i32
        %dma_start3A_363 = arith.constant 0 : i32
        %dma_start3A_364 = tpu.memref_slice %arg6[%dma_start3A_362, %dma_start3A_363] : memref<10240x128xf32, #tpu.memory_space<vmem_shared>> -> memref<10240x128xf32, #tpu.memory_space<vmem_shared>>
        tpu.enqueue_indirect_dma source(%arg12 : memref<128x128xf32, #tpu.memory_space<vmem>>) target(%dma_start3A_364 : memref<10240x128xf32, #tpu.memory_space<vmem_shared>>) offsets(%arg11 : memref<128xi32, #tpu.memory_space<vmem>>) semaphore(%run_scoped3A : memref<!tpu.dma_semaphore, #tpu.memory_space<semaphore_mem>>) {add = true}
        %dma_wait3A_365 = arith.constant 0 : i32
        %dma_wait3A_366 = arith.constant 0 : i32
        %dma_wait3A_367 = tpu.memref_slice %arg6[%dma_wait3A_365, %dma_wait3A_366] : memref<10240x128xf32, #tpu.memory_space<vmem_shared>> -> memref<10240x128xf32, #tpu.memory_space<vmem_shared>>
        tpu.wait_indirect_dma semaphore(%run_scoped3A : memref<!tpu.dma_semaphore, #tpu.memory_space<semaphore_mem>>) src(%arg12 : memref<128x128xf32, #tpu.memory_space<vmem>>) dst(%dma_wait3A_367 : memref<10240x128xf32, #tpu.memory_space<vmem_shared>>)
        tpu.yield
      }) : () -> ()
      %lt3A_281 = arith.constant 41 : i32
      %lt3A_282 = arith.cmpi slt, %scan3A_122, %lt3A_281 : i32
      %convert_element_type3A_283 = arith.extui %lt3A_282 : i1 to i32
      %cond3A_284 = arith.constant 0 : i32
      %cond3A_285 = arith.cmpi ne, %convert_element_type3A_283, %cond3A_284 : i32
      scf.if %cond3A_285 {
        %add3A_362 = arith.constant 1 : i32
        %add3A_363 = arith.addi %scan3A_122, %add3A_362 : i32
        %get3A_364 = arith.index_cast %add3A_363 : i32 to index
        %get3A_365 = arith.constant 0 : index
        %get3A_366 = tpu.vector_load %arg7[%get3A_364, %get3A_365] {strides = array<i32>} : memref<42x128xi32, #tpu.memory_space<vmem>>, vector<1x16xi32>,
        %get3A_367 = vector.shape_cast %get3A_366 : vector<1x16xi32> to vector<16xi32>
        %and3A_368 = arith.constant 65535 : i32
        %and3A_369 = vector.broadcast %and3A_368 : i32 to vector<16xi32>
        %and3A_370 = arith.andi %get3A_367, %and3A_369 : vector<16xi32>
        %add3A_371 = arith.addi %and3A_370, %add3A_4 : vector<16xi32>
        %swap3A_372 = arith.constant 0 : index
        %swap3A_373 = tpu.vector_load %arg9[%swap3A_372] {strides = array<i32>} : memref<128xi32, #tpu.memory_space<vmem>>, vector<16xi32>,
        %swap3A_374 = vector.shape_cast %swap3A_373 : vector<16xi32> to vector<16xi32>
        %swap3A_375 = vector.shape_cast %add3A_371 : vector<16xi32> to vector<16xi32>
        tpu.vector_store %arg9[%swap3A_372], %swap3A_375 {strides = array<i32>} : memref<128xi32, #tpu.memory_space<vmem>>, vector<16xi32>,
        %shift_right_logical3A_376 = arith.constant 16 : i32
        %shift_right_logical3A_377 = vector.broadcast %shift_right_logical3A_376 : i32 to vector<16xi32>
        %shift_right_logical3A_378 = arith.shrui %get3A_367, %shift_right_logical3A_377 : vector<16xi32>
        %add3A_379 = arith.addi %shift_right_logical3A_378, %add3A_4 : vector<16xi32>
        %swap3A_380 = arith.constant 64 : index
        %swap3A_381 = tpu.vector_load %arg9[%swap3A_380] {strides = array<i32>} : memref<128xi32, #tpu.memory_space<vmem>>, vector<16xi32>,
        %swap3A_382 = vector.shape_cast %swap3A_381 : vector<16xi32> to vector<16xi32>
        %swap3A_383 = vector.shape_cast %add3A_379 : vector<16xi32> to vector<16xi32>
        tpu.vector_store %arg9[%swap3A_380], %swap3A_383 {strides = array<i32>} : memref<128xi32, #tpu.memory_space<vmem>>, vector<16xi32>,
        %get3A_384 = arith.index_cast %add3A_363 : i32 to index
        %get3A_385 = arith.constant 16 : index
        %get3A_386 = tpu.vector_load %arg7[%get3A_384, %get3A_385] {strides = array<i32>} : memref<42x128xi32, #tpu.memory_space<vmem>>, vector<1x16xi32>,
        %get3A_387 = vector.shape_cast %get3A_386 : vector<1x16xi32> to vector<16xi32>
        %and3A_388 = arith.constant 65535 : i32
        %and3A_389 = vector.broadcast %and3A_388 : i32 to vector<16xi32>
        %and3A_390 = arith.andi %get3A_387, %and3A_389 : vector<16xi32>
        %add3A_391 = arith.addi %and3A_390, %add3A_4 : vector<16xi32>
        %swap3A_392 = arith.constant 16 : index
        %swap3A_393 = tpu.vector_load %arg9[%swap3A_392] {strides = array<i32>} : memref<128xi32, #tpu.memory_space<vmem>>, vector<16xi32>,
        %swap3A_394 = vector.shape_cast %swap3A_393 : vector<16xi32> to vector<16xi32>
        %swap3A_395 = vector.shape_cast %add3A_391 : vector<16xi32> to vector<16xi32>
        tpu.vector_store %arg9[%swap3A_392], %swap3A_395 {strides = array<i32>} : memref<128xi32, #tpu.memory_space<vmem>>, vector<16xi32>,
        %shift_right_logical3A_396 = arith.constant 16 : i32
        %shift_right_logical3A_397 = vector.broadcast %shift_right_logical3A_396 : i32 to vector<16xi32>
        %shift_right_logical3A_398 = arith.shrui %get3A_387, %shift_right_logical3A_397 : vector<16xi32>
        %add3A_399 = arith.addi %shift_right_logical3A_398, %add3A_4 : vector<16xi32>
        %swap3A_400 = arith.constant 80 : index
        %swap3A_401 = tpu.vector_load %arg9[%swap3A_400] {strides = array<i32>} : memref<128xi32, #tpu.memory_space<vmem>>, vector<16xi32>,
        %swap3A_402 = vector.shape_cast %swap3A_401 : vector<16xi32> to vector<16xi32>
        %swap3A_403 = vector.shape_cast %add3A_399 : vector<16xi32> to vector<16xi32>
        tpu.vector_store %arg9[%swap3A_400], %swap3A_403 {strides = array<i32>} : memref<128xi32, #tpu.memory_space<vmem>>, vector<16xi32>,
        %get3A_404 = arith.index_cast %add3A_363 : i32 to index
        %get3A_405 = arith.constant 32 : index
        %get3A_406 = tpu.vector_load %arg7[%get3A_404, %get3A_405] {strides = array<i32>} : memref<42x128xi32, #tpu.memory_space<vmem>>, vector<1x16xi32>,
        %get3A_407 = vector.shape_cast %get3A_406 : vector<1x16xi32> to vector<16xi32>
        %and3A_408 = arith.constant 65535 : i32
        %and3A_409 = vector.broadcast %and3A_408 : i32 to vector<16xi32>
        %and3A_410 = arith.andi %get3A_407, %and3A_409 : vector<16xi32>
        %add3A_411 = arith.addi %and3A_410, %add3A_4 : vector<16xi32>
        %swap3A_412 = arith.constant 32 : index
        %swap3A_413 = tpu.vector_load %arg9[%swap3A_412] {strides = array<i32>} : memref<128xi32, #tpu.memory_space<vmem>>, vector<16xi32>,
        %swap3A_414 = vector.shape_cast %swap3A_413 : vector<16xi32> to vector<16xi32>
        %swap3A_415 = vector.shape_cast %add3A_411 : vector<16xi32> to vector<16xi32>
        tpu.vector_store %arg9[%swap3A_412], %swap3A_415 {strides = array<i32>} : memref<128xi32, #tpu.memory_space<vmem>>, vector<16xi32>,
        %shift_right_logical3A_416 = arith.constant 16 : i32
        %shift_right_logical3A_417 = vector.broadcast %shift_right_logical3A_416 : i32 to vector<16xi32>
        %shift_right_logical3A_418 = arith.shrui %get3A_407, %shift_right_logical3A_417 : vector<16xi32>
        %add3A_419 = arith.addi %shift_right_logical3A_418, %add3A_4 : vector<16xi32>
        %swap3A_420 = arith.constant 96 : index
        %swap3A_421 = tpu.vector_load %arg9[%swap3A_420] {strides = array<i32>} : memref<128xi32, #tpu.memory_space<vmem>>, vector<16xi32>,
        %swap3A_422 = vector.shape_cast %swap3A_421 : vector<16xi32> to vector<16xi32>
        %swap3A_423 = vector.shape_cast %add3A_419 : vector<16xi32> to vector<16xi32>
        tpu.vector_store %arg9[%swap3A_420], %swap3A_423 {strides = array<i32>} : memref<128xi32, #tpu.memory_space<vmem>>, vector<16xi32>,
        %get3A_424 = arith.index_cast %add3A_363 : i32 to index
        %get3A_425 = arith.constant 48 : index
        %get3A_426 = tpu.vector_load %arg7[%get3A_424, %get3A_425] {strides = array<i32>} : memref<42x128xi32, #tpu.memory_space<vmem>>, vector<1x16xi32>,
        %get3A_427 = vector.shape_cast %get3A_426 : vector<1x16xi32> to vector<16xi32>
        %and3A_428 = arith.constant 65535 : i32
        %and3A_429 = vector.broadcast %and3A_428 : i32 to vector<16xi32>
        %and3A_430 = arith.andi %get3A_427, %and3A_429 : vector<16xi32>
        %add3A_431 = arith.addi %and3A_430, %add3A_4 : vector<16xi32>
        %swap3A_432 = arith.constant 48 : index
        %swap3A_433 = tpu.vector_load %arg9[%swap3A_432] {strides = array<i32>} : memref<128xi32, #tpu.memory_space<vmem>>, vector<16xi32>,
        %swap3A_434 = vector.shape_cast %swap3A_433 : vector<16xi32> to vector<16xi32>
        %swap3A_435 = vector.shape_cast %add3A_431 : vector<16xi32> to vector<16xi32>
        tpu.vector_store %arg9[%swap3A_432], %swap3A_435 {strides = array<i32>} : memref<128xi32, #tpu.memory_space<vmem>>, vector<16xi32>,
        %shift_right_logical3A_436 = arith.constant 16 : i32
        %shift_right_logical3A_437 = vector.broadcast %shift_right_logical3A_436 : i32 to vector<16xi32>
        %shift_right_logical3A_438 = arith.shrui %get3A_427, %shift_right_logical3A_437 : vector<16xi32>
        %add3A_439 = arith.addi %shift_right_logical3A_438, %add3A_4 : vector<16xi32>
        %swap3A_440 = arith.constant 112 : index
        %swap3A_441 = tpu.vector_load %arg9[%swap3A_440] {strides = array<i32>} : memref<128xi32, #tpu.memory_space<vmem>>, vector<16xi32>,
        %swap3A_442 = vector.shape_cast %swap3A_441 : vector<16xi32> to vector<16xi32>
        %swap3A_443 = vector.shape_cast %add3A_439 : vector<16xi32> to vector<16xi32>
        tpu.vector_store %arg9[%swap3A_440], %swap3A_443 {strides = array<i32>} : memref<128xi32, #tpu.memory_space<vmem>>, vector<16xi32>,
        %dma_start3A_444 = arith.constant 0 : i32
        %dma_start3A_445 = arith.constant 0 : i32
        %dma_start3A_446 = tpu.memref_slice %arg2[%dma_start3A_444, %dma_start3A_445] : memref<20000x128xf32, #tpu.memory_space<hbm>> -> memref<20000x128xf32, #tpu.memory_space<hbm>>
        tpu.enqueue_indirect_dma source(%dma_start3A_446 : memref<20000x128xf32, #tpu.memory_space<hbm>>) target(%arg12 : memref<128x128xf32, #tpu.memory_space<vmem>>) offsets(%arg9 : memref<128xi32, #tpu.memory_space<vmem>>) semaphore(%arg14 : memref<!tpu.dma_semaphore, #tpu.memory_space<semaphore_mem>>)
      } else {
      }
      %get3A_286 = arith.index_cast %scan3A_122 : i32 to index
      %get3A_287 = arith.constant 64 : index
      %get3A_288 = tpu.vector_load %arg8[%get3A_286, %get3A_287] {strides = array<i32>} : memref<42x128xi32, #tpu.memory_space<vmem>>, vector<1x16xi32>,
      %get3A_289 = vector.shape_cast %get3A_288 : vector<1x16xi32> to vector<16xi32>
      %and3A_290 = arith.constant 65535 : i32
      %and3A_291 = vector.broadcast %and3A_290 : i32 to vector<16xi32>
      %and3A_292 = arith.andi %get3A_289, %and3A_291 : vector<16xi32>
      %swap3A_293 = arith.constant 0 : index
      %swap3A_294 = tpu.vector_load %arg11[%swap3A_293] {strides = array<i32>} : memref<128xi32, #tpu.memory_space<vmem>>, vector<16xi32>,
      %swap3A_295 = vector.shape_cast %swap3A_294 : vector<16xi32> to vector<16xi32>
      %swap3A_296 = vector.shape_cast %and3A_292 : vector<16xi32> to vector<16xi32>
      tpu.vector_store %arg11[%swap3A_293], %swap3A_296 {strides = array<i32>} : memref<128xi32, #tpu.memory_space<vmem>>, vector<16xi32>,
      %shift_right_logical3A_297 = arith.constant 16 : i32
      %shift_right_logical3A_298 = vector.broadcast %shift_right_logical3A_297 : i32 to vector<16xi32>
      %shift_right_logical3A_299 = arith.shrui %get3A_289, %shift_right_logical3A_298 : vector<16xi32>
      %swap3A_300 = arith.constant 64 : index
      %swap3A_301 = tpu.vector_load %arg11[%swap3A_300] {strides = array<i32>} : memref<128xi32, #tpu.memory_space<vmem>>, vector<16xi32>,
      %swap3A_302 = vector.shape_cast %swap3A_301 : vector<16xi32> to vector<16xi32>
      %swap3A_303 = vector.shape_cast %shift_right_logical3A_299 : vector<16xi32> to vector<16xi32>
      tpu.vector_store %arg11[%swap3A_300], %swap3A_303 {strides = array<i32>} : memref<128xi32, #tpu.memory_space<vmem>>, vector<16xi32>,
      %get3A_304 = arith.index_cast %scan3A_122 : i32 to index
      %get3A_305 = arith.constant 80 : index
      %get3A_306 = tpu.vector_load %arg8[%get3A_304, %get3A_305] {strides = array<i32>} : memref<42x128xi32, #tpu.memory_space<vmem>>, vector<1x16xi32>,
      %get3A_307 = vector.shape_cast %get3A_306 : vector<1x16xi32> to vector<16xi32>
      %and3A_308 = arith.constant 65535 : i32
      %and3A_309 = vector.broadcast %and3A_308 : i32 to vector<16xi32>
      %and3A_310 = arith.andi %get3A_307, %and3A_309 : vector<16xi32>
      %swap3A_311 = arith.constant 16 : index
      %swap3A_312 = tpu.vector_load %arg11[%swap3A_311] {strides = array<i32>} : memref<128xi32, #tpu.memory_space<vmem>>, vector<16xi32>,
      %swap3A_313 = vector.shape_cast %swap3A_312 : vector<16xi32> to vector<16xi32>
      %swap3A_314 = vector.shape_cast %and3A_310 : vector<16xi32> to vector<16xi32>
      tpu.vector_store %arg11[%swap3A_311], %swap3A_314 {strides = array<i32>} : memref<128xi32, #tpu.memory_space<vmem>>, vector<16xi32>,
      %shift_right_logical3A_315 = arith.constant 16 : i32
      %shift_right_logical3A_316 = vector.broadcast %shift_right_logical3A_315 : i32 to vector<16xi32>
      %shift_right_logical3A_317 = arith.shrui %get3A_307, %shift_right_logical3A_316 : vector<16xi32>
      %swap3A_318 = arith.constant 80 : index
      %swap3A_319 = tpu.vector_load %arg11[%swap3A_318] {strides = array<i32>} : memref<128xi32, #tpu.memory_space<vmem>>, vector<16xi32>,
      %swap3A_320 = vector.shape_cast %swap3A_319 : vector<16xi32> to vector<16xi32>
      %swap3A_321 = vector.shape_cast %shift_right_logical3A_317 : vector<16xi32> to vector<16xi32>
      tpu.vector_store %arg11[%swap3A_318], %swap3A_321 {strides = array<i32>} : memref<128xi32, #tpu.memory_space<vmem>>, vector<16xi32>,
      %get3A_322 = arith.index_cast %scan3A_122 : i32 to index
      %get3A_323 = arith.constant 96 : index
      %get3A_324 = tpu.vector_load %arg8[%get3A_322, %get3A_323] {strides = array<i32>} : memref<42x128xi32, #tpu.memory_space<vmem>>, vector<1x16xi32>,
      %get3A_325 = vector.shape_cast %get3A_324 : vector<1x16xi32> to vector<16xi32>
      %and3A_326 = arith.constant 65535 : i32
      %and3A_327 = vector.broadcast %and3A_326 : i32 to vector<16xi32>
      %and3A_328 = arith.andi %get3A_325, %and3A_327 : vector<16xi32>
      %swap3A_329 = arith.constant 32 : index
      %swap3A_330 = tpu.vector_load %arg11[%swap3A_329] {strides = array<i32>} : memref<128xi32, #tpu.memory_space<vmem>>, vector<16xi32>,
      %swap3A_331 = vector.shape_cast %swap3A_330 : vector<16xi32> to vector<16xi32>
      %swap3A_332 = vector.shape_cast %and3A_328 : vector<16xi32> to vector<16xi32>
      tpu.vector_store %arg11[%swap3A_329], %swap3A_332 {strides = array<i32>} : memref<128xi32, #tpu.memory_space<vmem>>, vector<16xi32>,
      %shift_right_logical3A_333 = arith.constant 16 : i32
      %shift_right_logical3A_334 = vector.broadcast %shift_right_logical3A_333 : i32 to vector<16xi32>
      %shift_right_logical3A_335 = arith.shrui %get3A_325, %shift_right_logical3A_334 : vector<16xi32>
      %swap3A_336 = arith.constant 96 : index
      %swap3A_337 = tpu.vector_load %arg11[%swap3A_336] {strides = array<i32>} : memref<128xi32, #tpu.memory_space<vmem>>, vector<16xi32>,
      %swap3A_338 = vector.shape_cast %swap3A_337 : vector<16xi32> to vector<16xi32>
      %swap3A_339 = vector.shape_cast %shift_right_logical3A_335 : vector<16xi32> to vector<16xi32>
      tpu.vector_store %arg11[%swap3A_336], %swap3A_339 {strides = array<i32>} : memref<128xi32, #tpu.memory_space<vmem>>, vector<16xi32>,
      %get3A_340 = arith.index_cast %scan3A_122 : i32 to index
      %get3A_341 = arith.constant 112 : index
      %get3A_342 = tpu.vector_load %arg8[%get3A_340, %get3A_341] {strides = array<i32>} : memref<42x128xi32, #tpu.memory_space<vmem>>, vector<1x16xi32>,
      %get3A_343 = vector.shape_cast %get3A_342 : vector<1x16xi32> to vector<16xi32>
      %and3A_344 = arith.constant 65535 : i32
      %and3A_345 = vector.broadcast %and3A_344 : i32 to vector<16xi32>
      %and3A_346 = arith.andi %get3A_343, %and3A_345 : vector<16xi32>
      %swap3A_347 = arith.constant 48 : index
      %swap3A_348 = tpu.vector_load %arg11[%swap3A_347] {strides = array<i32>} : memref<128xi32, #tpu.memory_space<vmem>>, vector<16xi32>,
      %swap3A_349 = vector.shape_cast %swap3A_348 : vector<16xi32> to vector<16xi32>
      %swap3A_350 = vector.shape_cast %and3A_346 : vector<16xi32> to vector<16xi32>
      tpu.vector_store %arg11[%swap3A_347], %swap3A_350 {strides = array<i32>} : memref<128xi32, #tpu.memory_space<vmem>>, vector<16xi32>,
      %shift_right_logical3A_351 = arith.constant 16 : i32
      %shift_right_logical3A_352 = vector.broadcast %shift_right_logical3A_351 : i32 to vector<16xi32>
      %shift_right_logical3A_353 = arith.shrui %get3A_343, %shift_right_logical3A_352 : vector<16xi32>
      %swap3A_354 = arith.constant 112 : index
      %swap3A_355 = tpu.vector_load %arg11[%swap3A_354] {strides = array<i32>} : memref<128xi32, #tpu.memory_space<vmem>>, vector<16xi32>,
      %swap3A_356 = vector.shape_cast %swap3A_355 : vector<16xi32> to vector<16xi32>
      %swap3A_357 = vector.shape_cast %shift_right_logical3A_353 : vector<16xi32> to vector<16xi32>
      tpu.vector_store %arg11[%swap3A_354], %swap3A_357 {strides = array<i32>} : memref<128xi32, #tpu.memory_space<vmem>>, vector<16xi32>,
      %dma_wait3A_358 = arith.constant 0 : i32
      %dma_wait3A_359 = arith.constant 0 : i32
      %dma_wait3A_360 = tpu.memref_slice %arg2[%dma_wait3A_358, %dma_wait3A_359] : memref<20000x128xf32, #tpu.memory_space<hbm>> -> memref<20000x128xf32, #tpu.memory_space<hbm>>
      tpu.wait_indirect_dma semaphore(%arg15 : memref<!tpu.dma_semaphore, #tpu.memory_space<semaphore_mem>>) src(%dma_wait3A_360 : memref<20000x128xf32, #tpu.memory_space<hbm>>) dst(%arg13 : memref<128x128xf32, #tpu.memory_space<vmem>>)
      "tpu.region"() ({
        %run_scoped3A = tpu.sem_alloc : memref<!tpu.dma_semaphore, #tpu.memory_space<semaphore_mem>>
        %dma_start3A_362 = arith.constant 0 : i32
        %dma_start3A_363 = arith.constant 0 : i32
        %dma_start3A_364 = tpu.memref_slice %arg6[%dma_start3A_362, %dma_start3A_363] : memref<10240x128xf32, #tpu.memory_space<vmem_shared>> -> memref<10240x128xf32, #tpu.memory_space<vmem_shared>>
        tpu.enqueue_indirect_dma source(%arg13 : memref<128x128xf32, #tpu.memory_space<vmem>>) target(%dma_start3A_364 : memref<10240x128xf32, #tpu.memory_space<vmem_shared>>) offsets(%arg11 : memref<128xi32, #tpu.memory_space<vmem>>) semaphore(%run_scoped3A : memref<!tpu.dma_semaphore, #tpu.memory_space<semaphore_mem>>) {add = true}
        %dma_wait3A_365 = arith.constant 0 : i32
        %dma_wait3A_366 = arith.constant 0 : i32
        %dma_wait3A_367 = tpu.memref_slice %arg6[%dma_wait3A_365, %dma_wait3A_366] : memref<10240x128xf32, #tpu.memory_space<vmem_shared>> -> memref<10240x128xf32, #tpu.memory_space<vmem_shared>>
        tpu.wait_indirect_dma semaphore(%run_scoped3A : memref<!tpu.dma_semaphore, #tpu.memory_space<semaphore_mem>>) src(%arg13 : memref<128x128xf32, #tpu.memory_space<vmem>>) dst(%dma_wait3A_367 : memref<10240x128xf32, #tpu.memory_space<vmem_shared>>)
        tpu.yield
      }) : () -> ()
      %scan3A_361 = arith.constant 0 : i32
      scf.yield %scan3A_361 : i32
    }
    %scan3A_106 = arith.constant 42 : i32
    %barrier3A_107 = arith.constant 0 : index
    tpu.barrier barrier_id(%barrier3A_107)
    %mul3A_108 = arith.constant 624 : i32
    %mul3A_109 = arith.muli %arg1, %mul3A_108 : i32
    %multiple_of3A = tpu.assume_multiple %mul3A_109, 16 : i32
    %mul3A_110 = arith.constant 10000 : i32
    %mul3A_111 = arith.muli %arg0, %mul3A_110 : i32
    %mul3A_112 = arith.constant 624 : i32
    %mul3A_113 = arith.muli %arg1, %mul3A_112 : i32
    %add3A_114 = arith.addi %mul3A_111, %mul3A_113 : i32
    %multiple_of3A_115 = tpu.assume_multiple %add3A_114, 16 : i32
    %lt3A = arith.constant 15 : i32
    %lt3A_116 = arith.cmpi slt, %arg1, %lt3A : i32
    %convert_element_type3A = arith.extui %lt3A_116 : i1 to i32
    %cond3A = arith.constant 0 : i32
    %cond3A_117 = arith.cmpi ne, %convert_element_type3A, %cond3A : i32
    scf.if %cond3A_117 {
      "tpu.region"() ({
        %run_scoped3A = tpu.sem_alloc : memref<!tpu.dma_semaphore, #tpu.memory_space<semaphore_mem>>
        %dma_start3A_122 = arith.constant 0 : i32
        %dma_start3A_123 = tpu.memref_slice %arg5[%multiple_of3A_115, %dma_start3A_122] : memref<20000x128xf32, #tpu.memory_space<hbm>> -> memref<624x128xf32, #tpu.memory_space<hbm>>
        %dma_start3A_124 = arith.constant 0 : i32
        %dma_start3A_125 = tpu.memref_slice %arg6[%multiple_of3A, %dma_start3A_124] : memref<10240x128xf32, #tpu.memory_space<vmem_shared>> -> memref<624x128xf32, #tpu.memory_space<vmem_shared>>
        tpu.enqueue_dma source(%dma_start3A_125 : memref<624x128xf32, #tpu.memory_space<vmem_shared>>) target(%dma_start3A_123 : memref<624x128xf32, #tpu.memory_space<hbm>>) target_semaphore(%run_scoped3A : memref<!tpu.dma_semaphore, #tpu.memory_space<semaphore_mem>>)
        %dma_wait3A = arith.constant 0 : i32
        %dma_wait3A_126 = tpu.memref_slice %arg5[%multiple_of3A_115, %dma_wait3A] : memref<20000x128xf32, #tpu.memory_space<hbm>> -> memref<624x128xf32, #tpu.memory_space<hbm>>
        %dma_wait3A_127 = arith.constant 0 : i32
        %dma_wait3A_128 = tpu.memref_slice %arg6[%multiple_of3A, %dma_wait3A_127] : memref<10240x128xf32, #tpu.memory_space<vmem_shared>> -> memref<624x128xf32, #tpu.memory_space<vmem_shared>>
        tpu.wait_dma2 semaphore(%run_scoped3A : memref<!tpu.dma_semaphore, #tpu.memory_space<semaphore_mem>>) src(%dma_wait3A_128 : memref<624x128xf32, #tpu.memory_space<vmem_shared>>) dst(%dma_wait3A_126 : memref<624x128xf32, #tpu.memory_space<hbm>>)
        tpu.yield
      }) : () -> ()
    } else {
    }
    %eq3A = arith.constant 15 : i32
    %eq3A_118 = arith.cmpi eq, %arg1, %eq3A : i32
    %convert_element_type3A_119 = arith.extui %eq3A_118 : i1 to i32
    %cond3A_120 = arith.constant 0 : i32
    %cond3A_121 = arith.cmpi ne, %convert_element_type3A_119, %cond3A_120 : i32
    scf.if %cond3A_121 {
      "tpu.region"() ({
        %run_scoped3A = tpu.sem_alloc : memref<!tpu.dma_semaphore, #tpu.memory_space<semaphore_mem>>
        %dma_start3A_122 = arith.constant 0 : i32
        %dma_start3A_123 = tpu.memref_slice %arg5[%multiple_of3A_115, %dma_start3A_122] : memref<20000x128xf32, #tpu.memory_space<hbm>> -> memref<640x128xf32, #tpu.memory_space<hbm>>
        %dma_start3A_124 = arith.constant 0 : i32
        %dma_start3A_125 = tpu.memref_slice %arg6[%multiple_of3A, %dma_start3A_124] : memref<10240x128xf32, #tpu.memory_space<vmem_shared>> -> memref<640x128xf32, #tpu.memory_space<vmem_shared>>
        tpu.enqueue_dma source(%dma_start3A_125 : memref<640x128xf32, #tpu.memory_space<vmem_shared>>) target(%dma_start3A_123 : memref<640x128xf32, #tpu.memory_space<hbm>>) target_semaphore(%run_scoped3A : memref<!tpu.dma_semaphore, #tpu.memory_space<semaphore_mem>>)
        %dma_wait3A = arith.constant 0 : i32
        %dma_wait3A_126 = tpu.memref_slice %arg5[%multiple_of3A_115, %dma_wait3A] : memref<20000x128xf32, #tpu.memory_space<hbm>> -> memref<640x128xf32, #tpu.memory_space<hbm>>
        %dma_wait3A_127 = arith.constant 0 : i32
        %dma_wait3A_128 = tpu.memref_slice %arg6[%multiple_of3A, %dma_wait3A_127] : memref<10240x128xf32, #tpu.memory_space<vmem_shared>> -> memref<640x128xf32, #tpu.memory_space<vmem_shared>>
        tpu.wait_dma2 semaphore(%run_scoped3A : memref<!tpu.dma_semaphore, #tpu.memory_space<semaphore_mem>>) src(%dma_wait3A_128 : memref<640x128xf32, #tpu.memory_space<vmem_shared>>) dst(%dma_wait3A_126 : memref<640x128xf32, #tpu.memory_space<hbm>>)
        tpu.yield
      }) : () -> ()
    } else {
    }
    return
  }
}

#map = affine_map<(d0, d1) -> (0, 0)>
#map1 = affine_map<(d0, d1) -> (0, 0, 0)>
module attributes {stable_mosaic.version = 14 : i64} {
  func.func @_sc_layer_body(%arg0: i32, %arg1: i32, %arg2: memref<20000x128xf32, #tpu.memory_space<hbm>>, %arg3: memref<16x42x128xi32, #tpu.memory_space<hbm>>, %arg4: memref<16x42x128xi32, #tpu.memory_space<hbm>>, %arg5: memref<20000x128xf32, #tpu.memory_space<hbm>>, %arg6: memref<10240x128xf32, #tpu.memory_space<vmem_shared>>, %arg7: memref<42x128xi32, #tpu.memory_space<vmem>>, %arg8: memref<42x128xi32, #tpu.memory_space<vmem>>, %arg9: memref<128xi32, #tpu.memory_space<vmem>>, %arg10: memref<128xi32, #tpu.memory_space<vmem>>, %arg11: memref<128xi32, #tpu.memory_space<vmem>>, %arg12: memref<128x128xf32, #tpu.memory_space<vmem>>, %arg13: memref<128x128xf32, #tpu.memory_space<vmem>>, %arg14: memref<!tpu.dma_semaphore, #tpu.memory_space<semaphore_mem>>, %arg15: memref<!tpu.dma_semaphore, #tpu.memory_space<semaphore_mem>>) attributes {dimension_semantics = [#tpu.dimension_semantics<core_parallel>, #tpu.dimension_semantics<subcore_parallel>], iteration_bounds = array<i64: 2, 16>, scalar_prefetch = 0 : i64, scratch_operands = 10 : i64, tpu.core_type = #tpu.core_type<sc_vector_subcore>, window_params = [{transform_indices = #map}, {transform_indices = #map1}, {transform_indices = #map1}, {transform_indices = #map}]} {
    %broadcast_in_dim3A = arith.constant 0.000000e+00 : f32
    %broadcast_in_dim3A_0 = vector.broadcast %broadcast_in_dim3A : f32 to vector<16xf32>
    %broadcast_in_dim3A_1 = arith.constant 0 : i32
    %broadcast_in_dim3A_2 = vector.broadcast %broadcast_in_dim3A_1 : i32 to vector<16xi32>
    %mul3A = arith.constant 10000 : i32
    %mul3A_3 = arith.muli %arg0, %mul3A : i32
    %add3A = vector.broadcast %mul3A_3 : i32 to vector<16xi32>
    %add3A_4 = arith.addi %broadcast_in_dim3A_2, %add3A : vector<16xi32>
    %scan3A = arith.constant 0 : i32
    %scan3A_5 = arith.constant 0 : i32
    %scan3A_6 = arith.constant 128 : i32
    %scan3A_7 = arith.addi %scan3A_5, %scan3A_6 : i32
    %scan3A_8 = arith.constant 1 : i32
    %scan3A_9 = scf.for %scan3A_122 = %scan3A_5 to %scan3A_7 step %scan3A_8 iter_args(%scan3A_123 = %scan3A) -> (i32)  : i32 {
      %scan3A_124 = arith.constant 0 : i32
      %scan3A_125 = arith.constant 0 : i32
      %scan3A_126 = arith.constant 8 : i32
      %scan3A_127 = arith.addi %scan3A_125, %scan3A_126 : i32
      %scan3A_128 = arith.constant 1 : i32
      %scan3A_129 = scf.for %scan3A_132 = %scan3A_125 to %scan3A_127 step %scan3A_128 iter_args(%scan3A_133 = %scan3A_124) -> (i32)  : i32 {
        %mul3A_134 = arith.constant 16 : i32
        %mul3A_135 = arith.muli %scan3A_132, %mul3A_134 : i32
        %swap3A_136 = arith.index_cast %scan3A_122 : i32 to index
        %swap3A_137 = arith.index_cast %mul3A_135 : i32 to index
        %swap3A_138 = tpu.vector_load %arg12[%swap3A_136, %swap3A_137] {strides = array<i32>} : memref<128x128xf32, #tpu.memory_space<vmem>>, vector<1x16xf32>,
        %swap3A_139 = vector.shape_cast %swap3A_138 : vector<1x16xf32> to vector<16xf32>
        %swap3A_140 = vector.shape_cast %broadcast_in_dim3A_0 : vector<16xf32> to vector<1x16xf32>
        tpu.vector_store %arg12[%swap3A_136, %swap3A_137], %swap3A_140 {strides = array<i32>} : memref<128x128xf32, #tpu.memory_space<vmem>>, vector<1x16xf32>,
        %scan3A_141 = arith.constant 0 : i32
        scf.yield %scan3A_141 : i32
      }
      %scan3A_130 = arith.constant 8 : i32
      %scan3A_131 = arith.constant 0 : i32
      scf.yield %scan3A_131 : i32
    }
    %scan3A_10 = arith.constant 128 : i32
    %scan3A_11 = arith.constant 0 : i32
    %scan3A_12 = arith.constant 0 : i32
    %scan3A_13 = arith.constant 5 : i32
    %scan3A_14 = arith.addi %scan3A_12, %scan3A_13 : i32
    %scan3A_15 = arith.constant 1 : i32
    %scan3A_16 = scf.for %scan3A_122 = %scan3A_12 to %scan3A_14 step %scan3A_15 iter_args(%scan3A_123 = %scan3A_11) -> (i32)  : i32 {
      %mul3A_124 = arith.constant 640 : i32
      %mul3A_125 = arith.muli %arg1, %mul3A_124 : i32
      %mul3A_126 = arith.constant 128 : i32
      %mul3A_127 = arith.muli %scan3A_122, %mul3A_126 : i32
      %add3A_128 = arith.addi %mul3A_125, %mul3A_127 : i32
      %multiple_of3A_129 = tpu.assume_multiple %add3A_128, 128 : i32
      "tpu.region"() ({
        %run_scoped3A = tpu.sem_alloc : memref<!tpu.dma_semaphore, #tpu.memory_space<semaphore_mem>>
        %dma_start3A_131 = arith.constant 0 : i32
        %dma_start3A_132 = tpu.memref_slice %arg6[%multiple_of3A_129, %dma_start3A_131] : memref<10240x128xf32, #tpu.memory_space<vmem_shared>> -> memref<128x128xf32, #tpu.memory_space<vmem_shared>>
        %dma_start3A_133 = arith.constant 0 : i32
        %dma_start3A_134 = tpu.memref_slice %arg6[%multiple_of3A_129, %dma_start3A_133] : memref<10240x128xf32, #tpu.memory_space<vmem_shared>> -> memref<128x128xf32, #tpu.memory_space<vmem_shared>>
        tpu.enqueue_dma source(%arg12 : memref<128x128xf32, #tpu.memory_space<vmem>>) target(%dma_start3A_134 : memref<128x128xf32, #tpu.memory_space<vmem_shared>>) target_semaphore(%run_scoped3A : memref<!tpu.dma_semaphore, #tpu.memory_space<semaphore_mem>>)
        %dma_wait3A = arith.constant 0 : i32
        %dma_wait3A_135 = tpu.memref_slice %arg6[%multiple_of3A_129, %dma_wait3A] : memref<10240x128xf32, #tpu.memory_space<vmem_shared>> -> memref<128x128xf32, #tpu.memory_space<vmem_shared>>
        %dma_wait3A_136 = arith.constant 0 : i32
        %dma_wait3A_137 = tpu.memref_slice %arg6[%multiple_of3A_129, %dma_wait3A_136] : memref<10240x128xf32, #tpu.memory_space<vmem_shared>> -> memref<128x128xf32, #tpu.memory_space<vmem_shared>>
        tpu.wait_dma2 semaphore(%run_scoped3A : memref<!tpu.dma_semaphore, #tpu.memory_space<semaphore_mem>>) src(%arg12 : memref<128x128xf32, #tpu.memory_space<vmem>>) dst(%dma_wait3A_137 : memref<128x128xf32, #tpu.memory_space<vmem_shared>>)
        tpu.yield
      }) : () -> ()
      %scan3A_130 = arith.constant 0 : i32
      scf.yield %scan3A_130 : i32
    }
    %scan3A_17 = arith.constant 5 : i32
    "tpu.region"() ({
      %run_scoped3A = tpu.sem_alloc : memref<!tpu.dma_semaphore, #tpu.memory_space<semaphore_mem>>
      %dma_start3A_122 = arith.constant 0 : i32
      %dma_start3A_123 = arith.constant 0 : i32
      %dma_start3A_124 = tpu.memref_slice %arg3[%arg1, %dma_start3A_122, %dma_start3A_123] : memref<16x42x128xi32, #tpu.memory_space<hbm>> -> memref<1x42x128xi32, #tpu.memory_space<hbm>>
      %dma_start3A_125 = tpu.memref_squeeze %dma_start3A_124 : memref<1x42x128xi32, #tpu.memory_space<hbm>> -> memref<42x128xi32, #tpu.memory_space<hbm>>
      %dma_start3A_126 = arith.constant 0 : i32
      %dma_start3A_127 = arith.constant 0 : i32
      %dma_start3A_128 = tpu.memref_slice %arg3[%arg1, %dma_start3A_126, %dma_start3A_127] : memref<16x42x128xi32, #tpu.memory_space<hbm>> -> memref<1x42x128xi32, #tpu.memory_space<hbm>>
      %dma_start3A_129 = tpu.memref_squeeze %dma_start3A_128 : memref<1x42x128xi32, #tpu.memory_space<hbm>> -> memref<42x128xi32, #tpu.memory_space<hbm>>
      tpu.enqueue_dma source(%dma_start3A_129 : memref<42x128xi32, #tpu.memory_space<hbm>>) target(%arg7 : memref<42x128xi32, #tpu.memory_space<vmem>>) target_semaphore(%run_scoped3A : memref<!tpu.dma_semaphore, #tpu.memory_space<semaphore_mem>>)
      %dma_wait3A = arith.constant 0 : i32
      %dma_wait3A_130 = arith.constant 0 : i32
      %dma_wait3A_131 = tpu.memref_slice %arg3[%arg1, %dma_wait3A, %dma_wait3A_130] : memref<16x42x128xi32, #tpu.memory_space<hbm>> -> memref<1x42x128xi32, #tpu.memory_space<hbm>>
      %dma_wait3A_132 = tpu.memref_squeeze %dma_wait3A_131 : memref<1x42x128xi32, #tpu.memory_space<hbm>> -> memref<42x128xi32, #tpu.memory_space<hbm>>
      %dma_wait3A_133 = arith.constant 0 : i32
      %dma_wait3A_134 = arith.constant 0 : i32
      %dma_wait3A_135 = tpu.memref_slice %arg3[%arg1, %dma_wait3A_133, %dma_wait3A_134] : memref<16x42x128xi32, #tpu.memory_space<hbm>> -> memref<1x42x128xi32, #tpu.memory_space<hbm>>
      %dma_wait3A_136 = tpu.memref_squeeze %dma_wait3A_135 : memref<1x42x128xi32, #tpu.memory_space<hbm>> -> memref<42x128xi32, #tpu.memory_space<hbm>>
      tpu.wait_dma2 semaphore(%run_scoped3A : memref<!tpu.dma_semaphore, #tpu.memory_space<semaphore_mem>>) src(%dma_wait3A_136 : memref<42x128xi32, #tpu.memory_space<hbm>>) dst(%arg7 : memref<42x128xi32, #tpu.memory_space<vmem>>)
      tpu.yield
    }) : () -> ()
    "tpu.region"() ({
      %run_scoped3A = tpu.sem_alloc : memref<!tpu.dma_semaphore, #tpu.memory_space<semaphore_mem>>
      %dma_start3A_122 = arith.constant 0 : i32
      %dma_start3A_123 = arith.constant 0 : i32
      %dma_start3A_124 = tpu.memref_slice %arg4[%arg1, %dma_start3A_122, %dma_start3A_123] : memref<16x42x128xi32, #tpu.memory_space<hbm>> -> memref<1x42x128xi32, #tpu.memory_space<hbm>>
      %dma_start3A_125 = tpu.memref_squeeze %dma_start3A_124 : memref<1x42x128xi32, #tpu.memory_space<hbm>> -> memref<42x128xi32, #tpu.memory_space<hbm>>
      %dma_start3A_126 = arith.constant 0 : i32
      %dma_start3A_127 = arith.constant 0 : i32
      %dma_start3A_128 = tpu.memref_slice %arg4[%arg1, %dma_start3A_126, %dma_start3A_127] : memref<16x42x128xi32, #tpu.memory_space<hbm>> -> memref<1x42x128xi32, #tpu.memory_space<hbm>>
      %dma_start3A_129 = tpu.memref_squeeze %dma_start3A_128 : memref<1x42x128xi32, #tpu.memory_space<hbm>> -> memref<42x128xi32, #tpu.memory_space<hbm>>
      tpu.enqueue_dma source(%dma_start3A_129 : memref<42x128xi32, #tpu.memory_space<hbm>>) target(%arg8 : memref<42x128xi32, #tpu.memory_space<vmem>>) target_semaphore(%run_scoped3A : memref<!tpu.dma_semaphore, #tpu.memory_space<semaphore_mem>>)
      %dma_wait3A = arith.constant 0 : i32
      %dma_wait3A_130 = arith.constant 0 : i32
      %dma_wait3A_131 = tpu.memref_slice %arg4[%arg1, %dma_wait3A, %dma_wait3A_130] : memref<16x42x128xi32, #tpu.memory_space<hbm>> -> memref<1x42x128xi32, #tpu.memory_space<hbm>>
      %dma_wait3A_132 = tpu.memref_squeeze %dma_wait3A_131 : memref<1x42x128xi32, #tpu.memory_space<hbm>> -> memref<42x128xi32, #tpu.memory_space<hbm>>
      %dma_wait3A_133 = arith.constant 0 : i32
      %dma_wait3A_134 = arith.constant 0 : i32
      %dma_wait3A_135 = tpu.memref_slice %arg4[%arg1, %dma_wait3A_133, %dma_wait3A_134] : memref<16x42x128xi32, #tpu.memory_space<hbm>> -> memref<1x42x128xi32, #tpu.memory_space<hbm>>
      %dma_wait3A_136 = tpu.memref_squeeze %dma_wait3A_135 : memref<1x42x128xi32, #tpu.memory_space<hbm>> -> memref<42x128xi32, #tpu.memory_space<hbm>>
      tpu.wait_dma2 semaphore(%run_scoped3A : memref<!tpu.dma_semaphore, #tpu.memory_space<semaphore_mem>>) src(%dma_wait3A_136 : memref<42x128xi32, #tpu.memory_space<hbm>>) dst(%arg8 : memref<42x128xi32, #tpu.memory_space<vmem>>)
      tpu.yield
    }) : () -> ()
    %barrier3A = arith.constant 0 : index
    tpu.barrier barrier_id(%barrier3A)
    %get3A = arith.constant 0 : i32
    %get3A_18 = arith.index_cast %get3A : i32 to index
    %get3A_19 = arith.constant 0 : index
    %get3A_20 = tpu.vector_load %arg7[%get3A_18, %get3A_19] {strides = array<i32>} : memref<42x128xi32, #tpu.memory_space<vmem>>, vector<1x16xi32>,
    %get3A_21 = vector.shape_cast %get3A_20 : vector<1x16xi32> to vector<16xi32>
    %and3A = arith.constant 65535 : i32
    %and3A_22 = vector.broadcast %and3A : i32 to vector<16xi32>
    %and3A_23 = arith.andi %get3A_21, %and3A_22 : vector<16xi32>
    %add3A_24 = arith.addi %and3A_23, %add3A_4 : vector<16xi32>
    %swap3A = arith.constant 0 : index
    %swap3A_25 = tpu.vector_load %arg9[%swap3A] {strides = array<i32>} : memref<128xi32, #tpu.memory_space<vmem>>, vector<16xi32>,
    %swap3A_26 = vector.shape_cast %swap3A_25 : vector<16xi32> to vector<16xi32>
    %swap3A_27 = vector.shape_cast %add3A_24 : vector<16xi32> to vector<16xi32>
    tpu.vector_store %arg9[%swap3A], %swap3A_27 {strides = array<i32>} : memref<128xi32, #tpu.memory_space<vmem>>, vector<16xi32>,
    %shift_right_logical3A = arith.constant 16 : i32
    %shift_right_logical3A_28 = vector.broadcast %shift_right_logical3A : i32 to vector<16xi32>
    %shift_right_logical3A_29 = arith.shrui %get3A_21, %shift_right_logical3A_28 : vector<16xi32>
    %add3A_30 = arith.addi %shift_right_logical3A_29, %add3A_4 : vector<16xi32>
    %swap3A_31 = arith.constant 64 : index
    %swap3A_32 = tpu.vector_load %arg9[%swap3A_31] {strides = array<i32>} : memref<128xi32, #tpu.memory_space<vmem>>, vector<16xi32>,
    %swap3A_33 = vector.shape_cast %swap3A_32 : vector<16xi32> to vector<16xi32>
    %swap3A_34 = vector.shape_cast %add3A_30 : vector<16xi32> to vector<16xi32>
    tpu.vector_store %arg9[%swap3A_31], %swap3A_34 {strides = array<i32>} : memref<128xi32, #tpu.memory_space<vmem>>, vector<16xi32>,
    %get3A_35 = arith.constant 0 : i32
    %get3A_36 = arith.index_cast %get3A_35 : i32 to index
    %get3A_37 = arith.constant 16 : index
    %get3A_38 = tpu.vector_load %arg7[%get3A_36, %get3A_37] {strides = array<i32>} : memref<42x128xi32, #tpu.memory_space<vmem>>, vector<1x16xi32>,
    %get3A_39 = vector.shape_cast %get3A_38 : vector<1x16xi32> to vector<16xi32>
    %and3A_40 = arith.constant 65535 : i32
    %and3A_41 = vector.broadcast %and3A_40 : i32 to vector<16xi32>
    %and3A_42 = arith.andi %get3A_39, %and3A_41 : vector<16xi32>
    %add3A_43 = arith.addi %and3A_42, %add3A_4 : vector<16xi32>
    %swap3A_44 = arith.constant 16 : index
    %swap3A_45 = tpu.vector_load %arg9[%swap3A_44] {strides = array<i32>} : memref<128xi32, #tpu.memory_space<vmem>>, vector<16xi32>,
    %swap3A_46 = vector.shape_cast %swap3A_45 : vector<16xi32> to vector<16xi32>
    %swap3A_47 = vector.shape_cast %add3A_43 : vector<16xi32> to vector<16xi32>
    tpu.vector_store %arg9[%swap3A_44], %swap3A_47 {strides = array<i32>} : memref<128xi32, #tpu.memory_space<vmem>>, vector<16xi32>,
    %shift_right_logical3A_48 = arith.constant 16 : i32
    %shift_right_logical3A_49 = vector.broadcast %shift_right_logical3A_48 : i32 to vector<16xi32>
    %shift_right_logical3A_50 = arith.shrui %get3A_39, %shift_right_logical3A_49 : vector<16xi32>
    %add3A_51 = arith.addi %shift_right_logical3A_50, %add3A_4 : vector<16xi32>
    %swap3A_52 = arith.constant 80 : index
    %swap3A_53 = tpu.vector_load %arg9[%swap3A_52] {strides = array<i32>} : memref<128xi32, #tpu.memory_space<vmem>>, vector<16xi32>,
    %swap3A_54 = vector.shape_cast %swap3A_53 : vector<16xi32> to vector<16xi32>
    %swap3A_55 = vector.shape_cast %add3A_51 : vector<16xi32> to vector<16xi32>
    tpu.vector_store %arg9[%swap3A_52], %swap3A_55 {strides = array<i32>} : memref<128xi32, #tpu.memory_space<vmem>>, vector<16xi32>,
    %get3A_56 = arith.constant 0 : i32
    %get3A_57 = arith.index_cast %get3A_56 : i32 to index
    %get3A_58 = arith.constant 32 : index
    %get3A_59 = tpu.vector_load %arg7[%get3A_57, %get3A_58] {strides = array<i32>} : memref<42x128xi32, #tpu.memory_space<vmem>>, vector<1x16xi32>,
    %get3A_60 = vector.shape_cast %get3A_59 : vector<1x16xi32> to vector<16xi32>
    %and3A_61 = arith.constant 65535 : i32
    %and3A_62 = vector.broadcast %and3A_61 : i32 to vector<16xi32>
    %and3A_63 = arith.andi %get3A_60, %and3A_62 : vector<16xi32>
    %add3A_64 = arith.addi %and3A_63, %add3A_4 : vector<16xi32>
    %swap3A_65 = arith.constant 32 : index
    %swap3A_66 = tpu.vector_load %arg9[%swap3A_65] {strides = array<i32>} : memref<128xi32, #tpu.memory_space<vmem>>, vector<16xi32>,
    %swap3A_67 = vector.shape_cast %swap3A_66 : vector<16xi32> to vector<16xi32>
    %swap3A_68 = vector.shape_cast %add3A_64 : vector<16xi32> to vector<16xi32>
    tpu.vector_store %arg9[%swap3A_65], %swap3A_68 {strides = array<i32>} : memref<128xi32, #tpu.memory_space<vmem>>, vector<16xi32>,
    %shift_right_logical3A_69 = arith.constant 16 : i32
    %shift_right_logical3A_70 = vector.broadcast %shift_right_logical3A_69 : i32 to vector<16xi32>
    %shift_right_logical3A_71 = arith.shrui %get3A_60, %shift_right_logical3A_70 : vector<16xi32>
    %add3A_72 = arith.addi %shift_right_logical3A_71, %add3A_4 : vector<16xi32>
    %swap3A_73 = arith.constant 96 : index
    %swap3A_74 = tpu.vector_load %arg9[%swap3A_73] {strides = array<i32>} : memref<128xi32, #tpu.memory_space<vmem>>, vector<16xi32>,
    %swap3A_75 = vector.shape_cast %swap3A_74 : vector<16xi32> to vector<16xi32>
    %swap3A_76 = vector.shape_cast %add3A_72 : vector<16xi32> to vector<16xi32>
    tpu.vector_store %arg9[%swap3A_73], %swap3A_76 {strides = array<i32>} : memref<128xi32, #tpu.memory_space<vmem>>, vector<16xi32>,
    %get3A_77 = arith.constant 0 : i32
    %get3A_78 = arith.index_cast %get3A_77 : i32 to index
    %get3A_79 = arith.constant 48 : index
    %get3A_80 = tpu.vector_load %arg7[%get3A_78, %get3A_79] {strides = array<i32>} : memref<42x128xi32, #tpu.memory_space<vmem>>, vector<1x16xi32>,
    %get3A_81 = vector.shape_cast %get3A_80 : vector<1x16xi32> to vector<16xi32>
    %and3A_82 = arith.constant 65535 : i32
    %and3A_83 = vector.broadcast %and3A_82 : i32 to vector<16xi32>
    %and3A_84 = arith.andi %get3A_81, %and3A_83 : vector<16xi32>
    %add3A_85 = arith.addi %and3A_84, %add3A_4 : vector<16xi32>
    %swap3A_86 = arith.constant 48 : index
    %swap3A_87 = tpu.vector_load %arg9[%swap3A_86] {strides = array<i32>} : memref<128xi32, #tpu.memory_space<vmem>>, vector<16xi32>,
    %swap3A_88 = vector.shape_cast %swap3A_87 : vector<16xi32> to vector<16xi32>
    %swap3A_89 = vector.shape_cast %add3A_85 : vector<16xi32> to vector<16xi32>
    tpu.vector_store %arg9[%swap3A_86], %swap3A_89 {strides = array<i32>} : memref<128xi32, #tpu.memory_space<vmem>>, vector<16xi32>,
    %shift_right_logical3A_90 = arith.constant 16 : i32
    %shift_right_logical3A_91 = vector.broadcast %shift_right_logical3A_90 : i32 to vector<16xi32>
    %shift_right_logical3A_92 = arith.shrui %get3A_81, %shift_right_logical3A_91 : vector<16xi32>
    %add3A_93 = arith.addi %shift_right_logical3A_92, %add3A_4 : vector<16xi32>
    %swap3A_94 = arith.constant 112 : index
    %swap3A_95 = tpu.vector_load %arg9[%swap3A_94] {strides = array<i32>} : memref<128xi32, #tpu.memory_space<vmem>>, vector<16xi32>,
    %swap3A_96 = vector.shape_cast %swap3A_95 : vector<16xi32> to vector<16xi32>
    %swap3A_97 = vector.shape_cast %add3A_93 : vector<16xi32> to vector<16xi32>
    tpu.vector_store %arg9[%swap3A_94], %swap3A_97 {strides = array<i32>} : memref<128xi32, #tpu.memory_space<vmem>>, vector<16xi32>,
    %dma_start3A = arith.constant 0 : i32
    %dma_start3A_98 = arith.constant 0 : i32
    %dma_start3A_99 = tpu.memref_slice %arg2[%dma_start3A, %dma_start3A_98] : memref<20000x128xf32, #tpu.memory_space<hbm>> -> memref<20000x128xf32, #tpu.memory_space<hbm>>
    tpu.enqueue_indirect_dma source(%dma_start3A_99 : memref<20000x128xf32, #tpu.memory_space<hbm>>) target(%arg12 : memref<128x128xf32, #tpu.memory_space<vmem>>) offsets(%arg9 : memref<128xi32, #tpu.memory_space<vmem>>) semaphore(%arg14 : memref<!tpu.dma_semaphore, #tpu.memory_space<semaphore_mem>>)
    %scan3A_100 = arith.constant 0 : i32
    %scan3A_101 = arith.constant 0 : i32
    %scan3A_102 = arith.constant 42 : i32
    %scan3A_103 = arith.addi %scan3A_101, %scan3A_102 : i32
    %scan3A_104 = arith.constant 1 : i32
    %scan3A_105 = scf.for %scan3A_122 = %scan3A_101 to %scan3A_103 step %scan3A_104 iter_args(%scan3A_123 = %scan3A_100) -> (i32)  : i32 {
      %get3A_124 = arith.index_cast %scan3A_122 : i32 to index
      %get3A_125 = arith.constant 64 : index
      %get3A_126 = tpu.vector_load %arg7[%get3A_124, %get3A_125] {strides = array<i32>} : memref<42x128xi32, #tpu.memory_space<vmem>>, vector<1x16xi32>,
      %get3A_127 = vector.shape_cast %get3A_126 : vector<1x16xi32> to vector<16xi32>
      %and3A_128 = arith.constant 65535 : i32
      %and3A_129 = vector.broadcast %and3A_128 : i32 to vector<16xi32>
      %and3A_130 = arith.andi %get3A_127, %and3A_129 : vector<16xi32>
      %add3A_131 = arith.addi %and3A_130, %add3A_4 : vector<16xi32>
      %swap3A_132 = arith.constant 0 : index
      %swap3A_133 = tpu.vector_load %arg10[%swap3A_132] {strides = array<i32>} : memref<128xi32, #tpu.memory_space<vmem>>, vector<16xi32>,
      %swap3A_134 = vector.shape_cast %swap3A_133 : vector<16xi32> to vector<16xi32>
      %swap3A_135 = vector.shape_cast %add3A_131 : vector<16xi32> to vector<16xi32>
      tpu.vector_store %arg10[%swap3A_132], %swap3A_135 {strides = array<i32>} : memref<128xi32, #tpu.memory_space<vmem>>, vector<16xi32>,
      %shift_right_logical3A_136 = arith.constant 16 : i32
      %shift_right_logical3A_137 = vector.broadcast %shift_right_logical3A_136 : i32 to vector<16xi32>
      %shift_right_logical3A_138 = arith.shrui %get3A_127, %shift_right_logical3A_137 : vector<16xi32>
      %add3A_139 = arith.addi %shift_right_logical3A_138, %add3A_4 : vector<16xi32>
      %swap3A_140 = arith.constant 64 : index
      %swap3A_141 = tpu.vector_load %arg10[%swap3A_140] {strides = array<i32>} : memref<128xi32, #tpu.memory_space<vmem>>, vector<16xi32>,
      %swap3A_142 = vector.shape_cast %swap3A_141 : vector<16xi32> to vector<16xi32>
      %swap3A_143 = vector.shape_cast %add3A_139 : vector<16xi32> to vector<16xi32>
      tpu.vector_store %arg10[%swap3A_140], %swap3A_143 {strides = array<i32>} : memref<128xi32, #tpu.memory_space<vmem>>, vector<16xi32>,
      %get3A_144 = arith.index_cast %scan3A_122 : i32 to index
      %get3A_145 = arith.constant 80 : index
      %get3A_146 = tpu.vector_load %arg7[%get3A_144, %get3A_145] {strides = array<i32>} : memref<42x128xi32, #tpu.memory_space<vmem>>, vector<1x16xi32>,
      %get3A_147 = vector.shape_cast %get3A_146 : vector<1x16xi32> to vector<16xi32>
      %and3A_148 = arith.constant 65535 : i32
      %and3A_149 = vector.broadcast %and3A_148 : i32 to vector<16xi32>
      %and3A_150 = arith.andi %get3A_147, %and3A_149 : vector<16xi32>
      %add3A_151 = arith.addi %and3A_150, %add3A_4 : vector<16xi32>
      %swap3A_152 = arith.constant 16 : index
      %swap3A_153 = tpu.vector_load %arg10[%swap3A_152] {strides = array<i32>} : memref<128xi32, #tpu.memory_space<vmem>>, vector<16xi32>,
      %swap3A_154 = vector.shape_cast %swap3A_153 : vector<16xi32> to vector<16xi32>
      %swap3A_155 = vector.shape_cast %add3A_151 : vector<16xi32> to vector<16xi32>
      tpu.vector_store %arg10[%swap3A_152], %swap3A_155 {strides = array<i32>} : memref<128xi32, #tpu.memory_space<vmem>>, vector<16xi32>,
      %shift_right_logical3A_156 = arith.constant 16 : i32
      %shift_right_logical3A_157 = vector.broadcast %shift_right_logical3A_156 : i32 to vector<16xi32>
      %shift_right_logical3A_158 = arith.shrui %get3A_147, %shift_right_logical3A_157 : vector<16xi32>
      %add3A_159 = arith.addi %shift_right_logical3A_158, %add3A_4 : vector<16xi32>
      %swap3A_160 = arith.constant 80 : index
      %swap3A_161 = tpu.vector_load %arg10[%swap3A_160] {strides = array<i32>} : memref<128xi32, #tpu.memory_space<vmem>>, vector<16xi32>,
      %swap3A_162 = vector.shape_cast %swap3A_161 : vector<16xi32> to vector<16xi32>
      %swap3A_163 = vector.shape_cast %add3A_159 : vector<16xi32> to vector<16xi32>
      tpu.vector_store %arg10[%swap3A_160], %swap3A_163 {strides = array<i32>} : memref<128xi32, #tpu.memory_space<vmem>>, vector<16xi32>,
      %get3A_164 = arith.index_cast %scan3A_122 : i32 to index
      %get3A_165 = arith.constant 96 : index
      %get3A_166 = tpu.vector_load %arg7[%get3A_164, %get3A_165] {strides = array<i32>} : memref<42x128xi32, #tpu.memory_space<vmem>>, vector<1x16xi32>,
      %get3A_167 = vector.shape_cast %get3A_166 : vector<1x16xi32> to vector<16xi32>
      %and3A_168 = arith.constant 65535 : i32
      %and3A_169 = vector.broadcast %and3A_168 : i32 to vector<16xi32>
      %and3A_170 = arith.andi %get3A_167, %and3A_169 : vector<16xi32>
      %add3A_171 = arith.addi %and3A_170, %add3A_4 : vector<16xi32>
      %swap3A_172 = arith.constant 32 : index
      %swap3A_173 = tpu.vector_load %arg10[%swap3A_172] {strides = array<i32>} : memref<128xi32, #tpu.memory_space<vmem>>, vector<16xi32>,
      %swap3A_174 = vector.shape_cast %swap3A_173 : vector<16xi32> to vector<16xi32>
      %swap3A_175 = vector.shape_cast %add3A_171 : vector<16xi32> to vector<16xi32>
      tpu.vector_store %arg10[%swap3A_172], %swap3A_175 {strides = array<i32>} : memref<128xi32, #tpu.memory_space<vmem>>, vector<16xi32>,
      %shift_right_logical3A_176 = arith.constant 16 : i32
      %shift_right_logical3A_177 = vector.broadcast %shift_right_logical3A_176 : i32 to vector<16xi32>
      %shift_right_logical3A_178 = arith.shrui %get3A_167, %shift_right_logical3A_177 : vector<16xi32>
      %add3A_179 = arith.addi %shift_right_logical3A_178, %add3A_4 : vector<16xi32>
      %swap3A_180 = arith.constant 96 : index
      %swap3A_181 = tpu.vector_load %arg10[%swap3A_180] {strides = array<i32>} : memref<128xi32, #tpu.memory_space<vmem>>, vector<16xi32>,
      %swap3A_182 = vector.shape_cast %swap3A_181 : vector<16xi32> to vector<16xi32>
      %swap3A_183 = vector.shape_cast %add3A_179 : vector<16xi32> to vector<16xi32>
      tpu.vector_store %arg10[%swap3A_180], %swap3A_183 {strides = array<i32>} : memref<128xi32, #tpu.memory_space<vmem>>, vector<16xi32>,
      %get3A_184 = arith.index_cast %scan3A_122 : i32 to index
      %get3A_185 = arith.constant 112 : index
      %get3A_186 = tpu.vector_load %arg7[%get3A_184, %get3A_185] {strides = array<i32>} : memref<42x128xi32, #tpu.memory_space<vmem>>, vector<1x16xi32>,
      %get3A_187 = vector.shape_cast %get3A_186 : vector<1x16xi32> to vector<16xi32>
      %and3A_188 = arith.constant 65535 : i32
      %and3A_189 = vector.broadcast %and3A_188 : i32 to vector<16xi32>
      %and3A_190 = arith.andi %get3A_187, %and3A_189 : vector<16xi32>
      %add3A_191 = arith.addi %and3A_190, %add3A_4 : vector<16xi32>
      %swap3A_192 = arith.constant 48 : index
      %swap3A_193 = tpu.vector_load %arg10[%swap3A_192] {strides = array<i32>} : memref<128xi32, #tpu.memory_space<vmem>>, vector<16xi32>,
      %swap3A_194 = vector.shape_cast %swap3A_193 : vector<16xi32> to vector<16xi32>
      %swap3A_195 = vector.shape_cast %add3A_191 : vector<16xi32> to vector<16xi32>
      tpu.vector_store %arg10[%swap3A_192], %swap3A_195 {strides = array<i32>} : memref<128xi32, #tpu.memory_space<vmem>>, vector<16xi32>,
      %shift_right_logical3A_196 = arith.constant 16 : i32
      %shift_right_logical3A_197 = vector.broadcast %shift_right_logical3A_196 : i32 to vector<16xi32>
      %shift_right_logical3A_198 = arith.shrui %get3A_187, %shift_right_logical3A_197 : vector<16xi32>
      %add3A_199 = arith.addi %shift_right_logical3A_198, %add3A_4 : vector<16xi32>
      %swap3A_200 = arith.constant 112 : index
      %swap3A_201 = tpu.vector_load %arg10[%swap3A_200] {strides = array<i32>} : memref<128xi32, #tpu.memory_space<vmem>>, vector<16xi32>,
      %swap3A_202 = vector.shape_cast %swap3A_201 : vector<16xi32> to vector<16xi32>
      %swap3A_203 = vector.shape_cast %add3A_199 : vector<16xi32> to vector<16xi32>
      tpu.vector_store %arg10[%swap3A_200], %swap3A_203 {strides = array<i32>} : memref<128xi32, #tpu.memory_space<vmem>>, vector<16xi32>,
      %dma_start3A_204 = arith.constant 0 : i32
      %dma_start3A_205 = arith.constant 0 : i32
      %dma_start3A_206 = tpu.memref_slice %arg2[%dma_start3A_204, %dma_start3A_205] : memref<20000x128xf32, #tpu.memory_space<hbm>> -> memref<20000x128xf32, #tpu.memory_space<hbm>>
      tpu.enqueue_indirect_dma source(%dma_start3A_206 : memref<20000x128xf32, #tpu.memory_space<hbm>>) target(%arg13 : memref<128x128xf32, #tpu.memory_space<vmem>>) offsets(%arg10 : memref<128xi32, #tpu.memory_space<vmem>>) semaphore(%arg15 : memref<!tpu.dma_semaphore, #tpu.memory_space<semaphore_mem>>)
      %get3A_207 = arith.index_cast %scan3A_122 : i32 to index
      %get3A_208 = arith.constant 0 : index
      %get3A_209 = tpu.vector_load %arg8[%get3A_207, %get3A_208] {strides = array<i32>} : memref<42x128xi32, #tpu.memory_space<vmem>>, vector<1x16xi32>,
      %get3A_210 = vector.shape_cast %get3A_209 : vector<1x16xi32> to vector<16xi32>
      %and3A_211 = arith.constant 65535 : i32
      %and3A_212 = vector.broadcast %and3A_211 : i32 to vector<16xi32>
      %and3A_213 = arith.andi %get3A_210, %and3A_212 : vector<16xi32>
      %swap3A_214 = arith.constant 0 : index
      %swap3A_215 = tpu.vector_load %arg11[%swap3A_214] {strides = array<i32>} : memref<128xi32, #tpu.memory_space<vmem>>, vector<16xi32>,
      %swap3A_216 = vector.shape_cast %swap3A_215 : vector<16xi32> to vector<16xi32>
      %swap3A_217 = vector.shape_cast %and3A_213 : vector<16xi32> to vector<16xi32>
      tpu.vector_store %arg11[%swap3A_214], %swap3A_217 {strides = array<i32>} : memref<128xi32, #tpu.memory_space<vmem>>, vector<16xi32>,
      %shift_right_logical3A_218 = arith.constant 16 : i32
      %shift_right_logical3A_219 = vector.broadcast %shift_right_logical3A_218 : i32 to vector<16xi32>
      %shift_right_logical3A_220 = arith.shrui %get3A_210, %shift_right_logical3A_219 : vector<16xi32>
      %swap3A_221 = arith.constant 64 : index
      %swap3A_222 = tpu.vector_load %arg11[%swap3A_221] {strides = array<i32>} : memref<128xi32, #tpu.memory_space<vmem>>, vector<16xi32>,
      %swap3A_223 = vector.shape_cast %swap3A_222 : vector<16xi32> to vector<16xi32>
      %swap3A_224 = vector.shape_cast %shift_right_logical3A_220 : vector<16xi32> to vector<16xi32>
      tpu.vector_store %arg11[%swap3A_221], %swap3A_224 {strides = array<i32>} : memref<128xi32, #tpu.memory_space<vmem>>, vector<16xi32>,
      %get3A_225 = arith.index_cast %scan3A_122 : i32 to index
      %get3A_226 = arith.constant 16 : index
      %get3A_227 = tpu.vector_load %arg8[%get3A_225, %get3A_226] {strides = array<i32>} : memref<42x128xi32, #tpu.memory_space<vmem>>, vector<1x16xi32>,
      %get3A_228 = vector.shape_cast %get3A_227 : vector<1x16xi32> to vector<16xi32>
      %and3A_229 = arith.constant 65535 : i32
      %and3A_230 = vector.broadcast %and3A_229 : i32 to vector<16xi32>
      %and3A_231 = arith.andi %get3A_228, %and3A_230 : vector<16xi32>
      %swap3A_232 = arith.constant 16 : index
      %swap3A_233 = tpu.vector_load %arg11[%swap3A_232] {strides = array<i32>} : memref<128xi32, #tpu.memory_space<vmem>>, vector<16xi32>,
      %swap3A_234 = vector.shape_cast %swap3A_233 : vector<16xi32> to vector<16xi32>
      %swap3A_235 = vector.shape_cast %and3A_231 : vector<16xi32> to vector<16xi32>
      tpu.vector_store %arg11[%swap3A_232], %swap3A_235 {strides = array<i32>} : memref<128xi32, #tpu.memory_space<vmem>>, vector<16xi32>,
      %shift_right_logical3A_236 = arith.constant 16 : i32
      %shift_right_logical3A_237 = vector.broadcast %shift_right_logical3A_236 : i32 to vector<16xi32>
      %shift_right_logical3A_238 = arith.shrui %get3A_228, %shift_right_logical3A_237 : vector<16xi32>
      %swap3A_239 = arith.constant 80 : index
      %swap3A_240 = tpu.vector_load %arg11[%swap3A_239] {strides = array<i32>} : memref<128xi32, #tpu.memory_space<vmem>>, vector<16xi32>,
      %swap3A_241 = vector.shape_cast %swap3A_240 : vector<16xi32> to vector<16xi32>
      %swap3A_242 = vector.shape_cast %shift_right_logical3A_238 : vector<16xi32> to vector<16xi32>
      tpu.vector_store %arg11[%swap3A_239], %swap3A_242 {strides = array<i32>} : memref<128xi32, #tpu.memory_space<vmem>>, vector<16xi32>,
      %get3A_243 = arith.index_cast %scan3A_122 : i32 to index
      %get3A_244 = arith.constant 32 : index
      %get3A_245 = tpu.vector_load %arg8[%get3A_243, %get3A_244] {strides = array<i32>} : memref<42x128xi32, #tpu.memory_space<vmem>>, vector<1x16xi32>,
      %get3A_246 = vector.shape_cast %get3A_245 : vector<1x16xi32> to vector<16xi32>
      %and3A_247 = arith.constant 65535 : i32
      %and3A_248 = vector.broadcast %and3A_247 : i32 to vector<16xi32>
      %and3A_249 = arith.andi %get3A_246, %and3A_248 : vector<16xi32>
      %swap3A_250 = arith.constant 32 : index
      %swap3A_251 = tpu.vector_load %arg11[%swap3A_250] {strides = array<i32>} : memref<128xi32, #tpu.memory_space<vmem>>, vector<16xi32>,
      %swap3A_252 = vector.shape_cast %swap3A_251 : vector<16xi32> to vector<16xi32>
      %swap3A_253 = vector.shape_cast %and3A_249 : vector<16xi32> to vector<16xi32>
      tpu.vector_store %arg11[%swap3A_250], %swap3A_253 {strides = array<i32>} : memref<128xi32, #tpu.memory_space<vmem>>, vector<16xi32>,
      %shift_right_logical3A_254 = arith.constant 16 : i32
      %shift_right_logical3A_255 = vector.broadcast %shift_right_logical3A_254 : i32 to vector<16xi32>
      %shift_right_logical3A_256 = arith.shrui %get3A_246, %shift_right_logical3A_255 : vector<16xi32>
      %swap3A_257 = arith.constant 96 : index
      %swap3A_258 = tpu.vector_load %arg11[%swap3A_257] {strides = array<i32>} : memref<128xi32, #tpu.memory_space<vmem>>, vector<16xi32>,
      %swap3A_259 = vector.shape_cast %swap3A_258 : vector<16xi32> to vector<16xi32>
      %swap3A_260 = vector.shape_cast %shift_right_logical3A_256 : vector<16xi32> to vector<16xi32>
      tpu.vector_store %arg11[%swap3A_257], %swap3A_260 {strides = array<i32>} : memref<128xi32, #tpu.memory_space<vmem>>, vector<16xi32>,
      %get3A_261 = arith.index_cast %scan3A_122 : i32 to index
      %get3A_262 = arith.constant 48 : index
      %get3A_263 = tpu.vector_load %arg8[%get3A_261, %get3A_262] {strides = array<i32>} : memref<42x128xi32, #tpu.memory_space<vmem>>, vector<1x16xi32>,
      %get3A_264 = vector.shape_cast %get3A_263 : vector<1x16xi32> to vector<16xi32>
      %and3A_265 = arith.constant 65535 : i32
      %and3A_266 = vector.broadcast %and3A_265 : i32 to vector<16xi32>
      %and3A_267 = arith.andi %get3A_264, %and3A_266 : vector<16xi32>
      %swap3A_268 = arith.constant 48 : index
      %swap3A_269 = tpu.vector_load %arg11[%swap3A_268] {strides = array<i32>} : memref<128xi32, #tpu.memory_space<vmem>>, vector<16xi32>,
      %swap3A_270 = vector.shape_cast %swap3A_269 : vector<16xi32> to vector<16xi32>
      %swap3A_271 = vector.shape_cast %and3A_267 : vector<16xi32> to vector<16xi32>
      tpu.vector_store %arg11[%swap3A_268], %swap3A_271 {strides = array<i32>} : memref<128xi32, #tpu.memory_space<vmem>>, vector<16xi32>,
      %shift_right_logical3A_272 = arith.constant 16 : i32
      %shift_right_logical3A_273 = vector.broadcast %shift_right_logical3A_272 : i32 to vector<16xi32>
      %shift_right_logical3A_274 = arith.shrui %get3A_264, %shift_right_logical3A_273 : vector<16xi32>
      %swap3A_275 = arith.constant 112 : index
      %swap3A_276 = tpu.vector_load %arg11[%swap3A_275] {strides = array<i32>} : memref<128xi32, #tpu.memory_space<vmem>>, vector<16xi32>,
      %swap3A_277 = vector.shape_cast %swap3A_276 : vector<16xi32> to vector<16xi32>
      %swap3A_278 = vector.shape_cast %shift_right_logical3A_274 : vector<16xi32> to vector<16xi32>
      tpu.vector_store %arg11[%swap3A_275], %swap3A_278 {strides = array<i32>} : memref<128xi32, #tpu.memory_space<vmem>>, vector<16xi32>,
      %dma_wait3A = arith.constant 0 : i32
      %dma_wait3A_279 = arith.constant 0 : i32
      %dma_wait3A_280 = tpu.memref_slice %arg2[%dma_wait3A, %dma_wait3A_279] : memref<20000x128xf32, #tpu.memory_space<hbm>> -> memref<20000x128xf32, #tpu.memory_space<hbm>>
      tpu.wait_indirect_dma semaphore(%arg14 : memref<!tpu.dma_semaphore, #tpu.memory_space<semaphore_mem>>) src(%dma_wait3A_280 : memref<20000x128xf32, #tpu.memory_space<hbm>>) dst(%arg12 : memref<128x128xf32, #tpu.memory_space<vmem>>)
      "tpu.region"() ({
        %run_scoped3A = tpu.sem_alloc : memref<!tpu.dma_semaphore, #tpu.memory_space<semaphore_mem>>
        %dma_start3A_362 = arith.constant 0 : i32
        %dma_start3A_363 = arith.constant 0 : i32
        %dma_start3A_364 = tpu.memref_slice %arg6[%dma_start3A_362, %dma_start3A_363] : memref<10240x128xf32, #tpu.memory_space<vmem_shared>> -> memref<10240x128xf32, #tpu.memory_space<vmem_shared>>
        tpu.enqueue_indirect_dma source(%arg12 : memref<128x128xf32, #tpu.memory_space<vmem>>) target(%dma_start3A_364 : memref<10240x128xf32, #tpu.memory_space<vmem_shared>>) offsets(%arg11 : memref<128xi32, #tpu.memory_space<vmem>>) semaphore(%run_scoped3A : memref<!tpu.dma_semaphore, #tpu.memory_space<semaphore_mem>>) {add = true}
        %dma_wait3A_365 = arith.constant 0 : i32
        %dma_wait3A_366 = arith.constant 0 : i32
        %dma_wait3A_367 = tpu.memref_slice %arg6[%dma_wait3A_365, %dma_wait3A_366] : memref<10240x128xf32, #tpu.memory_space<vmem_shared>> -> memref<10240x128xf32, #tpu.memory_space<vmem_shared>>
        tpu.wait_indirect_dma semaphore(%run_scoped3A : memref<!tpu.dma_semaphore, #tpu.memory_space<semaphore_mem>>) src(%arg12 : memref<128x128xf32, #tpu.memory_space<vmem>>) dst(%dma_wait3A_367 : memref<10240x128xf32, #tpu.memory_space<vmem_shared>>)
        tpu.yield
      }) : () -> ()
      %lt3A_281 = arith.constant 41 : i32
      %lt3A_282 = arith.cmpi slt, %scan3A_122, %lt3A_281 : i32
      %convert_element_type3A_283 = arith.extui %lt3A_282 : i1 to i32
      %cond3A_284 = arith.constant 0 : i32
      %cond3A_285 = arith.cmpi ne, %convert_element_type3A_283, %cond3A_284 : i32
      scf.if %cond3A_285 {
        %add3A_362 = arith.constant 1 : i32
        %add3A_363 = arith.addi %scan3A_122, %add3A_362 : i32
        %get3A_364 = arith.index_cast %add3A_363 : i32 to index
        %get3A_365 = arith.constant 0 : index
        %get3A_366 = tpu.vector_load %arg7[%get3A_364, %get3A_365] {strides = array<i32>} : memref<42x128xi32, #tpu.memory_space<vmem>>, vector<1x16xi32>,
        %get3A_367 = vector.shape_cast %get3A_366 : vector<1x16xi32> to vector<16xi32>
        %and3A_368 = arith.constant 65535 : i32
        %and3A_369 = vector.broadcast %and3A_368 : i32 to vector<16xi32>
        %and3A_370 = arith.andi %get3A_367, %and3A_369 : vector<16xi32>
        %add3A_371 = arith.addi %and3A_370, %add3A_4 : vector<16xi32>
        %swap3A_372 = arith.constant 0 : index
        %swap3A_373 = tpu.vector_load %arg9[%swap3A_372] {strides = array<i32>} : memref<128xi32, #tpu.memory_space<vmem>>, vector<16xi32>,
        %swap3A_374 = vector.shape_cast %swap3A_373 : vector<16xi32> to vector<16xi32>
        %swap3A_375 = vector.shape_cast %add3A_371 : vector<16xi32> to vector<16xi32>
        tpu.vector_store %arg9[%swap3A_372], %swap3A_375 {strides = array<i32>} : memref<128xi32, #tpu.memory_space<vmem>>, vector<16xi32>,
        %shift_right_logical3A_376 = arith.constant 16 : i32
        %shift_right_logical3A_377 = vector.broadcast %shift_right_logical3A_376 : i32 to vector<16xi32>
        %shift_right_logical3A_378 = arith.shrui %get3A_367, %shift_right_logical3A_377 : vector<16xi32>
        %add3A_379 = arith.addi %shift_right_logical3A_378, %add3A_4 : vector<16xi32>
        %swap3A_380 = arith.constant 64 : index
        %swap3A_381 = tpu.vector_load %arg9[%swap3A_380] {strides = array<i32>} : memref<128xi32, #tpu.memory_space<vmem>>, vector<16xi32>,
        %swap3A_382 = vector.shape_cast %swap3A_381 : vector<16xi32> to vector<16xi32>
        %swap3A_383 = vector.shape_cast %add3A_379 : vector<16xi32> to vector<16xi32>
        tpu.vector_store %arg9[%swap3A_380], %swap3A_383 {strides = array<i32>} : memref<128xi32, #tpu.memory_space<vmem>>, vector<16xi32>,
        %get3A_384 = arith.index_cast %add3A_363 : i32 to index
        %get3A_385 = arith.constant 16 : index
        %get3A_386 = tpu.vector_load %arg7[%get3A_384, %get3A_385] {strides = array<i32>} : memref<42x128xi32, #tpu.memory_space<vmem>>, vector<1x16xi32>,
        %get3A_387 = vector.shape_cast %get3A_386 : vector<1x16xi32> to vector<16xi32>
        %and3A_388 = arith.constant 65535 : i32
        %and3A_389 = vector.broadcast %and3A_388 : i32 to vector<16xi32>
        %and3A_390 = arith.andi %get3A_387, %and3A_389 : vector<16xi32>
        %add3A_391 = arith.addi %and3A_390, %add3A_4 : vector<16xi32>
        %swap3A_392 = arith.constant 16 : index
        %swap3A_393 = tpu.vector_load %arg9[%swap3A_392] {strides = array<i32>} : memref<128xi32, #tpu.memory_space<vmem>>, vector<16xi32>,
        %swap3A_394 = vector.shape_cast %swap3A_393 : vector<16xi32> to vector<16xi32>
        %swap3A_395 = vector.shape_cast %add3A_391 : vector<16xi32> to vector<16xi32>
        tpu.vector_store %arg9[%swap3A_392], %swap3A_395 {strides = array<i32>} : memref<128xi32, #tpu.memory_space<vmem>>, vector<16xi32>,
        %shift_right_logical3A_396 = arith.constant 16 : i32
        %shift_right_logical3A_397 = vector.broadcast %shift_right_logical3A_396 : i32 to vector<16xi32>
        %shift_right_logical3A_398 = arith.shrui %get3A_387, %shift_right_logical3A_397 : vector<16xi32>
        %add3A_399 = arith.addi %shift_right_logical3A_398, %add3A_4 : vector<16xi32>
        %swap3A_400 = arith.constant 80 : index
        %swap3A_401 = tpu.vector_load %arg9[%swap3A_400] {strides = array<i32>} : memref<128xi32, #tpu.memory_space<vmem>>, vector<16xi32>,
        %swap3A_402 = vector.shape_cast %swap3A_401 : vector<16xi32> to vector<16xi32>
        %swap3A_403 = vector.shape_cast %add3A_399 : vector<16xi32> to vector<16xi32>
        tpu.vector_store %arg9[%swap3A_400], %swap3A_403 {strides = array<i32>} : memref<128xi32, #tpu.memory_space<vmem>>, vector<16xi32>,
        %get3A_404 = arith.index_cast %add3A_363 : i32 to index
        %get3A_405 = arith.constant 32 : index
        %get3A_406 = tpu.vector_load %arg7[%get3A_404, %get3A_405] {strides = array<i32>} : memref<42x128xi32, #tpu.memory_space<vmem>>, vector<1x16xi32>,
        %get3A_407 = vector.shape_cast %get3A_406 : vector<1x16xi32> to vector<16xi32>
        %and3A_408 = arith.constant 65535 : i32
        %and3A_409 = vector.broadcast %and3A_408 : i32 to vector<16xi32>
        %and3A_410 = arith.andi %get3A_407, %and3A_409 : vector<16xi32>
        %add3A_411 = arith.addi %and3A_410, %add3A_4 : vector<16xi32>
        %swap3A_412 = arith.constant 32 : index
        %swap3A_413 = tpu.vector_load %arg9[%swap3A_412] {strides = array<i32>} : memref<128xi32, #tpu.memory_space<vmem>>, vector<16xi32>,
        %swap3A_414 = vector.shape_cast %swap3A_413 : vector<16xi32> to vector<16xi32>
        %swap3A_415 = vector.shape_cast %add3A_411 : vector<16xi32> to vector<16xi32>
        tpu.vector_store %arg9[%swap3A_412], %swap3A_415 {strides = array<i32>} : memref<128xi32, #tpu.memory_space<vmem>>, vector<16xi32>,
        %shift_right_logical3A_416 = arith.constant 16 : i32
        %shift_right_logical3A_417 = vector.broadcast %shift_right_logical3A_416 : i32 to vector<16xi32>
        %shift_right_logical3A_418 = arith.shrui %get3A_407, %shift_right_logical3A_417 : vector<16xi32>
        %add3A_419 = arith.addi %shift_right_logical3A_418, %add3A_4 : vector<16xi32>
        %swap3A_420 = arith.constant 96 : index
        %swap3A_421 = tpu.vector_load %arg9[%swap3A_420] {strides = array<i32>} : memref<128xi32, #tpu.memory_space<vmem>>, vector<16xi32>,
        %swap3A_422 = vector.shape_cast %swap3A_421 : vector<16xi32> to vector<16xi32>
        %swap3A_423 = vector.shape_cast %add3A_419 : vector<16xi32> to vector<16xi32>
        tpu.vector_store %arg9[%swap3A_420], %swap3A_423 {strides = array<i32>} : memref<128xi32, #tpu.memory_space<vmem>>, vector<16xi32>,
        %get3A_424 = arith.index_cast %add3A_363 : i32 to index
        %get3A_425 = arith.constant 48 : index
        %get3A_426 = tpu.vector_load %arg7[%get3A_424, %get3A_425] {strides = array<i32>} : memref<42x128xi32, #tpu.memory_space<vmem>>, vector<1x16xi32>,
        %get3A_427 = vector.shape_cast %get3A_426 : vector<1x16xi32> to vector<16xi32>
        %and3A_428 = arith.constant 65535 : i32
        %and3A_429 = vector.broadcast %and3A_428 : i32 to vector<16xi32>
        %and3A_430 = arith.andi %get3A_427, %and3A_429 : vector<16xi32>
        %add3A_431 = arith.addi %and3A_430, %add3A_4 : vector<16xi32>
        %swap3A_432 = arith.constant 48 : index
        %swap3A_433 = tpu.vector_load %arg9[%swap3A_432] {strides = array<i32>} : memref<128xi32, #tpu.memory_space<vmem>>, vector<16xi32>,
        %swap3A_434 = vector.shape_cast %swap3A_433 : vector<16xi32> to vector<16xi32>
        %swap3A_435 = vector.shape_cast %add3A_431 : vector<16xi32> to vector<16xi32>
        tpu.vector_store %arg9[%swap3A_432], %swap3A_435 {strides = array<i32>} : memref<128xi32, #tpu.memory_space<vmem>>, vector<16xi32>,
        %shift_right_logical3A_436 = arith.constant 16 : i32
        %shift_right_logical3A_437 = vector.broadcast %shift_right_logical3A_436 : i32 to vector<16xi32>
        %shift_right_logical3A_438 = arith.shrui %get3A_427, %shift_right_logical3A_437 : vector<16xi32>
        %add3A_439 = arith.addi %shift_right_logical3A_438, %add3A_4 : vector<16xi32>
        %swap3A_440 = arith.constant 112 : index
        %swap3A_441 = tpu.vector_load %arg9[%swap3A_440] {strides = array<i32>} : memref<128xi32, #tpu.memory_space<vmem>>, vector<16xi32>,
        %swap3A_442 = vector.shape_cast %swap3A_441 : vector<16xi32> to vector<16xi32>
        %swap3A_443 = vector.shape_cast %add3A_439 : vector<16xi32> to vector<16xi32>
        tpu.vector_store %arg9[%swap3A_440], %swap3A_443 {strides = array<i32>} : memref<128xi32, #tpu.memory_space<vmem>>, vector<16xi32>,
        %dma_start3A_444 = arith.constant 0 : i32
        %dma_start3A_445 = arith.constant 0 : i32
        %dma_start3A_446 = tpu.memref_slice %arg2[%dma_start3A_444, %dma_start3A_445] : memref<20000x128xf32, #tpu.memory_space<hbm>> -> memref<20000x128xf32, #tpu.memory_space<hbm>>
        tpu.enqueue_indirect_dma source(%dma_start3A_446 : memref<20000x128xf32, #tpu.memory_space<hbm>>) target(%arg12 : memref<128x128xf32, #tpu.memory_space<vmem>>) offsets(%arg9 : memref<128xi32, #tpu.memory_space<vmem>>) semaphore(%arg14 : memref<!tpu.dma_semaphore, #tpu.memory_space<semaphore_mem>>)
      } else {
      }
      %get3A_286 = arith.index_cast %scan3A_122 : i32 to index
      %get3A_287 = arith.constant 64 : index
      %get3A_288 = tpu.vector_load %arg8[%get3A_286, %get3A_287] {strides = array<i32>} : memref<42x128xi32, #tpu.memory_space<vmem>>, vector<1x16xi32>,
      %get3A_289 = vector.shape_cast %get3A_288 : vector<1x16xi32> to vector<16xi32>
      %and3A_290 = arith.constant 65535 : i32
      %and3A_291 = vector.broadcast %and3A_290 : i32 to vector<16xi32>
      %and3A_292 = arith.andi %get3A_289, %and3A_291 : vector<16xi32>
      %swap3A_293 = arith.constant 0 : index
      %swap3A_294 = tpu.vector_load %arg11[%swap3A_293] {strides = array<i32>} : memref<128xi32, #tpu.memory_space<vmem>>, vector<16xi32>,
      %swap3A_295 = vector.shape_cast %swap3A_294 : vector<16xi32> to vector<16xi32>
      %swap3A_296 = vector.shape_cast %and3A_292 : vector<16xi32> to vector<16xi32>
      tpu.vector_store %arg11[%swap3A_293], %swap3A_296 {strides = array<i32>} : memref<128xi32, #tpu.memory_space<vmem>>, vector<16xi32>,
      %shift_right_logical3A_297 = arith.constant 16 : i32
      %shift_right_logical3A_298 = vector.broadcast %shift_right_logical3A_297 : i32 to vector<16xi32>
      %shift_right_logical3A_299 = arith.shrui %get3A_289, %shift_right_logical3A_298 : vector<16xi32>
      %swap3A_300 = arith.constant 64 : index
      %swap3A_301 = tpu.vector_load %arg11[%swap3A_300] {strides = array<i32>} : memref<128xi32, #tpu.memory_space<vmem>>, vector<16xi32>,
      %swap3A_302 = vector.shape_cast %swap3A_301 : vector<16xi32> to vector<16xi32>
      %swap3A_303 = vector.shape_cast %shift_right_logical3A_299 : vector<16xi32> to vector<16xi32>
      tpu.vector_store %arg11[%swap3A_300], %swap3A_303 {strides = array<i32>} : memref<128xi32, #tpu.memory_space<vmem>>, vector<16xi32>,
      %get3A_304 = arith.index_cast %scan3A_122 : i32 to index
      %get3A_305 = arith.constant 80 : index
      %get3A_306 = tpu.vector_load %arg8[%get3A_304, %get3A_305] {strides = array<i32>} : memref<42x128xi32, #tpu.memory_space<vmem>>, vector<1x16xi32>,
      %get3A_307 = vector.shape_cast %get3A_306 : vector<1x16xi32> to vector<16xi32>
      %and3A_308 = arith.constant 65535 : i32
      %and3A_309 = vector.broadcast %and3A_308 : i32 to vector<16xi32>
      %and3A_310 = arith.andi %get3A_307, %and3A_309 : vector<16xi32>
      %swap3A_311 = arith.constant 16 : index
      %swap3A_312 = tpu.vector_load %arg11[%swap3A_311] {strides = array<i32>} : memref<128xi32, #tpu.memory_space<vmem>>, vector<16xi32>,
      %swap3A_313 = vector.shape_cast %swap3A_312 : vector<16xi32> to vector<16xi32>
      %swap3A_314 = vector.shape_cast %and3A_310 : vector<16xi32> to vector<16xi32>
      tpu.vector_store %arg11[%swap3A_311], %swap3A_314 {strides = array<i32>} : memref<128xi32, #tpu.memory_space<vmem>>, vector<16xi32>,
      %shift_right_logical3A_315 = arith.constant 16 : i32
      %shift_right_logical3A_316 = vector.broadcast %shift_right_logical3A_315 : i32 to vector<16xi32>
      %shift_right_logical3A_317 = arith.shrui %get3A_307, %shift_right_logical3A_316 : vector<16xi32>
      %swap3A_318 = arith.constant 80 : index
      %swap3A_319 = tpu.vector_load %arg11[%swap3A_318] {strides = array<i32>} : memref<128xi32, #tpu.memory_space<vmem>>, vector<16xi32>,
      %swap3A_320 = vector.shape_cast %swap3A_319 : vector<16xi32> to vector<16xi32>
      %swap3A_321 = vector.shape_cast %shift_right_logical3A_317 : vector<16xi32> to vector<16xi32>
      tpu.vector_store %arg11[%swap3A_318], %swap3A_321 {strides = array<i32>} : memref<128xi32, #tpu.memory_space<vmem>>, vector<16xi32>,
      %get3A_322 = arith.index_cast %scan3A_122 : i32 to index
      %get3A_323 = arith.constant 96 : index
      %get3A_324 = tpu.vector_load %arg8[%get3A_322, %get3A_323] {strides = array<i32>} : memref<42x128xi32, #tpu.memory_space<vmem>>, vector<1x16xi32>,
      %get3A_325 = vector.shape_cast %get3A_324 : vector<1x16xi32> to vector<16xi32>
      %and3A_326 = arith.constant 65535 : i32
      %and3A_327 = vector.broadcast %and3A_326 : i32 to vector<16xi32>
      %and3A_328 = arith.andi %get3A_325, %and3A_327 : vector<16xi32>
      %swap3A_329 = arith.constant 32 : index
      %swap3A_330 = tpu.vector_load %arg11[%swap3A_329] {strides = array<i32>} : memref<128xi32, #tpu.memory_space<vmem>>, vector<16xi32>,
      %swap3A_331 = vector.shape_cast %swap3A_330 : vector<16xi32> to vector<16xi32>
      %swap3A_332 = vector.shape_cast %and3A_328 : vector<16xi32> to vector<16xi32>
      tpu.vector_store %arg11[%swap3A_329], %swap3A_332 {strides = array<i32>} : memref<128xi32, #tpu.memory_space<vmem>>, vector<16xi32>,
      %shift_right_logical3A_333 = arith.constant 16 : i32
      %shift_right_logical3A_334 = vector.broadcast %shift_right_logical3A_333 : i32 to vector<16xi32>
      %shift_right_logical3A_335 = arith.shrui %get3A_325, %shift_right_logical3A_334 : vector<16xi32>
      %swap3A_336 = arith.constant 96 : index
      %swap3A_337 = tpu.vector_load %arg11[%swap3A_336] {strides = array<i32>} : memref<128xi32, #tpu.memory_space<vmem>>, vector<16xi32>,
      %swap3A_338 = vector.shape_cast %swap3A_337 : vector<16xi32> to vector<16xi32>
      %swap3A_339 = vector.shape_cast %shift_right_logical3A_335 : vector<16xi32> to vector<16xi32>
      tpu.vector_store %arg11[%swap3A_336], %swap3A_339 {strides = array<i32>} : memref<128xi32, #tpu.memory_space<vmem>>, vector<16xi32>,
      %get3A_340 = arith.index_cast %scan3A_122 : i32 to index
      %get3A_341 = arith.constant 112 : index
      %get3A_342 = tpu.vector_load %arg8[%get3A_340, %get3A_341] {strides = array<i32>} : memref<42x128xi32, #tpu.memory_space<vmem>>, vector<1x16xi32>,
      %get3A_343 = vector.shape_cast %get3A_342 : vector<1x16xi32> to vector<16xi32>
      %and3A_344 = arith.constant 65535 : i32
      %and3A_345 = vector.broadcast %and3A_344 : i32 to vector<16xi32>
      %and3A_346 = arith.andi %get3A_343, %and3A_345 : vector<16xi32>
      %swap3A_347 = arith.constant 48 : index
      %swap3A_348 = tpu.vector_load %arg11[%swap3A_347] {strides = array<i32>} : memref<128xi32, #tpu.memory_space<vmem>>, vector<16xi32>,
      %swap3A_349 = vector.shape_cast %swap3A_348 : vector<16xi32> to vector<16xi32>
      %swap3A_350 = vector.shape_cast %and3A_346 : vector<16xi32> to vector<16xi32>
      tpu.vector_store %arg11[%swap3A_347], %swap3A_350 {strides = array<i32>} : memref<128xi32, #tpu.memory_space<vmem>>, vector<16xi32>,
      %shift_right_logical3A_351 = arith.constant 16 : i32
      %shift_right_logical3A_352 = vector.broadcast %shift_right_logical3A_351 : i32 to vector<16xi32>
      %shift_right_logical3A_353 = arith.shrui %get3A_343, %shift_right_logical3A_352 : vector<16xi32>
      %swap3A_354 = arith.constant 112 : index
      %swap3A_355 = tpu.vector_load %arg11[%swap3A_354] {strides = array<i32>} : memref<128xi32, #tpu.memory_space<vmem>>, vector<16xi32>,
      %swap3A_356 = vector.shape_cast %swap3A_355 : vector<16xi32> to vector<16xi32>
      %swap3A_357 = vector.shape_cast %shift_right_logical3A_353 : vector<16xi32> to vector<16xi32>
      tpu.vector_store %arg11[%swap3A_354], %swap3A_357 {strides = array<i32>} : memref<128xi32, #tpu.memory_space<vmem>>, vector<16xi32>,
      %dma_wait3A_358 = arith.constant 0 : i32
      %dma_wait3A_359 = arith.constant 0 : i32
      %dma_wait3A_360 = tpu.memref_slice %arg2[%dma_wait3A_358, %dma_wait3A_359] : memref<20000x128xf32, #tpu.memory_space<hbm>> -> memref<20000x128xf32, #tpu.memory_space<hbm>>
      tpu.wait_indirect_dma semaphore(%arg15 : memref<!tpu.dma_semaphore, #tpu.memory_space<semaphore_mem>>) src(%dma_wait3A_360 : memref<20000x128xf32, #tpu.memory_space<hbm>>) dst(%arg13 : memref<128x128xf32, #tpu.memory_space<vmem>>)
      "tpu.region"() ({
        %run_scoped3A = tpu.sem_alloc : memref<!tpu.dma_semaphore, #tpu.memory_space<semaphore_mem>>
        %dma_start3A_362 = arith.constant 0 : i32
        %dma_start3A_363 = arith.constant 0 : i32
        %dma_start3A_364 = tpu.memref_slice %arg6[%dma_start3A_362, %dma_start3A_363] : memref<10240x128xf32, #tpu.memory_space<vmem_shared>> -> memref<10240x128xf32, #tpu.memory_space<vmem_shared>>
        tpu.enqueue_indirect_dma source(%arg13 : memref<128x128xf32, #tpu.memory_space<vmem>>) target(%dma_start3A_364 : memref<10240x128xf32, #tpu.memory_space<vmem_shared>>) offsets(%arg11 : memref<128xi32, #tpu.memory_space<vmem>>) semaphore(%run_scoped3A : memref<!tpu.dma_semaphore, #tpu.memory_space<semaphore_mem>>) {add = true}
        %dma_wait3A_365 = arith.constant 0 : i32
        %dma_wait3A_366 = arith.constant 0 : i32
        %dma_wait3A_367 = tpu.memref_slice %arg6[%dma_wait3A_365, %dma_wait3A_366] : memref<10240x128xf32, #tpu.memory_space<vmem_shared>> -> memref<10240x128xf32, #tpu.memory_space<vmem_shared>>
        tpu.wait_indirect_dma semaphore(%run_scoped3A : memref<!tpu.dma_semaphore, #tpu.memory_space<semaphore_mem>>) src(%arg13 : memref<128x128xf32, #tpu.memory_space<vmem>>) dst(%dma_wait3A_367 : memref<10240x128xf32, #tpu.memory_space<vmem_shared>>)
        tpu.yield
      }) : () -> ()
      %scan3A_361 = arith.constant 0 : i32
      scf.yield %scan3A_361 : i32
    }
    %scan3A_106 = arith.constant 42 : i32
    %barrier3A_107 = arith.constant 0 : index
    tpu.barrier barrier_id(%barrier3A_107)
    %mul3A_108 = arith.constant 624 : i32
    %mul3A_109 = arith.muli %arg1, %mul3A_108 : i32
    %multiple_of3A = tpu.assume_multiple %mul3A_109, 16 : i32
    %mul3A_110 = arith.constant 10000 : i32
    %mul3A_111 = arith.muli %arg0, %mul3A_110 : i32
    %mul3A_112 = arith.constant 624 : i32
    %mul3A_113 = arith.muli %arg1, %mul3A_112 : i32
    %add3A_114 = arith.addi %mul3A_111, %mul3A_113 : i32
    %multiple_of3A_115 = tpu.assume_multiple %add3A_114, 16 : i32
    %lt3A = arith.constant 15 : i32
    %lt3A_116 = arith.cmpi slt, %arg1, %lt3A : i32
    %convert_element_type3A = arith.extui %lt3A_116 : i1 to i32
    %cond3A = arith.constant 0 : i32
    %cond3A_117 = arith.cmpi ne, %convert_element_type3A, %cond3A : i32
    scf.if %cond3A_117 {
      "tpu.region"() ({
        %run_scoped3A = tpu.sem_alloc : memref<!tpu.dma_semaphore, #tpu.memory_space<semaphore_mem>>
        %dma_start3A_122 = arith.constant 0 : i32
        %dma_start3A_123 = tpu.memref_slice %arg5[%multiple_of3A_115, %dma_start3A_122] : memref<20000x128xf32, #tpu.memory_space<hbm>> -> memref<624x128xf32, #tpu.memory_space<hbm>>
        %dma_start3A_124 = arith.constant 0 : i32
        %dma_start3A_125 = tpu.memref_slice %arg6[%multiple_of3A, %dma_start3A_124] : memref<10240x128xf32, #tpu.memory_space<vmem_shared>> -> memref<624x128xf32, #tpu.memory_space<vmem_shared>>
        tpu.enqueue_dma source(%dma_start3A_125 : memref<624x128xf32, #tpu.memory_space<vmem_shared>>) target(%dma_start3A_123 : memref<624x128xf32, #tpu.memory_space<hbm>>) target_semaphore(%run_scoped3A : memref<!tpu.dma_semaphore, #tpu.memory_space<semaphore_mem>>)
        %dma_wait3A = arith.constant 0 : i32
        %dma_wait3A_126 = tpu.memref_slice %arg5[%multiple_of3A_115, %dma_wait3A] : memref<20000x128xf32, #tpu.memory_space<hbm>> -> memref<624x128xf32, #tpu.memory_space<hbm>>
        %dma_wait3A_127 = arith.constant 0 : i32
        %dma_wait3A_128 = tpu.memref_slice %arg6[%multiple_of3A, %dma_wait3A_127] : memref<10240x128xf32, #tpu.memory_space<vmem_shared>> -> memref<624x128xf32, #tpu.memory_space<vmem_shared>>
        tpu.wait_dma2 semaphore(%run_scoped3A : memref<!tpu.dma_semaphore, #tpu.memory_space<semaphore_mem>>) src(%dma_wait3A_128 : memref<624x128xf32, #tpu.memory_space<vmem_shared>>) dst(%dma_wait3A_126 : memref<624x128xf32, #tpu.memory_space<hbm>>)
        tpu.yield
      }) : () -> ()
    } else {
    }
    %eq3A = arith.constant 15 : i32
    %eq3A_118 = arith.cmpi eq, %arg1, %eq3A : i32
    %convert_element_type3A_119 = arith.extui %eq3A_118 : i1 to i32
    %cond3A_120 = arith.constant 0 : i32
    %cond3A_121 = arith.cmpi ne, %convert_element_type3A_119, %cond3A_120 : i32
    scf.if %cond3A_121 {
      "tpu.region"() ({
        %run_scoped3A = tpu.sem_alloc : memref<!tpu.dma_semaphore, #tpu.memory_space<semaphore_mem>>
        %dma_start3A_122 = arith.constant 0 : i32
        %dma_start3A_123 = tpu.memref_slice %arg5[%multiple_of3A_115, %dma_start3A_122] : memref<20000x128xf32, #tpu.memory_space<hbm>> -> memref<640x128xf32, #tpu.memory_space<hbm>>
        %dma_start3A_124 = arith.constant 0 : i32
        %dma_start3A_125 = tpu.memref_slice %arg6[%multiple_of3A, %dma_start3A_124] : memref<10240x128xf32, #tpu.memory_space<vmem_shared>> -> memref<640x128xf32, #tpu.memory_space<vmem_shared>>
        tpu.enqueue_dma source(%dma_start3A_125 : memref<640x128xf32, #tpu.memory_space<vmem_shared>>) target(%dma_start3A_123 : memref<640x128xf32, #tpu.memory_space<hbm>>) target_semaphore(%run_scoped3A : memref<!tpu.dma_semaphore, #tpu.memory_space<semaphore_mem>>)
        %dma_wait3A = arith.constant 0 : i32
        %dma_wait3A_126 = tpu.memref_slice %arg5[%multiple_of3A_115, %dma_wait3A] : memref<20000x128xf32, #tpu.memory_space<hbm>> -> memref<640x128xf32, #tpu.memory_space<hbm>>
        %dma_wait3A_127 = arith.constant 0 : i32
        %dma_wait3A_128 = tpu.memref_slice %arg6[%multiple_of3A, %dma_wait3A_127] : memref<10240x128xf32, #tpu.memory_space<vmem_shared>> -> memref<640x128xf32, #tpu.memory_space<vmem_shared>>
        tpu.wait_dma2 semaphore(%run_scoped3A : memref<!tpu.dma_semaphore, #tpu.memory_space<semaphore_mem>>) src(%dma_wait3A_128 : memref<640x128xf32, #tpu.memory_space<vmem_shared>>) dst(%dma_wait3A_126 : memref<640x128xf32, #tpu.memory_space<hbm>>)
        tpu.yield
      }) : () -> ()
    } else {
    }
    return
  }
}

module attributes {stable_mosaic.version = 14 : i64} {
  func.func @_k0a_body(%arg0: i32, %arg1: memref<1000x256xf32, #tpu.memory_space<vmem>>, %arg2: memref<256x256xf32, #tpu.memory_space<vmem>>, %arg3: memref<1x256xf32, #tpu.memory_space<vmem>>, %arg4: memref<256x256xf32, #tpu.memory_space<vmem>>, %arg5: memref<1000x256xf32, #tpu.memory_space<vmem>>) attributes {dimension_semantics = [#tpu.dimension_semantics<arbitrary>], iteration_bounds = array<i64: 10>, scalar_prefetch = 0 : i64, scratch_operands = 0 : i64, tpu.core_type = #tpu.core_type<tc>, window_params = [{transform_indices = @transform_0, window_bounds = array<i64: 1000, 256>}, {pipeline_mode = #tpu.pipeline_mode<synchronous>, transform_indices = @transform_1, window_bounds = array<i64: 256, 256>}, {pipeline_mode = #tpu.pipeline_mode<synchronous>, transform_indices = @transform_2, window_bounds = array<i64: 1, 256>}, {pipeline_mode = #tpu.pipeline_mode<synchronous>, transform_indices = @transform_3, window_bounds = array<i64: 256, 256>}, {transform_indices = @transform_4, window_bounds = array<i64: 1000, 256>}]} {
    %get3A = arith.constant 0 : index
    %get3A_0 = arith.constant 0 : index
    %get3A_1 = vector.load %arg1[%get3A, %get3A_0] : memref<1000x256xf32, #tpu.memory_space<vmem>>, vector<1000x256xf32>
    %get3A_2 = arith.constant 0 : index
    %get3A_3 = arith.constant 0 : index
    %get3A_4 = vector.load %arg2[%get3A_2, %get3A_3] : memref<256x256xf32, #tpu.memory_space<vmem>>, vector<256x256xf32>
    %dot_general3A = arith.constant dense<0.000000e+00> : vector<1000x256xf32>
    %dot_general3A_5 = tpu.matmul %get3A_1, %get3A_4, %dot_general3A {dimension_numbers = #tpu.dot_dimension_numbers<[1], [0], [0], [1], [0, 0, 1, 1], [], []>, transpose_lhs_hint = false} : vector<1000x256xf32>, vector<256x256xf32>, vector<1000x256xf32> -> vector<1000x256xf32>
    %get3A_6 = arith.constant 0 : index
    %get3A_7 = arith.constant 0 : index
    %get3A_8 = vector.load %arg3[%get3A_6, %get3A_7] : memref<1x256xf32, #tpu.memory_space<vmem>>, vector<1x256xf32>
    %add3A = vector.broadcast %get3A_8 : vector<1x256xf32> to vector<1000x256xf32>
    %add3A_9 = arith.addf %dot_general3A_5, %add3A : vector<1000x256xf32>
    %get3A_10 = arith.constant 0 : index
    %get3A_11 = arith.constant 0 : index
    %get3A_12 = vector.load %arg4[%get3A_10, %get3A_11] : memref<256x256xf32, #tpu.memory_space<vmem>>, vector<256x256xf32>
    %dot_general3A_13 = arith.constant dense<0.000000e+00> : vector<1000x256xf32>
    %dot_general3A_14 = tpu.matmul %add3A_9, %get3A_12, %dot_general3A_13 {dimension_numbers = #tpu.dot_dimension_numbers<[1], [0], [0], [1], [0, 0, 1, 1], [], []>, transpose_lhs_hint = false} : vector<1000x256xf32>, vector<256x256xf32>, vector<1000x256xf32> -> vector<1000x256xf32>
    %swap3A = arith.constant 0 : index
    %swap3A_15 = arith.constant 0 : index
    %swap3A_16 = vector.load %arg5[%swap3A, %swap3A_15] : memref<1000x256xf32, #tpu.memory_space<vmem>>, vector<1000x256xf32>
    tpu.vector_store %arg5[%swap3A, %swap3A_15], %dot_general3A_14 {strides = array<i32>} : memref<1000x256xf32, #tpu.memory_space<vmem>>, vector<1000x256xf32>,
    return
  }
  func.func @transform_0(%arg0: i32) -> (i32, i32) {
    %c0_i32 = arith.constant 0 : i32
    %c0_i32_0 = arith.constant 0 : i32
    return %arg0, %c0_i32 : i32, i32
  }
  func.func @transform_1(%arg0: i32) -> (i32, i32) {
    %c0_i32 = arith.constant 0 : i32
    %c0_i32_0 = arith.constant 0 : i32
    %c0_i32_1 = arith.constant 0 : i32
    return %c0_i32, %c0_i32_0 : i32, i32
  }
  func.func @transform_2(%arg0: i32) -> (i32, i32) {
    %c0_i32 = arith.constant 0 : i32
    %c0_i32_0 = arith.constant 0 : i32
    %c0_i32_1 = arith.constant 0 : i32
    return %c0_i32, %c0_i32_0 : i32, i32
  }
  func.func @transform_3(%arg0: i32) -> (i32, i32) {
    %c0_i32 = arith.constant 0 : i32
    %c0_i32_0 = arith.constant 0 : i32
    %c0_i32_1 = arith.constant 0 : i32
    return %c0_i32, %c0_i32_0 : i32, i32
  }
  func.func @transform_4(%arg0: i32) -> (i32, i32) {
    %c0_i32 = arith.constant 0 : i32
    %c0_i32_0 = arith.constant 0 : i32
    return %arg0, %c0_i32 : i32, i32
  }
}

module attributes {stable_mosaic.version = 14 : i64} {
  func.func @_k0b_body(%arg0: i32, %arg1: memref<1000x256xf32, #tpu.memory_space<vmem>>, %arg2: memref<1x1x1000xf32, #tpu.memory_space<vmem>>, %arg3: memref<1x1x1000xf32, #tpu.memory_space<vmem>>, %arg4: memref<2x1000x128xf32, #tpu.memory_space<vmem>>, %arg5: memref<1x1x1000xf32, #tpu.memory_space<vmem>>) attributes {dimension_semantics = [#tpu.dimension_semantics<arbitrary>], iteration_bounds = array<i64: 10>, scalar_prefetch = 0 : i64, scratch_operands = 0 : i64, tpu.core_type = #tpu.core_type<tc>, window_params = [{transform_indices = @transform_0, window_bounds = array<i64: 1000, 256>}, {transform_indices = @transform_1, window_bounds = array<i64: 1, 1, 1000>}, {transform_indices = @transform_2, window_bounds = array<i64: 1, 1, 1000>}, {transform_indices = @transform_3, window_bounds = array<i64: 2, 1000, 128>}, {transform_indices = @transform_4, window_bounds = array<i64: 1, 1, 1000>}]} {
    %get3A = arith.constant 0 : index
    %get3A_0 = arith.constant 0 : index
    %get3A_1 = arith.constant 0 : index
    %get3A_2 = vector.load %arg2[%get3A, %get3A_0, %get3A_1] : memref<1x1x1000xf32, #tpu.memory_space<vmem>>, vector<1x1x1000xf32>
    %get3A_3 = vector.shape_cast %get3A_2 : vector<1x1x1000xf32> to vector<1000xf32>
    %get3A_4 = arith.constant 0 : index
    %get3A_5 = arith.constant 0 : index
    %get3A_6 = arith.constant 0 : index
    %get3A_7 = vector.load %arg3[%get3A_4, %get3A_5, %get3A_6] : memref<1x1x1000xf32, #tpu.memory_space<vmem>>, vector<1x1x1000xf32>
    %get3A_8 = vector.shape_cast %get3A_7 : vector<1x1x1000xf32> to vector<1000xf32>
    %add3A = arith.addf %get3A_3, %get3A_8 : vector<1000xf32>
    %rsqrt3A = math.rsqrt %add3A : vector<1000xf32>
    %swap3A = arith.constant 0 : index
    %swap3A_9 = arith.constant 0 : index
    %swap3A_10 = arith.constant 0 : index
    %swap3A_11 = vector.load %arg5[%swap3A, %swap3A_9, %swap3A_10] : memref<1x1x1000xf32, #tpu.memory_space<vmem>>, vector<1x1x1000xf32>
    %swap3A_12 = vector.shape_cast %swap3A_11 : vector<1x1x1000xf32> to vector<1000xf32>
    %swap3A_13 = vector.shape_cast %rsqrt3A : vector<1000xf32> to vector<1x1x1000xf32>
    tpu.vector_store %arg5[%swap3A, %swap3A_9, %swap3A_10], %swap3A_13 {strides = array<i32>} : memref<1x1x1000xf32, #tpu.memory_space<vmem>>, vector<1x1x1000xf32>,
    %get3A_14 = arith.constant 0 : index
    %get3A_15 = arith.constant 0 : index
    %get3A_16 = vector.load %arg1[%get3A_14, %get3A_15] : memref<1000x256xf32, #tpu.memory_space<vmem>>, vector<1000x256xf32>
    %broadcast_in_dim3A = vector.shape_cast %rsqrt3A : vector<1000xf32> to vector<1000x1xf32>
    %mul3A = vector.broadcast %broadcast_in_dim3A : vector<1000x1xf32> to vector<1000x256xf32>
    %mul3A_17 = arith.mulf %get3A_16, %mul3A : vector<1000x256xf32>
    %slice3A = vector.extract_strided_slice %mul3A_17 {offsets = [0, 0], sizes = [1000, 128], strides = [1, 1]} : vector<1000x256xf32> to vector<1000x128xf32>
    %swap3A_18 = arith.constant 0 : index
    %swap3A_19 = arith.constant 0 : index
    %swap3A_20 = arith.constant 0 : index
    %swap3A_21 = vector.load %arg4[%swap3A_18, %swap3A_19, %swap3A_20] : memref<2x1000x128xf32, #tpu.memory_space<vmem>>, vector<1x1000x128xf32>
    %swap3A_22 = vector.shape_cast %swap3A_21 : vector<1x1000x128xf32> to vector<1000x128xf32>
    %swap3A_23 = vector.shape_cast %slice3A : vector<1000x128xf32> to vector<1x1000x128xf32>
    tpu.vector_store %arg4[%swap3A_18, %swap3A_19, %swap3A_20], %swap3A_23 {strides = array<i32>} : memref<2x1000x128xf32, #tpu.memory_space<vmem>>, vector<1x1000x128xf32>,
    %slice3A_24 = vector.extract_strided_slice %mul3A_17 {offsets = [0, 128], sizes = [1000, 128], strides = [1, 1]} : vector<1000x256xf32> to vector<1000x128xf32>
    %swap3A_25 = arith.constant 1 : index
    %swap3A_26 = arith.constant 0 : index
    %swap3A_27 = arith.constant 0 : index
    %swap3A_28 = vector.load %arg4[%swap3A_25, %swap3A_26, %swap3A_27] : memref<2x1000x128xf32, #tpu.memory_space<vmem>>, vector<1x1000x128xf32>
    %swap3A_29 = vector.shape_cast %swap3A_28 : vector<1x1000x128xf32> to vector<1000x128xf32>
    %swap3A_30 = vector.shape_cast %slice3A_24 : vector<1000x128xf32> to vector<1x1000x128xf32>
    tpu.vector_store %arg4[%swap3A_25, %swap3A_26, %swap3A_27], %swap3A_30 {strides = array<i32>} : memref<2x1000x128xf32, #tpu.memory_space<vmem>>, vector<1x1000x128xf32>,
    return
  }
  func.func @transform_0(%arg0: i32) -> (i32, i32) {
    %c0_i32 = arith.constant 0 : i32
    %c0_i32_0 = arith.constant 0 : i32
    return %arg0, %c0_i32 : i32, i32
  }
  func.func @transform_1(%arg0: i32) -> (i32, i32, i32) {
    %c0_i32 = arith.constant 0 : i32
    %c0_i32_0 = arith.constant 0 : i32
    %c0_i32_1 = arith.constant 0 : i32
    return %arg0, %c0_i32, %c0_i32_0 : i32, i32, i32
  }
  func.func @transform_2(%arg0: i32) -> (i32, i32, i32) {
    %c0_i32 = arith.constant 0 : i32
    %c0_i32_0 = arith.constant 0 : i32
    %c0_i32_1 = arith.constant 0 : i32
    return %arg0, %c0_i32, %c0_i32_0 : i32, i32, i32
  }
  func.func @transform_3(%arg0: i32) -> (i32, i32, i32) {
    %c0_i32 = arith.constant 0 : i32
    %c0_i32_0 = arith.constant 0 : i32
    %c0_i32_1 = arith.constant 0 : i32
    return %c0_i32, %arg0, %c0_i32_0 : i32, i32, i32
  }
  func.func @transform_4(%arg0: i32) -> (i32, i32, i32) {
    %c0_i32 = arith.constant 0 : i32
    %c0_i32_0 = arith.constant 0 : i32
    %c0_i32_1 = arith.constant 0 : i32
    return %arg0, %c0_i32, %c0_i32_0 : i32, i32, i32
  }
}

module attributes {stable_mosaic.version = 14 : i64} {
  func.func @_k12_body(%arg0: i32, %arg1: memref<1000x128xf32, #tpu.memory_space<vmem>>, %arg2: memref<1000x128xf32, #tpu.memory_space<vmem>>, %arg3: memref<1x1x1000xf32, #tpu.memory_space<vmem>>, %arg4: memref<1x256xf32, #tpu.memory_space<vmem>>, %arg5: memref<256x256xf32, #tpu.memory_space<vmem>>, %arg6: memref<1000x256xf32, #tpu.memory_space<vmem>>, %arg7: memref<2x1000x128xf32, #tpu.memory_space<vmem>>) attributes {dimension_semantics = [#tpu.dimension_semantics<arbitrary>], iteration_bounds = array<i64: 10>, scalar_prefetch = 0 : i64, scratch_operands = 0 : i64, tpu.core_type = #tpu.core_type<tc>, window_params = [{transform_indices = @transform_0, window_bounds = array<i64: 1000, 128>}, {transform_indices = @transform_1, window_bounds = array<i64: 1000, 128>}, {transform_indices = @transform_2, window_bounds = array<i64: 1, 1, 1000>}, {pipeline_mode = #tpu.pipeline_mode<synchronous>, transform_indices = @transform_3, window_bounds = array<i64: 1, 256>}, {pipeline_mode = #tpu.pipeline_mode<synchronous>, transform_indices = @transform_4, window_bounds = array<i64: 256, 256>}, {transform_indices = @transform_5, window_bounds = array<i64: 1000, 256>}, {transform_indices = @transform_6, window_bounds = array<i64: 2, 1000, 128>}]} {
    %get3A = arith.constant 0 : index
    %get3A_0 = arith.constant 0 : index
    %get3A_1 = arith.constant 0 : index
    %get3A_2 = vector.load %arg3[%get3A, %get3A_0, %get3A_1] : memref<1x1x1000xf32, #tpu.memory_space<vmem>>, vector<1x1x1000xf32>
    %get3A_3 = vector.shape_cast %get3A_2 : vector<1x1x1000xf32> to vector<1000xf32>
    %get3A_4 = arith.constant 0 : index
    %get3A_5 = arith.constant 0 : index
    %get3A_6 = vector.load %arg1[%get3A_4, %get3A_5] : memref<1000x128xf32, #tpu.memory_space<vmem>>, vector<1000x128xf32>
    %get3A_7 = arith.constant 0 : index
    %get3A_8 = arith.constant 0 : index
    %get3A_9 = vector.load %arg2[%get3A_7, %get3A_8] : memref<1000x128xf32, #tpu.memory_space<vmem>>, vector<1000x128xf32>
    %concatenate3A = tpu.concatenate %get3A_6, %get3A_9 in 1 : vector<1000x128xf32>, vector<1000x128xf32> -> vector<1000x256xf32>
    %broadcast_in_dim3A = vector.shape_cast %get3A_3 : vector<1000xf32> to vector<1000x1xf32>
    %mul3A = vector.broadcast %broadcast_in_dim3A : vector<1000x1xf32> to vector<1000x256xf32>
    %mul3A_10 = arith.mulf %concatenate3A, %mul3A : vector<1000x256xf32>
    %get3A_11 = arith.constant 0 : index
    %get3A_12 = arith.constant 0 : index
    %get3A_13 = vector.load %arg4[%get3A_11, %get3A_12] : memref<1x256xf32, #tpu.memory_space<vmem>>, vector<1x256xf32>
    %add3A = vector.broadcast %get3A_13 : vector<1x256xf32> to vector<1000x256xf32>
    %add3A_14 = arith.addf %mul3A_10, %add3A : vector<1000x256xf32>
    %max3A = arith.constant 0.000000e+00 : f32
    %max3A_15 = vector.broadcast %max3A : f32 to vector<1000x256xf32>
    %max3A_16 = arith.maximumf %add3A_14, %max3A_15 : vector<1000x256xf32>
    %swap3A = arith.constant 0 : index
    %swap3A_17 = arith.constant 0 : index
    %swap3A_18 = vector.load %arg6[%swap3A, %swap3A_17] : memref<1000x256xf32, #tpu.memory_space<vmem>>, vector<1000x256xf32>
    tpu.vector_store %arg6[%swap3A, %swap3A_17], %max3A_16 {strides = array<i32>} : memref<1000x256xf32, #tpu.memory_space<vmem>>, vector<1000x256xf32>,
    %get3A_19 = arith.constant 0 : index
    %get3A_20 = arith.constant 0 : index
    %get3A_21 = vector.load %arg5[%get3A_19, %get3A_20] : memref<256x256xf32, #tpu.memory_space<vmem>>, vector<256x256xf32>
    %dot_general3A = arith.constant dense<0.000000e+00> : vector<1000x256xf32>
    %dot_general3A_22 = tpu.matmul %max3A_16, %get3A_21, %dot_general3A {dimension_numbers = #tpu.dot_dimension_numbers<[1], [0], [0], [1], [0, 0, 1, 1], [], []>, transpose_lhs_hint = false} : vector<1000x256xf32>, vector<256x256xf32>, vector<1000x256xf32> -> vector<1000x256xf32>
    %broadcast_in_dim3A_23 = vector.shape_cast %get3A_3 : vector<1000xf32> to vector<1000x1xf32>
    %mul3A_24 = vector.broadcast %broadcast_in_dim3A_23 : vector<1000x1xf32> to vector<1000x256xf32>
    %mul3A_25 = arith.mulf %dot_general3A_22, %mul3A_24 : vector<1000x256xf32>
    %slice3A = vector.extract_strided_slice %mul3A_25 {offsets = [0, 0], sizes = [1000, 128], strides = [1, 1]} : vector<1000x256xf32> to vector<1000x128xf32>
    %swap3A_26 = arith.constant 0 : index
    %swap3A_27 = arith.constant 0 : index
    %swap3A_28 = arith.constant 0 : index
    %swap3A_29 = vector.load %arg7[%swap3A_26, %swap3A_27, %swap3A_28] : memref<2x1000x128xf32, #tpu.memory_space<vmem>>, vector<1x1000x128xf32>
    %swap3A_30 = vector.shape_cast %swap3A_29 : vector<1x1000x128xf32> to vector<1000x128xf32>
    %swap3A_31 = vector.shape_cast %slice3A : vector<1000x128xf32> to vector<1x1000x128xf32>
    tpu.vector_store %arg7[%swap3A_26, %swap3A_27, %swap3A_28], %swap3A_31 {strides = array<i32>} : memref<2x1000x128xf32, #tpu.memory_space<vmem>>, vector<1x1000x128xf32>,
    %slice3A_32 = vector.extract_strided_slice %mul3A_25 {offsets = [0, 128], sizes = [1000, 128], strides = [1, 1]} : vector<1000x256xf32> to vector<1000x128xf32>
    %swap3A_33 = arith.constant 1 : index
    %swap3A_34 = arith.constant 0 : index
    %swap3A_35 = arith.constant 0 : index
    %swap3A_36 = vector.load %arg7[%swap3A_33, %swap3A_34, %swap3A_35] : memref<2x1000x128xf32, #tpu.memory_space<vmem>>, vector<1x1000x128xf32>
    %swap3A_37 = vector.shape_cast %swap3A_36 : vector<1x1000x128xf32> to vector<1000x128xf32>
    %swap3A_38 = vector.shape_cast %slice3A_32 : vector<1000x128xf32> to vector<1x1000x128xf32>
    tpu.vector_store %arg7[%swap3A_33, %swap3A_34, %swap3A_35], %swap3A_38 {strides = array<i32>} : memref<2x1000x128xf32, #tpu.memory_space<vmem>>, vector<1x1000x128xf32>,
    return
  }
  func.func @transform_0(%arg0: i32) -> (i32, i32) {
    %c0_i32 = arith.constant 0 : i32
    %c0_i32_0 = arith.constant 0 : i32
    return %arg0, %c0_i32 : i32, i32
  }
  func.func @transform_1(%arg0: i32) -> (i32, i32) {
    %add3A = arith.constant 10 : i32
    %add3A_0 = arith.addi %arg0, %add3A : i32
    %c0_i32 = arith.constant 0 : i32
    %c0_i32_1 = arith.constant 0 : i32
    return %add3A_0, %c0_i32 : i32, i32
  }
  func.func @transform_2(%arg0: i32) -> (i32, i32, i32) {
    %c0_i32 = arith.constant 0 : i32
    %c0_i32_0 = arith.constant 0 : i32
    %c0_i32_1 = arith.constant 0 : i32
    return %arg0, %c0_i32, %c0_i32_0 : i32, i32, i32
  }
  func.func @transform_3(%arg0: i32) -> (i32, i32) {
    %c0_i32 = arith.constant 0 : i32
    %c0_i32_0 = arith.constant 0 : i32
    %c0_i32_1 = arith.constant 0 : i32
    return %c0_i32, %c0_i32_0 : i32, i32
  }
  func.func @transform_4(%arg0: i32) -> (i32, i32) {
    %c0_i32 = arith.constant 0 : i32
    %c0_i32_0 = arith.constant 0 : i32
    %c0_i32_1 = arith.constant 0 : i32
    return %c0_i32, %c0_i32_0 : i32, i32
  }
  func.func @transform_5(%arg0: i32) -> (i32, i32) {
    %c0_i32 = arith.constant 0 : i32
    %c0_i32_0 = arith.constant 0 : i32
    return %arg0, %c0_i32 : i32, i32
  }
  func.func @transform_6(%arg0: i32) -> (i32, i32, i32) {
    %c0_i32 = arith.constant 0 : i32
    %c0_i32_0 = arith.constant 0 : i32
    %c0_i32_1 = arith.constant 0 : i32
    return %c0_i32, %arg0, %c0_i32_0 : i32, i32, i32
  }
}

module attributes {stable_mosaic.version = 14 : i64} {
  func.func @_k3_body(%arg0: i32, %arg1: memref<1000x128xf32, #tpu.memory_space<vmem>>, %arg2: memref<1000x128xf32, #tpu.memory_space<vmem>>, %arg3: memref<1x1x1000xf32, #tpu.memory_space<vmem>>, %arg4: memref<1x256xf32, #tpu.memory_space<vmem>>, %arg5: memref<1000x256xf32, #tpu.memory_space<vmem>>, %arg6: memref<1000x256xf32, #tpu.memory_space<vmem>>, %arg7: memref<1x1x1000xi32, #tpu.memory_space<vmem>>, %arg8: memref<768x256xf32, #tpu.memory_space<vmem>>, %arg9: memref<1x256xf32, #tpu.memory_space<vmem>>, %arg10: memref<256x128xf32, #tpu.memory_space<vmem>>, %arg11: memref<1x128xf32, #tpu.memory_space<vmem>>, %arg12: memref<128x128xf32, #tpu.memory_space<vmem>>, %arg13: memref<128x768xf32, #tpu.memory_space<vmem>>, %arg14: memref<128x1xf32, #tpu.memory_space<vmem>>) attributes {dimension_semantics = [#tpu.dimension_semantics<arbitrary>], iteration_bounds = array<i64: 10>, scalar_prefetch = 0 : i64, scratch_operands = 2 : i64, tpu.core_type = #tpu.core_type<tc>, window_params = [{transform_indices = @transform_0, window_bounds = array<i64: 1000, 128>}, {transform_indices = @transform_1, window_bounds = array<i64: 1000, 128>}, {transform_indices = @transform_2, window_bounds = array<i64: 1, 1, 1000>}, {pipeline_mode = #tpu.pipeline_mode<synchronous>, transform_indices = @transform_3, window_bounds = array<i64: 1, 256>}, {transform_indices = @transform_4, window_bounds = array<i64: 1000, 256>}, {transform_indices = @transform_5, window_bounds = array<i64: 1000, 256>}, {transform_indices = @transform_6, window_bounds = array<i64: 1, 1, 1000>}, {pipeline_mode = #tpu.pipeline_mode<synchronous>, transform_indices = @transform_7, window_bounds = array<i64: 768, 256>}, {pipeline_mode = #tpu.pipeline_mode<synchronous>, transform_indices = @transform_8, window_bounds = array<i64: 1, 256>}, {pipeline_mode = #tpu.pipeline_mode<synchronous>, transform_indices = @transform_9, window_bounds = array<i64: 256, 128>}, {pipeline_mode = #tpu.pipeline_mode<synchronous>, transform_indices = @transform_10, window_bounds = array<i64: 1, 128>}, {pipeline_mode = #tpu.pipeline_mode<synchronous>, transform_indices = @transform_11, window_bounds = array<i64: 128, 128>}]} {
    %eq3A = arith.constant 0 : i32
    %eq3A_0 = arith.cmpi eq, %arg0, %eq3A : i32
    %convert_element_type3A = arith.extui %eq3A_0 : i1 to i32
    %cond3A = arith.constant 0 : i32
    %cond3A_1 = arith.cmpi ne, %convert_element_type3A, %cond3A : i32
    scf.if %cond3A_1 {
      %broadcast_in_dim3A_57 = arith.constant 0.000000e+00 : f32
      %broadcast_in_dim3A_58 = vector.broadcast %broadcast_in_dim3A_57 : f32 to vector<128x768xf32>
      %swap3A_59 = arith.constant 0 : index
      %swap3A_60 = arith.constant 0 : index
      %swap3A_61 = vector.load %arg13[%swap3A_59, %swap3A_60] : memref<128x768xf32, #tpu.memory_space<vmem>>, vector<128x768xf32>
      tpu.vector_store %arg13[%swap3A_59, %swap3A_60], %broadcast_in_dim3A_58 {strides = array<i32>} : memref<128x768xf32, #tpu.memory_space<vmem>>, vector<128x768xf32>,
      %broadcast_in_dim3A_62 = arith.constant 0.000000e+00 : f32
      %broadcast_in_dim3A_63 = vector.broadcast %broadcast_in_dim3A_62 : f32 to vector<128x1xf32>
      %swap3A_64 = arith.constant 0 : index
      %swap3A_65 = arith.constant 0 : index
      %swap3A_66 = vector.load %arg14[%swap3A_64, %swap3A_65] : memref<128x1xf32, #tpu.memory_space<vmem>>, vector<128x1xf32>
      tpu.vector_store %arg14[%swap3A_64, %swap3A_65], %broadcast_in_dim3A_63 {strides = array<i32>} : memref<128x1xf32, #tpu.memory_space<vmem>>, vector<128x1xf32>,
    } else {
    }
    %get3A = arith.constant 0 : index
    %get3A_2 = arith.constant 0 : index
    %get3A_3 = arith.constant 0 : index
    %get3A_4 = vector.load %arg3[%get3A, %get3A_2, %get3A_3] : memref<1x1x1000xf32, #tpu.memory_space<vmem>>, vector<1x1x1000xf32>
    %get3A_5 = vector.shape_cast %get3A_4 : vector<1x1x1000xf32> to vector<1000xf32>
    %get3A_6 = arith.constant 0 : index
    %get3A_7 = arith.constant 0 : index
    %get3A_8 = vector.load %arg1[%get3A_6, %get3A_7] : memref<1000x128xf32, #tpu.memory_space<vmem>>, vector<1000x128xf32>
    %get3A_9 = arith.constant 0 : index
    %get3A_10 = arith.constant 0 : index
    %get3A_11 = vector.load %arg2[%get3A_9, %get3A_10] : memref<1000x128xf32, #tpu.memory_space<vmem>>, vector<1000x128xf32>
    %concatenate3A = tpu.concatenate %get3A_8, %get3A_11 in 1 : vector<1000x128xf32>, vector<1000x128xf32> -> vector<1000x256xf32>
    %broadcast_in_dim3A = vector.shape_cast %get3A_5 : vector<1000xf32> to vector<1000x1xf32>
    %mul3A = vector.broadcast %broadcast_in_dim3A : vector<1000x1xf32> to vector<1000x256xf32>
    %mul3A_12 = arith.mulf %concatenate3A, %mul3A : vector<1000x256xf32>
    %get3A_13 = arith.constant 0 : index
    %get3A_14 = arith.constant 0 : index
    %get3A_15 = vector.load %arg4[%get3A_13, %get3A_14] : memref<1x256xf32, #tpu.memory_space<vmem>>, vector<1x256xf32>
    %add3A = vector.broadcast %get3A_15 : vector<1x256xf32> to vector<1000x256xf32>
    %add3A_16 = arith.addf %mul3A_12, %add3A : vector<1000x256xf32>
    %max3A = arith.constant 0.000000e+00 : f32
    %max3A_17 = vector.broadcast %max3A : f32 to vector<1000x256xf32>
    %max3A_18 = arith.maximumf %add3A_16, %max3A_17 : vector<1000x256xf32>
    %get3A_19 = arith.constant 0 : index
    %get3A_20 = arith.constant 0 : index
    %get3A_21 = vector.load %arg5[%get3A_19, %get3A_20] : memref<1000x256xf32, #tpu.memory_space<vmem>>, vector<1000x256xf32>
    %get3A_22 = arith.constant 0 : index
    %get3A_23 = arith.constant 0 : index
    %get3A_24 = vector.load %arg6[%get3A_22, %get3A_23] : memref<1000x256xf32, #tpu.memory_space<vmem>>, vector<1000x256xf32>
    %concatenate3A_25 = tpu.concatenate %get3A_21, %get3A_24, %max3A_18 in 1 : vector<1000x256xf32>, vector<1000x256xf32>, vector<1000x256xf32> -> vector<1000x768xf32>
    %get3A_26 = arith.constant 0 : index
    %get3A_27 = arith.constant 0 : index
    %get3A_28 = arith.constant 0 : index
    %get3A_29 = vector.load %arg7[%get3A_26, %get3A_27, %get3A_28] : memref<1x1x1000xi32, #tpu.memory_space<vmem>>, vector<1x1x1000xi32>
    %get3A_30 = vector.shape_cast %get3A_29 : vector<1x1x1000xi32> to vector<1000xi32>
    %iota3A = tpu.iota {dimensions = array<i32: 0>} : vector<128x1000xi32>
    %broadcast_in_dim3A_31 = vector.shape_cast %get3A_30 : vector<1000xi32> to vector<1x1000xi32>
    %eq3A_32 = vector.broadcast %broadcast_in_dim3A_31 : vector<1x1000xi32> to vector<128x1000xi32>
    %eq3A_33 = arith.cmpi eq, %iota3A, %eq3A_32 : vector<128x1000xi32>
    %convert_element_type3A_34 = arith.extui %eq3A_33 : vector<128x1000xi1> to vector<128x1000xi32>
    %convert_element_type3A_35 = arith.sitofp %convert_element_type3A_34 : vector<128x1000xi32> to vector<128x1000xf32>
    %get3A_36 = arith.constant 0 : index
    %get3A_37 = arith.constant 0 : index
    %get3A_38 = vector.load %arg13[%get3A_36, %get3A_37] : memref<128x768xf32, #tpu.memory_space<vmem>>, vector<128x768xf32>
    %dot_general3A = arith.constant dense<0.000000e+00> : vector<128x768xf32>
    %dot_general3A_39 = tpu.matmul %convert_element_type3A_35, %concatenate3A_25, %dot_general3A {dimension_numbers = #tpu.dot_dimension_numbers<[1], [0], [0], [1], [0, 0, 1, 1], [], []>, transpose_lhs_hint = false} : vector<128x1000xf32>, vector<1000x768xf32>, vector<128x768xf32> -> vector<128x768xf32>
    %add3A_40 = arith.addf %get3A_38, %dot_general3A_39 : vector<128x768xf32>
    %swap3A = arith.constant 0 : index
    %swap3A_41 = arith.constant 0 : index
    %swap3A_42 = vector.load %arg13[%swap3A, %swap3A_41] : memref<128x768xf32, #tpu.memory_space<vmem>>, vector<128x768xf32>
    tpu.vector_store %arg13[%swap3A, %swap3A_41], %add3A_40 {strides = array<i32>} : memref<128x768xf32, #tpu.memory_space<vmem>>, vector<128x768xf32>,
    %get3A_43 = arith.constant 0 : index
    %get3A_44 = arith.constant 0 : index
    %get3A_45 = vector.load %arg14[%get3A_43, %get3A_44] : memref<128x1xf32, #tpu.memory_space<vmem>>, vector<128x1xf32>
    %reduce_sum3A = arith.constant dense<0.000000e+00> : vector<128xf32>
    %reduce_sum3A_46 = vector.multi_reduction <add>, %convert_element_type3A_35, %reduce_sum3A [1] : vector<128x1000xf32> to vector<128xf32>
    %broadcast_in_dim3A_47 = vector.shape_cast %reduce_sum3A_46 : vector<128xf32> to vector<128x1xf32>
    %add3A_48 = arith.addf %get3A_45, %broadcast_in_dim3A_47 : vector<128x1xf32>
    %swap3A_49 = arith.constant 0 : index
    %swap3A_50 = arith.constant 0 : index
    %swap3A_51 = vector.load %arg14[%swap3A_49, %swap3A_50] : memref<128x1xf32, #tpu.memory_space<vmem>>, vector<128x1xf32>
    tpu.vector_store %arg14[%swap3A_49, %swap3A_50], %add3A_48 {strides = array<i32>} : memref<128x1xf32, #tpu.memory_space<vmem>>, vector<128x1xf32>,
    %eq3A_52 = arith.constant 9 : i32
    %eq3A_53 = arith.cmpi eq, %arg0, %eq3A_52 : i32
    %convert_element_type3A_54 = arith.extui %eq3A_53 : i1 to i32
    %cond3A_55 = arith.constant 0 : i32
    %cond3A_56 = arith.cmpi ne, %convert_element_type3A_54, %cond3A_55 : i32
    scf.if %cond3A_56 {
      %get3A_57 = arith.constant 0 : index
      %get3A_58 = arith.constant 0 : index
      %get3A_59 = vector.load %arg13[%get3A_57, %get3A_58] : memref<128x768xf32, #tpu.memory_space<vmem>>, vector<128x768xf32>
      %get3A_60 = arith.constant 0 : index
      %get3A_61 = arith.constant 0 : index
      %get3A_62 = vector.load %arg14[%get3A_60, %get3A_61] : memref<128x1xf32, #tpu.memory_space<vmem>>, vector<128x1xf32>
      %max3A_63 = arith.constant 1.000000e+00 : f32
      %max3A_64 = vector.broadcast %max3A_63 : f32 to vector<128x1xf32>
      %max3A_65 = arith.maximumf %get3A_62, %max3A_64 : vector<128x1xf32>
      %div3A = vector.broadcast %max3A_65 : vector<128x1xf32> to vector<128x768xf32>
      %div3A_66 = arith.divf %get3A_59, %div3A : vector<128x768xf32>
      %get3A_67 = arith.constant 0 : index
      %get3A_68 = arith.constant 0 : index
      %get3A_69 = vector.load %arg8[%get3A_67, %get3A_68] : memref<768x256xf32, #tpu.memory_space<vmem>>, vector<768x256xf32>
      %dot_general3A_70 = arith.constant dense<0.000000e+00> : vector<128x256xf32>
      %dot_general3A_71 = tpu.matmul %div3A_66, %get3A_69, %dot_general3A_70 {dimension_numbers = #tpu.dot_dimension_numbers<[1], [0], [0], [1], [0, 0, 1, 1], [], []>, transpose_lhs_hint = false} : vector<128x768xf32>, vector<768x256xf32>, vector<128x256xf32> -> vector<128x256xf32>
      %get3A_72 = arith.constant 0 : index
      %get3A_73 = arith.constant 0 : index
      %get3A_74 = vector.load %arg9[%get3A_72, %get3A_73] : memref<1x256xf32, #tpu.memory_space<vmem>>, vector<1x256xf32>
      %add3A_75 = vector.broadcast %get3A_74 : vector<1x256xf32> to vector<128x256xf32>
      %add3A_76 = arith.addf %dot_general3A_71, %add3A_75 : vector<128x256xf32>
      %max3A_77 = arith.constant 0.000000e+00 : f32
      %max3A_78 = vector.broadcast %max3A_77 : f32 to vector<128x256xf32>
      %max3A_79 = arith.maximumf %add3A_76, %max3A_78 : vector<128x256xf32>
      %get3A_80 = arith.constant 0 : index
      %get3A_81 = arith.constant 0 : index
      %get3A_82 = vector.load %arg10[%get3A_80, %get3A_81] : memref<256x128xf32, #tpu.memory_space<vmem>>, vector<256x128xf32>
      %dot_general3A_83 = arith.constant dense<0.000000e+00> : vector<128x128xf32>
      %dot_general3A_84 = tpu.matmul %max3A_79, %get3A_82, %dot_general3A_83 {dimension_numbers = #tpu.dot_dimension_numbers<[1], [0], [0], [1], [0, 0, 1, 1], [], []>, transpose_lhs_hint = false} : vector<128x256xf32>, vector<256x128xf32>, vector<128x128xf32> -> vector<128x128xf32>
      %get3A_85 = arith.constant 0 : index
      %get3A_86 = arith.constant 0 : index
      %get3A_87 = vector.load %arg11[%get3A_85, %get3A_86] : memref<1x128xf32, #tpu.memory_space<vmem>>, vector<1x128xf32>
      %add3A_88 = vector.broadcast %get3A_87 : vector<1x128xf32> to vector<128x128xf32>
      %add3A_89 = arith.addf %dot_general3A_84, %add3A_88 : vector<128x128xf32>
      %mul3A_90 = arith.mulf %add3A_89, %add3A_89 : vector<128x128xf32>
      %reduce_sum3A_91 = arith.constant dense<0.000000e+00> : vector<128xf32>
      %reduce_sum3A_92 = vector.multi_reduction <add>, %mul3A_90, %reduce_sum3A_91 [1] : vector<128x128xf32> to vector<128xf32>
      %broadcast_in_dim3A_93 = vector.shape_cast %reduce_sum3A_92 : vector<128xf32> to vector<128x1xf32>
      %sqrt3A = math.sqrt %broadcast_in_dim3A_93 : vector<128x1xf32>
      %max3A_94 = arith.constant 9.99999996E-13 : f32
      %max3A_95 = vector.broadcast %max3A_94 : f32 to vector<128x1xf32>
      %max3A_96 = arith.maximumf %sqrt3A, %max3A_95 : vector<128x1xf32>
      %div3A_97 = vector.broadcast %max3A_96 : vector<128x1xf32> to vector<128x128xf32>
      %div3A_98 = arith.divf %add3A_89, %div3A_97 : vector<128x128xf32>
      %swap3A_99 = arith.constant 0 : index
      %swap3A_100 = arith.constant 0 : index
      %swap3A_101 = vector.load %arg12[%swap3A_99, %swap3A_100] : memref<128x128xf32, #tpu.memory_space<vmem>>, vector<128x128xf32>
      tpu.vector_store %arg12[%swap3A_99, %swap3A_100], %div3A_98 {strides = array<i32>} : memref<128x128xf32, #tpu.memory_space<vmem>>, vector<128x128xf32>,
    } else {
    }
    return
  }
  func.func @transform_0(%arg0: i32) -> (i32, i32) {
    %c0_i32 = arith.constant 0 : i32
    %c0_i32_0 = arith.constant 0 : i32
    return %arg0, %c0_i32 : i32, i32
  }
  func.func @transform_1(%arg0: i32) -> (i32, i32) {
    %add3A = arith.constant 10 : i32
    %add3A_0 = arith.addi %arg0, %add3A : i32
    %c0_i32 = arith.constant 0 : i32
    %c0_i32_1 = arith.constant 0 : i32
    return %add3A_0, %c0_i32 : i32, i32
  }
  func.func @transform_2(%arg0: i32) -> (i32, i32, i32) {
    %c0_i32 = arith.constant 0 : i32
    %c0_i32_0 = arith.constant 0 : i32
    %c0_i32_1 = arith.constant 0 : i32
    return %arg0, %c0_i32, %c0_i32_0 : i32, i32, i32
  }
  func.func @transform_3(%arg0: i32) -> (i32, i32) {
    %c0_i32 = arith.constant 0 : i32
    %c0_i32_0 = arith.constant 0 : i32
    %c0_i32_1 = arith.constant 0 : i32
    return %c0_i32, %c0_i32_0 : i32, i32
  }
  func.func @transform_4(%arg0: i32) -> (i32, i32) {
    %c0_i32 = arith.constant 0 : i32
    %c0_i32_0 = arith.constant 0 : i32
    return %arg0, %c0_i32 : i32, i32
  }
  func.func @transform_5(%arg0: i32) -> (i32, i32) {
    %c0_i32 = arith.constant 0 : i32
    %c0_i32_0 = arith.constant 0 : i32
    return %arg0, %c0_i32 : i32, i32
  }
  func.func @transform_6(%arg0: i32) -> (i32, i32, i32) {
    %c0_i32 = arith.constant 0 : i32
    %c0_i32_0 = arith.constant 0 : i32
    %c0_i32_1 = arith.constant 0 : i32
    return %arg0, %c0_i32, %c0_i32_0 : i32, i32, i32
  }
  func.func @transform_7(%arg0: i32) -> (i32, i32) {
    %c0_i32 = arith.constant 0 : i32
    %c0_i32_0 = arith.constant 0 : i32
    %c0_i32_1 = arith.constant 0 : i32
    return %c0_i32, %c0_i32_0 : i32, i32
  }
  func.func @transform_8(%arg0: i32) -> (i32, i32) {
    %c0_i32 = arith.constant 0 : i32
    %c0_i32_0 = arith.constant 0 : i32
    %c0_i32_1 = arith.constant 0 : i32
    return %c0_i32, %c0_i32_0 : i32, i32
  }
  func.func @transform_9(%arg0: i32) -> (i32, i32) {
    %c0_i32 = arith.constant 0 : i32
    %c0_i32_0 = arith.constant 0 : i32
    %c0_i32_1 = arith.constant 0 : i32
    return %c0_i32, %c0_i32_0 : i32, i32
  }
  func.func @transform_10(%arg0: i32) -> (i32, i32) {
    %c0_i32 = arith.constant 0 : i32
    %c0_i32_0 = arith.constant 0 : i32
    %c0_i32_1 = arith.constant 0 : i32
    return %c0_i32, %c0_i32_0 : i32, i32
  }
  func.func @transform_11(%arg0: i32) -> (i32, i32) {
    %c0_i32 = arith.constant 0 : i32
    %c0_i32_0 = arith.constant 0 : i32
    %c0_i32_1 = arith.constant 0 : i32
    return %c0_i32, %c0_i32_0 : i32, i32
  }
}

</mosaic_0001>

<sc_bundles>
// kernel: kernel.11.cloned.1.call-start
scs
__scs_entry_jumppad:
0x0: {  	(pc) =	sbr.rel $0x88, $3  }
0x1: {  	(tag) =	ssettag $0x0;
	lr =	simm.s32 $0x1  }
0x2: {  	[smem:$0x3F92] =	sst lr;
	_ =	strace $0xD0000000  }
0x3: {  	_ = 	snop  }
0x4: {  	_ = 	snop  }
0x5: {  	_ = 	snop  }
0x6: {  	_ = 	snop  }
0x7: {  	_ = 	snop  }
__scs_overlays_trampoline_lowered:
0x8: {  	[smem:$0x3FA1] =	sst s0  }
0x9: {  	[smem:$0x3FA2] =	sst s1  }
0xa: {  	[smem:$0x3FA3] =	sst s2  }
0xb: {  	[smem:$0x3FA4] =	sst s3  }
0xc: {  	[smem:$0x3FA5] =	sst s4  }
0xd: {  	[smem:$0x3FA6] =	sst s5  }
0xe: {  	[smem:$0x3FA7] =	sst s6  }
0xf: {  	[smem:$0x3FA8] =	sst s7  }
0x10: {  	[smem:$0x3FA9] =	sst s8  }
0x11: {  	[smem:$0x3FAA] =	sst s9;
	s0 =	simm.s32 @!p0 $0x0  }
0x12: {  	s1 =	sld [smem:$0x3F90];
	s0 =	simm.s32 @p0 $0x1  }
0x13: {  	[smem:$0x3FAB] =	sst s0;
	s0 =	simm.s32 @!p1 $0x0  }
0x14: {  	s2 =	sld [smem:$0x3F8F];
	s0 =	simm.s32 @p1 $0x1  }
0x15: {  	[smem:$0x3FAC] =	sst s0;
	s0 =	simm.s32 @!p2 $0x0  }
0x16: {  	s3 =	sld [smem:$0x3FDB];
	s0 =	simm.s32 @p2 $0x1  }
0x17: {  	s4 =	simm.s32 $0x1BF5;
	[smem:$0x3FAE] =	sst s0  }
0x18: {  	s0 =	sld [smem:$0x3F91];
	_ =	swait.ge [sflag:s4], $0x0  }
0x19: {  	s7 =	sld [smem:$0x3F92]  }
0x1a: {  	s8 =	sadd.s32 $0xFFFFE003, lr  }
0x1b: {  	s9 =	sadd.s32 $0xFFFFFEF7, lr;
	s5 =	simm.s32 $0xFFFFFFFF;
	p2 =	slt.u32 s8, $0xFFFFF086  }
0x1c: {  	p1 =	slt.u32 s9, $0xF7A;
	s5 =	simm.s32 @!p2 $0x0  }
0x1d: {  	s5 =	simm.s32 @p1 $0x1;
	p0 =	seq.s32 s7, s2  }
0x1e: {  	s7 =	smul.u32 @!p0 $0xF7A, s2;
	p2 =	seq.s32 @!p0 s5, $0x0  }
0x1f: {  	s9 =	smul.u32 $0xF7A, s1;
	s8 =	simm.s32 @!p0 $0x1BF5;
	p2 =	por !p2, p0  }
0x20: {  	[sflag:s8] =	ssyncset.s32 @!p0 $0xFFFFF086;
	s6 =	sadd.s32 @!p0 s3, s7;
	s7 =	simm.s32 @!p0 $0x108  }
0x21: {  	s3 =	sadd.s32 s3, s9;
	s6 =	sadd.s32 @!p0 $0x88, s6;
	s7 =	simm.s32 @p2 $0x1082  }
0x22: {  	[simem:s7], [sflag:s8] =	dma.local @!p0 [hbm:s6], $0xF7A  }
0x23: {  	s9 =	sor.u32 $0xD0000000, s2;
	s6 =	simm.s32 $0x108;
	_ =	swait.ge @!p0 [sflag:s8], $0x0  }
0x24: {  	s3 =	sadd.s32 $0x88, s3;
	s6 =	simm.s32 @!p1 $0x1082;
	[sflag:s4] =	ssyncset.s32 $0xFFFFF086  }
0x25: {  	[simem:s6], [sflag:s4] =	dma.local [hbm:s3], $0xF7A  }
0x26: {  	[smem:$0x3F92] =	sst s1;
	(tag) =	ssettag s2;
	_ =	strace s9  }
0x27: {  	s1 =	sld [smem:$0x3FA2]  }
0x28: {  	s2 =	sld [smem:$0x3FA3]  }
0x29: {  	s4 =	sld [smem:$0x3FA5]  }
0x2a: {  	p0 =	seq.s32 s5, $0x0;
	s5 =	sld [smem:$0x3FA6]  }
0x2b: {  	s6 =	sld [smem:$0x3FA7]  }
0x2c: {  	s7 =	sld [smem:$0x3FA8]  }
0x2d: {  	s3 =	simm.s32 $0x108;
	s8 =	sld [smem:$0x3FA9]  }
0x2e: {  	s3 =	simm.s32 @!p0 $0x1082;
	s9 =	sld [smem:$0x3FAA]  }
0x2f: {  	lr =	sadd.s32 s0, s3;
	s0 =	sld [smem:$0x3FA1]  }
0x30: {  	s3 =	sld [smem:$0x3FA4]  }
0x31: {  	[smem:$0x3FAD] =	sst s10  }
0x32: {  	s10 =	sld [smem:$0x3FAB];
	_ =	sdelay $0x3  }
0x33: {  	p0 =	seq.s32 s10, $0x1;
	s10 =	sld [smem:$0x3FAD];
	_ =	sdelay $0x3  }
0x34: {  	[smem:$0x3FAD] =	sst s10  }
0x35: {  	s10 =	sld [smem:$0x3FAC];
	_ =	sdelay $0x3  }
0x36: {  	p1 =	seq.s32 s10, $0x1;
	s10 =	sld [smem:$0x3FAD];
	_ =	sdelay $0x3  }
0x37: {  	[smem:$0x3FAD] =	sst s10  }
0x38: {  	s10 =	sld [smem:$0x3FAE]  }
0x39: {  	_ = 	snop;
	(pc) =	sbr.ind lr, $3  }
0x3a: {  	_ = 	snop  }
0x3b: {  	_ = 	snop  }
0x3c: {  	p2 =	seq.s32 s10, $0x1;
	s10 =	sld [smem:$0x3FAD]  }
0x3d: {  	_ =	shalt  }
0x3e: {  	_ =	shalt  }
0x3f: {  	_ =	shalt  }
0x40: {  	_ =	shalt  }
0x41: {  	_ =	shalt  }
0x42: {  	_ =	shalt  }
0x43: {  	_ =	shalt  }
0x44: {  	_ =	shalt  }
0x45: {  	_ =	shalt  }
0x46: {  	_ =	shalt  }
0x47: {  	_ =	shalt  }
0x48: {  	_ =	shalt  }
0x49: {  	_ =	shalt  }
0x4a: {  	_ =	shalt  }
0x4b: {  	_ =	shalt  }
0x4c: {  	_ =	shalt  }
0x4d: {  	_ =	shalt  }
0x4e: {  	_ =	shalt  }
0x4f: {  	_ =	shalt  }
0x50: {  	_ =	shalt  }
0x51: {  	_ =	shalt  }
0x52: {  	_ =	shalt  }
0x53: {  	_ =	shalt  }
0x54: {  	_ =	shalt  }
0x55: {  	_ =	shalt  }
0x56: {  	_ =	shalt  }
0x57: {  	_ =	shalt  }
0x58: {  	_ =	shalt  }
0x59: {  	_ =	shalt  }
0x5a: {  	_ =	shalt  }
0x5b: {  	_ =	shalt  }
0x5c: {  	_ =	shalt  }
0x5d: {  	_ =	shalt  }
0x5e: {  	_ =	shalt  }
0x5f: {  	_ =	shalt  }
0x60: {  	_ =	shalt  }
0x61: {  	_ =	shalt  }
0x62: {  	_ =	shalt  }
0x63: {  	_ =	shalt  }
0x64: {  	_ =	shalt  }
0x65: {  	_ =	shalt  }
0x66: {  	_ =	shalt  }
0x67: {  	_ =	shalt  }
0x68: {  	_ =	shalt  }
0x69: {  	_ =	shalt  }
0x6a: {  	_ =	shalt  }
0x6b: {  	_ =	shalt  }
0x6c: {  	_ =	shalt  }
0x6d: {  	_ =	shalt  }
0x6e: {  	_ =	shalt  }
0x6f: {  	_ =	shalt  }
0x70: {  	_ =	shalt  }
0x71: {  	_ =	shalt  }
0x72: {  	_ =	shalt  }
0x73: {  	_ =	shalt  }
0x74: {  	_ =	shalt  }
0x75: {  	_ =	shalt  }
0x76: {  	_ =	shalt  }
0x77: {  	_ =	shalt  }
0x78: {  	_ =	shalt  }
0x79: {  	_ =	shalt  }
0x7a: {  	_ =	shalt  }
0x7b: {  	_ =	shalt  }
0x7c: {  	_ =	shalt  }
0x7d: {  	_ =	shalt  }
0x7e: {  	_ =	shalt  }
0x7f: {  	_ =	shalt  }
0x80: {  	_ =	shalt  }
0x81: {  	_ =	shalt  }
0x82: {  	_ =	shalt  }
0x83: {  	_ =	shalt  }
0x84: {  	_ =	shalt  }
0x85: {  	_ =	shalt  }
0x86: {  	_ =	shalt  }
0x87: {  	_ =	shalt  }
.Lfunc_end0:
.L_simem_size_0:
called_computation_lowered:
.L_overlay_start_0:
0x88: {  	s2 =	sld [smem:$0x3FD9]  }
0x89: {  	s3 =	sld [smem:$0x3FFE];
	_ =	sdelay $0x1  }
0x8a: {  	s1 =	srdreg.scid  }
0x8b: {  	s0 =	sand.u32 $0x1, s1  }
0x8c: {  	s16 =	sshll.u32 s0, $0xA;
	s2 =	sadd.s32 s3, s2  }
0x8d: {  	s2 =	sadd.s32 s2, s16  }
0x8e: {  	[smem:$0x3FB9] =	sst s2  }
0x8f: {  	_ = 	snop  }
0x90: {  	(tm) =	ssettm $0x1  }
0x91: {  	s17 =	sld [smem:$0x3FFB];
	_ =	sdelay $0x3  }
0x92: {  	_ =	strace s17  }
0x93: {  	s2 =	sld [smem:$0x3FFC];
	_ =	sdelay $0x3  }
0x94: {  	_ =	strace s2  }
0x95: {  	s2 =	sld [smem:$0x3FFD];
	_ =	sdelay $0x3  }
0x96: {  	_ =	strace s2  }
0x97: {  	_ =	strace $0x8FFFFFFF  }
0x98: {  	s18 =	sld [smem:$0x3FDB];
	_ =	sdelay $0x1  }
0x99: {  	s19 =	simm.s32 $_scs_section_size  }
0x9a: {  	s4 =	simm.s32 $_size__tile_overlayer_lowered;
	s5 =	simm.s32 $_tile_overlayer_lowered  }
0x9b: {  	s22 =	simm.s32 $0x1BFF;
	s21 =	sshll.u32 s5, $0x1;
	s2 =	sadd.s32 s19, s18  }
0x9c: {  	s6 =	simm.s32 $0x0;
	s20 =	sshll.u32 s4, $0x1;
	s4 =	sadd.s32 s21, s2  }
0x9d: {  	[timem:s6], [sflag:s22] =	dma.local [hbm:s4], s20  }
0x9e: {  	_ =	swait.ge [sflag:s22], s20  }
0x9f: {  	s3 =	ssub.s32 $0x0, s20;
	[sflag:s22] =	ssyncset.done $0x0  }
0xa0: {  	[sflag:s22] =	ssyncadd.s32 s3;
	_ =	sdelay $0x1  }
0xa1: {  	s23 =	simm.s32 $0x1B8B  }
0xa2: {  	_ =	swait.ge [sflag:s23], $0x1  }
0xa3: {  	[sflag:s23] =	ssyncset.done $0x0  }
0xa4: {  	s25 =	simm.s32 $0x1B8E;
	s24 =	sld [smem:$0x3FFE];
	[sflag:s23] =	ssyncadd.s32 $0xFFFFFFFF  }
0xa5: {  	s26 =	simm.s32 $execute0_lowered;
	[smem:$0x3FD2] =	sst s25  }
0xa6: {  	s4 =	sshll.u32 s26, $0x1;
	_ =	strace $0x80000046;
	[dreg:$0x1] =	wrdreg $0xFFFFFFFF  }
0xa7: {  	s28 =	simm.s32 $_size_execute0_lowered;
	s2 =	sadd.s32 s2, s4;
	[dreg:$0x0] =	wrdreg $0x0  }
0xa8: {  	s4 =	sshll.u32 s28, $0x1;
	[dreg:$0x2] =	wrdreg s2  }
0xa9: {  	[dreg:$0x3] =	wrdreg s4  }
0xaa: {  	[dreg:$0x4] =	wrdreg $0xC0  }
0xab: {  	_ =	task [dreg:s6], $0x5FFFF  }
0xac: {  	[dreg:$0x1] =	wrdreg $0xFFFFFFFF  }
0xad: {  	[dreg:$0x0] =	wrdreg $0x60  }
0xae: {  	[dreg:$0x2] =	wrdreg s24  }
0xaf: {  	[dreg:$0x3] =	wrdreg $0x0  }
0xb0: {  	[dreg:$0x4] =	wrdreg $0x9  }
0xb1: {  	_ =	task.clear_ibuf [dreg:s6], $0x5FFFF;
	_ =	strace $0x90000046  }
0xb2: {  	s29 =	simm.s32 $0x9;
	_ =	strace $0x80000048  }
0xb3: {  	_ =	swait.ge [sflag:s29], $0x1  }
0xb4: {  	[sflag:s29] =	ssyncadd.s32 $0xFFFFFFFF  }
0xb5: {  	_ =	strace $0x90000048  }
0xb6: {  	_ =	sfence  }
0xb7: {  	s30 =	sld [smem:$0x0];
	_ =	sdelay $0x2  }
0xb8: {  	s31 =	sshll.u32 s1, $0xD;
	s1 =	sshrl.u32 s1, $0x2  }
0xb9: {  	s3 =	sand.u32 $0x4000, s31;
	s1 =	sadd.s32 s1, s30  }
0xba: {  	s0 =	sor.u32 s3, s0;
	s1 =	sshll.u32 s1, $0x11  }
0xbb: {  	s0 =	sor.u32 s1, s0  }
0xbc: {  	s0 =	sadd.s32 $0x8F2B, s0  }
0xbd: {  	[sflag:s0] =	ssyncadd.remote.s32 $0x1  }
0xbe: {  	_ =	sfence.sel $0xFFFF  }
0xbf: {  	[dreg:$0x0] =	wrdreg $0xFFFFFFFF;
	(pc) =	sbr.abs _section_cstart, $3  }
0xc0: {  	[dreg:$0x1] =	wrdreg $0xFFFFFFFF  }
0xc1: {  	_ =	task.clear_ibuf [dreg:s6], $0x2FFFF;
	_ =	strace $0x9FFFFFFF  }
0xc2: {  	(tm) =	ssettm $0x7FFFFFFF  }
0xc3: {  	_ =	shalt  }
tec
execute0_lowered:
.L_overlay_start_1:
0x0: {  	(tag) =	ssettag $0x1  }
0x1: {  	s3 =	rddreg [dreg:$0x0]  }
0x2: {  	s5 =	rddreg [dreg:$0x1]  }
0x3: {  	s1 =	stileid.u32;
	s0 =	rddreg [dreg:$0x2];
	s2 =	simm.s32 $0x0  }
0x4: {  	s6 =	srdreg.scid;
	s13 =	simm.s32 $0x7E80;
	s14 =	simm.s32 $0x100  }
0x5: {  	s15 =	simm.s32 $0x7C00;
	s4 =	smul.u32 $0x580, s1;
	[smem:$0x7FF] =	sst s2  }
0x6: {  	s7 =	sand.u32 $0x1, s6;
	s6 =	sshll.u32 s6, $0x4;
	s26 =	smul.u32 $0x5000, s1  }
0x7: {  	s9 =	sshrl.u32 s1, $0x3;
	s28 =	sshll.u32 s1, $0x7;
	s11 =	smul.u32 $0xA0, s1  }
0x8: {  	_ =	strace $0x80000047;
	s8 =	ssub.s32 $0x2, s7;
	s9 =	smul.u32 $0x50000, s9  }
0x9: {  	s6 =	sand.u32 $0x10, s6;
	s12 =	sand.u32 $0x380, s28;
	s7 =	smul.u32 $0x5400, s7  }
0xa: {  	s4 =	sadd.s32 s4, s3;
	s10 =	sshrl.u32 s8, $0x1;
	s6 =	sadd.s32 s6, s3  }
0xb: {  	s29 =	sshrl.u32 s26, $0x2;
	s8 =	ssub.s32 s8, s10;
	s31 =	sshrl.u32 s7, $0x2  }
0xc: {  	s9 =	sshrl.u32 s9, $0x2;
	s3 =	sadd.s32 $0x3800, s4;
	s16 =	sadd.s32 $0x2800, s31  }
0xd: {  	s30 =	sadd.s32 s11, s6;
	s10 =	simm.s32 $0x5400;
	s11 =	simm.s32 $0x80;
	v2 =	vmov s16  }
0xe: {  	s9 =	sadd.s32 s9, s5;
	s5 =	sadd.s32 s29, s5;
	s6 =	smax.u32 s8, $0x1  }
0xf: {  	s7 =	sadd.s32 $0x9000, s30;
	s8 =	simm.s32 $0x2800;
	s4 =	sadd.s32 s12, s9  }
0x10: {  	v0 =	vimm.f32 $0.0e+00;
	v1 =	vimm.f32 $1.000000000e+00;
	s9 =	simm.s32 $0x1;
	s12 =	simm.s32 $0x400;
	s16 =	simm.s32 $0x0  }
.LBB2_1:
0x11: {  	s17 =	simm.s32 $0x40;
	s18 =	simm.s32 $0x0  }
.LBB2_2:
0x12: {  	p0 =	sne.s32 s17, $0x9FC0;
	[tilespmem:s18+$0x5400] =	vst v0;
	s18 =	smov.u32 s17;
	s17 =	sadd.s32 $0x40, s17  }
.Ltmp0:
0x13: {  	(pc) =	sbr.rel @p0 .LBB2_2-.Ltmp0, $2  }
0x14: {  	_ =	sdelay $0x2  }
0x15: {  	s18 =	sshra.s32 s18, $0x2  }
0x16: {  	[tilespmem:s18+$0x5400] =	vst v0  }
0x17: {  	[tilespmem:s8], [sflag:$0x1] =	stream.linear.gather [hbm4b:s3+s2], $0x2A00, $0x38;
	[tilespmem:$0x8100] =	vst v63  }
0x18: {  	_ =	swait.ge [sflag:s9], $0x2A00  }
0x19: {  	[sflag:s9] =	ssyncset.done $0x0  }
0x1a: {  	s17 =	simm.s32 $0x1C0;
	[sflag:s9] =	ssyncadd.s32 $0xFFFFD600  }
.LBB2_4:
0x1b: {  	s18 =	sshra.s32 s17, $0x2  }
0x1c: {  	v3 =	vld.idx.msk [tilespmem:v2+s18+$0xFFFFFF90 ss:$0x1], $0xffff;
	_ =	sdelay $0x7  }
0x1d: {  	[tilespmem:v3+s10+$0x0] =	vst.idx.add.f32.msk $0xffff, v1  }
0x1e: {  	v3 =	vld.idx.msk [tilespmem:v2+s18+$0xFFFFFFA0 ss:$0x1], $0xffff;
	_ =	sdelay $0x7  }
0x1f: {  	[tilespmem:v3+s10+$0x0] =	vst.idx.add.f32.msk $0xffff, v1  }
0x20: {  	v3 =	vld.idx.msk [tilespmem:v2+s18+$0xFFFFFFB0 ss:$0x1], $0xffff;
	_ =	sdelay $0x7  }
0x21: {  	[tilespmem:v3+s10+$0x0] =	vst.idx.add.f32.msk $0xffff, v1  }
0x22: {  	v3 =	vld.idx.msk [tilespmem:v2+s18+$0xFFFFFFC0 ss:$0x1], $0xffff;
	_ =	sdelay $0x7  }
0x23: {  	[tilespmem:v3+s10+$0x0] =	vst.idx.add.f32.msk $0xffff, v1  }
0x24: {  	v3 =	vld.idx.msk [tilespmem:v2+s18+$0xFFFFFFD0 ss:$0x1], $0xffff;
	_ =	sdelay $0x7  }
0x25: {  	[tilespmem:v3+s10+$0x0] =	vst.idx.add.f32.msk $0xffff, v1  }
0x26: {  	v3 =	vld.idx.msk [tilespmem:v2+s18+$0xFFFFFFE0 ss:$0x1], $0xffff;
	_ =	sdelay $0x7  }
0x27: {  	[tilespmem:v3+s10+$0x0] =	vst.idx.add.f32.msk $0xffff, v1  }
0x28: {  	v3 =	vld.idx.msk [tilespmem:v2+s18+$0xFFFFFFF0 ss:$0x1], $0xffff;
	_ =	sdelay $0x7  }
0x29: {  	[tilespmem:v3+s10+$0x0] =	vst.idx.add.f32.msk $0xffff, v1  }
0x2a: {  	v3 =	vld.idx.msk [tilespmem:v2+s18+$0x0 ss:$0x1], $0xffff;
	_ =	sdelay $0x2  }
0x2b: {  	p0 =	sne.s32 s17, $0x53C0  }
.Ltmp1:
0x2c: {  	_ = 	snop;
	(pc) =	sbr.rel @p0 .LBB2_4-.Ltmp1, $2  }
0x2d: {  	_ =	sdelay $0x2  }
0x2e: {  	s17 =	sadd.s32 $0x200, s17;
	[tilespmem:v3+s10+$0x0] =	vst.idx.add.f32.msk $0xffff, v1  }
0x2f: {  	[spmem:s4] =	stream.strided.scatter [tilespmem:s10], [sflag:$0x1], $0x2800, s12, s11, $0x38;
	[tilespmem:$0x8100] =	vst v63  }
0x30: {  	_ =	swait.ge [sflag:s9], $0x2800  }
0x31: {  	[sflag:s9] =	ssyncset.done $0x0  }
0x32: {  	[sflag:s9] =	ssyncadd.s32 $0xFFFFD800  }
0x33: {  	[bflag:$0x0] =	sbarrier.arrive $0xFFFF  }
0x34: {  	[tilespmem:$0x7C00] =	vst v0  }
0x35: {  	[tilespmem:$0x7C10] =	vst v0  }
0x36: {  	[tilespmem:$0x7C20] =	vst v0  }
0x37: {  	[tilespmem:$0x7C30] =	vst v0  }
0x38: {  	[tilespmem:$0x7C40] =	vst v0  }
0x39: {  	[tilespmem:$0x7C50] =	vst v0  }
0x3a: {  	[tilespmem:$0x7C60] =	vst v0  }
0x3b: {  	[tilespmem:$0x7C70] =	vst v0  }
0x3c: {  	[tilespmem:$0x7C80] =	vst v0  }
0x3d: {  	[tilespmem:$0x7C90] =	vst v0  }
0x3e: {  	[tilespmem:$0x7CA0] =	vst v0  }
0x3f: {  	[tilespmem:$0x7CB0] =	vst v0  }
0x40: {  	[tilespmem:$0x7CC0] =	vst v0  }
0x41: {  	[tilespmem:$0x7CD0] =	vst v0  }
0x42: {  	[tilespmem:$0x7CE0] =	vst v0  }
0x43: {  	[tilespmem:$0x7CF0] =	vst v0  }
0x44: {  	[tilespmem:$0x7D00] =	vst v0  }
0x45: {  	[tilespmem:$0x7D10] =	vst v0  }
0x46: {  	[tilespmem:$0x7D20] =	vst v0  }
0x47: {  	[tilespmem:$0x7D30] =	vst v0  }
0x48: {  	[tilespmem:$0x7D40] =	vst v0  }
0x49: {  	[tilespmem:$0x7D50] =	vst v0  }
0x4a: {  	[tilespmem:$0x7D60] =	vst v0  }
0x4b: {  	[tilespmem:$0x7D70] =	vst v0  }
0x4c: {  	[tilespmem:$0x7D80] =	vst v0  }
0x4d: {  	[tilespmem:$0x7D90] =	vst v0  }
0x4e: {  	[tilespmem:$0x7DA0] =	vst v0  }
0x4f: {  	[tilespmem:$0x7DB0] =	vst v0  }
0x50: {  	[tilespmem:$0x7DC0] =	vst v0  }
0x51: {  	[tilespmem:$0x7DD0] =	vst v0  }
0x52: {  	[tilespmem:$0x7DE0] =	vst v0  }
0x53: {  	[tilespmem:$0x7DF0] =	vst v0  }
0x54: {  	[tilespmem:$0x7E00] =	vst v0  }
0x55: {  	[tilespmem:$0x7E10] =	vst v0  }
0x56: {  	[tilespmem:$0x7E20] =	vst v0  }
0x57: {  	[tilespmem:$0x7E30] =	vst v0  }
0x58: {  	[tilespmem:$0x7E40] =	vst v0  }
0x59: {  	[tilespmem:$0x7E50] =	vst v0  }
0x5a: {  	[tilespmem:$0x7E60] =	vst v0  }
0x5b: {  	s17 =	simm.s32 $0x0;
	[tilespmem:$0x7E70] =	vst v0  }
.LBB2_6:
0x5c: {  	s18 =	sshrl.u32 s17, $0x3  }
0x5d: {  	s18 =	smul.u32 $0x50000, s18;
	_ =	sdelay $0x1  }
0x5e: {  	s19 =	sshll.u32 s17, $0x7;
	s18 =	sshra.s32 s18, $0x2  }
0x5f: {  	s19 =	sand.u32 $0x380, s19;
	s18 =	sadd.s32 s18, s5  }
0x60: {  	s18 =	sadd.s32 s19, s18  }
0x61: {  	[tilespmem:s13], [sflag:$0x1] =	stream.strided.gather [spmem:s18], $0x280, s12, s11, $0x38;
	[tilespmem:$0x8100] =	vst v63  }
0x62: {  	_ =	swait.ge [sflag:s9], $0x280  }
0x63: {  	[sflag:s9] =	ssyncset.done $0x0  }
0x64: {  	s18 =	simm.s32 $0x0;
	[sflag:s9] =	ssyncadd.s32 $0xFFFFFD80  }
0x65: {  	s19 =	simm.s32 $0x40;
	v3 =	vld [tilespmem:s18+$0x7E80]  }
.LBB2_7:
0x66: {  	p0 =	sne.s32 s19, $0x9C0;
	v4 =	vld [tilespmem:s18+$0x7C00];
	_ =	sdelay $0x2  }
.Ltmp2:
0x67: {  	(pc) =	sbr.rel @p0 .LBB2_7-.Ltmp2, $4  }
0x68: {  	_ = 	snop  }
0x69: {  	v4 =	vadd.f32 v3, v4  }
0x6a: {  	s20 =	sshra.s32 s19, $0x2  }
0x6b: {  	s19 =	sadd.s32 $0x40, s19;
	v3 =	vld [tilespmem:s20+$0x7E80];
	[tilespmem:s18+$0x7C00] =	vst v4;
	s18 =	smov.u32 s20  }
0x6c: {  	v4 =	vld [tilespmem:s18+$0x7C00]  }
0x6d: {  	s17 =	sadd.s32 $0x1, s17  }
0x6e: {  	p0 =	sne.s32 s17, $0x10  }
.Ltmp3:
0x6f: {  	_ = 	snop;
	(pc) =	sbr.rel @p0 .LBB2_6-.Ltmp3, $3  }
0x70: {  	_ = 	snop  }
0x71: {  	v3 =	vadd.f32 v3, v4;
	_ =	sdelay $0x1  }
0x72: {  	[tilespmem:s18+$0x7C00] =	vst v3  }
0x73: {  	s16 =	sadd.s32 $0x1, s16  }
0x74: {  	p0 =	sne.s32 s16, s6  }
.Ltmp4:
0x75: {  	_ = 	snop;
	(pc) =	sbr.rel @p0 .LBB2_1-.Ltmp4, $4  }
0x76: {  	[hbm4b:s7+s11] =	stream.strided.scatter [tilespmem:s15], [sflag:$0x1], $0x280, s14, s11, $0x38;
	[tilespmem:$0x8100] =	vst v63  }
0x77: {  	_ =	swait.ge [sflag:s9], $0x280  }
0x78: {  	[sflag:s9] =	ssyncset.done $0x0  }
0x79: {  	[sflag:s9] =	ssyncadd.s32 $0xFFFFFD80  }
0x7a: {  	_ =	sfence.sel $0x180000  }
0x7b: {  	[bflag:$0x0] =	sbarrier.arrive $0xFFFF  }
0x7c: {  	p0 =	sne.s32 s1, $0x0;
	_ =	strace $0x90000047  }
0x7d: {  	s0 =	sadd.s32 @!p0 $0x100000, s0;
	[bflag:$0x2] =	sbarrier.arrive $0xFFFF  }
0x7e: {  	[sflag:s0] =	ssyncadd.tile.s32 @!p0 $0x1;
	_ =	shalt  }
.Lfunc_end2:
_tile_overlayer_lowered:
.L_overlay_start_2:
0x7f: {  	(tag) =	ssettag $0x2  }
0x80: {  	s0 =	rddreg [dreg:$0x0];
	s2 =	stileid.u32  }
0x81: {  	s1 =	rddreg [dreg:$0x1];
	p0 =	sne.s32 s2, $0x0  }
0x82: {  	s3 =	rddreg [dreg:$0x2];
	[bflag:$0x3] =	sbarrier.arrive $0xFFFF;
	s2 =	simm.s32 @!p0 $0x1C01  }
0x83: {  	[timem:s3], [sflag:s2] =	dma.local @!p0 [hbm:s0], s1  }
0x84: {  	s0 =	simm.s32 @!p0 $0x1  }
0x85: {  	_ =	swait.ge @!p0 [sflag:s0], s1  }
0x86: {  	s1 =	ssub.s32 @!p0 $0x0, s1;
	[sflag:s0] =	ssyncset.done @!p0 $0x0  }
0x87: {  	[sflag:s0] =	ssyncadd.s32 @!p0 s1  }
0x88: {  	[bflag:$0x3] =	sbarrier.arrive $0xFFFF  }
0x89: {  	_ =	shalt  }

// kernel: kernel.14.cloned.1.call-start
scs
__scs_entry_jumppad:
0x0: {  	(pc) =	sbr.rel $0x88, $3  }
0x1: {  	(tag) =	ssettag $0x0;
	lr =	simm.s32 $0x1  }
0x2: {  	[smem:$0x3F92] =	sst lr;
	_ =	strace $0xD0000000  }
0x3: {  	_ = 	snop  }
0x4: {  	_ = 	snop  }
0x5: {  	_ = 	snop  }
0x6: {  	_ = 	snop  }
0x7: {  	_ = 	snop  }
__scs_overlays_trampoline_lowered:
0x8: {  	[smem:$0x3FA1] =	sst s0  }
0x9: {  	[smem:$0x3FA2] =	sst s1  }
0xa: {  	[smem:$0x3FA3] =	sst s2  }
0xb: {  	[smem:$0x3FA4] =	sst s3  }
0xc: {  	[smem:$0x3FA5] =	sst s4  }
0xd: {  	[smem:$0x3FA6] =	sst s5  }
0xe: {  	[smem:$0x3FA7] =	sst s6  }
0xf: {  	[smem:$0x3FA8] =	sst s7  }
0x10: {  	[smem:$0x3FA9] =	sst s8  }
0x11: {  	[smem:$0x3FAA] =	sst s9;
	s0 =	simm.s32 @!p0 $0x0  }
0x12: {  	s1 =	sld [smem:$0x3F90];
	s0 =	simm.s32 @p0 $0x1  }
0x13: {  	[smem:$0x3FAB] =	sst s0;
	s0 =	simm.s32 @!p1 $0x0  }
0x14: {  	s2 =	sld [smem:$0x3F8F];
	s0 =	simm.s32 @p1 $0x1  }
0x15: {  	[smem:$0x3FAC] =	sst s0;
	s0 =	simm.s32 @!p2 $0x0  }
0x16: {  	s3 =	sld [smem:$0x3FDB];
	s0 =	simm.s32 @p2 $0x1  }
0x17: {  	s4 =	simm.s32 $0x1BF5;
	[smem:$0x3FAE] =	sst s0  }
0x18: {  	s0 =	sld [smem:$0x3F91];
	_ =	swait.ge [sflag:s4], $0x0  }
0x19: {  	s7 =	sld [smem:$0x3F92]  }
0x1a: {  	s8 =	sadd.s32 $0xFFFFE003, lr  }
0x1b: {  	s9 =	sadd.s32 $0xFFFFFEF7, lr;
	s5 =	simm.s32 $0xFFFFFFFF;
	p2 =	slt.u32 s8, $0xFFFFF086  }
0x1c: {  	p1 =	slt.u32 s9, $0xF7A;
	s5 =	simm.s32 @!p2 $0x0  }
0x1d: {  	s5 =	simm.s32 @p1 $0x1;
	p0 =	seq.s32 s7, s2  }
0x1e: {  	s7 =	smul.u32 @!p0 $0xF7A, s2;
	p2 =	seq.s32 @!p0 s5, $0x0  }
0x1f: {  	s9 =	smul.u32 $0xF7A, s1;
	s8 =	simm.s32 @!p0 $0x1BF5;
	p2 =	por !p2, p0  }
0x20: {  	[sflag:s8] =	ssyncset.s32 @!p0 $0xFFFFF086;
	s6 =	sadd.s32 @!p0 s3, s7;
	s7 =	simm.s32 @!p0 $0x108  }
0x21: {  	s3 =	sadd.s32 s3, s9;
	s6 =	sadd.s32 @!p0 $0x88, s6;
	s7 =	simm.s32 @p2 $0x1082  }
0x22: {  	[simem:s7], [sflag:s8] =	dma.local @!p0 [hbm:s6], $0xF7A  }
0x23: {  	s9 =	sor.u32 $0xD0000000, s2;
	s6 =	simm.s32 $0x108;
	_ =	swait.ge @!p0 [sflag:s8], $0x0  }
0x24: {  	s3 =	sadd.s32 $0x88, s3;
	s6 =	simm.s32 @!p1 $0x1082;
	[sflag:s4] =	ssyncset.s32 $0xFFFFF086  }
0x25: {  	[simem:s6], [sflag:s4] =	dma.local [hbm:s3], $0xF7A  }
0x26: {  	[smem:$0x3F92] =	sst s1;
	(tag) =	ssettag s2;
	_ =	strace s9  }
0x27: {  	s1 =	sld [smem:$0x3FA2]  }
0x28: {  	s2 =	sld [smem:$0x3FA3]  }
0x29: {  	s4 =	sld [smem:$0x3FA5]  }
0x2a: {  	p0 =	seq.s32 s5, $0x0;
	s5 =	sld [smem:$0x3FA6]  }
0x2b: {  	s6 =	sld [smem:$0x3FA7]  }
0x2c: {  	s7 =	sld [smem:$0x3FA8]  }
0x2d: {  	s3 =	simm.s32 $0x108;
	s8 =	sld [smem:$0x3FA9]  }
0x2e: {  	s3 =	simm.s32 @!p0 $0x1082;
	s9 =	sld [smem:$0x3FAA]  }
0x2f: {  	lr =	sadd.s32 s0, s3;
	s0 =	sld [smem:$0x3FA1]  }
0x30: {  	s3 =	sld [smem:$0x3FA4]  }
0x31: {  	[smem:$0x3FAD] =	sst s10  }
0x32: {  	s10 =	sld [smem:$0x3FAB];
	_ =	sdelay $0x3  }
0x33: {  	p0 =	seq.s32 s10, $0x1;
	s10 =	sld [smem:$0x3FAD];
	_ =	sdelay $0x3  }
0x34: {  	[smem:$0x3FAD] =	sst s10  }
0x35: {  	s10 =	sld [smem:$0x3FAC];
	_ =	sdelay $0x3  }
0x36: {  	p1 =	seq.s32 s10, $0x1;
	s10 =	sld [smem:$0x3FAD];
	_ =	sdelay $0x3  }
0x37: {  	[smem:$0x3FAD] =	sst s10  }
0x38: {  	s10 =	sld [smem:$0x3FAE]  }
0x39: {  	_ = 	snop;
	(pc) =	sbr.ind lr, $3  }
0x3a: {  	_ = 	snop  }
0x3b: {  	_ = 	snop  }
0x3c: {  	p2 =	seq.s32 s10, $0x1;
	s10 =	sld [smem:$0x3FAD]  }
0x3d: {  	_ =	shalt  }
0x3e: {  	_ =	shalt  }
0x3f: {  	_ =	shalt  }
0x40: {  	_ =	shalt  }
0x41: {  	_ =	shalt  }
0x42: {  	_ =	shalt  }
0x43: {  	_ =	shalt  }
0x44: {  	_ =	shalt  }
0x45: {  	_ =	shalt  }
0x46: {  	_ =	shalt  }
0x47: {  	_ =	shalt  }
0x48: {  	_ =	shalt  }
0x49: {  	_ =	shalt  }
0x4a: {  	_ =	shalt  }
0x4b: {  	_ =	shalt  }
0x4c: {  	_ =	shalt  }
0x4d: {  	_ =	shalt  }
0x4e: {  	_ =	shalt  }
0x4f: {  	_ =	shalt  }
0x50: {  	_ =	shalt  }
0x51: {  	_ =	shalt  }
0x52: {  	_ =	shalt  }
0x53: {  	_ =	shalt  }
0x54: {  	_ =	shalt  }
0x55: {  	_ =	shalt  }
0x56: {  	_ =	shalt  }
0x57: {  	_ =	shalt  }
0x58: {  	_ =	shalt  }
0x59: {  	_ =	shalt  }
0x5a: {  	_ =	shalt  }
0x5b: {  	_ =	shalt  }
0x5c: {  	_ =	shalt  }
0x5d: {  	_ =	shalt  }
0x5e: {  	_ =	shalt  }
0x5f: {  	_ =	shalt  }
0x60: {  	_ =	shalt  }
0x61: {  	_ =	shalt  }
0x62: {  	_ =	shalt  }
0x63: {  	_ =	shalt  }
0x64: {  	_ =	shalt  }
0x65: {  	_ =	shalt  }
0x66: {  	_ =	shalt  }
0x67: {  	_ =	shalt  }
0x68: {  	_ =	shalt  }
0x69: {  	_ =	shalt  }
0x6a: {  	_ =	shalt  }
0x6b: {  	_ =	shalt  }
0x6c: {  	_ =	shalt  }
0x6d: {  	_ =	shalt  }
0x6e: {  	_ =	shalt  }
0x6f: {  	_ =	shalt  }
0x70: {  	_ =	shalt  }
0x71: {  	_ =	shalt  }
0x72: {  	_ =	shalt  }
0x73: {  	_ =	shalt  }
0x74: {  	_ =	shalt  }
0x75: {  	_ =	shalt  }
0x76: {  	_ =	shalt  }
0x77: {  	_ =	shalt  }
0x78: {  	_ =	shalt  }
0x79: {  	_ =	shalt  }
0x7a: {  	_ =	shalt  }
0x7b: {  	_ =	shalt  }
0x7c: {  	_ =	shalt  }
0x7d: {  	_ =	shalt  }
0x7e: {  	_ =	shalt  }
0x7f: {  	_ =	shalt  }
0x80: {  	_ =	shalt  }
0x81: {  	_ =	shalt  }
0x82: {  	_ =	shalt  }
0x83: {  	_ =	shalt  }
0x84: {  	_ =	shalt  }
0x85: {  	_ =	shalt  }
0x86: {  	_ =	shalt  }
0x87: {  	_ =	shalt  }
.Lfunc_end0:
.L_simem_size_0:
called_computation.1_lowered:
.L_overlay_start_0:
0x88: {  	s2 =	sld [smem:$0x3FD9]  }
0x89: {  	s3 =	sld [smem:$0x3FFE];
	_ =	sdelay $0x1  }
0x8a: {  	s1 =	srdreg.scid  }
0x8b: {  	s0 =	sand.u32 $0x1, s1  }
0x8c: {  	s16 =	sshll.u32 s0, $0xA;
	s2 =	sadd.s32 s3, s2  }
0x8d: {  	s2 =	sadd.s32 s2, s16  }
0x8e: {  	[smem:$0x3FB9] =	sst s2  }
0x8f: {  	_ = 	snop  }
0x90: {  	(tm) =	ssettm $0x1  }
0x91: {  	s17 =	sld [smem:$0x3FFB];
	_ =	sdelay $0x3  }
0x92: {  	_ =	strace s17  }
0x93: {  	s2 =	sld [smem:$0x3FFC];
	_ =	sdelay $0x3  }
0x94: {  	_ =	strace s2  }
0x95: {  	s2 =	sld [smem:$0x3FFD];
	_ =	sdelay $0x3  }
0x96: {  	_ =	strace s2  }
0x97: {  	_ =	strace $0x8FFFFFFF  }
0x98: {  	s18 =	sld [smem:$0x3FDB];
	_ =	sdelay $0x1  }
0x99: {  	s19 =	simm.s32 $_scs_section_size  }
0x9a: {  	s4 =	simm.s32 $_size__tile_overlayer_lowered;
	s5 =	simm.s32 $_tile_overlayer_lowered  }
0x9b: {  	s22 =	simm.s32 $0x1BFF;
	s21 =	sshll.u32 s5, $0x1;
	s2 =	sadd.s32 s19, s18  }
0x9c: {  	s6 =	simm.s32 $0x0;
	s20 =	sshll.u32 s4, $0x1;
	s4 =	sadd.s32 s21, s2  }
0x9d: {  	[timem:s6], [sflag:s22] =	dma.local [hbm:s4], s20  }
0x9e: {  	_ =	swait.ge [sflag:s22], s20  }
0x9f: {  	s3 =	ssub.s32 $0x0, s20;
	[sflag:s22] =	ssyncset.done $0x0  }
0xa0: {  	[sflag:s22] =	ssyncadd.s32 s3;
	_ =	sdelay $0x1  }
0xa1: {  	s23 =	simm.s32 $0x1B8B  }
0xa2: {  	_ =	swait.ge [sflag:s23], $0x1  }
0xa3: {  	[sflag:s23] =	ssyncset.done $0x0  }
0xa4: {  	s25 =	simm.s32 $0x1B8E;
	s24 =	sld [smem:$0x3FFE];
	[sflag:s23] =	ssyncadd.s32 $0xFFFFFFFF  }
0xa5: {  	s26 =	simm.s32 $execute0_lowered;
	[smem:$0x3FD2] =	sst s25  }
0xa6: {  	s4 =	sshll.u32 s26, $0x1;
	_ =	strace $0x80000049;
	[dreg:$0x1] =	wrdreg $0xFFFFFFFF  }
0xa7: {  	s28 =	simm.s32 $_size_execute0_lowered;
	s2 =	sadd.s32 s2, s4;
	[dreg:$0x0] =	wrdreg $0x0  }
0xa8: {  	s4 =	sshll.u32 s28, $0x1;
	[dreg:$0x2] =	wrdreg s2  }
0xa9: {  	[dreg:$0x3] =	wrdreg s4  }
0xaa: {  	[dreg:$0x4] =	wrdreg $0xC0  }
0xab: {  	_ =	task [dreg:s6], $0x5FFFF  }
0xac: {  	[dreg:$0x1] =	wrdreg $0xFFFFFFFF  }
0xad: {  	[dreg:$0x0] =	wrdreg $0x60  }
0xae: {  	[dreg:$0x2] =	wrdreg s24  }
0xaf: {  	[dreg:$0x3] =	wrdreg $0x0  }
0xb0: {  	[dreg:$0x4] =	wrdreg $0x9  }
0xb1: {  	_ =	task.clear_ibuf [dreg:s6], $0x5FFFF;
	_ =	strace $0x90000049  }
0xb2: {  	s29 =	simm.s32 $0x9;
	_ =	strace $0x8000004B  }
0xb3: {  	_ =	swait.ge [sflag:s29], $0x1  }
0xb4: {  	[sflag:s29] =	ssyncadd.s32 $0xFFFFFFFF  }
0xb5: {  	_ =	strace $0x9000004B  }
0xb6: {  	_ =	sfence  }
0xb7: {  	s30 =	sld [smem:$0x0];
	_ =	sdelay $0x2  }
0xb8: {  	s31 =	sshll.u32 s1, $0xD;
	s1 =	sshrl.u32 s1, $0x2  }
0xb9: {  	s3 =	sand.u32 $0x4000, s31;
	s1 =	sadd.s32 s1, s30  }
0xba: {  	s0 =	sor.u32 s3, s0;
	s1 =	sshll.u32 s1, $0x11  }
0xbb: {  	s0 =	sor.u32 s1, s0  }
0xbc: {  	s0 =	sadd.s32 $0x8F2B, s0  }
0xbd: {  	[sflag:s0] =	ssyncadd.remote.s32 $0x1  }
0xbe: {  	_ =	sfence.sel $0xFFFF  }
0xbf: {  	[dreg:$0x0] =	wrdreg $0xFFFFFFFF;
	(pc) =	sbr.abs _section_cstart, $3  }
0xc0: {  	[dreg:$0x1] =	wrdreg $0xFFFFFFFF  }
0xc1: {  	_ =	task.clear_ibuf [dreg:s6], $0x2FFFF;
	_ =	strace $0x9FFFFFFF  }
0xc2: {  	(tm) =	ssettm $0x7FFFFFFF  }
0xc3: {  	_ =	shalt  }
tec
execute0_lowered:
.L_overlay_start_1:
0x0: {  	(tag) =	ssettag $0x1  }
0x1: {  	s5 =	rddreg [dreg:$0x0];
	s0 =	stileid.u32  }
0x2: {  	s1 =	srdreg.scid;
	s2 =	rddreg [dreg:$0x1];
	s3 =	simm.s32 $0x0  }
0x3: {  	s14 =	simm.s32 $0x17180;
	s15 =	simm.s32 $0x3;
	s17 =	simm.s32 $0x15800  }
0x4: {  	s18 =	simm.s32 $0x80;
	s19 =	simm.s32 $0x17000;
	s6 =	smul.u32 $0x300, s0  }
0x5: {  	s20 =	simm.s32 $0x17080;
	s21 =	simm.s32 $0x1B180;
	s8 =	smul.u32 $0x270, s0  }
0x6: {  	s22 =	simm.s32 $0x1;
	s23 =	simm.s32 $0x17100;
	s28 =	smul.u32 $0x50000, s0  }
0x7: {  	s7 =	sand.u32 $0x1, s1;
	[smem:$0x7FF] =	sst s3;
	s10 =	smul.u32 $0x4E000, s0  }
0x8: {  	s4 =	sadd.s32 $0xFA00, s5;
	p0 =	seq.s32 s0, $0xF;
	s24 =	smul.u32 $0x2710, s7  }
0x9: {  	_ =	strace $0x8000004A;
	s7 =	ssub.s32 $0x2, s7;
	s9 =	sadd.s32 s6, s5  }
0xa: {  	s29 =	sshrl.u32 s7, $0x1;
	s30 =	sshrl.u32 s28, $0x2;
	s31 =	sshrl.u32 s10, $0x2  }
0xb: {  	s26 =	sadd.s32 s8, s24;
	s12 =	ssub.s32 s7, s29;
	s7 =	sadd.s32 $0x9A00, s9  }
0xc: {  	s25 =	sadd.s32 s31, s2;
	s6 =	sshll.u32 s26, $0x4;
	s26 =	sadd.s32 $0x124800, s2  }
0xd: {  	s25 =	sshrl.u32 @!p0 s25, $0x3;
	s11 =	sadd.s32 s6, s5;
	s5 =	sadd.s32 s30, s2  }
0xe: {  	v0 =	vmov s24;
	s6 =	sadd.s32 $0xCA00, s9;
	s9 =	smax.u32 s12, $0x1;
	s24 =	sshrl.u32 @p0 s26, $0x3  }
0xf: {  	s26 =	simm.s32 $0x2;
	s8 =	sadd.s32 $0x5DC00, s11;
	s10 =	sadd.s32 $0x4000, s5  }
0x10: {  	v1 =	vimm.f32 $0.0e+00;
	s11 =	sadd.s32 $0x8000, s5;
	s12 =	sadd.s32 $0xC000, s5;
	s13 =	sadd.s32 $0x10000, s5  }
.LBB2_1:
0x11: {  	s28 =	simm.s32 $0x0;
	s29 =	simm.s32 $0x200  }
.LBB2_2:
0x12: {  	p1 =	sne.s32 s29, $0xFE00;
	[tilespmem:s28+$0x171F0] =	vst v1  }
0x13: {  	[tilespmem:s28+$0x17180] =	vst v1  }
0x14: {  	[tilespmem:s28+$0x17190] =	vst v1  }
.Ltmp0:
0x15: {  	[tilespmem:s28+$0x171A0] =	vst v1;
	(pc) =	sbr.rel @p1 .LBB2_2-.Ltmp0, $4  }
0x16: {  	[tilespmem:s28+$0x171B0] =	vst v1  }
0x17: {  	[tilespmem:s28+$0x171C0] =	vst v1  }
0x18: {  	[tilespmem:s28+$0x171D0] =	vst v1  }
0x19: {  	[tilespmem:s28+$0x171E0] =	vst v1;
	s28 =	sshra.s32 s29, $0x2;
	s29 =	sadd.s32 $0x200, s29  }
0x1a: {  	[tilespmem:s28+$0x171F0] =	vst v1  }
0x1b: {  	[tilespmem:s28+$0x17180] =	vst v1  }
0x1c: {  	[tilespmem:s28+$0x17190] =	vst v1  }
0x1d: {  	[tilespmem:s28+$0x171A0] =	vst v1  }
0x1e: {  	[tilespmem:s28+$0x171B0] =	vst v1  }
0x1f: {  	[tilespmem:s28+$0x171C0] =	vst v1  }
0x20: {  	[tilespmem:s28+$0x171D0] =	vst v1  }
0x21: {  	[tilespmem:s28+$0x171E0] =	vst v1  }
0x22: {  	[spmem:s5] =	stream.linear.scatter [tilespmem:s14], [sflag:$0x3], $0x4000, $0x38;
	[tilespmem:$0x1F180] =	vst v63  }
0x23: {  	_ =	swait.ge [sflag:s15], $0x4000  }
0x24: {  	[sflag:s15] =	ssyncset.done $0x0  }
0x25: {  	[sflag:s15] =	ssyncadd.s32 $0xFFFFC000  }
0x26: {  	[spmem:s10] =	stream.linear.scatter [tilespmem:s14], [sflag:$0x3], $0x4000, $0x38;
	[tilespmem:$0x1F180] =	vst v63  }
0x27: {  	_ =	swait.ge [sflag:s15], $0x4000  }
0x28: {  	[sflag:s15] =	ssyncset.done $0x0  }
0x29: {  	[sflag:s15] =	ssyncadd.s32 $0xFFFFC000  }
0x2a: {  	[spmem:s11] =	stream.linear.scatter [tilespmem:s14], [sflag:$0x3], $0x4000, $0x38;
	[tilespmem:$0x1F180] =	vst v63  }
0x2b: {  	_ =	swait.ge [sflag:s15], $0x4000  }
0x2c: {  	[sflag:s15] =	ssyncset.done $0x0  }
0x2d: {  	[sflag:s15] =	ssyncadd.s32 $0xFFFFC000  }
0x2e: {  	[spmem:s12] =	stream.linear.scatter [tilespmem:s14], [sflag:$0x3], $0x4000, $0x38;
	[tilespmem:$0x1F180] =	vst v63  }
0x2f: {  	_ =	swait.ge [sflag:s15], $0x4000  }
0x30: {  	[sflag:s15] =	ssyncset.done $0x0  }
0x31: {  	[sflag:s15] =	ssyncadd.s32 $0xFFFFC000  }
0x32: {  	[spmem:s13] =	stream.linear.scatter [tilespmem:s14], [sflag:$0x3], $0x4000, $0x38;
	[tilespmem:$0x1F180] =	vst v63  }
0x33: {  	_ =	swait.ge [sflag:s15], $0x4000  }
0x34: {  	[sflag:s15] =	ssyncset.done $0x0  }
0x35: {  	s28 =	simm.s32 $0x0;
	s1 =	simm.s32 $0x14000;
	[sflag:s15] =	ssyncadd.s32 $0xFFFFC000  }
0x36: {  	[tilespmem:s1], [sflag:$0x3] =	stream.linear.gather [hbm4b:s6+s28], $0x1500, $0x38;
	[tilespmem:$0x1F180] =	vst v63  }
0x37: {  	_ =	swait.ge [sflag:s15], $0x1500  }
0x38: {  	[sflag:s15] =	ssyncset.done $0x0  }
0x39: {  	[sflag:s15] =	ssyncadd.s32 $0xFFFFEB00  }
0x3a: {  	[tilespmem:s17], [sflag:$0x3] =	stream.linear.gather [hbm4b:s7+s28], $0x1500, $0x38;
	[tilespmem:$0x1F180] =	vst v63  }
0x3b: {  	_ =	swait.ge [sflag:s15], $0x1500  }
0x3c: {  	[sflag:s15] =	ssyncset.done $0x0  }
0x3d: {  	[sflag:s15] =	ssyncadd.s32 $0xFFFFEB00  }
0x3e: {  	[bflag:$0x0] =	sbarrier.arrive $0xFFFF  }
0x3f: {  	v2 =	vld [tilespmem:$0x14000];
	_ =	sdelay $0x1  }
0x40: {  	v3 =	vld [tilespmem:$0x14010];
	_ =	sdelay $0x1  }
0x41: {  	v4 =	vld [tilespmem:$0x14020]  }
0x42: {  	v5 =	vand.u32 $0xFFFF, v2  }
0x43: {  	v6 =	vld [tilespmem:$0x14030];
	v2 =	vshrl.u32 v2, $0x10;
	v5 =	vadd.s32 v0, v5  }
0x44: {  	v2 =	vadd.s32 v0, v2;
	[tilespmem:$0x17000] =	vst v5;
	v5 =	vand.u32 $0xFFFF, v3  }
0x45: {  	[tilespmem:$0x17040] =	vst v2;
	v3 =	vshrl.u32 v3, $0x10;
	v2 =	vadd.s32 v0, v5  }
0x46: {  	[tilespmem:$0x17010] =	vst v2;
	v2 =	vadd.s32 v0, v3;
	v3 =	vand.u32 $0xFFFF, v4  }
0x47: {  	[tilespmem:$0x17050] =	vst v2;
	v2 =	vadd.s32 v0, v3;
	v3 =	vshrl.u32 v4, $0x10  }
0x48: {  	[tilespmem:$0x17020] =	vst v2;
	v2 =	vadd.s32 v0, v3;
	v3 =	vand.u32 $0xFFFF, v6  }
0x49: {  	[tilespmem:$0x17060] =	vst v2;
	v2 =	vadd.s32 v0, v3;
	v3 =	vshrl.u32 v6, $0x10  }
0x4a: {  	[tilespmem:$0x17030] =	vst v2;
	v2 =	vadd.s32 v0, v3  }
0x4b: {  	s28 =	simm.s32 $0x0;
	[tilespmem:$0x17070] =	vst v2  }
0x4c: {  	[tilespmem:s14], [sflag:$0x1] =	stream.indirect.gather [hbm4b:s4+s18], $0x80, s19, s18, $0xb8;
	[tilespmem:$0x1F180] =	vst v63  }
0x4d: {  	v2 =	vld [tilespmem:s28+$0x14040];
	_ =	sdelay $0x4  }
0x4e: {  	v3 =	vand.u32 $0xFFFF, v2  }
0x4f: {  	v2 =	vshrl.u32 v2, $0x10;
	v3 =	vadd.s32 v0, v3  }
0x50: {  	v2 =	vadd.s32 v0, v2;
	[tilespmem:$0x17080] =	vst v3  }
0x51: {  	[tilespmem:$0x170C0] =	vst v2  }
0x52: {  	v2 =	vld [tilespmem:s28+$0x14050];
	_ =	sdelay $0x4  }
0x53: {  	v3 =	vand.u32 $0xFFFF, v2  }
0x54: {  	v2 =	vshrl.u32 v2, $0x10;
	v3 =	vadd.s32 v0, v3  }
0x55: {  	v2 =	vadd.s32 v0, v2;
	[tilespmem:$0x17090] =	vst v3  }
0x56: {  	[tilespmem:$0x170D0] =	vst v2  }
0x57: {  	v2 =	vld [tilespmem:s28+$0x14060];
	_ =	sdelay $0x4  }
0x58: {  	v3 =	vand.u32 $0xFFFF, v2  }
0x59: {  	v2 =	vshrl.u32 v2, $0x10;
	v3 =	vadd.s32 v0, v3  }
0x5a: {  	v2 =	vadd.s32 v0, v2;
	[tilespmem:$0x170A0] =	vst v3  }
0x5b: {  	[tilespmem:$0x170E0] =	vst v2  }
0x5c: {  	v2 =	vld [tilespmem:s28+$0x14070];
	_ =	sdelay $0x4  }
0x5d: {  	v3 =	vand.u32 $0xFFFF, v2  }
0x5e: {  	v2 =	vshrl.u32 v2, $0x10;
	v3 =	vadd.s32 v0, v3  }
0x5f: {  	v2 =	vadd.s32 v0, v2;
	[tilespmem:$0x170B0] =	vst v3  }
0x60: {  	[tilespmem:$0x170F0] =	vst v2  }
0x61: {  	[tilespmem:s21], [sflag:$0x2] =	stream.indirect.gather [hbm4b:s4+s18], $0x80, s20, s18, $0xb8;
	[tilespmem:$0x1F180] =	vst v63  }
0x62: {  	v2 =	vld [tilespmem:s28+$0x15800];
	_ =	sdelay $0x4  }
0x63: {  	v3 =	vand.u32 $0xFFFF, v2  }
0x64: {  	v2 =	vshrl.u32 v2, $0x10;
	[tilespmem:$0x17100] =	vst v3  }
0x65: {  	[tilespmem:$0x17140] =	vst v2  }
0x66: {  	v2 =	vld [tilespmem:s28+$0x15810];
	_ =	sdelay $0x4  }
0x67: {  	v3 =	vand.u32 $0xFFFF, v2  }
0x68: {  	v2 =	vshrl.u32 v2, $0x10;
	[tilespmem:$0x17110] =	vst v3  }
0x69: {  	[tilespmem:$0x17150] =	vst v2  }
0x6a: {  	v2 =	vld [tilespmem:s28+$0x15820];
	_ =	sdelay $0x4  }
0x6b: {  	v3 =	vand.u32 $0xFFFF, v2  }
0x6c: {  	v2 =	vshrl.u32 v2, $0x10;
	[tilespmem:$0x17120] =	vst v3  }
0x6d: {  	[tilespmem:$0x17160] =	vst v2  }
0x6e: {  	v2 =	vld [tilespmem:s28+$0x15830];
	_ =	sdelay $0x4  }
0x6f: {  	v3 =	vand.u32 $0xFFFF, v2  }
0x70: {  	v2 =	vshrl.u32 v2, $0x10;
	[tilespmem:$0x17130] =	vst v3  }
0x71: {  	[tilespmem:$0x17170] =	vst v2  }
0x72: {  	_ =	swait.ge [sflag:s22], $0x4000  }
0x73: {  	[sflag:s22] =	ssyncset.done $0x0  }
0x74: {  	[sflag:s22] =	ssyncadd.s32 $0xFFFFC000  }
0x75: {  	[spmem:s2] =	stream.indirect.scatter.add.f32 [tilespmem:s14], [sflag:$0x3], $0x80, s23, s18, $0xb8;
	[tilespmem:$0x1F180] =	vst v63  }
0x76: {  	_ =	swait.ge [sflag:s15], $0x4000  }
0x77: {  	p1 =	por $0x0, $0x0;
	[sflag:s15] =	ssyncset.done $0x0  }
0x78: {  	s29 =	simm.s32 @!p1 $0x0;
	[sflag:s15] =	ssyncadd.s32 $0xFFFFC000  }
0x79: {  	v2 =	vld @!p1 [tilespmem:s29+$0x14080];
	_ =	sdelay $0x4  }
0x7a: {  	v3 =	vand.u32 @!p1 $0xFFFF, v2  }
0x7b: {  	v2 =	vshrl.u32 @!p1 v2, $0x10;
	v3 =	vadd.s32 @!p1 v0, v3  }
0x7c: {  	v2 =	vadd.s32 @!p1 v0, v2;
	[tilespmem:$0x17000] =	vst @!p1 v3  }
0x7d: {  	[tilespmem:$0x17040] =	vst @!p1 v2  }
0x7e: {  	v2 =	vld @!p1 [tilespmem:s29+$0x14090];
	_ =	sdelay $0x4  }
0x7f: {  	v3 =	vand.u32 @!p1 $0xFFFF, v2  }
0x80: {  	v2 =	vshrl.u32 @!p1 v2, $0x10;
	v3 =	vadd.s32 @!p1 v0, v3  }
0x81: {  	v2 =	vadd.s32 @!p1 v0, v2;
	[tilespmem:$0x17010] =	vst @!p1 v3  }
0x82: {  	[tilespmem:$0x17050] =	vst @!p1 v2  }
0x83: {  	v2 =	vld @!p1 [tilespmem:s29+$0x140A0];
	_ =	sdelay $0x4  }
0x84: {  	v3 =	vand.u32 @!p1 $0xFFFF, v2  }
0x85: {  	v2 =	vshrl.u32 @!p1 v2, $0x10;
	v3 =	vadd.s32 @!p1 v0, v3  }
0x86: {  	v2 =	vadd.s32 @!p1 v0, v2;
	[tilespmem:$0x17020] =	vst @!p1 v3  }
0x87: {  	[tilespmem:$0x17060] =	vst @!p1 v2  }
0x88: {  	v2 =	vld @!p1 [tilespmem:s29+$0x140B0];
	_ =	sdelay $0x4  }
0x89: {  	v3 =	vand.u32 @!p1 $0xFFFF, v2  }
0x8a: {  	v2 =	vshrl.u32 @!p1 v2, $0x10;
	v3 =	vadd.s32 @!p1 v0, v3  }
0x8b: {  	v2 =	vadd.s32 @!p1 v0, v2;
	[tilespmem:$0x17030] =	vst @!p1 v3  }
0x8c: {  	s30 =	simm.s32 @!p1 $0x17000;
	s31 =	simm.s32 @!p1 $0x17180;
	s29 =	simm.s32 @!p1 $0x80;
	[tilespmem:$0x17070] =	vst @!p1 v2  }
0x8d: {  	[tilespmem:s31], [sflag:$0x1] =	stream.indirect.gather @!p1 [hbm4b:s4+s29], $0x80, s30, s29, $0xb8;
	[tilespmem:$0x1F180] =	vst v63  }
0x8e: {  	v2 =	vld [tilespmem:s28+$0x15840];
	_ =	sdelay $0x4  }
0x8f: {  	v3 =	vand.u32 $0xFFFF, v2  }
0x90: {  	v2 =	vshrl.u32 v2, $0x10;
	[tilespmem:$0x17100] =	vst v3  }
0x91: {  	[tilespmem:$0x17140] =	vst v2  }
0x92: {  	v2 =	vld [tilespmem:s28+$0x15850];
	_ =	sdelay $0x4  }
0x93: {  	v3 =	vand.u32 $0xFFFF, v2  }
0x94: {  	v2 =	vshrl.u32 v2, $0x10;
	[tilespmem:$0x17110] =	vst v3  }
0x95: {  	[tilespmem:$0x17150] =	vst v2  }
0x96: {  	v2 =	vld [tilespmem:s28+$0x15860];
	_ =	sdelay $0x4  }
0x97: {  	s29 =	simm.s32 $0x200;
	v3 =	vand.u32 $0xFFFF, v2;
	v2 =	vshrl.u32 v2, $0x10  }
.LBB2_4:
0x98: {  	[tilespmem:$0x17120] =	vst v3;
	s30 =	smov.u32 s29;
	s29 =	sadd.s32 $0x200, s29  }
0x99: {  	p1 =	sne.s32 s29, $0x5400;
	[tilespmem:$0x17160] =	vst v2  }
0x9a: {  	v2 =	vld [tilespmem:s28+$0x15870];
	_ =	sdelay $0x4  }
0x9b: {  	v3 =	vand.u32 $0xFFFF, v2;
	v2 =	vshrl.u32 v2, $0x10  }
0x9c: {  	[tilespmem:$0x17130] =	vst v3  }
0x9d: {  	[tilespmem:$0x17170] =	vst v2  }
0x9e: {  	_ =	swait.ge [sflag:s26], $0x4000  }
0x9f: {  	[sflag:s26] =	ssyncset.done $0x0  }
0xa0: {  	[sflag:s26] =	ssyncadd.s32 $0xFFFFC000  }
0xa1: {  	[spmem:s2] =	stream.indirect.scatter.add.f32 [tilespmem:s21], [sflag:$0x3], $0x80, s23, s18, $0xb8;
	[tilespmem:$0x1F180] =	vst v63  }
0xa2: {  	_ =	swait.ge [sflag:s15], $0x4000  }
0xa3: {  	[sflag:s15] =	ssyncset.done $0x0  }
0xa4: {  	s28 =	sshra.s32 s30, $0x2;
	[sflag:s15] =	ssyncadd.s32 $0xFFFFC000  }
0xa5: {  	v2 =	vld [tilespmem:s28+$0x14040];
	_ =	sdelay $0x4  }
0xa6: {  	v3 =	vand.u32 $0xFFFF, v2;
	v2 =	vshrl.u32 v2, $0x10  }
0xa7: {  	v3 =	vadd.s32 v0, v3;
	v2 =	vadd.s32 v0, v2  }
0xa8: {  	[tilespmem:$0x17080] =	vst v3  }
0xa9: {  	[tilespmem:$0x170C0] =	vst v2  }
0xaa: {  	v2 =	vld [tilespmem:s28+$0x14050];
	_ =	sdelay $0x4  }
0xab: {  	v3 =	vand.u32 $0xFFFF, v2;
	v2 =	vshrl.u32 v2, $0x10  }
0xac: {  	v3 =	vadd.s32 v0, v3;
	v2 =	vadd.s32 v0, v2  }
0xad: {  	[tilespmem:$0x17090] =	vst v3  }
0xae: {  	[tilespmem:$0x170D0] =	vst v2  }
0xaf: {  	v2 =	vld [tilespmem:s28+$0x14060];
	_ =	sdelay $0x4  }
0xb0: {  	v3 =	vand.u32 $0xFFFF, v2;
	v2 =	vshrl.u32 v2, $0x10  }
0xb1: {  	v3 =	vadd.s32 v0, v3;
	v2 =	vadd.s32 v0, v2  }
0xb2: {  	[tilespmem:$0x170A0] =	vst v3  }
0xb3: {  	[tilespmem:$0x170E0] =	vst v2  }
0xb4: {  	v2 =	vld [tilespmem:s28+$0x14070];
	_ =	sdelay $0x4  }
0xb5: {  	v3 =	vand.u32 $0xFFFF, v2;
	v2 =	vshrl.u32 v2, $0x10  }
0xb6: {  	v3 =	vadd.s32 v0, v3;
	v2 =	vadd.s32 v0, v2  }
0xb7: {  	[tilespmem:$0x170B0] =	vst v3  }
0xb8: {  	[tilespmem:$0x170F0] =	vst v2  }
0xb9: {  	[tilespmem:s21], [sflag:$0x2] =	stream.indirect.gather [hbm4b:s4+s18], $0x80, s20, s18, $0xb8;
	[tilespmem:$0x1F180] =	vst v63  }
0xba: {  	v2 =	vld [tilespmem:s28+$0x15800];
	_ =	sdelay $0x4  }
0xbb: {  	v3 =	vand.u32 $0xFFFF, v2;
	v2 =	vshrl.u32 v2, $0x10  }
0xbc: {  	[tilespmem:$0x17100] =	vst v3  }
0xbd: {  	[tilespmem:$0x17140] =	vst v2  }
0xbe: {  	v2 =	vld [tilespmem:s28+$0x15810];
	_ =	sdelay $0x4  }
0xbf: {  	v3 =	vand.u32 $0xFFFF, v2;
	v2 =	vshrl.u32 v2, $0x10  }
0xc0: {  	[tilespmem:$0x17110] =	vst v3  }
0xc1: {  	[tilespmem:$0x17150] =	vst v2  }
0xc2: {  	v2 =	vld [tilespmem:s28+$0x15820];
	_ =	sdelay $0x4  }
0xc3: {  	v3 =	vand.u32 $0xFFFF, v2;
	v2 =	vshrl.u32 v2, $0x10  }
0xc4: {  	[tilespmem:$0x17120] =	vst v3  }
0xc5: {  	[tilespmem:$0x17160] =	vst v2  }
0xc6: {  	v2 =	vld [tilespmem:s28+$0x15830];
	_ =	sdelay $0x4  }
0xc7: {  	p2 =	seq.s32 s30, $0x5200;
	v3 =	vand.u32 $0xFFFF, v2;
	v2 =	vshrl.u32 v2, $0x10  }
0xc8: {  	s30 =	sshra.s32 @!p2 s30, $0x2;
	[tilespmem:$0x17130] =	vst v3  }
0xc9: {  	[tilespmem:$0x17170] =	vst v2  }
0xca: {  	_ =	swait.ge [sflag:s22], $0x4000  }
0xcb: {  	[sflag:s22] =	ssyncset.done $0x0  }
0xcc: {  	[sflag:s22] =	ssyncadd.s32 $0xFFFFC000  }
0xcd: {  	[spmem:s2] =	stream.indirect.scatter.add.f32 [tilespmem:s14], [sflag:$0x3], $0x80, s23, s18, $0xb8;
	[tilespmem:$0x1F180] =	vst v63  }
0xce: {  	_ =	swait.ge [sflag:s15], $0x4000  }
0xcf: {  	[sflag:s15] =	ssyncset.done $0x0  }
0xd0: {  	[sflag:s15] =	ssyncadd.s32 $0xFFFFC000  }
0xd1: {  	v2 =	vld @!p2 [tilespmem:s30+$0x14080];
	_ =	sdelay $0x4  }
0xd2: {  	v3 =	vand.u32 @!p2 $0xFFFF, v2;
	v2 =	vshrl.u32 @!p2 v2, $0x10  }
0xd3: {  	v3 =	vadd.s32 @!p2 v0, v3;
	v2 =	vadd.s32 @!p2 v0, v2  }
0xd4: {  	[tilespmem:$0x17000] =	vst @!p2 v3  }
0xd5: {  	[tilespmem:$0x17040] =	vst @!p2 v2  }
0xd6: {  	v2 =	vld @!p2 [tilespmem:s30+$0x14090];
	_ =	sdelay $0x4  }
0xd7: {  	v3 =	vand.u32 @!p2 $0xFFFF, v2;
	v2 =	vshrl.u32 @!p2 v2, $0x10  }
0xd8: {  	v3 =	vadd.s32 @!p2 v0, v3;
	v2 =	vadd.s32 @!p2 v0, v2  }
0xd9: {  	[tilespmem:$0x17010] =	vst @!p2 v3  }
0xda: {  	[tilespmem:$0x17050] =	vst @!p2 v2  }
0xdb: {  	v2 =	vld @!p2 [tilespmem:s30+$0x140A0];
	_ =	sdelay $0x4  }
0xdc: {  	s31 =	simm.s32 @!p2 $0x80;
	s1 =	simm.s32 @!p2 $0x17000;
	s16 =	simm.s32 @!p2 $0x17180;
	v3 =	vand.u32 @!p2 $0xFFFF, v2;
	v2 =	vshrl.u32 @!p2 v2, $0x10  }
0xdd: {  	v3 =	vadd.s32 @!p2 v0, v3;
	v2 =	vadd.s32 @!p2 v0, v2  }
0xde: {  	[tilespmem:$0x17020] =	vst @!p2 v3  }
0xdf: {  	[tilespmem:$0x17060] =	vst @!p2 v2  }
0xe0: {  	v2 =	vld @!p2 [tilespmem:s30+$0x140B0];
	_ =	sdelay $0x4  }
0xe1: {  	v3 =	vand.u32 @!p2 $0xFFFF, v2;
	v2 =	vshrl.u32 @!p2 v2, $0x10  }
0xe2: {  	v3 =	vadd.s32 @!p2 v0, v3;
	v2 =	vadd.s32 @!p2 v0, v2  }
0xe3: {  	[tilespmem:$0x17030] =	vst @!p2 v3  }
0xe4: {  	[tilespmem:$0x17070] =	vst @!p2 v2  }
0xe5: {  	[tilespmem:s16], [sflag:$0x1] =	stream.indirect.gather @!p2 [hbm4b:s4+s31], $0x80, s1, s31, $0xb8;
	[tilespmem:$0x1F180] =	vst v63  }
0xe6: {  	v2 =	vld [tilespmem:s28+$0x15840];
	_ =	sdelay $0x4  }
0xe7: {  	v3 =	vand.u32 $0xFFFF, v2;
	v2 =	vshrl.u32 v2, $0x10  }
0xe8: {  	[tilespmem:$0x17100] =	vst v3  }
0xe9: {  	[tilespmem:$0x17140] =	vst v2  }
0xea: {  	v2 =	vld [tilespmem:s28+$0x15850];
	_ =	sdelay $0x4  }
0xeb: {  	v3 =	vand.u32 $0xFFFF, v2;
	v2 =	vshrl.u32 v2, $0x10  }
0xec: {  	[tilespmem:$0x17110] =	vst v3  }
0xed: {  	[tilespmem:$0x17150] =	vst v2  }
0xee: {  	v2 =	vld [tilespmem:s28+$0x15860]  }
.Ltmp1:
0xef: {  	(pc) =	sbr.rel @p1 .LBB2_4-.Ltmp1, $2  }
0xf0: {  	_ =	sdelay $0x2  }
0xf1: {  	v3 =	vand.u32 $0xFFFF, v2;
	v2 =	vshrl.u32 v2, $0x10  }
0xf2: {  	[tilespmem:$0x17120] =	vst v3  }
0xf3: {  	[tilespmem:$0x17160] =	vst v2  }
0xf4: {  	v2 =	vld [tilespmem:s28+$0x15870];
	_ =	sdelay $0x4  }
0xf5: {  	v3 =	vand.u32 $0xFFFF, v2  }
0xf6: {  	v2 =	vshrl.u32 v2, $0x10;
	[tilespmem:$0x17130] =	vst v3  }
0xf7: {  	[tilespmem:$0x17170] =	vst v2  }
0xf8: {  	_ =	swait.ge [sflag:s26], $0x4000  }
0xf9: {  	[sflag:s26] =	ssyncset.done $0x0  }
0xfa: {  	[sflag:s26] =	ssyncadd.s32 $0xFFFFC000  }
0xfb: {  	[spmem:s2] =	stream.indirect.scatter.add.f32 [tilespmem:s21], [sflag:$0x3], $0x80, s23, s18, $0xb8;
	[tilespmem:$0x1F180] =	vst v63  }
0xfc: {  	_ =	swait.ge [sflag:s15], $0x4000  }
0xfd: {  	[sflag:s15] =	ssyncset.done $0x0  }
0xfe: {  	[sflag:s15] =	ssyncadd.s32 $0xFFFFC000  }
0xff: {  	s1 =	simm.s32 @p0 $0x1FC3;
	[bflag:$0x0] =	sbarrier.arrive $0xFFFF  }
0x100: {  	[hbm:s8], [sflag:s1] =	dma.local @p0 [spmem:s24], $0x2800  }
0x101: {  	s1 =	simm.s32 @p0 $0x3  }
0x102: {  	_ =	swait.ge @p0 [sflag:s1], $0x2800  }
0x103: {  	s16 =	sshll.u32 @!p0 s0, $0x6;
	s3 =	sadd.s32 $0x1, s3;
	[sflag:s1] =	ssyncset.done @p0 $0x0  }
0x104: {  	p1 =	sne.s32 s3, s9;
	[sflag:s1] =	ssyncadd.s32 @p0 $0xFFFFD800;
	s1 =	sor.u32 @!p0 $0x1C03, s16  }
0x105: {  	[hbm:s8], [sflag:s1] =	dma.local @!p0 [spmem:s25], $0x2700  }
.Ltmp2:
0x106: {  	_ = 	snop;
	(pc) =	sbr.rel @p1 .LBB2_1-.Ltmp2, $4  }
0x107: {  	s1 =	simm.s32 @!p0 $0x3  }
0x108: {  	_ =	swait.ge @!p0 [sflag:s1], $0x2700  }
0x109: {  	[sflag:s1] =	ssyncset.done @!p0 $0x0  }
0x10a: {  	[sflag:s1] =	ssyncadd.s32 @!p0 $0xFFFFD900  }
0x10b: {  	_ =	sfence.sel $0x180000  }
0x10c: {  	[bflag:$0x0] =	sbarrier.arrive $0xFFFF  }
0x10d: {  	_ =	strace $0x9000004A  }
0x10e: {  	[bflag:$0x2] =	sbarrier.arrive $0xFFFF  }
0x10f: {  	p0 =	sne.s32 s0, $0x0;
	s0 =	rddreg [dreg:$0x2]  }
0x110: {  	s0 =	sadd.s32 @!p0 $0x100000, s0  }
0x111: {  	[sflag:s0] =	ssyncadd.tile.s32 @!p0 $0x1;
	_ =	shalt  }
.Lfunc_end2:
_tile_overlayer_lowered:
.L_overlay_start_2:
0x112: {  	(tag) =	ssettag $0x2  }
0x113: {  	s0 =	rddreg [dreg:$0x0];
	s2 =	stileid.u32  }
0x114: {  	s1 =	rddreg [dreg:$0x1];
	p0 =	sne.s32 s2, $0x0  }
0x115: {  	s3 =	rddreg [dreg:$0x2];
	[bflag:$0x3] =	sbarrier.arrive $0xFFFF;
	s2 =	simm.s32 @!p0 $0x1C03  }
0x116: {  	[timem:s3], [sflag:s2] =	dma.local @!p0 [hbm:s0], s1  }
0x117: {  	s0 =	simm.s32 @!p0 $0x3  }
0x118: {  	_ =	swait.ge @!p0 [sflag:s0], s1  }
0x119: {  	s1 =	ssub.s32 @!p0 $0x0, s1;
	[sflag:s0] =	ssyncset.done @!p0 $0x0  }
0x11a: {  	[sflag:s0] =	ssyncadd.s32 @!p0 s1  }
0x11b: {  	[bflag:$0x3] =	sbarrier.arrive $0xFFFF  }
0x11c: {  	_ =	shalt  }

// kernel: kernel.17.cloned.1.call-start
scs
__scs_entry_jumppad:
0x0: {  	(pc) =	sbr.rel $0x88, $3  }
0x1: {  	(tag) =	ssettag $0x0;
	lr =	simm.s32 $0x1  }
0x2: {  	[smem:$0x3F92] =	sst lr;
	_ =	strace $0xD0000000  }
0x3: {  	_ = 	snop  }
0x4: {  	_ = 	snop  }
0x5: {  	_ = 	snop  }
0x6: {  	_ = 	snop  }
0x7: {  	_ = 	snop  }
__scs_overlays_trampoline_lowered:
0x8: {  	[smem:$0x3FA1] =	sst s0  }
0x9: {  	[smem:$0x3FA2] =	sst s1  }
0xa: {  	[smem:$0x3FA3] =	sst s2  }
0xb: {  	[smem:$0x3FA4] =	sst s3  }
0xc: {  	[smem:$0x3FA5] =	sst s4  }
0xd: {  	[smem:$0x3FA6] =	sst s5  }
0xe: {  	[smem:$0x3FA7] =	sst s6  }
0xf: {  	[smem:$0x3FA8] =	sst s7  }
0x10: {  	[smem:$0x3FA9] =	sst s8  }
0x11: {  	[smem:$0x3FAA] =	sst s9;
	s0 =	simm.s32 @!p0 $0x0  }
0x12: {  	s1 =	sld [smem:$0x3F90];
	s0 =	simm.s32 @p0 $0x1  }
0x13: {  	[smem:$0x3FAB] =	sst s0;
	s0 =	simm.s32 @!p1 $0x0  }
0x14: {  	s2 =	sld [smem:$0x3F8F];
	s0 =	simm.s32 @p1 $0x1  }
0x15: {  	[smem:$0x3FAC] =	sst s0;
	s0 =	simm.s32 @!p2 $0x0  }
0x16: {  	s3 =	sld [smem:$0x3FDB];
	s0 =	simm.s32 @p2 $0x1  }
0x17: {  	s4 =	simm.s32 $0x1BF5;
	[smem:$0x3FAE] =	sst s0  }
0x18: {  	s0 =	sld [smem:$0x3F91];
	_ =	swait.ge [sflag:s4], $0x0  }
0x19: {  	s7 =	sld [smem:$0x3F92]  }
0x1a: {  	s8 =	sadd.s32 $0xFFFFE003, lr  }
0x1b: {  	s9 =	sadd.s32 $0xFFFFFEF7, lr;
	s5 =	simm.s32 $0xFFFFFFFF;
	p2 =	slt.u32 s8, $0xFFFFF086  }
0x1c: {  	p1 =	slt.u32 s9, $0xF7A;
	s5 =	simm.s32 @!p2 $0x0  }
0x1d: {  	s5 =	simm.s32 @p1 $0x1;
	p0 =	seq.s32 s7, s2  }
0x1e: {  	s7 =	smul.u32 @!p0 $0xF7A, s2;
	p2 =	seq.s32 @!p0 s5, $0x0  }
0x1f: {  	s9 =	smul.u32 $0xF7A, s1;
	s8 =	simm.s32 @!p0 $0x1BF5;
	p2 =	por !p2, p0  }
0x20: {  	[sflag:s8] =	ssyncset.s32 @!p0 $0xFFFFF086;
	s6 =	sadd.s32 @!p0 s3, s7;
	s7 =	simm.s32 @!p0 $0x108  }
0x21: {  	s3 =	sadd.s32 s3, s9;
	s6 =	sadd.s32 @!p0 $0x88, s6;
	s7 =	simm.s32 @p2 $0x1082  }
0x22: {  	[simem:s7], [sflag:s8] =	dma.local @!p0 [hbm:s6], $0xF7A  }
0x23: {  	s9 =	sor.u32 $0xD0000000, s2;
	s6 =	simm.s32 $0x108;
	_ =	swait.ge @!p0 [sflag:s8], $0x0  }
0x24: {  	s3 =	sadd.s32 $0x88, s3;
	s6 =	simm.s32 @!p1 $0x1082;
	[sflag:s4] =	ssyncset.s32 $0xFFFFF086  }
0x25: {  	[simem:s6], [sflag:s4] =	dma.local [hbm:s3], $0xF7A  }
0x26: {  	[smem:$0x3F92] =	sst s1;
	(tag) =	ssettag s2;
	_ =	strace s9  }
0x27: {  	s1 =	sld [smem:$0x3FA2]  }
0x28: {  	s2 =	sld [smem:$0x3FA3]  }
0x29: {  	s4 =	sld [smem:$0x3FA5]  }
0x2a: {  	p0 =	seq.s32 s5, $0x0;
	s5 =	sld [smem:$0x3FA6]  }
0x2b: {  	s6 =	sld [smem:$0x3FA7]  }
0x2c: {  	s7 =	sld [smem:$0x3FA8]  }
0x2d: {  	s3 =	simm.s32 $0x108;
	s8 =	sld [smem:$0x3FA9]  }
0x2e: {  	s3 =	simm.s32 @!p0 $0x1082;
	s9 =	sld [smem:$0x3FAA]  }
0x2f: {  	lr =	sadd.s32 s0, s3;
	s0 =	sld [smem:$0x3FA1]  }
0x30: {  	s3 =	sld [smem:$0x3FA4]  }
0x31: {  	[smem:$0x3FAD] =	sst s10  }
0x32: {  	s10 =	sld [smem:$0x3FAB];
	_ =	sdelay $0x3  }
0x33: {  	p0 =	seq.s32 s10, $0x1;
	s10 =	sld [smem:$0x3FAD];
	_ =	sdelay $0x3  }
0x34: {  	[smem:$0x3FAD] =	sst s10  }
0x35: {  	s10 =	sld [smem:$0x3FAC];
	_ =	sdelay $0x3  }
0x36: {  	p1 =	seq.s32 s10, $0x1;
	s10 =	sld [smem:$0x3FAD];
	_ =	sdelay $0x3  }
0x37: {  	[smem:$0x3FAD] =	sst s10  }
0x38: {  	s10 =	sld [smem:$0x3FAE]  }
0x39: {  	_ = 	snop;
	(pc) =	sbr.ind lr, $3  }
0x3a: {  	_ = 	snop  }
0x3b: {  	_ = 	snop  }
0x3c: {  	p2 =	seq.s32 s10, $0x1;
	s10 =	sld [smem:$0x3FAD]  }
0x3d: {  	_ =	shalt  }
0x3e: {  	_ =	shalt  }
0x3f: {  	_ =	shalt  }
0x40: {  	_ =	shalt  }
0x41: {  	_ =	shalt  }
0x42: {  	_ =	shalt  }
0x43: {  	_ =	shalt  }
0x44: {  	_ =	shalt  }
0x45: {  	_ =	shalt  }
0x46: {  	_ =	shalt  }
0x47: {  	_ =	shalt  }
0x48: {  	_ =	shalt  }
0x49: {  	_ =	shalt  }
0x4a: {  	_ =	shalt  }
0x4b: {  	_ =	shalt  }
0x4c: {  	_ =	shalt  }
0x4d: {  	_ =	shalt  }
0x4e: {  	_ =	shalt  }
0x4f: {  	_ =	shalt  }
0x50: {  	_ =	shalt  }
0x51: {  	_ =	shalt  }
0x52: {  	_ =	shalt  }
0x53: {  	_ =	shalt  }
0x54: {  	_ =	shalt  }
0x55: {  	_ =	shalt  }
0x56: {  	_ =	shalt  }
0x57: {  	_ =	shalt  }
0x58: {  	_ =	shalt  }
0x59: {  	_ =	shalt  }
0x5a: {  	_ =	shalt  }
0x5b: {  	_ =	shalt  }
0x5c: {  	_ =	shalt  }
0x5d: {  	_ =	shalt  }
0x5e: {  	_ =	shalt  }
0x5f: {  	_ =	shalt  }
0x60: {  	_ =	shalt  }
0x61: {  	_ =	shalt  }
0x62: {  	_ =	shalt  }
0x63: {  	_ =	shalt  }
0x64: {  	_ =	shalt  }
0x65: {  	_ =	shalt  }
0x66: {  	_ =	shalt  }
0x67: {  	_ =	shalt  }
0x68: {  	_ =	shalt  }
0x69: {  	_ =	shalt  }
0x6a: {  	_ =	shalt  }
0x6b: {  	_ =	shalt  }
0x6c: {  	_ =	shalt  }
0x6d: {  	_ =	shalt  }
0x6e: {  	_ =	shalt  }
0x6f: {  	_ =	shalt  }
0x70: {  	_ =	shalt  }
0x71: {  	_ =	shalt  }
0x72: {  	_ =	shalt  }
0x73: {  	_ =	shalt  }
0x74: {  	_ =	shalt  }
0x75: {  	_ =	shalt  }
0x76: {  	_ =	shalt  }
0x77: {  	_ =	shalt  }
0x78: {  	_ =	shalt  }
0x79: {  	_ =	shalt  }
0x7a: {  	_ =	shalt  }
0x7b: {  	_ =	shalt  }
0x7c: {  	_ =	shalt  }
0x7d: {  	_ =	shalt  }
0x7e: {  	_ =	shalt  }
0x7f: {  	_ =	shalt  }
0x80: {  	_ =	shalt  }
0x81: {  	_ =	shalt  }
0x82: {  	_ =	shalt  }
0x83: {  	_ =	shalt  }
0x84: {  	_ =	shalt  }
0x85: {  	_ =	shalt  }
0x86: {  	_ =	shalt  }
0x87: {  	_ =	shalt  }
.Lfunc_end0:
.L_simem_size_0:
called_computation.2_lowered:
.L_overlay_start_0:
0x88: {  	s2 =	sld [smem:$0x3FD9]  }
0x89: {  	s3 =	sld [smem:$0x3FFE];
	_ =	sdelay $0x1  }
0x8a: {  	s1 =	srdreg.scid  }
0x8b: {  	s0 =	sand.u32 $0x1, s1  }
0x8c: {  	s16 =	sshll.u32 s0, $0xA;
	s2 =	sadd.s32 s3, s2  }
0x8d: {  	s2 =	sadd.s32 s2, s16  }
0x8e: {  	[smem:$0x3FB9] =	sst s2  }
0x8f: {  	_ = 	snop  }
0x90: {  	(tm) =	ssettm $0x1  }
0x91: {  	s17 =	sld [smem:$0x3FFB];
	_ =	sdelay $0x3  }
0x92: {  	_ =	strace s17  }
0x93: {  	s2 =	sld [smem:$0x3FFC];
	_ =	sdelay $0x3  }
0x94: {  	_ =	strace s2  }
0x95: {  	s2 =	sld [smem:$0x3FFD];
	_ =	sdelay $0x3  }
0x96: {  	_ =	strace s2  }
0x97: {  	_ =	strace $0x8FFFFFFF  }
0x98: {  	s18 =	sld [smem:$0x3FDB];
	_ =	sdelay $0x1  }
0x99: {  	s19 =	simm.s32 $_scs_section_size  }
0x9a: {  	s4 =	simm.s32 $_size__tile_overlayer_lowered;
	s5 =	simm.s32 $_tile_overlayer_lowered  }
0x9b: {  	s22 =	simm.s32 $0x1BFF;
	s21 =	sshll.u32 s5, $0x1;
	s2 =	sadd.s32 s19, s18  }
0x9c: {  	s6 =	simm.s32 $0x0;
	s20 =	sshll.u32 s4, $0x1;
	s4 =	sadd.s32 s21, s2  }
0x9d: {  	[timem:s6], [sflag:s22] =	dma.local [hbm:s4], s20  }
0x9e: {  	_ =	swait.ge [sflag:s22], s20  }
0x9f: {  	s3 =	ssub.s32 $0x0, s20;
	[sflag:s22] =	ssyncset.done $0x0  }
0xa0: {  	[sflag:s22] =	ssyncadd.s32 s3;
	_ =	sdelay $0x1  }
0xa1: {  	s23 =	simm.s32 $0x1B8B  }
0xa2: {  	_ =	swait.ge [sflag:s23], $0x1  }
0xa3: {  	[sflag:s23] =	ssyncset.done $0x0  }
0xa4: {  	s25 =	simm.s32 $0x1B8E;
	s24 =	sld [smem:$0x3FFE];
	[sflag:s23] =	ssyncadd.s32 $0xFFFFFFFF  }
0xa5: {  	s26 =	simm.s32 $execute0_lowered;
	[smem:$0x3FD2] =	sst s25  }
0xa6: {  	s4 =	sshll.u32 s26, $0x1;
	_ =	strace $0x8000004C;
	[dreg:$0x1] =	wrdreg $0xFFFFFFFF  }
0xa7: {  	s28 =	simm.s32 $_size_execute0_lowered;
	s2 =	sadd.s32 s2, s4;
	[dreg:$0x0] =	wrdreg $0x0  }
0xa8: {  	s4 =	sshll.u32 s28, $0x1;
	[dreg:$0x2] =	wrdreg s2  }
0xa9: {  	[dreg:$0x3] =	wrdreg s4  }
0xaa: {  	[dreg:$0x4] =	wrdreg $0xC0  }
0xab: {  	_ =	task [dreg:s6], $0x5FFFF  }
0xac: {  	[dreg:$0x1] =	wrdreg $0xFFFFFFFF  }
0xad: {  	[dreg:$0x0] =	wrdreg $0x60  }
0xae: {  	[dreg:$0x2] =	wrdreg s24  }
0xaf: {  	[dreg:$0x3] =	wrdreg $0x0  }
0xb0: {  	[dreg:$0x4] =	wrdreg $0x9  }
0xb1: {  	_ =	task.clear_ibuf [dreg:s6], $0x5FFFF;
	_ =	strace $0x9000004C  }
0xb2: {  	s29 =	simm.s32 $0x9;
	_ =	strace $0x8000004E  }
0xb3: {  	_ =	swait.ge [sflag:s29], $0x1  }
0xb4: {  	[sflag:s29] =	ssyncadd.s32 $0xFFFFFFFF  }
0xb5: {  	_ =	strace $0x9000004E  }
0xb6: {  	_ =	sfence  }
0xb7: {  	s30 =	sld [smem:$0x0];
	_ =	sdelay $0x2  }
0xb8: {  	s31 =	sshll.u32 s1, $0xD;
	s1 =	sshrl.u32 s1, $0x2  }
0xb9: {  	s3 =	sand.u32 $0x4000, s31;
	s1 =	sadd.s32 s1, s30  }
0xba: {  	s0 =	sor.u32 s3, s0;
	s1 =	sshll.u32 s1, $0x11  }
0xbb: {  	s0 =	sor.u32 s1, s0  }
0xbc: {  	s0 =	sadd.s32 $0x8F2B, s0  }
0xbd: {  	[sflag:s0] =	ssyncadd.remote.s32 $0x1  }
0xbe: {  	_ =	sfence.sel $0xFFFF  }
0xbf: {  	[dreg:$0x0] =	wrdreg $0xFFFFFFFF;
	(pc) =	sbr.abs _section_cstart, $3  }
0xc0: {  	[dreg:$0x1] =	wrdreg $0xFFFFFFFF  }
0xc1: {  	_ =	task.clear_ibuf [dreg:s6], $0x2FFFF;
	_ =	strace $0x9FFFFFFF  }
0xc2: {  	(tm) =	ssettm $0x7FFFFFFF  }
0xc3: {  	_ =	shalt  }
tec
execute0_lowered:
.L_overlay_start_1:
0x0: {  	(tag) =	ssettag $0x1  }
0x1: {  	s5 =	rddreg [dreg:$0x0];
	s0 =	stileid.u32  }
0x2: {  	s1 =	srdreg.scid;
	s2 =	rddreg [dreg:$0x1];
	s3 =	simm.s32 $0x0  }
0x3: {  	s14 =	simm.s32 $0x17180;
	s15 =	simm.s32 $0x3;
	s17 =	simm.s32 $0x15800  }
0x4: {  	s18 =	simm.s32 $0x80;
	s19 =	simm.s32 $0x17000;
	s6 =	smul.u32 $0x300, s0  }
0x5: {  	s20 =	simm.s32 $0x17080;
	s21 =	simm.s32 $0x1B180;
	s8 =	smul.u32 $0x270, s0  }
0x6: {  	s22 =	simm.s32 $0x1;
	s23 =	simm.s32 $0x17100;
	s28 =	smul.u32 $0x50000, s0  }
0x7: {  	s7 =	sand.u32 $0x1, s1;
	[smem:$0x7FF] =	sst s3;
	s10 =	smul.u32 $0x4E000, s0  }
0x8: {  	s4 =	sadd.s32 $0xFA00, s5;
	p0 =	seq.s32 s0, $0xF;
	s24 =	smul.u32 $0x2710, s7  }
0x9: {  	_ =	strace $0x8000004D;
	s7 =	ssub.s32 $0x2, s7;
	s9 =	sadd.s32 s6, s5  }
0xa: {  	s29 =	sshrl.u32 s7, $0x1;
	s30 =	sshrl.u32 s28, $0x2;
	s31 =	sshrl.u32 s10, $0x2  }
0xb: {  	s26 =	sadd.s32 s8, s24;
	s12 =	ssub.s32 s7, s29;
	s7 =	sadd.s32 $0x9A00, s9  }
0xc: {  	s25 =	sadd.s32 s31, s2;
	s6 =	sshll.u32 s26, $0x4;
	s26 =	sadd.s32 $0x124800, s2  }
0xd: {  	s25 =	sshrl.u32 @!p0 s25, $0x3;
	s11 =	sadd.s32 s6, s5;
	s5 =	sadd.s32 s30, s2  }
0xe: {  	v0 =	vmov s24;
	s6 =	sadd.s32 $0xCA00, s9;
	s9 =	smax.u32 s12, $0x1;
	s24 =	sshrl.u32 @p0 s26, $0x3  }
0xf: {  	s26 =	simm.s32 $0x2;
	s8 =	sadd.s32 $0x5DC00, s11;
	s10 =	sadd.s32 $0x4000, s5  }
0x10: {  	v1 =	vimm.f32 $0.0e+00;
	s11 =	sadd.s32 $0x8000, s5;
	s12 =	sadd.s32 $0xC000, s5;
	s13 =	sadd.s32 $0x10000, s5  }
.LBB2_1:
0x11: {  	s28 =	simm.s32 $0x0;
	s29 =	simm.s32 $0x200  }
.LBB2_2:
0x12: {  	p1 =	sne.s32 s29, $0xFE00;
	[tilespmem:s28+$0x171F0] =	vst v1  }
0x13: {  	[tilespmem:s28+$0x17180] =	vst v1  }
0x14: {  	[tilespmem:s28+$0x17190] =	vst v1  }
.Ltmp0:
0x15: {  	[tilespmem:s28+$0x171A0] =	vst v1;
	(pc) =	sbr.rel @p1 .LBB2_2-.Ltmp0, $4  }
0x16: {  	[tilespmem:s28+$0x171B0] =	vst v1  }
0x17: {  	[tilespmem:s28+$0x171C0] =	vst v1  }
0x18: {  	[tilespmem:s28+$0x171D0] =	vst v1  }
0x19: {  	[tilespmem:s28+$0x171E0] =	vst v1;
	s28 =	sshra.s32 s29, $0x2;
	s29 =	sadd.s32 $0x200, s29  }
0x1a: {  	[tilespmem:s28+$0x171F0] =	vst v1  }
0x1b: {  	[tilespmem:s28+$0x17180] =	vst v1  }
0x1c: {  	[tilespmem:s28+$0x17190] =	vst v1  }
0x1d: {  	[tilespmem:s28+$0x171A0] =	vst v1  }
0x1e: {  	[tilespmem:s28+$0x171B0] =	vst v1  }
0x1f: {  	[tilespmem:s28+$0x171C0] =	vst v1  }
0x20: {  	[tilespmem:s28+$0x171D0] =	vst v1  }
0x21: {  	[tilespmem:s28+$0x171E0] =	vst v1  }
0x22: {  	[spmem:s5] =	stream.linear.scatter [tilespmem:s14], [sflag:$0x3], $0x4000, $0x38;
	[tilespmem:$0x1F180] =	vst v63  }
0x23: {  	_ =	swait.ge [sflag:s15], $0x4000  }
0x24: {  	[sflag:s15] =	ssyncset.done $0x0  }
0x25: {  	[sflag:s15] =	ssyncadd.s32 $0xFFFFC000  }
0x26: {  	[spmem:s10] =	stream.linear.scatter [tilespmem:s14], [sflag:$0x3], $0x4000, $0x38;
	[tilespmem:$0x1F180] =	vst v63  }
0x27: {  	_ =	swait.ge [sflag:s15], $0x4000  }
0x28: {  	[sflag:s15] =	ssyncset.done $0x0  }
0x29: {  	[sflag:s15] =	ssyncadd.s32 $0xFFFFC000  }
0x2a: {  	[spmem:s11] =	stream.linear.scatter [tilespmem:s14], [sflag:$0x3], $0x4000, $0x38;
	[tilespmem:$0x1F180] =	vst v63  }
0x2b: {  	_ =	swait.ge [sflag:s15], $0x4000  }
0x2c: {  	[sflag:s15] =	ssyncset.done $0x0  }
0x2d: {  	[sflag:s15] =	ssyncadd.s32 $0xFFFFC000  }
0x2e: {  	[spmem:s12] =	stream.linear.scatter [tilespmem:s14], [sflag:$0x3], $0x4000, $0x38;
	[tilespmem:$0x1F180] =	vst v63  }
0x2f: {  	_ =	swait.ge [sflag:s15], $0x4000  }
0x30: {  	[sflag:s15] =	ssyncset.done $0x0  }
0x31: {  	[sflag:s15] =	ssyncadd.s32 $0xFFFFC000  }
0x32: {  	[spmem:s13] =	stream.linear.scatter [tilespmem:s14], [sflag:$0x3], $0x4000, $0x38;
	[tilespmem:$0x1F180] =	vst v63  }
0x33: {  	_ =	swait.ge [sflag:s15], $0x4000  }
0x34: {  	[sflag:s15] =	ssyncset.done $0x0  }
0x35: {  	s28 =	simm.s32 $0x0;
	s1 =	simm.s32 $0x14000;
	[sflag:s15] =	ssyncadd.s32 $0xFFFFC000  }
0x36: {  	[tilespmem:s1], [sflag:$0x3] =	stream.linear.gather [hbm4b:s6+s28], $0x1500, $0x38;
	[tilespmem:$0x1F180] =	vst v63  }
0x37: {  	_ =	swait.ge [sflag:s15], $0x1500  }
0x38: {  	[sflag:s15] =	ssyncset.done $0x0  }
0x39: {  	[sflag:s15] =	ssyncadd.s32 $0xFFFFEB00  }
0x3a: {  	[tilespmem:s17], [sflag:$0x3] =	stream.linear.gather [hbm4b:s7+s28], $0x1500, $0x38;
	[tilespmem:$0x1F180] =	vst v63  }
0x3b: {  	_ =	swait.ge [sflag:s15], $0x1500  }
0x3c: {  	[sflag:s15] =	ssyncset.done $0x0  }
0x3d: {  	[sflag:s15] =	ssyncadd.s32 $0xFFFFEB00  }
0x3e: {  	[bflag:$0x0] =	sbarrier.arrive $0xFFFF  }
0x3f: {  	v2 =	vld [tilespmem:$0x14000];
	_ =	sdelay $0x1  }
0x40: {  	v3 =	vld [tilespmem:$0x14010];
	_ =	sdelay $0x1  }
0x41: {  	v4 =	vld [tilespmem:$0x14020]  }
0x42: {  	v5 =	vand.u32 $0xFFFF, v2  }
0x43: {  	v6 =	vld [tilespmem:$0x14030];
	v2 =	vshrl.u32 v2, $0x10;
	v5 =	vadd.s32 v0, v5  }
0x44: {  	v2 =	vadd.s32 v0, v2;
	[tilespmem:$0x17000] =	vst v5;
	v5 =	vand.u32 $0xFFFF, v3  }
0x45: {  	[tilespmem:$0x17040] =	vst v2;
	v3 =	vshrl.u32 v3, $0x10;
	v2 =	vadd.s32 v0, v5  }
0x46: {  	[tilespmem:$0x17010] =	vst v2;
	v2 =	vadd.s32 v0, v3;
	v3 =	vand.u32 $0xFFFF, v4  }
0x47: {  	[tilespmem:$0x17050] =	vst v2;
	v2 =	vadd.s32 v0, v3;
	v3 =	vshrl.u32 v4, $0x10  }
0x48: {  	[tilespmem:$0x17020] =	vst v2;
	v2 =	vadd.s32 v0, v3;
	v3 =	vand.u32 $0xFFFF, v6  }
0x49: {  	[tilespmem:$0x17060] =	vst v2;
	v2 =	vadd.s32 v0, v3;
	v3 =	vshrl.u32 v6, $0x10  }
0x4a: {  	[tilespmem:$0x17030] =	vst v2;
	v2 =	vadd.s32 v0, v3  }
0x4b: {  	s28 =	simm.s32 $0x0;
	[tilespmem:$0x17070] =	vst v2  }
0x4c: {  	[tilespmem:s14], [sflag:$0x1] =	stream.indirect.gather [hbm4b:s4+s18], $0x80, s19, s18, $0xb8;
	[tilespmem:$0x1F180] =	vst v63  }
0x4d: {  	v2 =	vld [tilespmem:s28+$0x14040];
	_ =	sdelay $0x4  }
0x4e: {  	v3 =	vand.u32 $0xFFFF, v2  }
0x4f: {  	v2 =	vshrl.u32 v2, $0x10;
	v3 =	vadd.s32 v0, v3  }
0x50: {  	v2 =	vadd.s32 v0, v2;
	[tilespmem:$0x17080] =	vst v3  }
0x51: {  	[tilespmem:$0x170C0] =	vst v2  }
0x52: {  	v2 =	vld [tilespmem:s28+$0x14050];
	_ =	sdelay $0x4  }
0x53: {  	v3 =	vand.u32 $0xFFFF, v2  }
0x54: {  	v2 =	vshrl.u32 v2, $0x10;
	v3 =	vadd.s32 v0, v3  }
0x55: {  	v2 =	vadd.s32 v0, v2;
	[tilespmem:$0x17090] =	vst v3  }
0x56: {  	[tilespmem:$0x170D0] =	vst v2  }
0x57: {  	v2 =	vld [tilespmem:s28+$0x14060];
	_ =	sdelay $0x4  }
0x58: {  	v3 =	vand.u32 $0xFFFF, v2  }
0x59: {  	v2 =	vshrl.u32 v2, $0x10;
	v3 =	vadd.s32 v0, v3  }
0x5a: {  	v2 =	vadd.s32 v0, v2;
	[tilespmem:$0x170A0] =	vst v3  }
0x5b: {  	[tilespmem:$0x170E0] =	vst v2  }
0x5c: {  	v2 =	vld [tilespmem:s28+$0x14070];
	_ =	sdelay $0x4  }
0x5d: {  	v3 =	vand.u32 $0xFFFF, v2  }
0x5e: {  	v2 =	vshrl.u32 v2, $0x10;
	v3 =	vadd.s32 v0, v3  }
0x5f: {  	v2 =	vadd.s32 v0, v2;
	[tilespmem:$0x170B0] =	vst v3  }
0x60: {  	[tilespmem:$0x170F0] =	vst v2  }
0x61: {  	[tilespmem:s21], [sflag:$0x2] =	stream.indirect.gather [hbm4b:s4+s18], $0x80, s20, s18, $0xb8;
	[tilespmem:$0x1F180] =	vst v63  }
0x62: {  	v2 =	vld [tilespmem:s28+$0x15800];
	_ =	sdelay $0x4  }
0x63: {  	v3 =	vand.u32 $0xFFFF, v2  }
0x64: {  	v2 =	vshrl.u32 v2, $0x10;
	[tilespmem:$0x17100] =	vst v3  }
0x65: {  	[tilespmem:$0x17140] =	vst v2  }
0x66: {  	v2 =	vld [tilespmem:s28+$0x15810];
	_ =	sdelay $0x4  }
0x67: {  	v3 =	vand.u32 $0xFFFF, v2  }
0x68: {  	v2 =	vshrl.u32 v2, $0x10;
	[tilespmem:$0x17110] =	vst v3  }
0x69: {  	[tilespmem:$0x17150] =	vst v2  }
0x6a: {  	v2 =	vld [tilespmem:s28+$0x15820];
	_ =	sdelay $0x4  }
0x6b: {  	v3 =	vand.u32 $0xFFFF, v2  }
0x6c: {  	v2 =	vshrl.u32 v2, $0x10;
	[tilespmem:$0x17120] =	vst v3  }
0x6d: {  	[tilespmem:$0x17160] =	vst v2  }
0x6e: {  	v2 =	vld [tilespmem:s28+$0x15830];
	_ =	sdelay $0x4  }
0x6f: {  	v3 =	vand.u32 $0xFFFF, v2  }
0x70: {  	v2 =	vshrl.u32 v2, $0x10;
	[tilespmem:$0x17130] =	vst v3  }
0x71: {  	[tilespmem:$0x17170] =	vst v2  }
0x72: {  	_ =	swait.ge [sflag:s22], $0x4000  }
0x73: {  	[sflag:s22] =	ssyncset.done $0x0  }
0x74: {  	[sflag:s22] =	ssyncadd.s32 $0xFFFFC000  }
0x75: {  	[spmem:s2] =	stream.indirect.scatter.add.f32 [tilespmem:s14], [sflag:$0x3], $0x80, s23, s18, $0xb8;
	[tilespmem:$0x1F180] =	vst v63  }
0x76: {  	_ =	swait.ge [sflag:s15], $0x4000  }
0x77: {  	p1 =	por $0x0, $0x0;
	[sflag:s15] =	ssyncset.done $0x0  }
0x78: {  	s29 =	simm.s32 @!p1 $0x0;
	[sflag:s15] =	ssyncadd.s32 $0xFFFFC000  }
0x79: {  	v2 =	vld @!p1 [tilespmem:s29+$0x14080];
	_ =	sdelay $0x4  }
0x7a: {  	v3 =	vand.u32 @!p1 $0xFFFF, v2  }
0x7b: {  	v2 =	vshrl.u32 @!p1 v2, $0x10;
	v3 =	vadd.s32 @!p1 v0, v3  }
0x7c: {  	v2 =	vadd.s32 @!p1 v0, v2;
	[tilespmem:$0x17000] =	vst @!p1 v3  }
0x7d: {  	[tilespmem:$0x17040] =	vst @!p1 v2  }
0x7e: {  	v2 =	vld @!p1 [tilespmem:s29+$0x14090];
	_ =	sdelay $0x4  }
0x7f: {  	v3 =	vand.u32 @!p1 $0xFFFF, v2  }
0x80: {  	v2 =	vshrl.u32 @!p1 v2, $0x10;
	v3 =	vadd.s32 @!p1 v0, v3  }
0x81: {  	v2 =	vadd.s32 @!p1 v0, v2;
	[tilespmem:$0x17010] =	vst @!p1 v3  }
0x82: {  	[tilespmem:$0x17050] =	vst @!p1 v2  }
0x83: {  	v2 =	vld @!p1 [tilespmem:s29+$0x140A0];
	_ =	sdelay $0x4  }
0x84: {  	v3 =	vand.u32 @!p1 $0xFFFF, v2  }
0x85: {  	v2 =	vshrl.u32 @!p1 v2, $0x10;
	v3 =	vadd.s32 @!p1 v0, v3  }
0x86: {  	v2 =	vadd.s32 @!p1 v0, v2;
	[tilespmem:$0x17020] =	vst @!p1 v3  }
0x87: {  	[tilespmem:$0x17060] =	vst @!p1 v2  }
0x88: {  	v2 =	vld @!p1 [tilespmem:s29+$0x140B0];
	_ =	sdelay $0x4  }
0x89: {  	v3 =	vand.u32 @!p1 $0xFFFF, v2  }
0x8a: {  	v2 =	vshrl.u32 @!p1 v2, $0x10;
	v3 =	vadd.s32 @!p1 v0, v3  }
0x8b: {  	v2 =	vadd.s32 @!p1 v0, v2;
	[tilespmem:$0x17030] =	vst @!p1 v3  }
0x8c: {  	s30 =	simm.s32 @!p1 $0x17000;
	s31 =	simm.s32 @!p1 $0x17180;
	s29 =	simm.s32 @!p1 $0x80;
	[tilespmem:$0x17070] =	vst @!p1 v2  }
0x8d: {  	[tilespmem:s31], [sflag:$0x1] =	stream.indirect.gather @!p1 [hbm4b:s4+s29], $0x80, s30, s29, $0xb8;
	[tilespmem:$0x1F180] =	vst v63  }
0x8e: {  	v2 =	vld [tilespmem:s28+$0x15840];
	_ =	sdelay $0x4  }
0x8f: {  	v3 =	vand.u32 $0xFFFF, v2  }
0x90: {  	v2 =	vshrl.u32 v2, $0x10;
	[tilespmem:$0x17100] =	vst v3  }
0x91: {  	[tilespmem:$0x17140] =	vst v2  }
0x92: {  	v2 =	vld [tilespmem:s28+$0x15850];
	_ =	sdelay $0x4  }
0x93: {  	v3 =	vand.u32 $0xFFFF, v2  }
0x94: {  	v2 =	vshrl.u32 v2, $0x10;
	[tilespmem:$0x17110] =	vst v3  }
0x95: {  	[tilespmem:$0x17150] =	vst v2  }
0x96: {  	v2 =	vld [tilespmem:s28+$0x15860];
	_ =	sdelay $0x4  }
0x97: {  	s29 =	simm.s32 $0x200;
	v3 =	vand.u32 $0xFFFF, v2;
	v2 =	vshrl.u32 v2, $0x10  }
.LBB2_4:
0x98: {  	[tilespmem:$0x17120] =	vst v3;
	s30 =	smov.u32 s29;
	s29 =	sadd.s32 $0x200, s29  }
0x99: {  	p1 =	sne.s32 s29, $0x5400;
	[tilespmem:$0x17160] =	vst v2  }
0x9a: {  	v2 =	vld [tilespmem:s28+$0x15870];
	_ =	sdelay $0x4  }
0x9b: {  	v3 =	vand.u32 $0xFFFF, v2;
	v2 =	vshrl.u32 v2, $0x10  }
0x9c: {  	[tilespmem:$0x17130] =	vst v3  }
0x9d: {  	[tilespmem:$0x17170] =	vst v2  }
0x9e: {  	_ =	swait.ge [sflag:s26], $0x4000  }
0x9f: {  	[sflag:s26] =	ssyncset.done $0x0  }
0xa0: {  	[sflag:s26] =	ssyncadd.s32 $0xFFFFC000  }
0xa1: {  	[spmem:s2] =	stream.indirect.scatter.add.f32 [tilespmem:s21], [sflag:$0x3], $0x80, s23, s18, $0xb8;
	[tilespmem:$0x1F180] =	vst v63  }
0xa2: {  	_ =	swait.ge [sflag:s15], $0x4000  }
0xa3: {  	[sflag:s15] =	ssyncset.done $0x0  }
0xa4: {  	s28 =	sshra.s32 s30, $0x2;
	[sflag:s15] =	ssyncadd.s32 $0xFFFFC000  }
0xa5: {  	v2 =	vld [tilespmem:s28+$0x14040];
	_ =	sdelay $0x4  }
0xa6: {  	v3 =	vand.u32 $0xFFFF, v2;
	v2 =	vshrl.u32 v2, $0x10  }
0xa7: {  	v3 =	vadd.s32 v0, v3;
	v2 =	vadd.s32 v0, v2  }
0xa8: {  	[tilespmem:$0x17080] =	vst v3  }
0xa9: {  	[tilespmem:$0x170C0] =	vst v2  }
0xaa: {  	v2 =	vld [tilespmem:s28+$0x14050];
	_ =	sdelay $0x4  }
0xab: {  	v3 =	vand.u32 $0xFFFF, v2;
	v2 =	vshrl.u32 v2, $0x10  }
0xac: {  	v3 =	vadd.s32 v0, v3;
	v2 =	vadd.s32 v0, v2  }
0xad: {  	[tilespmem:$0x17090] =	vst v3  }
0xae: {  	[tilespmem:$0x170D0] =	vst v2  }
0xaf: {  	v2 =	vld [tilespmem:s28+$0x14060];
	_ =	sdelay $0x4  }
0xb0: {  	v3 =	vand.u32 $0xFFFF, v2;
	v2 =	vshrl.u32 v2, $0x10  }
0xb1: {  	v3 =	vadd.s32 v0, v3;
	v2 =	vadd.s32 v0, v2  }
0xb2: {  	[tilespmem:$0x170A0] =	vst v3  }
0xb3: {  	[tilespmem:$0x170E0] =	vst v2  }
0xb4: {  	v2 =	vld [tilespmem:s28+$0x14070];
	_ =	sdelay $0x4  }
0xb5: {  	v3 =	vand.u32 $0xFFFF, v2;
	v2 =	vshrl.u32 v2, $0x10  }
0xb6: {  	v3 =	vadd.s32 v0, v3;
	v2 =	vadd.s32 v0, v2  }
0xb7: {  	[tilespmem:$0x170B0] =	vst v3  }
0xb8: {  	[tilespmem:$0x170F0] =	vst v2  }
0xb9: {  	[tilespmem:s21], [sflag:$0x2] =	stream.indirect.gather [hbm4b:s4+s18], $0x80, s20, s18, $0xb8;
	[tilespmem:$0x1F180] =	vst v63  }
0xba: {  	v2 =	vld [tilespmem:s28+$0x15800];
	_ =	sdelay $0x4  }
0xbb: {  	v3 =	vand.u32 $0xFFFF, v2;
	v2 =	vshrl.u32 v2, $0x10  }
0xbc: {  	[tilespmem:$0x17100] =	vst v3  }
0xbd: {  	[tilespmem:$0x17140] =	vst v2  }
0xbe: {  	v2 =	vld [tilespmem:s28+$0x15810];
	_ =	sdelay $0x4  }
0xbf: {  	v3 =	vand.u32 $0xFFFF, v2;
	v2 =	vshrl.u32 v2, $0x10  }
0xc0: {  	[tilespmem:$0x17110] =	vst v3  }
0xc1: {  	[tilespmem:$0x17150] =	vst v2  }
0xc2: {  	v2 =	vld [tilespmem:s28+$0x15820];
	_ =	sdelay $0x4  }
0xc3: {  	v3 =	vand.u32 $0xFFFF, v2;
	v2 =	vshrl.u32 v2, $0x10  }
0xc4: {  	[tilespmem:$0x17120] =	vst v3  }
0xc5: {  	[tilespmem:$0x17160] =	vst v2  }
0xc6: {  	v2 =	vld [tilespmem:s28+$0x15830];
	_ =	sdelay $0x4  }
0xc7: {  	p2 =	seq.s32 s30, $0x5200;
	v3 =	vand.u32 $0xFFFF, v2;
	v2 =	vshrl.u32 v2, $0x10  }
0xc8: {  	s30 =	sshra.s32 @!p2 s30, $0x2;
	[tilespmem:$0x17130] =	vst v3  }
0xc9: {  	[tilespmem:$0x17170] =	vst v2  }
0xca: {  	_ =	swait.ge [sflag:s22], $0x4000  }
0xcb: {  	[sflag:s22] =	ssyncset.done $0x0  }
0xcc: {  	[sflag:s22] =	ssyncadd.s32 $0xFFFFC000  }
0xcd: {  	[spmem:s2] =	stream.indirect.scatter.add.f32 [tilespmem:s14], [sflag:$0x3], $0x80, s23, s18, $0xb8;
	[tilespmem:$0x1F180] =	vst v63  }
0xce: {  	_ =	swait.ge [sflag:s15], $0x4000  }
0xcf: {  	[sflag:s15] =	ssyncset.done $0x0  }
0xd0: {  	[sflag:s15] =	ssyncadd.s32 $0xFFFFC000  }
0xd1: {  	v2 =	vld @!p2 [tilespmem:s30+$0x14080];
	_ =	sdelay $0x4  }
0xd2: {  	v3 =	vand.u32 @!p2 $0xFFFF, v2;
	v2 =	vshrl.u32 @!p2 v2, $0x10  }
0xd3: {  	v3 =	vadd.s32 @!p2 v0, v3;
	v2 =	vadd.s32 @!p2 v0, v2  }
0xd4: {  	[tilespmem:$0x17000] =	vst @!p2 v3  }
0xd5: {  	[tilespmem:$0x17040] =	vst @!p2 v2  }
0xd6: {  	v2 =	vld @!p2 [tilespmem:s30+$0x14090];
	_ =	sdelay $0x4  }
0xd7: {  	v3 =	vand.u32 @!p2 $0xFFFF, v2;
	v2 =	vshrl.u32 @!p2 v2, $0x10  }
0xd8: {  	v3 =	vadd.s32 @!p2 v0, v3;
	v2 =	vadd.s32 @!p2 v0, v2  }
0xd9: {  	[tilespmem:$0x17010] =	vst @!p2 v3  }
0xda: {  	[tilespmem:$0x17050] =	vst @!p2 v2  }
0xdb: {  	v2 =	vld @!p2 [tilespmem:s30+$0x140A0];
	_ =	sdelay $0x4  }
0xdc: {  	s31 =	simm.s32 @!p2 $0x80;
	s1 =	simm.s32 @!p2 $0x17000;
	s16 =	simm.s32 @!p2 $0x17180;
	v3 =	vand.u32 @!p2 $0xFFFF, v2;
	v2 =	vshrl.u32 @!p2 v2, $0x10  }
0xdd: {  	v3 =	vadd.s32 @!p2 v0, v3;
	v2 =	vadd.s32 @!p2 v0, v2  }
0xde: {  	[tilespmem:$0x17020] =	vst @!p2 v3  }
0xdf: {  	[tilespmem:$0x17060] =	vst @!p2 v2  }
0xe0: {  	v2 =	vld @!p2 [tilespmem:s30+$0x140B0];
	_ =	sdelay $0x4  }
0xe1: {  	v3 =	vand.u32 @!p2 $0xFFFF, v2;
	v2 =	vshrl.u32 @!p2 v2, $0x10  }
0xe2: {  	v3 =	vadd.s32 @!p2 v0, v3;
	v2 =	vadd.s32 @!p2 v0, v2  }
0xe3: {  	[tilespmem:$0x17030] =	vst @!p2 v3  }
0xe4: {  	[tilespmem:$0x17070] =	vst @!p2 v2  }
0xe5: {  	[tilespmem:s16], [sflag:$0x1] =	stream.indirect.gather @!p2 [hbm4b:s4+s31], $0x80, s1, s31, $0xb8;
	[tilespmem:$0x1F180] =	vst v63  }
0xe6: {  	v2 =	vld [tilespmem:s28+$0x15840];
	_ =	sdelay $0x4  }
0xe7: {  	v3 =	vand.u32 $0xFFFF, v2;
	v2 =	vshrl.u32 v2, $0x10  }
0xe8: {  	[tilespmem:$0x17100] =	vst v3  }
0xe9: {  	[tilespmem:$0x17140] =	vst v2  }
0xea: {  	v2 =	vld [tilespmem:s28+$0x15850];
	_ =	sdelay $0x4  }
0xeb: {  	v3 =	vand.u32 $0xFFFF, v2;
	v2 =	vshrl.u32 v2, $0x10  }
0xec: {  	[tilespmem:$0x17110] =	vst v3  }
0xed: {  	[tilespmem:$0x17150] =	vst v2  }
0xee: {  	v2 =	vld [tilespmem:s28+$0x15860]  }
.Ltmp1:
0xef: {  	(pc) =	sbr.rel @p1 .LBB2_4-.Ltmp1, $2  }
0xf0: {  	_ =	sdelay $0x2  }
0xf1: {  	v3 =	vand.u32 $0xFFFF, v2;
	v2 =	vshrl.u32 v2, $0x10  }
0xf2: {  	[tilespmem:$0x17120] =	vst v3  }
0xf3: {  	[tilespmem:$0x17160] =	vst v2  }
0xf4: {  	v2 =	vld [tilespmem:s28+$0x15870];
	_ =	sdelay $0x4  }
0xf5: {  	v3 =	vand.u32 $0xFFFF, v2  }
0xf6: {  	v2 =	vshrl.u32 v2, $0x10;
	[tilespmem:$0x17130] =	vst v3  }
0xf7: {  	[tilespmem:$0x17170] =	vst v2  }
0xf8: {  	_ =	swait.ge [sflag:s26], $0x4000  }
0xf9: {  	[sflag:s26] =	ssyncset.done $0x0  }
0xfa: {  	[sflag:s26] =	ssyncadd.s32 $0xFFFFC000  }
0xfb: {  	[spmem:s2] =	stream.indirect.scatter.add.f32 [tilespmem:s21], [sflag:$0x3], $0x80, s23, s18, $0xb8;
	[tilespmem:$0x1F180] =	vst v63  }
0xfc: {  	_ =	swait.ge [sflag:s15], $0x4000  }
0xfd: {  	[sflag:s15] =	ssyncset.done $0x0  }
0xfe: {  	[sflag:s15] =	ssyncadd.s32 $0xFFFFC000  }
0xff: {  	s1 =	simm.s32 @p0 $0x1FC3;
	[bflag:$0x0] =	sbarrier.arrive $0xFFFF  }
0x100: {  	[hbm:s8], [sflag:s1] =	dma.local @p0 [spmem:s24], $0x2800  }
0x101: {  	s1 =	simm.s32 @p0 $0x3  }
0x102: {  	_ =	swait.ge @p0 [sflag:s1], $0x2800  }
0x103: {  	s16 =	sshll.u32 @!p0 s0, $0x6;
	s3 =	sadd.s32 $0x1, s3;
	[sflag:s1] =	ssyncset.done @p0 $0x0  }
0x104: {  	p1 =	sne.s32 s3, s9;
	[sflag:s1] =	ssyncadd.s32 @p0 $0xFFFFD800;
	s1 =	sor.u32 @!p0 $0x1C03, s16  }
0x105: {  	[hbm:s8], [sflag:s1] =	dma.local @!p0 [spmem:s25], $0x2700  }
.Ltmp2:
0x106: {  	_ = 	snop;
	(pc) =	sbr.rel @p1 .LBB2_1-.Ltmp2, $4  }
0x107: {  	s1 =	simm.s32 @!p0 $0x3  }
0x108: {  	_ =	swait.ge @!p0 [sflag:s1], $0x2700  }
0x109: {  	[sflag:s1] =	ssyncset.done @!p0 $0x0  }
0x10a: {  	[sflag:s1] =	ssyncadd.s32 @!p0 $0xFFFFD900  }
0x10b: {  	_ =	sfence.sel $0x180000  }
0x10c: {  	[bflag:$0x0] =	sbarrier.arrive $0xFFFF  }
0x10d: {  	_ =	strace $0x9000004D  }
0x10e: {  	[bflag:$0x2] =	sbarrier.arrive $0xFFFF  }
0x10f: {  	p0 =	sne.s32 s0, $0x0;
	s0 =	rddreg [dreg:$0x2]  }
0x110: {  	s0 =	sadd.s32 @!p0 $0x100000, s0  }
0x111: {  	[sflag:s0] =	ssyncadd.tile.s32 @!p0 $0x1;
	_ =	shalt  }
.Lfunc_end2:
_tile_overlayer_lowered:
.L_overlay_start_2:
0x112: {  	(tag) =	ssettag $0x2  }
0x113: {  	s0 =	rddreg [dreg:$0x0];
	s2 =	stileid.u32  }
0x114: {  	s1 =	rddreg [dreg:$0x1];
	p0 =	sne.s32 s2, $0x0  }
0x115: {  	s3 =	rddreg [dreg:$0x2];
	[bflag:$0x3] =	sbarrier.arrive $0xFFFF;
	s2 =	simm.s32 @!p0 $0x1C03  }
0x116: {  	[timem:s3], [sflag:s2] =	dma.local @!p0 [hbm:s0], s1  }
0x117: {  	s0 =	simm.s32 @!p0 $0x3  }
0x118: {  	_ =	swait.ge @!p0 [sflag:s0], s1  }
0x119: {  	s1 =	ssub.s32 @!p0 $0x0, s1;
	[sflag:s0] =	ssyncset.done @!p0 $0x0  }
0x11a: {  	[sflag:s0] =	ssyncadd.s32 @!p0 s1  }
0x11b: {  	[bflag:$0x3] =	sbarrier.arrive $0xFFFF  }
0x11c: {  	_ =	shalt  }

// kernel: kernel.20.cloned.1.call-start
scs
__scs_entry_jumppad:
0x0: {  	(pc) =	sbr.rel $0x88, $3  }
0x1: {  	(tag) =	ssettag $0x0;
	lr =	simm.s32 $0x1  }
0x2: {  	[smem:$0x3F92] =	sst lr;
	_ =	strace $0xD0000000  }
0x3: {  	_ = 	snop  }
0x4: {  	_ = 	snop  }
0x5: {  	_ = 	snop  }
0x6: {  	_ = 	snop  }
0x7: {  	_ = 	snop  }
__scs_overlays_trampoline_lowered:
0x8: {  	[smem:$0x3FA1] =	sst s0  }
0x9: {  	[smem:$0x3FA2] =	sst s1  }
0xa: {  	[smem:$0x3FA3] =	sst s2  }
0xb: {  	[smem:$0x3FA4] =	sst s3  }
0xc: {  	[smem:$0x3FA5] =	sst s4  }
0xd: {  	[smem:$0x3FA6] =	sst s5  }
0xe: {  	[smem:$0x3FA7] =	sst s6  }
0xf: {  	[smem:$0x3FA8] =	sst s7  }
0x10: {  	[smem:$0x3FA9] =	sst s8  }
0x11: {  	[smem:$0x3FAA] =	sst s9;
	s0 =	simm.s32 @!p0 $0x0  }
0x12: {  	s1 =	sld [smem:$0x3F90];
	s0 =	simm.s32 @p0 $0x1  }
0x13: {  	[smem:$0x3FAB] =	sst s0;
	s0 =	simm.s32 @!p1 $0x0  }
0x14: {  	s2 =	sld [smem:$0x3F8F];
	s0 =	simm.s32 @p1 $0x1  }
0x15: {  	[smem:$0x3FAC] =	sst s0;
	s0 =	simm.s32 @!p2 $0x0  }
0x16: {  	s3 =	sld [smem:$0x3FDB];
	s0 =	simm.s32 @p2 $0x1  }
0x17: {  	s4 =	simm.s32 $0x1BF5;
	[smem:$0x3FAE] =	sst s0  }
0x18: {  	s0 =	sld [smem:$0x3F91];
	_ =	swait.ge [sflag:s4], $0x0  }
0x19: {  	s7 =	sld [smem:$0x3F92]  }
0x1a: {  	s8 =	sadd.s32 $0xFFFFE003, lr  }
0x1b: {  	s9 =	sadd.s32 $0xFFFFFEF7, lr;
	s5 =	simm.s32 $0xFFFFFFFF;
	p2 =	slt.u32 s8, $0xFFFFF086  }
0x1c: {  	p1 =	slt.u32 s9, $0xF7A;
	s5 =	simm.s32 @!p2 $0x0  }
0x1d: {  	s5 =	simm.s32 @p1 $0x1;
	p0 =	seq.s32 s7, s2  }
0x1e: {  	s7 =	smul.u32 @!p0 $0xF7A, s2;
	p2 =	seq.s32 @!p0 s5, $0x0  }
0x1f: {  	s9 =	smul.u32 $0xF7A, s1;
	s8 =	simm.s32 @!p0 $0x1BF5;
	p2 =	por !p2, p0  }
0x20: {  	[sflag:s8] =	ssyncset.s32 @!p0 $0xFFFFF086;
	s6 =	sadd.s32 @!p0 s3, s7;
	s7 =	simm.s32 @!p0 $0x108  }
0x21: {  	s3 =	sadd.s32 s3, s9;
	s6 =	sadd.s32 @!p0 $0x88, s6;
	s7 =	simm.s32 @p2 $0x1082  }
0x22: {  	[simem:s7], [sflag:s8] =	dma.local @!p0 [hbm:s6], $0xF7A  }
0x23: {  	s9 =	sor.u32 $0xD0000000, s2;
	s6 =	simm.s32 $0x108;
	_ =	swait.ge @!p0 [sflag:s8], $0x0  }
0x24: {  	s3 =	sadd.s32 $0x88, s3;
	s6 =	simm.s32 @!p1 $0x1082;
	[sflag:s4] =	ssyncset.s32 $0xFFFFF086  }
0x25: {  	[simem:s6], [sflag:s4] =	dma.local [hbm:s3], $0xF7A  }
0x26: {  	[smem:$0x3F92] =	sst s1;
	(tag) =	ssettag s2;
	_ =	strace s9  }
0x27: {  	s1 =	sld [smem:$0x3FA2]  }
0x28: {  	s2 =	sld [smem:$0x3FA3]  }
0x29: {  	s4 =	sld [smem:$0x3FA5]  }
0x2a: {  	p0 =	seq.s32 s5, $0x0;
	s5 =	sld [smem:$0x3FA6]  }
0x2b: {  	s6 =	sld [smem:$0x3FA7]  }
0x2c: {  	s7 =	sld [smem:$0x3FA8]  }
0x2d: {  	s3 =	simm.s32 $0x108;
	s8 =	sld [smem:$0x3FA9]  }
0x2e: {  	s3 =	simm.s32 @!p0 $0x1082;
	s9 =	sld [smem:$0x3FAA]  }
0x2f: {  	lr =	sadd.s32 s0, s3;
	s0 =	sld [smem:$0x3FA1]  }
0x30: {  	s3 =	sld [smem:$0x3FA4]  }
0x31: {  	[smem:$0x3FAD] =	sst s10  }
0x32: {  	s10 =	sld [smem:$0x3FAB];
	_ =	sdelay $0x3  }
0x33: {  	p0 =	seq.s32 s10, $0x1;
	s10 =	sld [smem:$0x3FAD];
	_ =	sdelay $0x3  }
0x34: {  	[smem:$0x3FAD] =	sst s10  }
0x35: {  	s10 =	sld [smem:$0x3FAC];
	_ =	sdelay $0x3  }
0x36: {  	p1 =	seq.s32 s10, $0x1;
	s10 =	sld [smem:$0x3FAD];
	_ =	sdelay $0x3  }
0x37: {  	[smem:$0x3FAD] =	sst s10  }
0x38: {  	s10 =	sld [smem:$0x3FAE]  }
0x39: {  	_ = 	snop;
	(pc) =	sbr.ind lr, $3  }
0x3a: {  	_ = 	snop  }
0x3b: {  	_ = 	snop  }
0x3c: {  	p2 =	seq.s32 s10, $0x1;
	s10 =	sld [smem:$0x3FAD]  }
0x3d: {  	_ =	shalt  }
0x3e: {  	_ =	shalt  }
0x3f: {  	_ =	shalt  }
0x40: {  	_ =	shalt  }
0x41: {  	_ =	shalt  }
0x42: {  	_ =	shalt  }
0x43: {  	_ =	shalt  }
0x44: {  	_ =	shalt  }
0x45: {  	_ =	shalt  }
0x46: {  	_ =	shalt  }
0x47: {  	_ =	shalt  }
0x48: {  	_ =	shalt  }
0x49: {  	_ =	shalt  }
0x4a: {  	_ =	shalt  }
0x4b: {  	_ =	shalt  }
0x4c: {  	_ =	shalt  }
0x4d: {  	_ =	shalt  }
0x4e: {  	_ =	shalt  }
0x4f: {  	_ =	shalt  }
0x50: {  	_ =	shalt  }
0x51: {  	_ =	shalt  }
0x52: {  	_ =	shalt  }
0x53: {  	_ =	shalt  }
0x54: {  	_ =	shalt  }
0x55: {  	_ =	shalt  }
0x56: {  	_ =	shalt  }
0x57: {  	_ =	shalt  }
0x58: {  	_ =	shalt  }
0x59: {  	_ =	shalt  }
0x5a: {  	_ =	shalt  }
0x5b: {  	_ =	shalt  }
0x5c: {  	_ =	shalt  }
0x5d: {  	_ =	shalt  }
0x5e: {  	_ =	shalt  }
0x5f: {  	_ =	shalt  }
0x60: {  	_ =	shalt  }
0x61: {  	_ =	shalt  }
0x62: {  	_ =	shalt  }
0x63: {  	_ =	shalt  }
0x64: {  	_ =	shalt  }
0x65: {  	_ =	shalt  }
0x66: {  	_ =	shalt  }
0x67: {  	_ =	shalt  }
0x68: {  	_ =	shalt  }
0x69: {  	_ =	shalt  }
0x6a: {  	_ =	shalt  }
0x6b: {  	_ =	shalt  }
0x6c: {  	_ =	shalt  }
0x6d: {  	_ =	shalt  }
0x6e: {  	_ =	shalt  }
0x6f: {  	_ =	shalt  }
0x70: {  	_ =	shalt  }
0x71: {  	_ =	shalt  }
0x72: {  	_ =	shalt  }
0x73: {  	_ =	shalt  }
0x74: {  	_ =	shalt  }
0x75: {  	_ =	shalt  }
0x76: {  	_ =	shalt  }
0x77: {  	_ =	shalt  }
0x78: {  	_ =	shalt  }
0x79: {  	_ =	shalt  }
0x7a: {  	_ =	shalt  }
0x7b: {  	_ =	shalt  }
0x7c: {  	_ =	shalt  }
0x7d: {  	_ =	shalt  }
0x7e: {  	_ =	shalt  }
0x7f: {  	_ =	shalt  }
0x80: {  	_ =	shalt  }
0x81: {  	_ =	shalt  }
0x82: {  	_ =	shalt  }
0x83: {  	_ =	shalt  }
0x84: {  	_ =	shalt  }
0x85: {  	_ =	shalt  }
0x86: {  	_ =	shalt  }
0x87: {  	_ =	shalt  }
.Lfunc_end0:
.L_simem_size_0:
called_computation.3_lowered:
.L_overlay_start_0:
0x88: {  	s2 =	sld [smem:$0x3FD9]  }
0x89: {  	s3 =	sld [smem:$0x3FFE];
	_ =	sdelay $0x1  }
0x8a: {  	s1 =	srdreg.scid  }
0x8b: {  	s0 =	sand.u32 $0x1, s1  }
0x8c: {  	s16 =	sshll.u32 s0, $0xA;
	s2 =	sadd.s32 s3, s2  }
0x8d: {  	s2 =	sadd.s32 s2, s16  }
0x8e: {  	[smem:$0x3FB9] =	sst s2  }
0x8f: {  	_ = 	snop  }
0x90: {  	(tm) =	ssettm $0x1  }
0x91: {  	s17 =	sld [smem:$0x3FFB];
	_ =	sdelay $0x3  }
0x92: {  	_ =	strace s17  }
0x93: {  	s2 =	sld [smem:$0x3FFC];
	_ =	sdelay $0x3  }
0x94: {  	_ =	strace s2  }
0x95: {  	s2 =	sld [smem:$0x3FFD];
	_ =	sdelay $0x3  }
0x96: {  	_ =	strace s2  }
0x97: {  	_ =	strace $0x8FFFFFFF  }
0x98: {  	s18 =	sld [smem:$0x3FDB];
	_ =	sdelay $0x1  }
0x99: {  	s19 =	simm.s32 $_scs_section_size  }
0x9a: {  	s4 =	simm.s32 $_size__tile_overlayer_lowered;
	s5 =	simm.s32 $_tile_overlayer_lowered  }
0x9b: {  	s22 =	simm.s32 $0x1BFF;
	s21 =	sshll.u32 s5, $0x1;
	s2 =	sadd.s32 s19, s18  }
0x9c: {  	s6 =	simm.s32 $0x0;
	s20 =	sshll.u32 s4, $0x1;
	s4 =	sadd.s32 s21, s2  }
0x9d: {  	[timem:s6], [sflag:s22] =	dma.local [hbm:s4], s20  }
0x9e: {  	_ =	swait.ge [sflag:s22], s20  }
0x9f: {  	s3 =	ssub.s32 $0x0, s20;
	[sflag:s22] =	ssyncset.done $0x0  }
0xa0: {  	[sflag:s22] =	ssyncadd.s32 s3;
	_ =	sdelay $0x1  }
0xa1: {  	s23 =	simm.s32 $0x1B8B  }
0xa2: {  	_ =	swait.ge [sflag:s23], $0x1  }
0xa3: {  	[sflag:s23] =	ssyncset.done $0x0  }
0xa4: {  	s25 =	simm.s32 $0x1B8E;
	s24 =	sld [smem:$0x3FFE];
	[sflag:s23] =	ssyncadd.s32 $0xFFFFFFFF  }
0xa5: {  	s26 =	simm.s32 $execute0_lowered;
	[smem:$0x3FD2] =	sst s25  }
0xa6: {  	s4 =	sshll.u32 s26, $0x1;
	_ =	strace $0x8000004F;
	[dreg:$0x1] =	wrdreg $0xFFFFFFFF  }
0xa7: {  	s28 =	simm.s32 $_size_execute0_lowered;
	s2 =	sadd.s32 s2, s4;
	[dreg:$0x0] =	wrdreg $0x0  }
0xa8: {  	s4 =	sshll.u32 s28, $0x1;
	[dreg:$0x2] =	wrdreg s2  }
0xa9: {  	[dreg:$0x3] =	wrdreg s4  }
0xaa: {  	[dreg:$0x4] =	wrdreg $0xC0  }
0xab: {  	_ =	task [dreg:s6], $0x5FFFF  }
0xac: {  	[dreg:$0x1] =	wrdreg $0xFFFFFFFF  }
0xad: {  	[dreg:$0x0] =	wrdreg $0x60  }
0xae: {  	[dreg:$0x2] =	wrdreg s24  }
0xaf: {  	[dreg:$0x3] =	wrdreg $0x0  }
0xb0: {  	[dreg:$0x4] =	wrdreg $0x9  }
0xb1: {  	_ =	task.clear_ibuf [dreg:s6], $0x5FFFF;
	_ =	strace $0x9000004F  }
0xb2: {  	s29 =	simm.s32 $0x9;
	_ =	strace $0x80000051  }
0xb3: {  	_ =	swait.ge [sflag:s29], $0x1  }
0xb4: {  	[sflag:s29] =	ssyncadd.s32 $0xFFFFFFFF  }
0xb5: {  	_ =	strace $0x90000051  }
0xb6: {  	_ =	sfence  }
0xb7: {  	s30 =	sld [smem:$0x0];
	_ =	sdelay $0x2  }
0xb8: {  	s31 =	sshll.u32 s1, $0xD;
	s1 =	sshrl.u32 s1, $0x2  }
0xb9: {  	s3 =	sand.u32 $0x4000, s31;
	s1 =	sadd.s32 s1, s30  }
0xba: {  	s0 =	sor.u32 s3, s0;
	s1 =	sshll.u32 s1, $0x11  }
0xbb: {  	s0 =	sor.u32 s1, s0  }
0xbc: {  	s0 =	sadd.s32 $0x8F2B, s0  }
0xbd: {  	[sflag:s0] =	ssyncadd.remote.s32 $0x1  }
0xbe: {  	_ =	sfence.sel $0xFFFF  }
0xbf: {  	[dreg:$0x0] =	wrdreg $0xFFFFFFFF;
	(pc) =	sbr.abs _section_cstart, $3  }
0xc0: {  	[dreg:$0x1] =	wrdreg $0xFFFFFFFF  }
0xc1: {  	_ =	task.clear_ibuf [dreg:s6], $0x2FFFF;
	_ =	strace $0x9FFFFFFF  }
0xc2: {  	(tm) =	ssettm $0x7FFFFFFF  }
0xc3: {  	_ =	shalt  }
tec
execute0_lowered:
.L_overlay_start_1:
0x0: {  	(tag) =	ssettag $0x1  }
0x1: {  	s5 =	rddreg [dreg:$0x0];
	s0 =	stileid.u32  }
0x2: {  	s1 =	srdreg.scid;
	s2 =	rddreg [dreg:$0x1];
	s3 =	simm.s32 $0x0  }
0x3: {  	s14 =	simm.s32 $0x17180;
	s15 =	simm.s32 $0x3;
	s17 =	simm.s32 $0x15800  }
0x4: {  	s18 =	simm.s32 $0x80;
	s19 =	simm.s32 $0x17000;
	s6 =	smul.u32 $0x300, s0  }
0x5: {  	s20 =	simm.s32 $0x17080;
	s21 =	simm.s32 $0x1B180;
	s8 =	smul.u32 $0x270, s0  }
0x6: {  	s22 =	simm.s32 $0x1;
	s23 =	simm.s32 $0x17100;
	s28 =	smul.u32 $0x50000, s0  }
0x7: {  	s7 =	sand.u32 $0x1, s1;
	[smem:$0x7FF] =	sst s3;
	s10 =	smul.u32 $0x4E000, s0  }
0x8: {  	s4 =	sadd.s32 $0xFA00, s5;
	p0 =	seq.s32 s0, $0xF;
	s24 =	smul.u32 $0x2710, s7  }
0x9: {  	_ =	strace $0x80000050;
	s7 =	ssub.s32 $0x2, s7;
	s9 =	sadd.s32 s6, s5  }
0xa: {  	s29 =	sshrl.u32 s7, $0x1;
	s30 =	sshrl.u32 s28, $0x2;
	s31 =	sshrl.u32 s10, $0x2  }
0xb: {  	s26 =	sadd.s32 s8, s24;
	s12 =	ssub.s32 s7, s29;
	s7 =	sadd.s32 $0x9A00, s9  }
0xc: {  	s25 =	sadd.s32 s31, s2;
	s6 =	sshll.u32 s26, $0x4;
	s26 =	sadd.s32 $0x124800, s2  }
0xd: {  	s25 =	sshrl.u32 @!p0 s25, $0x3;
	s11 =	sadd.s32 s6, s5;
	s5 =	sadd.s32 s30, s2  }
0xe: {  	v0 =	vmov s24;
	s6 =	sadd.s32 $0xCA00, s9;
	s9 =	smax.u32 s12, $0x1;
	s24 =	sshrl.u32 @p0 s26, $0x3  }
0xf: {  	s26 =	simm.s32 $0x2;
	s8 =	sadd.s32 $0xABE00, s11;
	s10 =	sadd.s32 $0x4000, s5  }
0x10: {  	v1 =	vimm.f32 $0.0e+00;
	s11 =	sadd.s32 $0x8000, s5;
	s12 =	sadd.s32 $0xC000, s5;
	s13 =	sadd.s32 $0x10000, s5  }
.LBB2_1:
0x11: {  	s28 =	simm.s32 $0x0;
	s29 =	simm.s32 $0x200  }
.LBB2_2:
0x12: {  	p1 =	sne.s32 s29, $0xFE00;
	[tilespmem:s28+$0x171F0] =	vst v1  }
0x13: {  	[tilespmem:s28+$0x17180] =	vst v1  }
0x14: {  	[tilespmem:s28+$0x17190] =	vst v1  }
.Ltmp0:
0x15: {  	[tilespmem:s28+$0x171A0] =	vst v1;
	(pc) =	sbr.rel @p1 .LBB2_2-.Ltmp0, $4  }
0x16: {  	[tilespmem:s28+$0x171B0] =	vst v1  }
0x17: {  	[tilespmem:s28+$0x171C0] =	vst v1  }
0x18: {  	[tilespmem:s28+$0x171D0] =	vst v1  }
0x19: {  	[tilespmem:s28+$0x171E0] =	vst v1;
	s28 =	sshra.s32 s29, $0x2;
	s29 =	sadd.s32 $0x200, s29  }
0x1a: {  	[tilespmem:s28+$0x171F0] =	vst v1  }
0x1b: {  	[tilespmem:s28+$0x17180] =	vst v1  }
0x1c: {  	[tilespmem:s28+$0x17190] =	vst v1  }
0x1d: {  	[tilespmem:s28+$0x171A0] =	vst v1  }
0x1e: {  	[tilespmem:s28+$0x171B0] =	vst v1  }
0x1f: {  	[tilespmem:s28+$0x171C0] =	vst v1  }
0x20: {  	[tilespmem:s28+$0x171D0] =	vst v1  }
0x21: {  	[tilespmem:s28+$0x171E0] =	vst v1  }
0x22: {  	[spmem:s5] =	stream.linear.scatter [tilespmem:s14], [sflag:$0x3], $0x4000, $0x38;
	[tilespmem:$0x1F180] =	vst v63  }
0x23: {  	_ =	swait.ge [sflag:s15], $0x4000  }
0x24: {  	[sflag:s15] =	ssyncset.done $0x0  }
0x25: {  	[sflag:s15] =	ssyncadd.s32 $0xFFFFC000  }
0x26: {  	[spmem:s10] =	stream.linear.scatter [tilespmem:s14], [sflag:$0x3], $0x4000, $0x38;
	[tilespmem:$0x1F180] =	vst v63  }
0x27: {  	_ =	swait.ge [sflag:s15], $0x4000  }
0x28: {  	[sflag:s15] =	ssyncset.done $0x0  }
0x29: {  	[sflag:s15] =	ssyncadd.s32 $0xFFFFC000  }
0x2a: {  	[spmem:s11] =	stream.linear.scatter [tilespmem:s14], [sflag:$0x3], $0x4000, $0x38;
	[tilespmem:$0x1F180] =	vst v63  }
0x2b: {  	_ =	swait.ge [sflag:s15], $0x4000  }
0x2c: {  	[sflag:s15] =	ssyncset.done $0x0  }
0x2d: {  	[sflag:s15] =	ssyncadd.s32 $0xFFFFC000  }
0x2e: {  	[spmem:s12] =	stream.linear.scatter [tilespmem:s14], [sflag:$0x3], $0x4000, $0x38;
	[tilespmem:$0x1F180] =	vst v63  }
0x2f: {  	_ =	swait.ge [sflag:s15], $0x4000  }
0x30: {  	[sflag:s15] =	ssyncset.done $0x0  }
0x31: {  	[sflag:s15] =	ssyncadd.s32 $0xFFFFC000  }
0x32: {  	[spmem:s13] =	stream.linear.scatter [tilespmem:s14], [sflag:$0x3], $0x4000, $0x38;
	[tilespmem:$0x1F180] =	vst v63  }
0x33: {  	_ =	swait.ge [sflag:s15], $0x4000  }
0x34: {  	[sflag:s15] =	ssyncset.done $0x0  }
0x35: {  	s28 =	simm.s32 $0x0;
	s1 =	simm.s32 $0x14000;
	[sflag:s15] =	ssyncadd.s32 $0xFFFFC000  }
0x36: {  	[tilespmem:s1], [sflag:$0x3] =	stream.linear.gather [hbm4b:s6+s28], $0x1500, $0x38;
	[tilespmem:$0x1F180] =	vst v63  }
0x37: {  	_ =	swait.ge [sflag:s15], $0x1500  }
0x38: {  	[sflag:s15] =	ssyncset.done $0x0  }
0x39: {  	[sflag:s15] =	ssyncadd.s32 $0xFFFFEB00  }
0x3a: {  	[tilespmem:s17], [sflag:$0x3] =	stream.linear.gather [hbm4b:s7+s28], $0x1500, $0x38;
	[tilespmem:$0x1F180] =	vst v63  }
0x3b: {  	_ =	swait.ge [sflag:s15], $0x1500  }
0x3c: {  	[sflag:s15] =	ssyncset.done $0x0  }
0x3d: {  	[sflag:s15] =	ssyncadd.s32 $0xFFFFEB00  }
0x3e: {  	[bflag:$0x0] =	sbarrier.arrive $0xFFFF  }
0x3f: {  	v2 =	vld [tilespmem:$0x14000];
	_ =	sdelay $0x1  }
0x40: {  	v3 =	vld [tilespmem:$0x14010];
	_ =	sdelay $0x1  }
0x41: {  	v4 =	vld [tilespmem:$0x14020]  }
0x42: {  	v5 =	vand.u32 $0xFFFF, v2  }
0x43: {  	v6 =	vld [tilespmem:$0x14030];
	v2 =	vshrl.u32 v2, $0x10;
	v5 =	vadd.s32 v0, v5  }
0x44: {  	v2 =	vadd.s32 v0, v2;
	[tilespmem:$0x17000] =	vst v5;
	v5 =	vand.u32 $0xFFFF, v3  }
0x45: {  	[tilespmem:$0x17040] =	vst v2;
	v3 =	vshrl.u32 v3, $0x10;
	v2 =	vadd.s32 v0, v5  }
0x46: {  	[tilespmem:$0x17010] =	vst v2;
	v2 =	vadd.s32 v0, v3;
	v3 =	vand.u32 $0xFFFF, v4  }
0x47: {  	[tilespmem:$0x17050] =	vst v2;
	v2 =	vadd.s32 v0, v3;
	v3 =	vshrl.u32 v4, $0x10  }
0x48: {  	[tilespmem:$0x17020] =	vst v2;
	v2 =	vadd.s32 v0, v3;
	v3 =	vand.u32 $0xFFFF, v6  }
0x49: {  	[tilespmem:$0x17060] =	vst v2;
	v2 =	vadd.s32 v0, v3;
	v3 =	vshrl.u32 v6, $0x10  }
0x4a: {  	[tilespmem:$0x17030] =	vst v2;
	v2 =	vadd.s32 v0, v3  }
0x4b: {  	s28 =	simm.s32 $0x0;
	[tilespmem:$0x17070] =	vst v2  }
0x4c: {  	[tilespmem:s14], [sflag:$0x1] =	stream.indirect.gather [hbm4b:s4+s18], $0x80, s19, s18, $0xb8;
	[tilespmem:$0x1F180] =	vst v63  }
0x4d: {  	v2 =	vld [tilespmem:s28+$0x14040];
	_ =	sdelay $0x4  }
0x4e: {  	v3 =	vand.u32 $0xFFFF, v2  }
0x4f: {  	v2 =	vshrl.u32 v2, $0x10;
	v3 =	vadd.s32 v0, v3  }
0x50: {  	v2 =	vadd.s32 v0, v2;
	[tilespmem:$0x17080] =	vst v3  }
0x51: {  	[tilespmem:$0x170C0] =	vst v2  }
0x52: {  	v2 =	vld [tilespmem:s28+$0x14050];
	_ =	sdelay $0x4  }
0x53: {  	v3 =	vand.u32 $0xFFFF, v2  }
0x54: {  	v2 =	vshrl.u32 v2, $0x10;
	v3 =	vadd.s32 v0, v3  }
0x55: {  	v2 =	vadd.s32 v0, v2;
	[tilespmem:$0x17090] =	vst v3  }
0x56: {  	[tilespmem:$0x170D0] =	vst v2  }
0x57: {  	v2 =	vld [tilespmem:s28+$0x14060];
	_ =	sdelay $0x4  }
0x58: {  	v3 =	vand.u32 $0xFFFF, v2  }
0x59: {  	v2 =	vshrl.u32 v2, $0x10;
	v3 =	vadd.s32 v0, v3  }
0x5a: {  	v2 =	vadd.s32 v0, v2;
	[tilespmem:$0x170A0] =	vst v3  }
0x5b: {  	[tilespmem:$0x170E0] =	vst v2  }
0x5c: {  	v2 =	vld [tilespmem:s28+$0x14070];
	_ =	sdelay $0x4  }
0x5d: {  	v3 =	vand.u32 $0xFFFF, v2  }
0x5e: {  	v2 =	vshrl.u32 v2, $0x10;
	v3 =	vadd.s32 v0, v3  }
0x5f: {  	v2 =	vadd.s32 v0, v2;
	[tilespmem:$0x170B0] =	vst v3  }
0x60: {  	[tilespmem:$0x170F0] =	vst v2  }
0x61: {  	[tilespmem:s21], [sflag:$0x2] =	stream.indirect.gather [hbm4b:s4+s18], $0x80, s20, s18, $0xb8;
	[tilespmem:$0x1F180] =	vst v63  }
0x62: {  	v2 =	vld [tilespmem:s28+$0x15800];
	_ =	sdelay $0x4  }
0x63: {  	v3 =	vand.u32 $0xFFFF, v2  }
0x64: {  	v2 =	vshrl.u32 v2, $0x10;
	[tilespmem:$0x17100] =	vst v3  }
0x65: {  	[tilespmem:$0x17140] =	vst v2  }
0x66: {  	v2 =	vld [tilespmem:s28+$0x15810];
	_ =	sdelay $0x4  }
0x67: {  	v3 =	vand.u32 $0xFFFF, v2  }
0x68: {  	v2 =	vshrl.u32 v2, $0x10;
	[tilespmem:$0x17110] =	vst v3  }
0x69: {  	[tilespmem:$0x17150] =	vst v2  }
0x6a: {  	v2 =	vld [tilespmem:s28+$0x15820];
	_ =	sdelay $0x4  }
0x6b: {  	v3 =	vand.u32 $0xFFFF, v2  }
0x6c: {  	v2 =	vshrl.u32 v2, $0x10;
	[tilespmem:$0x17120] =	vst v3  }
0x6d: {  	[tilespmem:$0x17160] =	vst v2  }
0x6e: {  	v2 =	vld [tilespmem:s28+$0x15830];
	_ =	sdelay $0x4  }
0x6f: {  	v3 =	vand.u32 $0xFFFF, v2  }
0x70: {  	v2 =	vshrl.u32 v2, $0x10;
	[tilespmem:$0x17130] =	vst v3  }
0x71: {  	[tilespmem:$0x17170] =	vst v2  }
0x72: {  	_ =	swait.ge [sflag:s22], $0x4000  }
0x73: {  	[sflag:s22] =	ssyncset.done $0x0  }
0x74: {  	[sflag:s22] =	ssyncadd.s32 $0xFFFFC000  }
0x75: {  	[spmem:s2] =	stream.indirect.scatter.add.f32 [tilespmem:s14], [sflag:$0x3], $0x80, s23, s18, $0xb8;
	[tilespmem:$0x1F180] =	vst v63  }
0x76: {  	_ =	swait.ge [sflag:s15], $0x4000  }
0x77: {  	p1 =	por $0x0, $0x0;
	[sflag:s15] =	ssyncset.done $0x0  }
0x78: {  	s29 =	simm.s32 @!p1 $0x0;
	[sflag:s15] =	ssyncadd.s32 $0xFFFFC000  }
0x79: {  	v2 =	vld @!p1 [tilespmem:s29+$0x14080];
	_ =	sdelay $0x4  }
0x7a: {  	v3 =	vand.u32 @!p1 $0xFFFF, v2  }
0x7b: {  	v2 =	vshrl.u32 @!p1 v2, $0x10;
	v3 =	vadd.s32 @!p1 v0, v3  }
0x7c: {  	v2 =	vadd.s32 @!p1 v0, v2;
	[tilespmem:$0x17000] =	vst @!p1 v3  }
0x7d: {  	[tilespmem:$0x17040] =	vst @!p1 v2  }
0x7e: {  	v2 =	vld @!p1 [tilespmem:s29+$0x14090];
	_ =	sdelay $0x4  }
0x7f: {  	v3 =	vand.u32 @!p1 $0xFFFF, v2  }
0x80: {  	v2 =	vshrl.u32 @!p1 v2, $0x10;
	v3 =	vadd.s32 @!p1 v0, v3  }
0x81: {  	v2 =	vadd.s32 @!p1 v0, v2;
	[tilespmem:$0x17010] =	vst @!p1 v3  }
0x82: {  	[tilespmem:$0x17050] =	vst @!p1 v2  }
0x83: {  	v2 =	vld @!p1 [tilespmem:s29+$0x140A0];
	_ =	sdelay $0x4  }
0x84: {  	v3 =	vand.u32 @!p1 $0xFFFF, v2  }
0x85: {  	v2 =	vshrl.u32 @!p1 v2, $0x10;
	v3 =	vadd.s32 @!p1 v0, v3  }
0x86: {  	v2 =	vadd.s32 @!p1 v0, v2;
	[tilespmem:$0x17020] =	vst @!p1 v3  }
0x87: {  	[tilespmem:$0x17060] =	vst @!p1 v2  }
0x88: {  	v2 =	vld @!p1 [tilespmem:s29+$0x140B0];
	_ =	sdelay $0x4  }
0x89: {  	v3 =	vand.u32 @!p1 $0xFFFF, v2  }
0x8a: {  	v2 =	vshrl.u32 @!p1 v2, $0x10;
	v3 =	vadd.s32 @!p1 v0, v3  }
0x8b: {  	v2 =	vadd.s32 @!p1 v0, v2;
	[tilespmem:$0x17030] =	vst @!p1 v3  }
0x8c: {  	s30 =	simm.s32 @!p1 $0x17000;
	s31 =	simm.s32 @!p1 $0x17180;
	s29 =	simm.s32 @!p1 $0x80;
	[tilespmem:$0x17070] =	vst @!p1 v2  }
0x8d: {  	[tilespmem:s31], [sflag:$0x1] =	stream.indirect.gather @!p1 [hbm4b:s4+s29], $0x80, s30, s29, $0xb8;
	[tilespmem:$0x1F180] =	vst v63  }
0x8e: {  	v2 =	vld [tilespmem:s28+$0x15840];
	_ =	sdelay $0x4  }
0x8f: {  	v3 =	vand.u32 $0xFFFF, v2  }
0x90: {  	v2 =	vshrl.u32 v2, $0x10;
	[tilespmem:$0x17100] =	vst v3  }
0x91: {  	[tilespmem:$0x17140] =	vst v2  }
0x92: {  	v2 =	vld [tilespmem:s28+$0x15850];
	_ =	sdelay $0x4  }
0x93: {  	v3 =	vand.u32 $0xFFFF, v2  }
0x94: {  	v2 =	vshrl.u32 v2, $0x10;
	[tilespmem:$0x17110] =	vst v3  }
0x95: {  	[tilespmem:$0x17150] =	vst v2  }
0x96: {  	v2 =	vld [tilespmem:s28+$0x15860];
	_ =	sdelay $0x4  }
0x97: {  	s29 =	simm.s32 $0x200;
	v3 =	vand.u32 $0xFFFF, v2;
	v2 =	vshrl.u32 v2, $0x10  }
.LBB2_4:
0x98: {  	[tilespmem:$0x17120] =	vst v3;
	s30 =	smov.u32 s29;
	s29 =	sadd.s32 $0x200, s29  }
0x99: {  	p1 =	sne.s32 s29, $0x5400;
	[tilespmem:$0x17160] =	vst v2  }
0x9a: {  	v2 =	vld [tilespmem:s28+$0x15870];
	_ =	sdelay $0x4  }
0x9b: {  	v3 =	vand.u32 $0xFFFF, v2;
	v2 =	vshrl.u32 v2, $0x10  }
0x9c: {  	[tilespmem:$0x17130] =	vst v3  }
0x9d: {  	[tilespmem:$0x17170] =	vst v2  }
0x9e: {  	_ =	swait.ge [sflag:s26], $0x4000  }
0x9f: {  	[sflag:s26] =	ssyncset.done $0x0  }
0xa0: {  	[sflag:s26] =	ssyncadd.s32 $0xFFFFC000  }
0xa1: {  	[spmem:s2] =	stream.indirect.scatter.add.f32 [tilespmem:s21], [sflag:$0x3], $0x80, s23, s18, $0xb8;
	[tilespmem:$0x1F180] =	vst v63  }
0xa2: {  	_ =	swait.ge [sflag:s15], $0x4000  }
0xa3: {  	[sflag:s15] =	ssyncset.done $0x0  }
0xa4: {  	s28 =	sshra.s32 s30, $0x2;
	[sflag:s15] =	ssyncadd.s32 $0xFFFFC000  }
0xa5: {  	v2 =	vld [tilespmem:s28+$0x14040];
	_ =	sdelay $0x4  }
0xa6: {  	v3 =	vand.u32 $0xFFFF, v2;
	v2 =	vshrl.u32 v2, $0x10  }
0xa7: {  	v3 =	vadd.s32 v0, v3;
	v2 =	vadd.s32 v0, v2  }
0xa8: {  	[tilespmem:$0x17080] =	vst v3  }
0xa9: {  	[tilespmem:$0x170C0] =	vst v2  }
0xaa: {  	v2 =	vld [tilespmem:s28+$0x14050];
	_ =	sdelay $0x4  }
0xab: {  	v3 =	vand.u32 $0xFFFF, v2;
	v2 =	vshrl.u32 v2, $0x10  }
0xac: {  	v3 =	vadd.s32 v0, v3;
	v2 =	vadd.s32 v0, v2  }
0xad: {  	[tilespmem:$0x17090] =	vst v3  }
0xae: {  	[tilespmem:$0x170D0] =	vst v2  }
0xaf: {  	v2 =	vld [tilespmem:s28+$0x14060];
	_ =	sdelay $0x4  }
0xb0: {  	v3 =	vand.u32 $0xFFFF, v2;
	v2 =	vshrl.u32 v2, $0x10  }
0xb1: {  	v3 =	vadd.s32 v0, v3;
	v2 =	vadd.s32 v0, v2  }
0xb2: {  	[tilespmem:$0x170A0] =	vst v3  }
0xb3: {  	[tilespmem:$0x170E0] =	vst v2  }
0xb4: {  	v2 =	vld [tilespmem:s28+$0x14070];
	_ =	sdelay $0x4  }
0xb5: {  	v3 =	vand.u32 $0xFFFF, v2;
	v2 =	vshrl.u32 v2, $0x10  }
0xb6: {  	v3 =	vadd.s32 v0, v3;
	v2 =	vadd.s32 v0, v2  }
0xb7: {  	[tilespmem:$0x170B0] =	vst v3  }
0xb8: {  	[tilespmem:$0x170F0] =	vst v2  }
0xb9: {  	[tilespmem:s21], [sflag:$0x2] =	stream.indirect.gather [hbm4b:s4+s18], $0x80, s20, s18, $0xb8;
	[tilespmem:$0x1F180] =	vst v63  }
0xba: {  	v2 =	vld [tilespmem:s28+$0x15800];
	_ =	sdelay $0x4  }
0xbb: {  	v3 =	vand.u32 $0xFFFF, v2;
	v2 =	vshrl.u32 v2, $0x10  }
0xbc: {  	[tilespmem:$0x17100] =	vst v3  }
0xbd: {  	[tilespmem:$0x17140] =	vst v2  }
0xbe: {  	v2 =	vld [tilespmem:s28+$0x15810];
	_ =	sdelay $0x4  }
0xbf: {  	v3 =	vand.u32 $0xFFFF, v2;
	v2 =	vshrl.u32 v2, $0x10  }
0xc0: {  	[tilespmem:$0x17110] =	vst v3  }
0xc1: {  	[tilespmem:$0x17150] =	vst v2  }
0xc2: {  	v2 =	vld [tilespmem:s28+$0x15820];
	_ =	sdelay $0x4  }
0xc3: {  	v3 =	vand.u32 $0xFFFF, v2;
	v2 =	vshrl.u32 v2, $0x10  }
0xc4: {  	[tilespmem:$0x17120] =	vst v3  }
0xc5: {  	[tilespmem:$0x17160] =	vst v2  }
0xc6: {  	v2 =	vld [tilespmem:s28+$0x15830];
	_ =	sdelay $0x4  }
0xc7: {  	p2 =	seq.s32 s30, $0x5200;
	v3 =	vand.u32 $0xFFFF, v2;
	v2 =	vshrl.u32 v2, $0x10  }
0xc8: {  	s30 =	sshra.s32 @!p2 s30, $0x2;
	[tilespmem:$0x17130] =	vst v3  }
0xc9: {  	[tilespmem:$0x17170] =	vst v2  }
0xca: {  	_ =	swait.ge [sflag:s22], $0x4000  }
0xcb: {  	[sflag:s22] =	ssyncset.done $0x0  }
0xcc: {  	[sflag:s22] =	ssyncadd.s32 $0xFFFFC000  }
0xcd: {  	[spmem:s2] =	stream.indirect.scatter.add.f32 [tilespmem:s14], [sflag:$0x3], $0x80, s23, s18, $0xb8;
	[tilespmem:$0x1F180] =	vst v63  }
0xce: {  	_ =	swait.ge [sflag:s15], $0x4000  }
0xcf: {  	[sflag:s15] =	ssyncset.done $0x0  }
0xd0: {  	[sflag:s15] =	ssyncadd.s32 $0xFFFFC000  }
0xd1: {  	v2 =	vld @!p2 [tilespmem:s30+$0x14080];
	_ =	sdelay $0x4  }
0xd2: {  	v3 =	vand.u32 @!p2 $0xFFFF, v2;
	v2 =	vshrl.u32 @!p2 v2, $0x10  }
0xd3: {  	v3 =	vadd.s32 @!p2 v0, v3;
	v2 =	vadd.s32 @!p2 v0, v2  }
0xd4: {  	[tilespmem:$0x17000] =	vst @!p2 v3  }
0xd5: {  	[tilespmem:$0x17040] =	vst @!p2 v2  }
0xd6: {  	v2 =	vld @!p2 [tilespmem:s30+$0x14090];
	_ =	sdelay $0x4  }
0xd7: {  	v3 =	vand.u32 @!p2 $0xFFFF, v2;
	v2 =	vshrl.u32 @!p2 v2, $0x10  }
0xd8: {  	v3 =	vadd.s32 @!p2 v0, v3;
	v2 =	vadd.s32 @!p2 v0, v2  }
0xd9: {  	[tilespmem:$0x17010] =	vst @!p2 v3  }
0xda: {  	[tilespmem:$0x17050] =	vst @!p2 v2  }
0xdb: {  	v2 =	vld @!p2 [tilespmem:s30+$0x140A0];
	_ =	sdelay $0x4  }
0xdc: {  	s31 =	simm.s32 @!p2 $0x80;
	s1 =	simm.s32 @!p2 $0x17000;
	s16 =	simm.s32 @!p2 $0x17180;
	v3 =	vand.u32 @!p2 $0xFFFF, v2;
	v2 =	vshrl.u32 @!p2 v2, $0x10  }
0xdd: {  	v3 =	vadd.s32 @!p2 v0, v3;
	v2 =	vadd.s32 @!p2 v0, v2  }
0xde: {  	[tilespmem:$0x17020] =	vst @!p2 v3  }
0xdf: {  	[tilespmem:$0x17060] =	vst @!p2 v2  }
0xe0: {  	v2 =	vld @!p2 [tilespmem:s30+$0x140B0];
	_ =	sdelay $0x4  }
0xe1: {  	v3 =	vand.u32 @!p2 $0xFFFF, v2;
	v2 =	vshrl.u32 @!p2 v2, $0x10  }
0xe2: {  	v3 =	vadd.s32 @!p2 v0, v3;
	v2 =	vadd.s32 @!p2 v0, v2  }
0xe3: {  	[tilespmem:$0x17030] =	vst @!p2 v3  }
0xe4: {  	[tilespmem:$0x17070] =	vst @!p2 v2  }
0xe5: {  	[tilespmem:s16], [sflag:$0x1] =	stream.indirect.gather @!p2 [hbm4b:s4+s31], $0x80, s1, s31, $0xb8;
	[tilespmem:$0x1F180] =	vst v63  }
0xe6: {  	v2 =	vld [tilespmem:s28+$0x15840];
	_ =	sdelay $0x4  }
0xe7: {  	v3 =	vand.u32 $0xFFFF, v2;
	v2 =	vshrl.u32 v2, $0x10  }
0xe8: {  	[tilespmem:$0x17100] =	vst v3  }
0xe9: {  	[tilespmem:$0x17140] =	vst v2  }
0xea: {  	v2 =	vld [tilespmem:s28+$0x15850];
	_ =	sdelay $0x4  }
0xeb: {  	v3 =	vand.u32 $0xFFFF, v2;
	v2 =	vshrl.u32 v2, $0x10  }
0xec: {  	[tilespmem:$0x17110] =	vst v3  }
0xed: {  	[tilespmem:$0x17150] =	vst v2  }
0xee: {  	v2 =	vld [tilespmem:s28+$0x15860]  }
.Ltmp1:
0xef: {  	(pc) =	sbr.rel @p1 .LBB2_4-.Ltmp1, $2  }
0xf0: {  	_ =	sdelay $0x2  }
0xf1: {  	v3 =	vand.u32 $0xFFFF, v2;
	v2 =	vshrl.u32 v2, $0x10  }
0xf2: {  	[tilespmem:$0x17120] =	vst v3  }
0xf3: {  	[tilespmem:$0x17160] =	vst v2  }
0xf4: {  	v2 =	vld [tilespmem:s28+$0x15870];
	_ =	sdelay $0x4  }
0xf5: {  	v3 =	vand.u32 $0xFFFF, v2  }
0xf6: {  	v2 =	vshrl.u32 v2, $0x10;
	[tilespmem:$0x17130] =	vst v3  }
0xf7: {  	[tilespmem:$0x17170] =	vst v2  }
0xf8: {  	_ =	swait.ge [sflag:s26], $0x4000  }
0xf9: {  	[sflag:s26] =	ssyncset.done $0x0  }
0xfa: {  	[sflag:s26] =	ssyncadd.s32 $0xFFFFC000  }
0xfb: {  	[spmem:s2] =	stream.indirect.scatter.add.f32 [tilespmem:s21], [sflag:$0x3], $0x80, s23, s18, $0xb8;
	[tilespmem:$0x1F180] =	vst v63  }
0xfc: {  	_ =	swait.ge [sflag:s15], $0x4000  }
0xfd: {  	[sflag:s15] =	ssyncset.done $0x0  }
0xfe: {  	[sflag:s15] =	ssyncadd.s32 $0xFFFFC000  }
0xff: {  	s1 =	simm.s32 @p0 $0x1FC3;
	[bflag:$0x0] =	sbarrier.arrive $0xFFFF  }
0x100: {  	[hbm:s8], [sflag:s1] =	dma.local @p0 [spmem:s24], $0x2800  }
0x101: {  	s1 =	simm.s32 @p0 $0x3  }
0x102: {  	_ =	swait.ge @p0 [sflag:s1], $0x2800  }
0x103: {  	s16 =	sshll.u32 @!p0 s0, $0x6;
	s3 =	sadd.s32 $0x1, s3;
	[sflag:s1] =	ssyncset.done @p0 $0x0  }
0x104: {  	p1 =	sne.s32 s3, s9;
	[sflag:s1] =	ssyncadd.s32 @p0 $0xFFFFD800;
	s1 =	sor.u32 @!p0 $0x1C03, s16  }
0x105: {  	[hbm:s8], [sflag:s1] =	dma.local @!p0 [spmem:s25], $0x2700  }
.Ltmp2:
0x106: {  	_ = 	snop;
	(pc) =	sbr.rel @p1 .LBB2_1-.Ltmp2, $4  }
0x107: {  	s1 =	simm.s32 @!p0 $0x3  }
0x108: {  	_ =	swait.ge @!p0 [sflag:s1], $0x2700  }
0x109: {  	[sflag:s1] =	ssyncset.done @!p0 $0x0  }
0x10a: {  	[sflag:s1] =	ssyncadd.s32 @!p0 $0xFFFFD900  }
0x10b: {  	_ =	sfence.sel $0x180000  }
0x10c: {  	[bflag:$0x0] =	sbarrier.arrive $0xFFFF  }
0x10d: {  	_ =	strace $0x90000050  }
0x10e: {  	[bflag:$0x2] =	sbarrier.arrive $0xFFFF  }
0x10f: {  	p0 =	sne.s32 s0, $0x0;
	s0 =	rddreg [dreg:$0x2]  }
0x110: {  	s0 =	sadd.s32 @!p0 $0x100000, s0  }
0x111: {  	[sflag:s0] =	ssyncadd.tile.s32 @!p0 $0x1;
	_ =	shalt  }
.Lfunc_end2:
_tile_overlayer_lowered:
.L_overlay_start_2:
0x112: {  	(tag) =	ssettag $0x2  }
0x113: {  	s0 =	rddreg [dreg:$0x0];
	s2 =	stileid.u32  }
0x114: {  	s1 =	rddreg [dreg:$0x1];
	p0 =	sne.s32 s2, $0x0  }
0x115: {  	s3 =	rddreg [dreg:$0x2];
	[bflag:$0x3] =	sbarrier.arrive $0xFFFF;
	s2 =	simm.s32 @!p0 $0x1C03  }
0x116: {  	[timem:s3], [sflag:s2] =	dma.local @!p0 [hbm:s0], s1  }
0x117: {  	s0 =	simm.s32 @!p0 $0x3  }
0x118: {  	_ =	swait.ge @!p0 [sflag:s0], s1  }
0x119: {  	s1 =	ssub.s32 @!p0 $0x0, s1;
	[sflag:s0] =	ssyncset.done @!p0 $0x0  }
0x11a: {  	[sflag:s0] =	ssyncadd.s32 @!p0 s1  }
0x11b: {  	[bflag:$0x3] =	sbarrier.arrive $0xFFFF  }
0x11c: {  	_ =	shalt  }

</sc_bundles>
